<compile_context>
chip_gen: v7x
topology: tpu7x:2x2x1
jax: 0.10.2.dev20260603
libtpu: 0.0.44.dev20260713+nightly
codegen_flags: <defaults>
</compile_context>

<pallas_src>
import functools

import jax
import jax.numpy as jnp
from jax import lax
from jax.experimental import pallas as pl
from jax.experimental.pallas import tpu as pltpu
from jax.experimental.pallas import tpu_sc as plsc

N = 10000
E = 320000
D = 128
L = 5
_ATOM_DIMS = [119, 4, 12, 12, 10, 6, 6, 2, 2]
_BOND_DIMS = [5, 6, 2]
K_ATOM = 176

NC, NS = 2, 16
NW = NC * NS
BROWS = 320
NP = NW * BROWS
CAPW = 10800
PITCH = CAPW + 16
C = 80
ROUNDS = CAPW // C
ACCR = BROWS + 8
PADROW = BROWS
PADVAL = PADROW << 20
CH = 256
NCH = E // CH
CH2 = 2000

_SC_PARAMS = pltpu.CompilerParams(needs_layout_passes=False)



def _prefix_body(tri_ref, src_ref, dst_ref, comb_ref, slot_ref, pk_ref, base):
    c = pl.program_id(0)

    @pl.when(c == 0)
    def _():
        base[...] = jnp.zeros((8, 128), jnp.float32)

    d = dst_ref[...]
    s = src_ref[...]
    cb = comb_ref[...]
    bucket = (d * 13108) >> 22
    lanes = jnp.arange(128, dtype=jnp.int32)[None, :]
    oh = (bucket == lanes).astype(jnp.bfloat16)
    rank = jnp.dot(tri_ref[...], oh,
                   preferred_element_type=jnp.float32)
    ohf = oh.astype(jnp.float32)
    b0 = base[0:1, :]
    pos = jnp.sum((rank + b0) * ohf, axis=1, keepdims=True)
    pos = jnp.minimum(pos.astype(jnp.int32), CAPW + 8)
    slot_ref[...] = bucket * PITCH + pos
    ldst = d - bucket * BROWS
    pk_ref[...] = s | (cb << 14) | (ldst << 20)
    base[0:1, :] = b0 + jnp.sum(ohf, axis=0, keepdims=True)


def _tc_prefix(tri, src2, dst2, comb2):
    return pl.pallas_call(
        _prefix_body,
        grid=(NCH,),
        in_specs=[
            pl.BlockSpec((CH, CH), lambda c: (0, 0)),
            pl.BlockSpec((CH, 1), lambda c: (c, 0)),
            pl.BlockSpec((CH, 1), lambda c: (c, 0)),
            pl.BlockSpec((CH, 1), lambda c: (c, 0)),
        ],
        out_specs=[
            pl.BlockSpec((CH, 1), lambda c: (c, 0)),
            pl.BlockSpec((CH, 1), lambda c: (c, 0)),
        ],
        out_shape=[
            jax.ShapeDtypeStruct((E, 1), jnp.int32),
            jax.ShapeDtypeStruct((E, 1), jnp.int32),
        ],
        scratch_shapes=[pltpu.VMEM((8, 128), jnp.float32)],
    )(tri, src2, dst2, comb2)



def _sc_permute(slot, packed):
    mesh = plsc.VectorSubcoreMesh(core_axis_name="c", subcore_axis_name="s")

    @functools.partial(
        pl.kernel,
        out_type=jax.ShapeDtypeStruct((NW * PITCH,), jnp.int32),
        mesh=mesh,
        compiler_params=_SC_PARAMS,
        scratch_types=[
            pltpu.VMEM((CH2,), jnp.int32),
            pltpu.VMEM((CH2,), jnp.int32),
            pltpu.VMEM((PITCH,), jnp.int32),
        ],
    )
    def run(slot_ref, pk_ref, out_ref, sv, pv, reg):
        cid = lax.axis_index("c")
        sid = lax.axis_index("s")
        wid = sid * NC + cid
        lo = wid * PITCH

        padv = jnp.full((16,), PADVAL, jnp.int32)

        def fill(i, carry):
            reg[pl.ds(i * 16, 16)] = padv
            return carry

        lax.fori_loop(0, PITCH // 16, fill, 0)

        def chunk(k, carry):
            pltpu.sync_copy(slot_ref.at[pl.ds(k * CH2, CH2)], sv)
            pltpu.sync_copy(pk_ref.at[pl.ds(k * CH2, CH2)], pv)

            def vec(v, c2):
                sl = sv[pl.ds(v * 16, 16)]
                pk = pv[pl.ds(v * 16, 16)]
                lidx = sl - lo
                mask = (lidx >= 0) & (lidx < PITCH)
                lsafe = jnp.where(mask, lidx, 0)
                plsc.store_scatter(reg, [lsafe], pk, mask=mask)
                return c2

            lax.fori_loop(0, CH2 // 16, vec, 0)
            return carry

        lax.fori_loop(0, E // CH2, chunk, 0)
        pltpu.sync_copy(reg, out_ref.at[pl.ds(lo, PITCH)])

    return run(slot, packed)



def _sc_msgpass(h, pk, t60):
    mesh = plsc.VectorSubcoreMesh(core_axis_name="c", subcore_axis_name="s")

    @functools.partial(
        pl.kernel,
        out_type=jax.ShapeDtypeStruct((NP * D,), jnp.float32),
        mesh=mesh,
        compiler_params=_SC_PARAMS,
        scratch_types=[
            pltpu.VMEM((C,), jnp.int32),
            pltpu.VMEM((C,), jnp.int32),
            pltpu.VMEM((C,), jnp.int32),
            pltpu.VMEM((C,), jnp.int32),
            pltpu.VMEM((C, D), jnp.float32),
            pltpu.VMEM((C, D), jnp.float32),
            pltpu.VMEM((ACCR * D,), jnp.float32),
            pltpu.SemaphoreType.DMA,
            pltpu.SemaphoreType.DMA,
        ],
    )
    def run(h_ref, pk_ref, t_ref, out_ref,
            pkv, srcv, combv, ldstv, av, bv, accf, sem_a, sem_b):
        cid = lax.axis_index("c")
        sid = lax.axis_index("s")
        wid = sid * NC + cid

        zero16 = jnp.zeros((16,), jnp.float32)

        def zf(i, carry):
            accf[pl.ds(i * 16, 16)] = zero16
            return carry

        lax.fori_loop(0, ACCR * D // 16, zf, 0)

        cols = [jnp.arange(16, dtype=jnp.int32) + 16 * j for j in range(D // 16)]

        def round_(r, carry):
            base = wid * PITCH + r * C
            pltpu.sync_copy(pk_ref.at[pl.ds(base, C)], pkv)
            for v in range(C // 16):
                p = pkv[pl.ds(v * 16, 16)]
                srcv[pl.ds(v * 16, 16)] = p & 0x3FFF
                combv[pl.ds(v * 16, 16)] = (p >> 14) & 0x3F
                ldstv[pl.ds(v * 16, 16)] = (p >> 20) & 0x3FF
            ga = pltpu.async_copy(h_ref.at[srcv], av, sem_a)
            gb = pltpu.async_copy(t_ref.at[combv], bv, sem_b)
            ga.wait()
            gb.wait()

            def edge(i, inner):
                rowb = plsc.load_gather(ldstv, [jnp.full((16,), i, jnp.int32)])
                rbase = rowb << 7
                for j in range(D // 16):
                    m = jnp.maximum(av[i, pl.ds(j * 16, 16)]
                                    + bv[i, pl.ds(j * 16, 16)], 0.0)
                    plsc.addupdate_scatter(accf, [rbase + cols[j]], m)
                return inner

            lax.fori_loop(0, C, edge, 0)
            return carry

        lax.fori_loop(0, ROUNDS, round_, 0)
        pltpu.sync_copy(accf.at[pl.ds(0, BROWS * D)],
                        out_ref.at[pl.ds(wid * BROWS * D, BROWS * D)])

    return run(h, pk, t60)



def _atom_body(x_ref, t_ref, o_ref):
    xv = x_ref[...]
    nb = xv.shape[0]
    h = jnp.zeros((nb, D), jnp.float32)
    off = 0
    for i, d in enumerate(_ATOM_DIMS):
        xi = xv[:, i][:, None]

        def sel(r, acc, off=off, xi=xi):
            row = t_ref[pl.ds(off + r, 1), :]
            return acc + jnp.where(xi == r, row, 0.0)

        hi = lax.fori_loop(0, d, sel, jnp.zeros((nb, D), jnp.float32))
        h = h + hi
        off += d
    o_ref[...] = h


def _atom_encode(x, tabs):
    nb = 1000
    return pl.pallas_call(
        _atom_body,
        grid=(N // nb,),
        in_specs=[
            pl.BlockSpec((nb, 9), lambda c: (c, 0)),
            pl.BlockSpec((K_ATOM, D), lambda c: (0, 0)),
        ],
        out_specs=pl.BlockSpec((nb, D), lambda c: (c, 0)),
        out_shape=jax.ShapeDtypeStruct((N, D), jnp.float32),
    )(x, tabs)


def _mlp(h, aggp, p, relu_out):
    agg = aggp[:N]
    z = (1.0 + p['eps']) * h + agg
    z = z @ p['W1'] + p['b1']
    mu = jnp.mean(z, axis=0)
    var = jnp.mean((z - mu) ** 2, axis=0)
    z = jax.nn.relu(p['g1'] * (z - mu) / jnp.sqrt(var + 1e-5) + p['bt1'])
    z = z @ p['W2'] + p['b2']
    mu = jnp.mean(z, axis=0)
    var = jnp.mean((z - mu) ** 2, axis=0)
    out = p['g'] * (z - mu) / jnp.sqrt(var + 1e-5) + p['bt']
    if relu_out:
        out = jax.nn.relu(out)
    return out



def kernel(params, x, edge_index, edge_attr):
    atom_tab = jnp.concatenate(params['atom'], axis=0)
    atom_tab = jnp.pad(atom_tab, ((0, K_ATOM - atom_tab.shape[0]), (0, 0)))
    h = _atom_encode(x, atom_tab)

    src = edge_index[0].astype(jnp.int32)
    dst = edge_index[1].astype(jnp.int32)
    comb = (edge_attr[:, 0] * (_BOND_DIMS[1] * _BOND_DIMS[2])
            + edge_attr[:, 1] * _BOND_DIMS[2]
            + edge_attr[:, 2]).astype(jnp.int32)

    r = jnp.arange(CH, dtype=jnp.int32)
    tri = (r[:, None] > r[None, :]).astype(jnp.bfloat16)
    slot, packed = _tc_prefix(tri, src.reshape(E, 1), dst.reshape(E, 1),
                              comb.reshape(E, 1))
    pk = _sc_permute(slot.reshape(E), packed.reshape(E))

    for l in range(L):
        p = params['layers'][l]
        b0, b1, b2 = p['bond']
        t60 = (b0[:, None, None, :] + b1[None, :, None, :]
               + b2[None, None, :, :]).reshape(-1, D)
        aggf = _sc_msgpass(h, pk, t60)
        h = _mlp(h, aggf.reshape(NP, D), p, relu_out=(l < L - 1))
    return h

# --- scband reference (transcript-rebuilt; emitter-appended) ---
"""Pipeline reference for scband-gnn-node-25898652795352 (READ-ONLY COPY).

The authoritative reference and input builder live on the scoring server;
editing this copy changes nothing except your own understanding.
"""

import jax, jax.numpy as jnp
import numpy as np

N = 10000
E = 320000
D = 128
L = 5
ATOM_DIMS = [119, 4, 12, 12, 10, 6, 6, 2, 2]
BOND_DIMS = [5, 6, 2]


def _xavier(key, shape):
    a = float(np.sqrt(6.0 / (shape[0] + shape[1])))
    return jax.random.uniform(key, shape, jnp.float32, -a, a)


def setup_inputs(seed: int = 0) -> dict:
    key = jax.random.key(seed)
    keys = [jax.random.fold_in(key, i) for i in range(1000)]
    c = iter(keys)
    x = jax.random.randint(next(c), (N, 9), 0, 2, dtype=jnp.int32)
    edge_index = jax.random.randint(next(c), (2, E), 0, N, dtype=jnp.int32)
    edge_attr = jax.random.randint(next(c), (E, 3), 0, 2, dtype=jnp.int32)
    atom = [_xavier(next(c), (d, D)) for d in ATOM_DIMS]
    layers = []
    for _ in range(L):
        layers.append({
            'bond': [_xavier(next(c), (d, D)) for d in BOND_DIMS],
            'W1': _xavier(next(c), (D, 2 * D)),
            'b1': jnp.zeros((2 * D,), jnp.float32),
            'g1': jnp.ones((2 * D,), jnp.float32),
            'bt1': jnp.zeros((2 * D,), jnp.float32),
            'W2': _xavier(next(c), (2 * D, D)),
            'b2': jnp.zeros((D,), jnp.float32),
            'eps': jnp.zeros((), jnp.float32),
            'g': jnp.ones((D,), jnp.float32),
            'bt': jnp.zeros((D,), jnp.float32),
        })
    params = {'atom': atom, 'layers': layers}
    return {'params': params, 'x': x, 'edge_index': edge_index, 'edge_attr': edge_attr}


def _bn(h, g, b):
    # BatchNorm1d in training mode: batch statistics, biased variance
    mu = jnp.mean(h, axis=0)
    var = jnp.mean((h - mu) ** 2, axis=0)
    return g * (h - mu) / jnp.sqrt(var + 1e-5) + b


def _forward(params, x, edge_index, edge_attr):
    # AtomEncoder: sum of categorical embeddings (gather)
    h = jnp.zeros((N, D), jnp.float32)
    for i in range(9):
        h = h + params['atom'][i][x[:, i]]
    src = edge_index[0]
    dst = edge_index[1]
    for l in range(L):
        p = params['layers'][l]
        # BondEncoder: sum of categorical edge embeddings (gather)
        ee = jnp.zeros((E, D), jnp.float32)
        for i in range(3):
            ee = ee + p['bond'][i][edge_attr[:, i]]
        # GINConv: message = relu(x_j + edge_emb); aggr='add' (scatter-add)
        msg = jax.nn.relu(h[src] + ee)
        agg = jnp.zeros((N, D), jnp.float32).at[dst].add(msg)
        z = (1.0 + p['eps']) * h + agg
        # MLP: Linear(D,2D) -> BN -> ReLU -> Linear(2D,D)
        z = z @ p['W1'] + p['b1']
        z = jax.nn.relu(_bn(z, p['g1'], p['bt1']))
        z = z @ p['W2'] + p['b2']
        # outer BatchNorm; dropout with drop_ratio=0.0 is identity
        hn = _bn(z, p['g'], p['bt'])
        if l < L - 1:
            hn = jax.nn.relu(hn)
        h = hn
    # JK == 'last'
    return h


def reference(params, x, edge_index, edge_attr):
    return _forward(params, x, edge_index, edge_attr)

if __name__ == "__main__":
    import jax
    _d = setup_inputs()
    print(jax.jit(kernel)(*tuple(_d.values())))

</pallas_src>

<mosaic_0001>
#map = affine_map<(d0, d1) -> (0, 0)>
#map1 = affine_map<(d0, d1) -> (0)>
module attributes {stable_mosaic.version = 14 : i64} {
  func.func @run(%arg0: i32, %arg1: i32, %arg2: memref<10000x128xf32, #tpu.memory_space<hbm>>, %arg3: memref<346112xi32, #tpu.memory_space<hbm>>, %arg4: memref<60x128xf32, #tpu.memory_space<hbm>>, %arg5: memref<1310720xf32, #tpu.memory_space<hbm>>, %arg6: memref<80xi32, #tpu.memory_space<vmem>>, %arg7: memref<80xi32, #tpu.memory_space<vmem>>, %arg8: memref<80xi32, #tpu.memory_space<vmem>>, %arg9: memref<80xi32, #tpu.memory_space<vmem>>, %arg10: memref<80x128xf32, #tpu.memory_space<vmem>>, %arg11: memref<80x128xf32, #tpu.memory_space<vmem>>, %arg12: memref<41984xf32, #tpu.memory_space<vmem>>, %arg13: memref<!tpu.dma_semaphore, #tpu.memory_space<semaphore_mem>>, %arg14: memref<!tpu.dma_semaphore, #tpu.memory_space<semaphore_mem>>) attributes {dimension_semantics = [#tpu.dimension_semantics<core_parallel>, #tpu.dimension_semantics<subcore_parallel>], iteration_bounds = array<i64: 2, 16>, scalar_prefetch = 0 : i64, scratch_operands = 9 : i64, tpu.core_type = #tpu.core_type<sc_vector_subcore>, window_params = [{transform_indices = #map}, {transform_indices = #map1}, {transform_indices = #map}, {transform_indices = #map1}]} {
    %mul3A = arith.constant 2 : i32
    %mul3A_0 = arith.muli %arg1, %mul3A : i32
    %add3A = arith.addi %mul3A_0, %arg0 : i32
    %broadcast_in_dim3A = arith.constant 0.000000e+00 : f32
    %broadcast_in_dim3A_1 = vector.broadcast %broadcast_in_dim3A : f32 to vector<16xf32>
    %scan3A = arith.constant 0 : i32
    %scan3A_2 = arith.constant 0 : i32
    %scan3A_3 = arith.constant 2624 : i32
    %scan3A_4 = arith.addi %scan3A_2, %scan3A_3 : i32
    %scan3A_5 = arith.constant 1 : i32
    scf.for %scan3A_48 = %scan3A_2 to %scan3A_4 step %scan3A_5  : i32 {
      %mul3A_49 = arith.constant 16 : i32
      %mul3A_50 = arith.muli %scan3A_48, %mul3A_49 : i32
      %swap3A = arith.index_cast %mul3A_50 : i32 to index
      %swap3A_51 = tpu.vector_load %arg12[%swap3A] {strides = array<i32>} : memref<41984xf32, #tpu.memory_space<vmem>>, vector<16xf32>,
      tpu.vector_store %arg12[%swap3A], %broadcast_in_dim3A_1 {strides = array<i32>} : memref<41984xf32, #tpu.memory_space<vmem>>, vector<16xf32>,
    }
    %scan3A_6 = arith.constant 2624 : i32
    %iota3A = tpu.iota {dimensions = array<i32: 0>} : vector<16xi32>
    %add3A_7 = arith.constant 0 : i32
    %add3A_8 = vector.broadcast %add3A_7 : i32 to vector<16xi32>
    %add3A_9 = arith.addi %iota3A, %add3A_8 : vector<16xi32>
    %iota3A_10 = tpu.iota {dimensions = array<i32: 0>} : vector<16xi32>
    %add3A_11 = arith.constant 16 : i32
    %add3A_12 = vector.broadcast %add3A_11 : i32 to vector<16xi32>
    %add3A_13 = arith.addi %iota3A_10, %add3A_12 : vector<16xi32>
    %iota3A_14 = tpu.iota {dimensions = array<i32: 0>} : vector<16xi32>
    %add3A_15 = arith.constant 32 : i32
    %add3A_16 = vector.broadcast %add3A_15 : i32 to vector<16xi32>
    %add3A_17 = arith.addi %iota3A_14, %add3A_16 : vector<16xi32>
    %iota3A_18 = tpu.iota {dimensions = array<i32: 0>} : vector<16xi32>
    %add3A_19 = arith.constant 48 : i32
    %add3A_20 = vector.broadcast %add3A_19 : i32 to vector<16xi32>
    %add3A_21 = arith.addi %iota3A_18, %add3A_20 : vector<16xi32>
    %iota3A_22 = tpu.iota {dimensions = array<i32: 0>} : vector<16xi32>
    %add3A_23 = arith.constant 64 : i32
    %add3A_24 = vector.broadcast %add3A_23 : i32 to vector<16xi32>
    %add3A_25 = arith.addi %iota3A_22, %add3A_24 : vector<16xi32>
    %iota3A_26 = tpu.iota {dimensions = array<i32: 0>} : vector<16xi32>
    %add3A_27 = arith.constant 80 : i32
    %add3A_28 = vector.broadcast %add3A_27 : i32 to vector<16xi32>
    %add3A_29 = arith.addi %iota3A_26, %add3A_28 : vector<16xi32>
    %iota3A_30 = tpu.iota {dimensions = array<i32: 0>} : vector<16xi32>
    %add3A_31 = arith.constant 96 : i32
    %add3A_32 = vector.broadcast %add3A_31 : i32 to vector<16xi32>
    %add3A_33 = arith.addi %iota3A_30, %add3A_32 : vector<16xi32>
    %iota3A_34 = tpu.iota {dimensions = array<i32: 0>} : vector<16xi32>
    %add3A_35 = arith.constant 112 : i32
    %add3A_36 = vector.broadcast %add3A_35 : i32 to vector<16xi32>
    %add3A_37 = arith.addi %iota3A_34, %add3A_36 : vector<16xi32>
    %scan3A_38 = arith.constant 0 : i32
    %scan3A_39 = arith.constant 0 : i32
    %scan3A_40 = arith.constant 135 : i32
    %scan3A_41 = arith.addi %scan3A_39, %scan3A_40 : i32
    %scan3A_42 = arith.constant 1 : i32
    scf.for %scan3A_48 = %scan3A_39 to %scan3A_41 step %scan3A_42  : i32 {
      %mul3A_49 = arith.constant 10816 : i32
      %mul3A_50 = arith.muli %add3A, %mul3A_49 : i32
      %mul3A_51 = arith.constant 80 : i32
      %mul3A_52 = arith.muli %scan3A_48, %mul3A_51 : i32
      %add3A_53 = arith.addi %mul3A_50, %mul3A_52 : i32
      "tpu.region"() ({
        %run_scoped3A = tpu.sem_alloc : memref<!tpu.dma_semaphore, #tpu.memory_space<semaphore_mem>>
        %dma_start3A_181 = tpu.memref_slice %arg3[%add3A_53] : memref<346112xi32, #tpu.memory_space<hbm>> -> memref<80xi32, #tpu.memory_space<hbm>>
        %dma_start3A_182 = tpu.memref_slice %arg3[%add3A_53] : memref<346112xi32, #tpu.memory_space<hbm>> -> memref<80xi32, #tpu.memory_space<hbm>>
        tpu.enqueue_dma source(%dma_start3A_182 : memref<80xi32, #tpu.memory_space<hbm>>) target(%arg6 : memref<80xi32, #tpu.memory_space<vmem>>) target_semaphore(%run_scoped3A : memref<!tpu.dma_semaphore, #tpu.memory_space<semaphore_mem>>)
        %dma_wait3A_183 = tpu.memref_slice %arg3[%add3A_53] : memref<346112xi32, #tpu.memory_space<hbm>> -> memref<80xi32, #tpu.memory_space<hbm>>
        %dma_wait3A_184 = tpu.memref_slice %arg3[%add3A_53] : memref<346112xi32, #tpu.memory_space<hbm>> -> memref<80xi32, #tpu.memory_space<hbm>>
        tpu.wait_dma2 semaphore(%run_scoped3A : memref<!tpu.dma_semaphore, #tpu.memory_space<semaphore_mem>>) src(%dma_wait3A_184 : memref<80xi32, #tpu.memory_space<hbm>>) dst(%arg6 : memref<80xi32, #tpu.memory_space<vmem>>)
        tpu.yield
      }) : () -> ()
      %get3A = arith.constant 0 : index
      %get3A_54 = tpu.vector_load %arg6[%get3A] {strides = array<i32>} : memref<80xi32, #tpu.memory_space<vmem>>, vector<16xi32>,
      %and3A = arith.constant 16383 : i32
      %and3A_55 = vector.broadcast %and3A : i32 to vector<16xi32>
      %and3A_56 = arith.andi %get3A_54, %and3A_55 : vector<16xi32>
      %swap3A = arith.constant 0 : index
      %swap3A_57 = tpu.vector_load %arg7[%swap3A] {strides = array<i32>} : memref<80xi32, #tpu.memory_space<vmem>>, vector<16xi32>,
      tpu.vector_store %arg7[%swap3A], %and3A_56 {strides = array<i32>} : memref<80xi32, #tpu.memory_space<vmem>>, vector<16xi32>,
      %shift_right_arithmetic3A = arith.constant 14 : i32
      %shift_right_arithmetic3A_58 = vector.broadcast %shift_right_arithmetic3A : i32 to vector<16xi32>
      %shift_right_arithmetic3A_59 = arith.shrsi %get3A_54, %shift_right_arithmetic3A_58 : vector<16xi32>
      %and3A_60 = arith.constant 63 : i32
      %and3A_61 = vector.broadcast %and3A_60 : i32 to vector<16xi32>
      %and3A_62 = arith.andi %shift_right_arithmetic3A_59, %and3A_61 : vector<16xi32>
      %swap3A_63 = arith.constant 0 : index
      %swap3A_64 = tpu.vector_load %arg8[%swap3A_63] {strides = array<i32>} : memref<80xi32, #tpu.memory_space<vmem>>, vector<16xi32>,
      tpu.vector_store %arg8[%swap3A_63], %and3A_62 {strides = array<i32>} : memref<80xi32, #tpu.memory_space<vmem>>, vector<16xi32>,
      %shift_right_arithmetic3A_65 = arith.constant 20 : i32
      %shift_right_arithmetic3A_66 = vector.broadcast %shift_right_arithmetic3A_65 : i32 to vector<16xi32>
      %shift_right_arithmetic3A_67 = arith.shrsi %get3A_54, %shift_right_arithmetic3A_66 : vector<16xi32>
      %and3A_68 = arith.constant 1023 : i32
      %and3A_69 = vector.broadcast %and3A_68 : i32 to vector<16xi32>
      %and3A_70 = arith.andi %shift_right_arithmetic3A_67, %and3A_69 : vector<16xi32>
      %swap3A_71 = arith.constant 0 : index
      %swap3A_72 = tpu.vector_load %arg9[%swap3A_71] {strides = array<i32>} : memref<80xi32, #tpu.memory_space<vmem>>, vector<16xi32>,
      tpu.vector_store %arg9[%swap3A_71], %and3A_70 {strides = array<i32>} : memref<80xi32, #tpu.memory_space<vmem>>, vector<16xi32>,
      %get3A_73 = arith.constant 16 : index
      %get3A_74 = tpu.vector_load %arg6[%get3A_73] {strides = array<i32>} : memref<80xi32, #tpu.memory_space<vmem>>, vector<16xi32>,
      %and3A_75 = arith.constant 16383 : i32
      %and3A_76 = vector.broadcast %and3A_75 : i32 to vector<16xi32>
      %and3A_77 = arith.andi %get3A_74, %and3A_76 : vector<16xi32>
      %swap3A_78 = arith.constant 16 : index
      %swap3A_79 = tpu.vector_load %arg7[%swap3A_78] {strides = array<i32>} : memref<80xi32, #tpu.memory_space<vmem>>, vector<16xi32>,
      tpu.vector_store %arg7[%swap3A_78], %and3A_77 {strides = array<i32>} : memref<80xi32, #tpu.memory_space<vmem>>, vector<16xi32>,
      %shift_right_arithmetic3A_80 = arith.constant 14 : i32
      %shift_right_arithmetic3A_81 = vector.broadcast %shift_right_arithmetic3A_80 : i32 to vector<16xi32>
      %shift_right_arithmetic3A_82 = arith.shrsi %get3A_74, %shift_right_arithmetic3A_81 : vector<16xi32>
      %and3A_83 = arith.constant 63 : i32
      %and3A_84 = vector.broadcast %and3A_83 : i32 to vector<16xi32>
      %and3A_85 = arith.andi %shift_right_arithmetic3A_82, %and3A_84 : vector<16xi32>
      %swap3A_86 = arith.constant 16 : index
      %swap3A_87 = tpu.vector_load %arg8[%swap3A_86] {strides = array<i32>} : memref<80xi32, #tpu.memory_space<vmem>>, vector<16xi32>,
      tpu.vector_store %arg8[%swap3A_86], %and3A_85 {strides = array<i32>} : memref<80xi32, #tpu.memory_space<vmem>>, vector<16xi32>,
      %shift_right_arithmetic3A_88 = arith.constant 20 : i32
      %shift_right_arithmetic3A_89 = vector.broadcast %shift_right_arithmetic3A_88 : i32 to vector<16xi32>
      %shift_right_arithmetic3A_90 = arith.shrsi %get3A_74, %shift_right_arithmetic3A_89 : vector<16xi32>
      %and3A_91 = arith.constant 1023 : i32
      %and3A_92 = vector.broadcast %and3A_91 : i32 to vector<16xi32>
      %and3A_93 = arith.andi %shift_right_arithmetic3A_90, %and3A_92 : vector<16xi32>
      %swap3A_94 = arith.constant 16 : index
      %swap3A_95 = tpu.vector_load %arg9[%swap3A_94] {strides = array<i32>} : memref<80xi32, #tpu.memory_space<vmem>>, vector<16xi32>,
      tpu.vector_store %arg9[%swap3A_94], %and3A_93 {strides = array<i32>} : memref<80xi32, #tpu.memory_space<vmem>>, vector<16xi32>,
      %get3A_96 = arith.constant 32 : index
      %get3A_97 = tpu.vector_load %arg6[%get3A_96] {strides = array<i32>} : memref<80xi32, #tpu.memory_space<vmem>>, vector<16xi32>,
      %and3A_98 = arith.constant 16383 : i32
      %and3A_99 = vector.broadcast %and3A_98 : i32 to vector<16xi32>
      %and3A_100 = arith.andi %get3A_97, %and3A_99 : vector<16xi32>
      %swap3A_101 = arith.constant 32 : index
      %swap3A_102 = tpu.vector_load %arg7[%swap3A_101] {strides = array<i32>} : memref<80xi32, #tpu.memory_space<vmem>>, vector<16xi32>,
      tpu.vector_store %arg7[%swap3A_101], %and3A_100 {strides = array<i32>} : memref<80xi32, #tpu.memory_space<vmem>>, vector<16xi32>,
      %shift_right_arithmetic3A_103 = arith.constant 14 : i32
      %shift_right_arithmetic3A_104 = vector.broadcast %shift_right_arithmetic3A_103 : i32 to vector<16xi32>
      %shift_right_arithmetic3A_105 = arith.shrsi %get3A_97, %shift_right_arithmetic3A_104 : vector<16xi32>
      %and3A_106 = arith.constant 63 : i32
      %and3A_107 = vector.broadcast %and3A_106 : i32 to vector<16xi32>
      %and3A_108 = arith.andi %shift_right_arithmetic3A_105, %and3A_107 : vector<16xi32>
      %swap3A_109 = arith.constant 32 : index
      %swap3A_110 = tpu.vector_load %arg8[%swap3A_109] {strides = array<i32>} : memref<80xi32, #tpu.memory_space<vmem>>, vector<16xi32>,
      tpu.vector_store %arg8[%swap3A_109], %and3A_108 {strides = array<i32>} : memref<80xi32, #tpu.memory_space<vmem>>, vector<16xi32>,
      %shift_right_arithmetic3A_111 = arith.constant 20 : i32
      %shift_right_arithmetic3A_112 = vector.broadcast %shift_right_arithmetic3A_111 : i32 to vector<16xi32>
      %shift_right_arithmetic3A_113 = arith.shrsi %get3A_97, %shift_right_arithmetic3A_112 : vector<16xi32>
      %and3A_114 = arith.constant 1023 : i32
      %and3A_115 = vector.broadcast %and3A_114 : i32 to vector<16xi32>
      %and3A_116 = arith.andi %shift_right_arithmetic3A_113, %and3A_115 : vector<16xi32>
      %swap3A_117 = arith.constant 32 : index
      %swap3A_118 = tpu.vector_load %arg9[%swap3A_117] {strides = array<i32>} : memref<80xi32, #tpu.memory_space<vmem>>, vector<16xi32>,
      tpu.vector_store %arg9[%swap3A_117], %and3A_116 {strides = array<i32>} : memref<80xi32, #tpu.memory_space<vmem>>, vector<16xi32>,
      %get3A_119 = arith.constant 48 : index
      %get3A_120 = tpu.vector_load %arg6[%get3A_119] {strides = array<i32>} : memref<80xi32, #tpu.memory_space<vmem>>, vector<16xi32>,
      %and3A_121 = arith.constant 16383 : i32
      %and3A_122 = vector.broadcast %and3A_121 : i32 to vector<16xi32>
      %and3A_123 = arith.andi %get3A_120, %and3A_122 : vector<16xi32>
      %swap3A_124 = arith.constant 48 : index
      %swap3A_125 = tpu.vector_load %arg7[%swap3A_124] {strides = array<i32>} : memref<80xi32, #tpu.memory_space<vmem>>, vector<16xi32>,
      tpu.vector_store %arg7[%swap3A_124], %and3A_123 {strides = array<i32>} : memref<80xi32, #tpu.memory_space<vmem>>, vector<16xi32>,
      %shift_right_arithmetic3A_126 = arith.constant 14 : i32
      %shift_right_arithmetic3A_127 = vector.broadcast %shift_right_arithmetic3A_126 : i32 to vector<16xi32>
      %shift_right_arithmetic3A_128 = arith.shrsi %get3A_120, %shift_right_arithmetic3A_127 : vector<16xi32>
      %and3A_129 = arith.constant 63 : i32
      %and3A_130 = vector.broadcast %and3A_129 : i32 to vector<16xi32>
      %and3A_131 = arith.andi %shift_right_arithmetic3A_128, %and3A_130 : vector<16xi32>
      %swap3A_132 = arith.constant 48 : index
      %swap3A_133 = tpu.vector_load %arg8[%swap3A_132] {strides = array<i32>} : memref<80xi32, #tpu.memory_space<vmem>>, vector<16xi32>,
      tpu.vector_store %arg8[%swap3A_132], %and3A_131 {strides = array<i32>} : memref<80xi32, #tpu.memory_space<vmem>>, vector<16xi32>,
      %shift_right_arithmetic3A_134 = arith.constant 20 : i32
      %shift_right_arithmetic3A_135 = vector.broadcast %shift_right_arithmetic3A_134 : i32 to vector<16xi32>
      %shift_right_arithmetic3A_136 = arith.shrsi %get3A_120, %shift_right_arithmetic3A_135 : vector<16xi32>
      %and3A_137 = arith.constant 1023 : i32
      %and3A_138 = vector.broadcast %and3A_137 : i32 to vector<16xi32>
      %and3A_139 = arith.andi %shift_right_arithmetic3A_136, %and3A_138 : vector<16xi32>
      %swap3A_140 = arith.constant 48 : index
      %swap3A_141 = tpu.vector_load %arg9[%swap3A_140] {strides = array<i32>} : memref<80xi32, #tpu.memory_space<vmem>>, vector<16xi32>,
      tpu.vector_store %arg9[%swap3A_140], %and3A_139 {strides = array<i32>} : memref<80xi32, #tpu.memory_space<vmem>>, vector<16xi32>,
      %get3A_142 = arith.constant 64 : index
      %get3A_143 = tpu.vector_load %arg6[%get3A_142] {strides = array<i32>} : memref<80xi32, #tpu.memory_space<vmem>>, vector<16xi32>,
      %and3A_144 = arith.constant 16383 : i32
      %and3A_145 = vector.broadcast %and3A_144 : i32 to vector<16xi32>
      %and3A_146 = arith.andi %get3A_143, %and3A_145 : vector<16xi32>
      %swap3A_147 = arith.constant 64 : index
      %swap3A_148 = tpu.vector_load %arg7[%swap3A_147] {strides = array<i32>} : memref<80xi32, #tpu.memory_space<vmem>>, vector<16xi32>,
      tpu.vector_store %arg7[%swap3A_147], %and3A_146 {strides = array<i32>} : memref<80xi32, #tpu.memory_space<vmem>>, vector<16xi32>,
      %shift_right_arithmetic3A_149 = arith.constant 14 : i32
      %shift_right_arithmetic3A_150 = vector.broadcast %shift_right_arithmetic3A_149 : i32 to vector<16xi32>
      %shift_right_arithmetic3A_151 = arith.shrsi %get3A_143, %shift_right_arithmetic3A_150 : vector<16xi32>
      %and3A_152 = arith.constant 63 : i32
      %and3A_153 = vector.broadcast %and3A_152 : i32 to vector<16xi32>
      %and3A_154 = arith.andi %shift_right_arithmetic3A_151, %and3A_153 : vector<16xi32>
      %swap3A_155 = arith.constant 64 : index
      %swap3A_156 = tpu.vector_load %arg8[%swap3A_155] {strides = array<i32>} : memref<80xi32, #tpu.memory_space<vmem>>, vector<16xi32>,
      tpu.vector_store %arg8[%swap3A_155], %and3A_154 {strides = array<i32>} : memref<80xi32, #tpu.memory_space<vmem>>, vector<16xi32>,
      %shift_right_arithmetic3A_157 = arith.constant 20 : i32
      %shift_right_arithmetic3A_158 = vector.broadcast %shift_right_arithmetic3A_157 : i32 to vector<16xi32>
      %shift_right_arithmetic3A_159 = arith.shrsi %get3A_143, %shift_right_arithmetic3A_158 : vector<16xi32>
      %and3A_160 = arith.constant 1023 : i32
      %and3A_161 = vector.broadcast %and3A_160 : i32 to vector<16xi32>
      %and3A_162 = arith.andi %shift_right_arithmetic3A_159, %and3A_161 : vector<16xi32>
      %swap3A_163 = arith.constant 64 : index
      %swap3A_164 = tpu.vector_load %arg9[%swap3A_163] {strides = array<i32>} : memref<80xi32, #tpu.memory_space<vmem>>, vector<16xi32>,
      tpu.vector_store %arg9[%swap3A_163], %and3A_162 {strides = array<i32>} : memref<80xi32, #tpu.memory_space<vmem>>, vector<16xi32>,
      %dma_start3A = arith.constant 0 : i32
      %dma_start3A_165 = arith.constant 0 : i32
      %dma_start3A_166 = tpu.memref_slice %arg2[%dma_start3A, %dma_start3A_165] : memref<10000x128xf32, #tpu.memory_space<hbm>> -> memref<10000x128xf32, #tpu.memory_space<hbm>>
      tpu.enqueue_indirect_dma source(%dma_start3A_166 : memref<10000x128xf32, #tpu.memory_space<hbm>>) target(%arg10 : memref<80x128xf32, #tpu.memory_space<vmem>>) offsets(%arg7 : memref<80xi32, #tpu.memory_space<vmem>>) semaphore(%arg13 : memref<!tpu.dma_semaphore, #tpu.memory_space<semaphore_mem>>)
      %dma_start3A_167 = arith.constant 0 : i32
      %dma_start3A_168 = arith.constant 0 : i32
      %dma_start3A_169 = tpu.memref_slice %arg4[%dma_start3A_167, %dma_start3A_168] : memref<60x128xf32, #tpu.memory_space<hbm>> -> memref<60x128xf32, #tpu.memory_space<hbm>>
      tpu.enqueue_indirect_dma source(%dma_start3A_169 : memref<60x128xf32, #tpu.memory_space<hbm>>) target(%arg11 : memref<80x128xf32, #tpu.memory_space<vmem>>) offsets(%arg8 : memref<80xi32, #tpu.memory_space<vmem>>) semaphore(%arg14 : memref<!tpu.dma_semaphore, #tpu.memory_space<semaphore_mem>>)
      %dma_wait3A = arith.constant 0 : i32
      %dma_wait3A_170 = arith.constant 0 : i32
      %dma_wait3A_171 = tpu.memref_slice %arg2[%dma_wait3A, %dma_wait3A_170] : memref<10000x128xf32, #tpu.memory_space<hbm>> -> memref<10000x128xf32, #tpu.memory_space<hbm>>
      tpu.wait_indirect_dma semaphore(%arg13 : memref<!tpu.dma_semaphore, #tpu.memory_space<semaphore_mem>>) src(%dma_wait3A_171 : memref<10000x128xf32, #tpu.memory_space<hbm>>) dst(%arg10 : memref<80x128xf32, #tpu.memory_space<vmem>>)
      %dma_wait3A_172 = arith.constant 0 : i32
      %dma_wait3A_173 = arith.constant 0 : i32
      %dma_wait3A_174 = tpu.memref_slice %arg4[%dma_wait3A_172, %dma_wait3A_173] : memref<60x128xf32, #tpu.memory_space<hbm>> -> memref<60x128xf32, #tpu.memory_space<hbm>>
      tpu.wait_indirect_dma semaphore(%arg14 : memref<!tpu.dma_semaphore, #tpu.memory_space<semaphore_mem>>) src(%dma_wait3A_174 : memref<60x128xf32, #tpu.memory_space<hbm>>) dst(%arg11 : memref<80x128xf32, #tpu.memory_space<vmem>>)
      %scan3A_175 = arith.constant 0 : i32
      %scan3A_176 = arith.constant 0 : i32
      %scan3A_177 = arith.constant 80 : i32
      %scan3A_178 = arith.addi %scan3A_176, %scan3A_177 : i32
      %scan3A_179 = arith.constant 1 : i32
      scf.for %scan3A_181 = %scan3A_176 to %scan3A_178 step %scan3A_179  : i32 {
        %broadcast_in_dim3A_182 = vector.broadcast %scan3A_181 : i32 to vector<16xi32>
        %gather3A = tpu.vector_load_idx %arg9[%broadcast_in_dim3A_182] : memref<80xi32, #tpu.memory_space<vmem>>[vector<16xi32>], vector<16xi32>,
        %shift_left3A = arith.constant 7 : i32
        %shift_left3A_183 = vector.broadcast %shift_left3A : i32 to vector<16xi32>
        %shift_left3A_184 = arith.shli %gather3A, %shift_left3A_183 : vector<16xi32>
        %get3A_185 = arith.index_cast %scan3A_181 : i32 to index
        %get3A_186 = arith.constant 0 : index
        %get3A_187 = tpu.vector_load %arg10[%get3A_185, %get3A_186] {strides = array<i32>} : memref<80x128xf32, #tpu.memory_space<vmem>>, vector<16xf32>,
        %get3A_188 = arith.index_cast %scan3A_181 : i32 to index
        %get3A_189 = arith.constant 0 : index
        %get3A_190 = tpu.vector_load %arg11[%get3A_188, %get3A_189] {strides = array<i32>} : memref<80x128xf32, #tpu.memory_space<vmem>>, vector<16xf32>,
        %add3A_191 = arith.addf %get3A_187, %get3A_190 : vector<16xf32>
        %max3A = arith.constant 0.000000e+00 : f32
        %max3A_192 = vector.broadcast %max3A : f32 to vector<16xf32>
        %max3A_193 = arith.maximumf %add3A_191, %max3A_192 : vector<16xf32>
        %add3A_194 = arith.addi %shift_left3A_184, %add3A_9 : vector<16xi32>
        tpu.vector_store_idx %arg12[%add3A_194], %max3A_193 {add = true} : memref<41984xf32, #tpu.memory_space<vmem>>[vector<16xi32>], vector<16xf32>,
        %get3A_195 = arith.index_cast %scan3A_181 : i32 to index
        %get3A_196 = arith.constant 16 : index
        %get3A_197 = tpu.vector_load %arg10[%get3A_195, %get3A_196] {strides = array<i32>} : memref<80x128xf32, #tpu.memory_space<vmem>>, vector<16xf32>,
        %get3A_198 = arith.index_cast %scan3A_181 : i32 to index
        %get3A_199 = arith.constant 16 : index
        %get3A_200 = tpu.vector_load %arg11[%get3A_198, %get3A_199] {strides = array<i32>} : memref<80x128xf32, #tpu.memory_space<vmem>>, vector<16xf32>,
        %add3A_201 = arith.addf %get3A_197, %get3A_200 : vector<16xf32>
        %max3A_202 = arith.constant 0.000000e+00 : f32
        %max3A_203 = vector.broadcast %max3A_202 : f32 to vector<16xf32>
        %max3A_204 = arith.maximumf %add3A_201, %max3A_203 : vector<16xf32>
        %add3A_205 = arith.addi %shift_left3A_184, %add3A_13 : vector<16xi32>
        tpu.vector_store_idx %arg12[%add3A_205], %max3A_204 {add = true} : memref<41984xf32, #tpu.memory_space<vmem>>[vector<16xi32>], vector<16xf32>,
        %get3A_206 = arith.index_cast %scan3A_181 : i32 to index
        %get3A_207 = arith.constant 32 : index
        %get3A_208 = tpu.vector_load %arg10[%get3A_206, %get3A_207] {strides = array<i32>} : memref<80x128xf32, #tpu.memory_space<vmem>>, vector<16xf32>,
        %get3A_209 = arith.index_cast %scan3A_181 : i32 to index
        %get3A_210 = arith.constant 32 : index
        %get3A_211 = tpu.vector_load %arg11[%get3A_209, %get3A_210] {strides = array<i32>} : memref<80x128xf32, #tpu.memory_space<vmem>>, vector<16xf32>,
        %add3A_212 = arith.addf %get3A_208, %get3A_211 : vector<16xf32>
        %max3A_213 = arith.constant 0.000000e+00 : f32
        %max3A_214 = vector.broadcast %max3A_213 : f32 to vector<16xf32>
        %max3A_215 = arith.maximumf %add3A_212, %max3A_214 : vector<16xf32>
        %add3A_216 = arith.addi %shift_left3A_184, %add3A_17 : vector<16xi32>
        tpu.vector_store_idx %arg12[%add3A_216], %max3A_215 {add = true} : memref<41984xf32, #tpu.memory_space<vmem>>[vector<16xi32>], vector<16xf32>,
        %get3A_217 = arith.index_cast %scan3A_181 : i32 to index
        %get3A_218 = arith.constant 48 : index
        %get3A_219 = tpu.vector_load %arg10[%get3A_217, %get3A_218] {strides = array<i32>} : memref<80x128xf32, #tpu.memory_space<vmem>>, vector<16xf32>,
        %get3A_220 = arith.index_cast %scan3A_181 : i32 to index
        %get3A_221 = arith.constant 48 : index
        %get3A_222 = tpu.vector_load %arg11[%get3A_220, %get3A_221] {strides = array<i32>} : memref<80x128xf32, #tpu.memory_space<vmem>>, vector<16xf32>,
        %add3A_223 = arith.addf %get3A_219, %get3A_222 : vector<16xf32>
        %max3A_224 = arith.constant 0.000000e+00 : f32
        %max3A_225 = vector.broadcast %max3A_224 : f32 to vector<16xf32>
        %max3A_226 = arith.maximumf %add3A_223, %max3A_225 : vector<16xf32>
        %add3A_227 = arith.addi %shift_left3A_184, %add3A_21 : vector<16xi32>
        tpu.vector_store_idx %arg12[%add3A_227], %max3A_226 {add = true} : memref<41984xf32, #tpu.memory_space<vmem>>[vector<16xi32>], vector<16xf32>,
        %get3A_228 = arith.index_cast %scan3A_181 : i32 to index
        %get3A_229 = arith.constant 64 : index
        %get3A_230 = tpu.vector_load %arg10[%get3A_228, %get3A_229] {strides = array<i32>} : memref<80x128xf32, #tpu.memory_space<vmem>>, vector<16xf32>,
        %get3A_231 = arith.index_cast %scan3A_181 : i32 to index
        %get3A_232 = arith.constant 64 : index
        %get3A_233 = tpu.vector_load %arg11[%get3A_231, %get3A_232] {strides = array<i32>} : memref<80x128xf32, #tpu.memory_space<vmem>>, vector<16xf32>,
        %add3A_234 = arith.addf %get3A_230, %get3A_233 : vector<16xf32>
        %max3A_235 = arith.constant 0.000000e+00 : f32
        %max3A_236 = vector.broadcast %max3A_235 : f32 to vector<16xf32>
        %max3A_237 = arith.maximumf %add3A_234, %max3A_236 : vector<16xf32>
        %add3A_238 = arith.addi %shift_left3A_184, %add3A_25 : vector<16xi32>
        tpu.vector_store_idx %arg12[%add3A_238], %max3A_237 {add = true} : memref<41984xf32, #tpu.memory_space<vmem>>[vector<16xi32>], vector<16xf32>,
        %get3A_239 = arith.index_cast %scan3A_181 : i32 to index
        %get3A_240 = arith.constant 80 : index
        %get3A_241 = tpu.vector_load %arg10[%get3A_239, %get3A_240] {strides = array<i32>} : memref<80x128xf32, #tpu.memory_space<vmem>>, vector<16xf32>,
        %get3A_242 = arith.index_cast %scan3A_181 : i32 to index
        %get3A_243 = arith.constant 80 : index
        %get3A_244 = tpu.vector_load %arg11[%get3A_242, %get3A_243] {strides = array<i32>} : memref<80x128xf32, #tpu.memory_space<vmem>>, vector<16xf32>,
        %add3A_245 = arith.addf %get3A_241, %get3A_244 : vector<16xf32>
        %max3A_246 = arith.constant 0.000000e+00 : f32
        %max3A_247 = vector.broadcast %max3A_246 : f32 to vector<16xf32>
        %max3A_248 = arith.maximumf %add3A_245, %max3A_247 : vector<16xf32>
        %add3A_249 = arith.addi %shift_left3A_184, %add3A_29 : vector<16xi32>
        tpu.vector_store_idx %arg12[%add3A_249], %max3A_248 {add = true} : memref<41984xf32, #tpu.memory_space<vmem>>[vector<16xi32>], vector<16xf32>,
        %get3A_250 = arith.index_cast %scan3A_181 : i32 to index
        %get3A_251 = arith.constant 96 : index
        %get3A_252 = tpu.vector_load %arg10[%get3A_250, %get3A_251] {strides = array<i32>} : memref<80x128xf32, #tpu.memory_space<vmem>>, vector<16xf32>,
        %get3A_253 = arith.index_cast %scan3A_181 : i32 to index
        %get3A_254 = arith.constant 96 : index
        %get3A_255 = tpu.vector_load %arg11[%get3A_253, %get3A_254] {strides = array<i32>} : memref<80x128xf32, #tpu.memory_space<vmem>>, vector<16xf32>,
        %add3A_256 = arith.addf %get3A_252, %get3A_255 : vector<16xf32>
        %max3A_257 = arith.constant 0.000000e+00 : f32
        %max3A_258 = vector.broadcast %max3A_257 : f32 to vector<16xf32>
        %max3A_259 = arith.maximumf %add3A_256, %max3A_258 : vector<16xf32>
        %add3A_260 = arith.addi %shift_left3A_184, %add3A_33 : vector<16xi32>
        tpu.vector_store_idx %arg12[%add3A_260], %max3A_259 {add = true} : memref<41984xf32, #tpu.memory_space<vmem>>[vector<16xi32>], vector<16xf32>,
        %get3A_261 = arith.index_cast %scan3A_181 : i32 to index
        %get3A_262 = arith.constant 112 : index
        %get3A_263 = tpu.vector_load %arg10[%get3A_261, %get3A_262] {strides = array<i32>} : memref<80x128xf32, #tpu.memory_space<vmem>>, vector<16xf32>,
        %get3A_264 = arith.index_cast %scan3A_181 : i32 to index
        %get3A_265 = arith.constant 112 : index
        %get3A_266 = tpu.vector_load %arg11[%get3A_264, %get3A_265] {strides = array<i32>} : memref<80x128xf32, #tpu.memory_space<vmem>>, vector<16xf32>,
        %add3A_267 = arith.addf %get3A_263, %get3A_266 : vector<16xf32>
        %max3A_268 = arith.constant 0.000000e+00 : f32
        %max3A_269 = vector.broadcast %max3A_268 : f32 to vector<16xf32>
        %max3A_270 = arith.maximumf %add3A_267, %max3A_269 : vector<16xf32>
        %add3A_271 = arith.addi %shift_left3A_184, %add3A_37 : vector<16xi32>
        tpu.vector_store_idx %arg12[%add3A_271], %max3A_270 {add = true} : memref<41984xf32, #tpu.memory_space<vmem>>[vector<16xi32>], vector<16xf32>,
      }
      %scan3A_180 = arith.constant 80 : i32
    }
    %scan3A_43 = arith.constant 135 : i32
    %mul3A_44 = arith.constant 320 : i32
    %mul3A_45 = arith.muli %add3A, %mul3A_44 : i32
    %mul3A_46 = arith.constant 128 : i32
    %mul3A_47 = arith.muli %mul3A_45, %mul3A_46 : i32
    "tpu.region"() ({
      %run_scoped3A = tpu.sem_alloc : memref<!tpu.dma_semaphore, #tpu.memory_space<semaphore_mem>>
      %dma_start3A = arith.constant 0 : i32
      %dma_start3A_48 = tpu.memref_slice %arg12[%dma_start3A] : memref<41984xf32, #tpu.memory_space<vmem>> -> memref<40960xf32, #tpu.memory_space<vmem>>
      %dma_start3A_49 = tpu.memref_slice %arg5[%mul3A_47] : memref<1310720xf32, #tpu.memory_space<hbm>> -> memref<40960xf32, #tpu.memory_space<hbm>>
      %dma_start3A_50 = tpu.memref_slice %arg5[%mul3A_47] : memref<1310720xf32, #tpu.memory_space<hbm>> -> memref<40960xf32, #tpu.memory_space<hbm>>
      %dma_start3A_51 = arith.constant 0 : i32
      %dma_start3A_52 = tpu.memref_slice %arg12[%dma_start3A_51] : memref<41984xf32, #tpu.memory_space<vmem>> -> memref<40960xf32, #tpu.memory_space<vmem>>
      tpu.enqueue_dma source(%dma_start3A_52 : memref<40960xf32, #tpu.memory_space<vmem>>) target(%dma_start3A_50 : memref<40960xf32, #tpu.memory_space<hbm>>) target_semaphore(%run_scoped3A : memref<!tpu.dma_semaphore, #tpu.memory_space<semaphore_mem>>)
      %dma_wait3A = arith.constant 0 : i32
      %dma_wait3A_53 = tpu.memref_slice %arg12[%dma_wait3A] : memref<41984xf32, #tpu.memory_space<vmem>> -> memref<40960xf32, #tpu.memory_space<vmem>>
      %dma_wait3A_54 = tpu.memref_slice %arg5[%mul3A_47] : memref<1310720xf32, #tpu.memory_space<hbm>> -> memref<40960xf32, #tpu.memory_space<hbm>>
      %dma_wait3A_55 = tpu.memref_slice %arg5[%mul3A_47] : memref<1310720xf32, #tpu.memory_space<hbm>> -> memref<40960xf32, #tpu.memory_space<hbm>>
      %dma_wait3A_56 = arith.constant 0 : i32
      %dma_wait3A_57 = tpu.memref_slice %arg12[%dma_wait3A_56] : memref<41984xf32, #tpu.memory_space<vmem>> -> memref<40960xf32, #tpu.memory_space<vmem>>
      tpu.wait_dma2 semaphore(%run_scoped3A : memref<!tpu.dma_semaphore, #tpu.memory_space<semaphore_mem>>) src(%dma_wait3A_57 : memref<40960xf32, #tpu.memory_space<vmem>>) dst(%dma_wait3A_55 : memref<40960xf32, #tpu.memory_space<hbm>>)
      tpu.yield
    }) : () -> ()
    return
  }
}

#map = affine_map<(d0, d1) -> (0)>
module attributes {stable_mosaic.version = 14 : i64} {
  func.func @run(%arg0: i32, %arg1: i32, %arg2: memref<320000xi32, #tpu.memory_space<hbm>>, %arg3: memref<320000xi32, #tpu.memory_space<hbm>>, %arg4: memref<346112xi32, #tpu.memory_space<hbm>>, %arg5: memref<2000xi32, #tpu.memory_space<vmem>>, %arg6: memref<2000xi32, #tpu.memory_space<vmem>>, %arg7: memref<10816xi32, #tpu.memory_space<vmem>>) attributes {dimension_semantics = [#tpu.dimension_semantics<core_parallel>, #tpu.dimension_semantics<subcore_parallel>], iteration_bounds = array<i64: 2, 16>, scalar_prefetch = 0 : i64, scratch_operands = 3 : i64, tpu.core_type = #tpu.core_type<sc_vector_subcore>, window_params = [{transform_indices = #map}, {transform_indices = #map}, {transform_indices = #map}]} {
    %mul3A = arith.constant 2 : i32
    %mul3A_0 = arith.muli %arg1, %mul3A : i32
    %add3A = arith.addi %mul3A_0, %arg0 : i32
    %mul3A_1 = arith.constant 10816 : i32
    %mul3A_2 = arith.muli %add3A, %mul3A_1 : i32
    %broadcast_in_dim3A = arith.constant 335544320 : i32
    %broadcast_in_dim3A_3 = vector.broadcast %broadcast_in_dim3A : i32 to vector<16xi32>
    %scan3A = arith.constant 0 : i32
    %scan3A_4 = arith.constant 0 : i32
    %scan3A_5 = arith.constant 676 : i32
    %scan3A_6 = arith.addi %scan3A_4, %scan3A_5 : i32
    %scan3A_7 = arith.constant 1 : i32
    scf.for %scan3A_15 = %scan3A_4 to %scan3A_6 step %scan3A_7  : i32 {
      %mul3A_16 = arith.constant 16 : i32
      %mul3A_17 = arith.muli %scan3A_15, %mul3A_16 : i32
      %swap3A = arith.index_cast %mul3A_17 : i32 to index
      %swap3A_18 = tpu.vector_load %arg7[%swap3A] {strides = array<i32>} : memref<10816xi32, #tpu.memory_space<vmem>>, vector<16xi32>,
      tpu.vector_store %arg7[%swap3A], %broadcast_in_dim3A_3 {strides = array<i32>} : memref<10816xi32, #tpu.memory_space<vmem>>, vector<16xi32>,
    }
    %scan3A_8 = arith.constant 676 : i32
    %scan3A_9 = arith.constant 0 : i32
    %scan3A_10 = arith.constant 0 : i32
    %scan3A_11 = arith.constant 160 : i32
    %scan3A_12 = arith.addi %scan3A_10, %scan3A_11 : i32
    %scan3A_13 = arith.constant 1 : i32
    scf.for %scan3A_15 = %scan3A_10 to %scan3A_12 step %scan3A_13  : i32 {
      %mul3A_16 = arith.constant 2000 : i32
      %mul3A_17 = arith.muli %scan3A_15, %mul3A_16 : i32
      "tpu.region"() ({
        %run_scoped3A = tpu.sem_alloc : memref<!tpu.dma_semaphore, #tpu.memory_space<semaphore_mem>>
        %dma_start3A = tpu.memref_slice %arg2[%mul3A_17] : memref<320000xi32, #tpu.memory_space<hbm>> -> memref<2000xi32, #tpu.memory_space<hbm>>
        %dma_start3A_26 = tpu.memref_slice %arg2[%mul3A_17] : memref<320000xi32, #tpu.memory_space<hbm>> -> memref<2000xi32, #tpu.memory_space<hbm>>
        tpu.enqueue_dma source(%dma_start3A_26 : memref<2000xi32, #tpu.memory_space<hbm>>) target(%arg5 : memref<2000xi32, #tpu.memory_space<vmem>>) target_semaphore(%run_scoped3A : memref<!tpu.dma_semaphore, #tpu.memory_space<semaphore_mem>>)
        %dma_wait3A = tpu.memref_slice %arg2[%mul3A_17] : memref<320000xi32, #tpu.memory_space<hbm>> -> memref<2000xi32, #tpu.memory_space<hbm>>
        %dma_wait3A_27 = tpu.memref_slice %arg2[%mul3A_17] : memref<320000xi32, #tpu.memory_space<hbm>> -> memref<2000xi32, #tpu.memory_space<hbm>>
        tpu.wait_dma2 semaphore(%run_scoped3A : memref<!tpu.dma_semaphore, #tpu.memory_space<semaphore_mem>>) src(%dma_wait3A_27 : memref<2000xi32, #tpu.memory_space<hbm>>) dst(%arg5 : memref<2000xi32, #tpu.memory_space<vmem>>)
        tpu.yield
      }) : () -> ()
      %mul3A_18 = arith.constant 2000 : i32
      %mul3A_19 = arith.muli %scan3A_15, %mul3A_18 : i32
      "tpu.region"() ({
        %run_scoped3A = tpu.sem_alloc : memref<!tpu.dma_semaphore, #tpu.memory_space<semaphore_mem>>
        %dma_start3A = tpu.memref_slice %arg3[%mul3A_19] : memref<320000xi32, #tpu.memory_space<hbm>> -> memref<2000xi32, #tpu.memory_space<hbm>>
        %dma_start3A_26 = tpu.memref_slice %arg3[%mul3A_19] : memref<320000xi32, #tpu.memory_space<hbm>> -> memref<2000xi32, #tpu.memory_space<hbm>>
        tpu.enqueue_dma source(%dma_start3A_26 : memref<2000xi32, #tpu.memory_space<hbm>>) target(%arg6 : memref<2000xi32, #tpu.memory_space<vmem>>) target_semaphore(%run_scoped3A : memref<!tpu.dma_semaphore, #tpu.memory_space<semaphore_mem>>)
        %dma_wait3A = tpu.memref_slice %arg3[%mul3A_19] : memref<320000xi32, #tpu.memory_space<hbm>> -> memref<2000xi32, #tpu.memory_space<hbm>>
        %dma_wait3A_27 = tpu.memref_slice %arg3[%mul3A_19] : memref<320000xi32, #tpu.memory_space<hbm>> -> memref<2000xi32, #tpu.memory_space<hbm>>
        tpu.wait_dma2 semaphore(%run_scoped3A : memref<!tpu.dma_semaphore, #tpu.memory_space<semaphore_mem>>) src(%dma_wait3A_27 : memref<2000xi32, #tpu.memory_space<hbm>>) dst(%arg6 : memref<2000xi32, #tpu.memory_space<vmem>>)
        tpu.yield
      }) : () -> ()
      %scan3A_20 = arith.constant 0 : i32
      %scan3A_21 = arith.constant 0 : i32
      %scan3A_22 = arith.constant 125 : i32
      %scan3A_23 = arith.addi %scan3A_21, %scan3A_22 : i32
      %scan3A_24 = arith.constant 1 : i32
      scf.for %scan3A_26 = %scan3A_21 to %scan3A_23 step %scan3A_24  : i32 {
        %mul3A_27 = arith.constant 16 : i32
        %mul3A_28 = arith.muli %scan3A_26, %mul3A_27 : i32
        %get3A = arith.index_cast %mul3A_28 : i32 to index
        %get3A_29 = tpu.vector_load %arg5[%get3A] {strides = array<i32>} : memref<2000xi32, #tpu.memory_space<vmem>>, vector<16xi32>,
        %mul3A_30 = arith.constant 16 : i32
        %mul3A_31 = arith.muli %scan3A_26, %mul3A_30 : i32
        %get3A_32 = arith.index_cast %mul3A_31 : i32 to index
        %get3A_33 = tpu.vector_load %arg6[%get3A_32] {strides = array<i32>} : memref<2000xi32, #tpu.memory_space<vmem>>, vector<16xi32>,
        %sub3A = vector.broadcast %mul3A_2 : i32 to vector<16xi32>
        %sub3A_34 = arith.subi %get3A_29, %sub3A : vector<16xi32>
        %ge3A = arith.constant 0 : i32
        %ge3A_35 = vector.broadcast %ge3A : i32 to vector<16xi32>
        %ge3A_36 = arith.cmpi sge, %sub3A_34, %ge3A_35 : vector<16xi32>
        %lt3A = arith.constant 10816 : i32
        %lt3A_37 = vector.broadcast %lt3A : i32 to vector<16xi32>
        %lt3A_38 = arith.cmpi slt, %sub3A_34, %lt3A_37 : vector<16xi32>
        %and3A = arith.andi %ge3A_36, %lt3A_38 : vector<16xi1>
        %jit3A = arith.constant 0 : i32
        %broadcast_in_dim3A_39 = vector.broadcast %jit3A : i32 to vector<16xi32>
        %select_n3A = arith.select %and3A, %sub3A_34, %broadcast_in_dim3A_39 : vector<16xi1>, vector<16xi32>
        tpu.vector_store_idx %arg7[%select_n3A], %get3A_33 masked %and3A : memref<10816xi32, #tpu.memory_space<vmem>>[vector<16xi32>], vector<16xi32>, vector<16xi1>
      }
      %scan3A_25 = arith.constant 125 : i32
    }
    %scan3A_14 = arith.constant 160 : i32
    "tpu.region"() ({
      %run_scoped3A = tpu.sem_alloc : memref<!tpu.dma_semaphore, #tpu.memory_space<semaphore_mem>>
      %dma_start3A = tpu.memref_slice %arg4[%mul3A_2] : memref<346112xi32, #tpu.memory_space<hbm>> -> memref<10816xi32, #tpu.memory_space<hbm>>
      %dma_start3A_15 = tpu.memref_slice %arg4[%mul3A_2] : memref<346112xi32, #tpu.memory_space<hbm>> -> memref<10816xi32, #tpu.memory_space<hbm>>
      tpu.enqueue_dma source(%arg7 : memref<10816xi32, #tpu.memory_space<vmem>>) target(%dma_start3A_15 : memref<10816xi32, #tpu.memory_space<hbm>>) target_semaphore(%run_scoped3A : memref<!tpu.dma_semaphore, #tpu.memory_space<semaphore_mem>>)
      %dma_wait3A = tpu.memref_slice %arg4[%mul3A_2] : memref<346112xi32, #tpu.memory_space<hbm>> -> memref<10816xi32, #tpu.memory_space<hbm>>
      %dma_wait3A_16 = tpu.memref_slice %arg4[%mul3A_2] : memref<346112xi32, #tpu.memory_space<hbm>> -> memref<10816xi32, #tpu.memory_space<hbm>>
      tpu.wait_dma2 semaphore(%run_scoped3A : memref<!tpu.dma_semaphore, #tpu.memory_space<semaphore_mem>>) src(%arg7 : memref<10816xi32, #tpu.memory_space<vmem>>) dst(%dma_wait3A_16 : memref<10816xi32, #tpu.memory_space<hbm>>)
      tpu.yield
    }) : () -> ()
    return
  }
}

#map = affine_map<(d0, d1) -> (0, 0)>
#map1 = affine_map<(d0, d1) -> (0)>
module attributes {stable_mosaic.version = 14 : i64} {
  func.func @run(%arg0: i32, %arg1: i32, %arg2: memref<10000x128xf32, #tpu.memory_space<hbm>>, %arg3: memref<346112xi32, #tpu.memory_space<hbm>>, %arg4: memref<60x128xf32, #tpu.memory_space<hbm>>, %arg5: memref<1310720xf32, #tpu.memory_space<hbm>>, %arg6: memref<80xi32, #tpu.memory_space<vmem>>, %arg7: memref<80xi32, #tpu.memory_space<vmem>>, %arg8: memref<80xi32, #tpu.memory_space<vmem>>, %arg9: memref<80xi32, #tpu.memory_space<vmem>>, %arg10: memref<80x128xf32, #tpu.memory_space<vmem>>, %arg11: memref<80x128xf32, #tpu.memory_space<vmem>>, %arg12: memref<41984xf32, #tpu.memory_space<vmem>>, %arg13: memref<!tpu.dma_semaphore, #tpu.memory_space<semaphore_mem>>, %arg14: memref<!tpu.dma_semaphore, #tpu.memory_space<semaphore_mem>>) attributes {dimension_semantics = [#tpu.dimension_semantics<core_parallel>, #tpu.dimension_semantics<subcore_parallel>], iteration_bounds = array<i64: 2, 16>, scalar_prefetch = 0 : i64, scratch_operands = 9 : i64, tpu.core_type = #tpu.core_type<sc_vector_subcore>, window_params = [{transform_indices = #map}, {transform_indices = #map1}, {transform_indices = #map}, {transform_indices = #map1}]} {
    %mul3A = arith.constant 2 : i32
    %mul3A_0 = arith.muli %arg1, %mul3A : i32
    %add3A = arith.addi %mul3A_0, %arg0 : i32
    %broadcast_in_dim3A = arith.constant 0.000000e+00 : f32
    %broadcast_in_dim3A_1 = vector.broadcast %broadcast_in_dim3A : f32 to vector<16xf32>
    %scan3A = arith.constant 0 : i32
    %scan3A_2 = arith.constant 0 : i32
    %scan3A_3 = arith.constant 2624 : i32
    %scan3A_4 = arith.addi %scan3A_2, %scan3A_3 : i32
    %scan3A_5 = arith.constant 1 : i32
    scf.for %scan3A_48 = %scan3A_2 to %scan3A_4 step %scan3A_5  : i32 {
      %mul3A_49 = arith.constant 16 : i32
      %mul3A_50 = arith.muli %scan3A_48, %mul3A_49 : i32
      %swap3A = arith.index_cast %mul3A_50 : i32 to index
      %swap3A_51 = tpu.vector_load %arg12[%swap3A] {strides = array<i32>} : memref<41984xf32, #tpu.memory_space<vmem>>, vector<16xf32>,
      tpu.vector_store %arg12[%swap3A], %broadcast_in_dim3A_1 {strides = array<i32>} : memref<41984xf32, #tpu.memory_space<vmem>>, vector<16xf32>,
    }
    %scan3A_6 = arith.constant 2624 : i32
    %iota3A = tpu.iota {dimensions = array<i32: 0>} : vector<16xi32>
    %add3A_7 = arith.constant 0 : i32
    %add3A_8 = vector.broadcast %add3A_7 : i32 to vector<16xi32>
    %add3A_9 = arith.addi %iota3A, %add3A_8 : vector<16xi32>
    %iota3A_10 = tpu.iota {dimensions = array<i32: 0>} : vector<16xi32>
    %add3A_11 = arith.constant 16 : i32
    %add3A_12 = vector.broadcast %add3A_11 : i32 to vector<16xi32>
    %add3A_13 = arith.addi %iota3A_10, %add3A_12 : vector<16xi32>
    %iota3A_14 = tpu.iota {dimensions = array<i32: 0>} : vector<16xi32>
    %add3A_15 = arith.constant 32 : i32
    %add3A_16 = vector.broadcast %add3A_15 : i32 to vector<16xi32>
    %add3A_17 = arith.addi %iota3A_14, %add3A_16 : vector<16xi32>
    %iota3A_18 = tpu.iota {dimensions = array<i32: 0>} : vector<16xi32>
    %add3A_19 = arith.constant 48 : i32
    %add3A_20 = vector.broadcast %add3A_19 : i32 to vector<16xi32>
    %add3A_21 = arith.addi %iota3A_18, %add3A_20 : vector<16xi32>
    %iota3A_22 = tpu.iota {dimensions = array<i32: 0>} : vector<16xi32>
    %add3A_23 = arith.constant 64 : i32
    %add3A_24 = vector.broadcast %add3A_23 : i32 to vector<16xi32>
    %add3A_25 = arith.addi %iota3A_22, %add3A_24 : vector<16xi32>
    %iota3A_26 = tpu.iota {dimensions = array<i32: 0>} : vector<16xi32>
    %add3A_27 = arith.constant 80 : i32
    %add3A_28 = vector.broadcast %add3A_27 : i32 to vector<16xi32>
    %add3A_29 = arith.addi %iota3A_26, %add3A_28 : vector<16xi32>
    %iota3A_30 = tpu.iota {dimensions = array<i32: 0>} : vector<16xi32>
    %add3A_31 = arith.constant 96 : i32
    %add3A_32 = vector.broadcast %add3A_31 : i32 to vector<16xi32>
    %add3A_33 = arith.addi %iota3A_30, %add3A_32 : vector<16xi32>
    %iota3A_34 = tpu.iota {dimensions = array<i32: 0>} : vector<16xi32>
    %add3A_35 = arith.constant 112 : i32
    %add3A_36 = vector.broadcast %add3A_35 : i32 to vector<16xi32>
    %add3A_37 = arith.addi %iota3A_34, %add3A_36 : vector<16xi32>
    %scan3A_38 = arith.constant 0 : i32
    %scan3A_39 = arith.constant 0 : i32
    %scan3A_40 = arith.constant 135 : i32
    %scan3A_41 = arith.addi %scan3A_39, %scan3A_40 : i32
    %scan3A_42 = arith.constant 1 : i32
    scf.for %scan3A_48 = %scan3A_39 to %scan3A_41 step %scan3A_42  : i32 {
      %mul3A_49 = arith.constant 10816 : i32
      %mul3A_50 = arith.muli %add3A, %mul3A_49 : i32
      %mul3A_51 = arith.constant 80 : i32
      %mul3A_52 = arith.muli %scan3A_48, %mul3A_51 : i32
      %add3A_53 = arith.addi %mul3A_50, %mul3A_52 : i32
      "tpu.region"() ({
        %run_scoped3A = tpu.sem_alloc : memref<!tpu.dma_semaphore, #tpu.memory_space<semaphore_mem>>
        %dma_start3A_181 = tpu.memref_slice %arg3[%add3A_53] : memref<346112xi32, #tpu.memory_space<hbm>> -> memref<80xi32, #tpu.memory_space<hbm>>
        %dma_start3A_182 = tpu.memref_slice %arg3[%add3A_53] : memref<346112xi32, #tpu.memory_space<hbm>> -> memref<80xi32, #tpu.memory_space<hbm>>
        tpu.enqueue_dma source(%dma_start3A_182 : memref<80xi32, #tpu.memory_space<hbm>>) target(%arg6 : memref<80xi32, #tpu.memory_space<vmem>>) target_semaphore(%run_scoped3A : memref<!tpu.dma_semaphore, #tpu.memory_space<semaphore_mem>>)
        %dma_wait3A_183 = tpu.memref_slice %arg3[%add3A_53] : memref<346112xi32, #tpu.memory_space<hbm>> -> memref<80xi32, #tpu.memory_space<hbm>>
        %dma_wait3A_184 = tpu.memref_slice %arg3[%add3A_53] : memref<346112xi32, #tpu.memory_space<hbm>> -> memref<80xi32, #tpu.memory_space<hbm>>
        tpu.wait_dma2 semaphore(%run_scoped3A : memref<!tpu.dma_semaphore, #tpu.memory_space<semaphore_mem>>) src(%dma_wait3A_184 : memref<80xi32, #tpu.memory_space<hbm>>) dst(%arg6 : memref<80xi32, #tpu.memory_space<vmem>>)
        tpu.yield
      }) : () -> ()
      %get3A = arith.constant 0 : index
      %get3A_54 = tpu.vector_load %arg6[%get3A] {strides = array<i32>} : memref<80xi32, #tpu.memory_space<vmem>>, vector<16xi32>,
      %and3A = arith.constant 16383 : i32
      %and3A_55 = vector.broadcast %and3A : i32 to vector<16xi32>
      %and3A_56 = arith.andi %get3A_54, %and3A_55 : vector<16xi32>
      %swap3A = arith.constant 0 : index
      %swap3A_57 = tpu.vector_load %arg7[%swap3A] {strides = array<i32>} : memref<80xi32, #tpu.memory_space<vmem>>, vector<16xi32>,
      tpu.vector_store %arg7[%swap3A], %and3A_56 {strides = array<i32>} : memref<80xi32, #tpu.memory_space<vmem>>, vector<16xi32>,
      %shift_right_arithmetic3A = arith.constant 14 : i32
      %shift_right_arithmetic3A_58 = vector.broadcast %shift_right_arithmetic3A : i32 to vector<16xi32>
      %shift_right_arithmetic3A_59 = arith.shrsi %get3A_54, %shift_right_arithmetic3A_58 : vector<16xi32>
      %and3A_60 = arith.constant 63 : i32
      %and3A_61 = vector.broadcast %and3A_60 : i32 to vector<16xi32>
      %and3A_62 = arith.andi %shift_right_arithmetic3A_59, %and3A_61 : vector<16xi32>
      %swap3A_63 = arith.constant 0 : index
      %swap3A_64 = tpu.vector_load %arg8[%swap3A_63] {strides = array<i32>} : memref<80xi32, #tpu.memory_space<vmem>>, vector<16xi32>,
      tpu.vector_store %arg8[%swap3A_63], %and3A_62 {strides = array<i32>} : memref<80xi32, #tpu.memory_space<vmem>>, vector<16xi32>,
      %shift_right_arithmetic3A_65 = arith.constant 20 : i32
      %shift_right_arithmetic3A_66 = vector.broadcast %shift_right_arithmetic3A_65 : i32 to vector<16xi32>
      %shift_right_arithmetic3A_67 = arith.shrsi %get3A_54, %shift_right_arithmetic3A_66 : vector<16xi32>
      %and3A_68 = arith.constant 1023 : i32
      %and3A_69 = vector.broadcast %and3A_68 : i32 to vector<16xi32>
      %and3A_70 = arith.andi %shift_right_arithmetic3A_67, %and3A_69 : vector<16xi32>
      %swap3A_71 = arith.constant 0 : index
      %swap3A_72 = tpu.vector_load %arg9[%swap3A_71] {strides = array<i32>} : memref<80xi32, #tpu.memory_space<vmem>>, vector<16xi32>,
      tpu.vector_store %arg9[%swap3A_71], %and3A_70 {strides = array<i32>} : memref<80xi32, #tpu.memory_space<vmem>>, vector<16xi32>,
      %get3A_73 = arith.constant 16 : index
      %get3A_74 = tpu.vector_load %arg6[%get3A_73] {strides = array<i32>} : memref<80xi32, #tpu.memory_space<vmem>>, vector<16xi32>,
      %and3A_75 = arith.constant 16383 : i32
      %and3A_76 = vector.broadcast %and3A_75 : i32 to vector<16xi32>
      %and3A_77 = arith.andi %get3A_74, %and3A_76 : vector<16xi32>
      %swap3A_78 = arith.constant 16 : index
      %swap3A_79 = tpu.vector_load %arg7[%swap3A_78] {strides = array<i32>} : memref<80xi32, #tpu.memory_space<vmem>>, vector<16xi32>,
      tpu.vector_store %arg7[%swap3A_78], %and3A_77 {strides = array<i32>} : memref<80xi32, #tpu.memory_space<vmem>>, vector<16xi32>,
      %shift_right_arithmetic3A_80 = arith.constant 14 : i32
      %shift_right_arithmetic3A_81 = vector.broadcast %shift_right_arithmetic3A_80 : i32 to vector<16xi32>
      %shift_right_arithmetic3A_82 = arith.shrsi %get3A_74, %shift_right_arithmetic3A_81 : vector<16xi32>
      %and3A_83 = arith.constant 63 : i32
      %and3A_84 = vector.broadcast %and3A_83 : i32 to vector<16xi32>
      %and3A_85 = arith.andi %shift_right_arithmetic3A_82, %and3A_84 : vector<16xi32>
      %swap3A_86 = arith.constant 16 : index
      %swap3A_87 = tpu.vector_load %arg8[%swap3A_86] {strides = array<i32>} : memref<80xi32, #tpu.memory_space<vmem>>, vector<16xi32>,
      tpu.vector_store %arg8[%swap3A_86], %and3A_85 {strides = array<i32>} : memref<80xi32, #tpu.memory_space<vmem>>, vector<16xi32>,
      %shift_right_arithmetic3A_88 = arith.constant 20 : i32
      %shift_right_arithmetic3A_89 = vector.broadcast %shift_right_arithmetic3A_88 : i32 to vector<16xi32>
      %shift_right_arithmetic3A_90 = arith.shrsi %get3A_74, %shift_right_arithmetic3A_89 : vector<16xi32>
      %and3A_91 = arith.constant 1023 : i32
      %and3A_92 = vector.broadcast %and3A_91 : i32 to vector<16xi32>
      %and3A_93 = arith.andi %shift_right_arithmetic3A_90, %and3A_92 : vector<16xi32>
      %swap3A_94 = arith.constant 16 : index
      %swap3A_95 = tpu.vector_load %arg9[%swap3A_94] {strides = array<i32>} : memref<80xi32, #tpu.memory_space<vmem>>, vector<16xi32>,
      tpu.vector_store %arg9[%swap3A_94], %and3A_93 {strides = array<i32>} : memref<80xi32, #tpu.memory_space<vmem>>, vector<16xi32>,
      %get3A_96 = arith.constant 32 : index
      %get3A_97 = tpu.vector_load %arg6[%get3A_96] {strides = array<i32>} : memref<80xi32, #tpu.memory_space<vmem>>, vector<16xi32>,
      %and3A_98 = arith.constant 16383 : i32
      %and3A_99 = vector.broadcast %and3A_98 : i32 to vector<16xi32>
      %and3A_100 = arith.andi %get3A_97, %and3A_99 : vector<16xi32>
      %swap3A_101 = arith.constant 32 : index
      %swap3A_102 = tpu.vector_load %arg7[%swap3A_101] {strides = array<i32>} : memref<80xi32, #tpu.memory_space<vmem>>, vector<16xi32>,
      tpu.vector_store %arg7[%swap3A_101], %and3A_100 {strides = array<i32>} : memref<80xi32, #tpu.memory_space<vmem>>, vector<16xi32>,
      %shift_right_arithmetic3A_103 = arith.constant 14 : i32
      %shift_right_arithmetic3A_104 = vector.broadcast %shift_right_arithmetic3A_103 : i32 to vector<16xi32>
      %shift_right_arithmetic3A_105 = arith.shrsi %get3A_97, %shift_right_arithmetic3A_104 : vector<16xi32>
      %and3A_106 = arith.constant 63 : i32
      %and3A_107 = vector.broadcast %and3A_106 : i32 to vector<16xi32>
      %and3A_108 = arith.andi %shift_right_arithmetic3A_105, %and3A_107 : vector<16xi32>
      %swap3A_109 = arith.constant 32 : index
      %swap3A_110 = tpu.vector_load %arg8[%swap3A_109] {strides = array<i32>} : memref<80xi32, #tpu.memory_space<vmem>>, vector<16xi32>,
      tpu.vector_store %arg8[%swap3A_109], %and3A_108 {strides = array<i32>} : memref<80xi32, #tpu.memory_space<vmem>>, vector<16xi32>,
      %shift_right_arithmetic3A_111 = arith.constant 20 : i32
      %shift_right_arithmetic3A_112 = vector.broadcast %shift_right_arithmetic3A_111 : i32 to vector<16xi32>
      %shift_right_arithmetic3A_113 = arith.shrsi %get3A_97, %shift_right_arithmetic3A_112 : vector<16xi32>
      %and3A_114 = arith.constant 1023 : i32
      %and3A_115 = vector.broadcast %and3A_114 : i32 to vector<16xi32>
      %and3A_116 = arith.andi %shift_right_arithmetic3A_113, %and3A_115 : vector<16xi32>
      %swap3A_117 = arith.constant 32 : index
      %swap3A_118 = tpu.vector_load %arg9[%swap3A_117] {strides = array<i32>} : memref<80xi32, #tpu.memory_space<vmem>>, vector<16xi32>,
      tpu.vector_store %arg9[%swap3A_117], %and3A_116 {strides = array<i32>} : memref<80xi32, #tpu.memory_space<vmem>>, vector<16xi32>,
      %get3A_119 = arith.constant 48 : index
      %get3A_120 = tpu.vector_load %arg6[%get3A_119] {strides = array<i32>} : memref<80xi32, #tpu.memory_space<vmem>>, vector<16xi32>,
      %and3A_121 = arith.constant 16383 : i32
      %and3A_122 = vector.broadcast %and3A_121 : i32 to vector<16xi32>
      %and3A_123 = arith.andi %get3A_120, %and3A_122 : vector<16xi32>
      %swap3A_124 = arith.constant 48 : index
      %swap3A_125 = tpu.vector_load %arg7[%swap3A_124] {strides = array<i32>} : memref<80xi32, #tpu.memory_space<vmem>>, vector<16xi32>,
      tpu.vector_store %arg7[%swap3A_124], %and3A_123 {strides = array<i32>} : memref<80xi32, #tpu.memory_space<vmem>>, vector<16xi32>,
      %shift_right_arithmetic3A_126 = arith.constant 14 : i32
      %shift_right_arithmetic3A_127 = vector.broadcast %shift_right_arithmetic3A_126 : i32 to vector<16xi32>
      %shift_right_arithmetic3A_128 = arith.shrsi %get3A_120, %shift_right_arithmetic3A_127 : vector<16xi32>
      %and3A_129 = arith.constant 63 : i32
      %and3A_130 = vector.broadcast %and3A_129 : i32 to vector<16xi32>
      %and3A_131 = arith.andi %shift_right_arithmetic3A_128, %and3A_130 : vector<16xi32>
      %swap3A_132 = arith.constant 48 : index
      %swap3A_133 = tpu.vector_load %arg8[%swap3A_132] {strides = array<i32>} : memref<80xi32, #tpu.memory_space<vmem>>, vector<16xi32>,
      tpu.vector_store %arg8[%swap3A_132], %and3A_131 {strides = array<i32>} : memref<80xi32, #tpu.memory_space<vmem>>, vector<16xi32>,
      %shift_right_arithmetic3A_134 = arith.constant 20 : i32
      %shift_right_arithmetic3A_135 = vector.broadcast %shift_right_arithmetic3A_134 : i32 to vector<16xi32>
      %shift_right_arithmetic3A_136 = arith.shrsi %get3A_120, %shift_right_arithmetic3A_135 : vector<16xi32>
      %and3A_137 = arith.constant 1023 : i32
      %and3A_138 = vector.broadcast %and3A_137 : i32 to vector<16xi32>
      %and3A_139 = arith.andi %shift_right_arithmetic3A_136, %and3A_138 : vector<16xi32>
      %swap3A_140 = arith.constant 48 : index
      %swap3A_141 = tpu.vector_load %arg9[%swap3A_140] {strides = array<i32>} : memref<80xi32, #tpu.memory_space<vmem>>, vector<16xi32>,
      tpu.vector_store %arg9[%swap3A_140], %and3A_139 {strides = array<i32>} : memref<80xi32, #tpu.memory_space<vmem>>, vector<16xi32>,
      %get3A_142 = arith.constant 64 : index
      %get3A_143 = tpu.vector_load %arg6[%get3A_142] {strides = array<i32>} : memref<80xi32, #tpu.memory_space<vmem>>, vector<16xi32>,
      %and3A_144 = arith.constant 16383 : i32
      %and3A_145 = vector.broadcast %and3A_144 : i32 to vector<16xi32>
      %and3A_146 = arith.andi %get3A_143, %and3A_145 : vector<16xi32>
      %swap3A_147 = arith.constant 64 : index
      %swap3A_148 = tpu.vector_load %arg7[%swap3A_147] {strides = array<i32>} : memref<80xi32, #tpu.memory_space<vmem>>, vector<16xi32>,
      tpu.vector_store %arg7[%swap3A_147], %and3A_146 {strides = array<i32>} : memref<80xi32, #tpu.memory_space<vmem>>, vector<16xi32>,
      %shift_right_arithmetic3A_149 = arith.constant 14 : i32
      %shift_right_arithmetic3A_150 = vector.broadcast %shift_right_arithmetic3A_149 : i32 to vector<16xi32>
      %shift_right_arithmetic3A_151 = arith.shrsi %get3A_143, %shift_right_arithmetic3A_150 : vector<16xi32>
      %and3A_152 = arith.constant 63 : i32
      %and3A_153 = vector.broadcast %and3A_152 : i32 to vector<16xi32>
      %and3A_154 = arith.andi %shift_right_arithmetic3A_151, %and3A_153 : vector<16xi32>
      %swap3A_155 = arith.constant 64 : index
      %swap3A_156 = tpu.vector_load %arg8[%swap3A_155] {strides = array<i32>} : memref<80xi32, #tpu.memory_space<vmem>>, vector<16xi32>,
      tpu.vector_store %arg8[%swap3A_155], %and3A_154 {strides = array<i32>} : memref<80xi32, #tpu.memory_space<vmem>>, vector<16xi32>,
      %shift_right_arithmetic3A_157 = arith.constant 20 : i32
      %shift_right_arithmetic3A_158 = vector.broadcast %shift_right_arithmetic3A_157 : i32 to vector<16xi32>
      %shift_right_arithmetic3A_159 = arith.shrsi %get3A_143, %shift_right_arithmetic3A_158 : vector<16xi32>
      %and3A_160 = arith.constant 1023 : i32
      %and3A_161 = vector.broadcast %and3A_160 : i32 to vector<16xi32>
      %and3A_162 = arith.andi %shift_right_arithmetic3A_159, %and3A_161 : vector<16xi32>
      %swap3A_163 = arith.constant 64 : index
      %swap3A_164 = tpu.vector_load %arg9[%swap3A_163] {strides = array<i32>} : memref<80xi32, #tpu.memory_space<vmem>>, vector<16xi32>,
      tpu.vector_store %arg9[%swap3A_163], %and3A_162 {strides = array<i32>} : memref<80xi32, #tpu.memory_space<vmem>>, vector<16xi32>,
      %dma_start3A = arith.constant 0 : i32
      %dma_start3A_165 = arith.constant 0 : i32
      %dma_start3A_166 = tpu.memref_slice %arg2[%dma_start3A, %dma_start3A_165] : memref<10000x128xf32, #tpu.memory_space<hbm>> -> memref<10000x128xf32, #tpu.memory_space<hbm>>
      tpu.enqueue_indirect_dma source(%dma_start3A_166 : memref<10000x128xf32, #tpu.memory_space<hbm>>) target(%arg10 : memref<80x128xf32, #tpu.memory_space<vmem>>) offsets(%arg7 : memref<80xi32, #tpu.memory_space<vmem>>) semaphore(%arg13 : memref<!tpu.dma_semaphore, #tpu.memory_space<semaphore_mem>>)
      %dma_start3A_167 = arith.constant 0 : i32
      %dma_start3A_168 = arith.constant 0 : i32
      %dma_start3A_169 = tpu.memref_slice %arg4[%dma_start3A_167, %dma_start3A_168] : memref<60x128xf32, #tpu.memory_space<hbm>> -> memref<60x128xf32, #tpu.memory_space<hbm>>
      tpu.enqueue_indirect_dma source(%dma_start3A_169 : memref<60x128xf32, #tpu.memory_space<hbm>>) target(%arg11 : memref<80x128xf32, #tpu.memory_space<vmem>>) offsets(%arg8 : memref<80xi32, #tpu.memory_space<vmem>>) semaphore(%arg14 : memref<!tpu.dma_semaphore, #tpu.memory_space<semaphore_mem>>)
      %dma_wait3A = arith.constant 0 : i32
      %dma_wait3A_170 = arith.constant 0 : i32
      %dma_wait3A_171 = tpu.memref_slice %arg2[%dma_wait3A, %dma_wait3A_170] : memref<10000x128xf32, #tpu.memory_space<hbm>> -> memref<10000x128xf32, #tpu.memory_space<hbm>>
      tpu.wait_indirect_dma semaphore(%arg13 : memref<!tpu.dma_semaphore, #tpu.memory_space<semaphore_mem>>) src(%dma_wait3A_171 : memref<10000x128xf32, #tpu.memory_space<hbm>>) dst(%arg10 : memref<80x128xf32, #tpu.memory_space<vmem>>)
      %dma_wait3A_172 = arith.constant 0 : i32
      %dma_wait3A_173 = arith.constant 0 : i32
      %dma_wait3A_174 = tpu.memref_slice %arg4[%dma_wait3A_172, %dma_wait3A_173] : memref<60x128xf32, #tpu.memory_space<hbm>> -> memref<60x128xf32, #tpu.memory_space<hbm>>
      tpu.wait_indirect_dma semaphore(%arg14 : memref<!tpu.dma_semaphore, #tpu.memory_space<semaphore_mem>>) src(%dma_wait3A_174 : memref<60x128xf32, #tpu.memory_space<hbm>>) dst(%arg11 : memref<80x128xf32, #tpu.memory_space<vmem>>)
      %scan3A_175 = arith.constant 0 : i32
      %scan3A_176 = arith.constant 0 : i32
      %scan3A_177 = arith.constant 80 : i32
      %scan3A_178 = arith.addi %scan3A_176, %scan3A_177 : i32
      %scan3A_179 = arith.constant 1 : i32
      scf.for %scan3A_181 = %scan3A_176 to %scan3A_178 step %scan3A_179  : i32 {
        %broadcast_in_dim3A_182 = vector.broadcast %scan3A_181 : i32 to vector<16xi32>
        %gather3A = tpu.vector_load_idx %arg9[%broadcast_in_dim3A_182] : memref<80xi32, #tpu.memory_space<vmem>>[vector<16xi32>], vector<16xi32>,
        %shift_left3A = arith.constant 7 : i32
        %shift_left3A_183 = vector.broadcast %shift_left3A : i32 to vector<16xi32>
        %shift_left3A_184 = arith.shli %gather3A, %shift_left3A_183 : vector<16xi32>
        %get3A_185 = arith.index_cast %scan3A_181 : i32 to index
        %get3A_186 = arith.constant 0 : index
        %get3A_187 = tpu.vector_load %arg10[%get3A_185, %get3A_186] {strides = array<i32>} : memref<80x128xf32, #tpu.memory_space<vmem>>, vector<16xf32>,
        %get3A_188 = arith.index_cast %scan3A_181 : i32 to index
        %get3A_189 = arith.constant 0 : index
        %get3A_190 = tpu.vector_load %arg11[%get3A_188, %get3A_189] {strides = array<i32>} : memref<80x128xf32, #tpu.memory_space<vmem>>, vector<16xf32>,
        %add3A_191 = arith.addf %get3A_187, %get3A_190 : vector<16xf32>
        %max3A = arith.constant 0.000000e+00 : f32
        %max3A_192 = vector.broadcast %max3A : f32 to vector<16xf32>
        %max3A_193 = arith.maximumf %add3A_191, %max3A_192 : vector<16xf32>
        %add3A_194 = arith.addi %shift_left3A_184, %add3A_9 : vector<16xi32>
        tpu.vector_store_idx %arg12[%add3A_194], %max3A_193 {add = true} : memref<41984xf32, #tpu.memory_space<vmem>>[vector<16xi32>], vector<16xf32>,
        %get3A_195 = arith.index_cast %scan3A_181 : i32 to index
        %get3A_196 = arith.constant 16 : index
        %get3A_197 = tpu.vector_load %arg10[%get3A_195, %get3A_196] {strides = array<i32>} : memref<80x128xf32, #tpu.memory_space<vmem>>, vector<16xf32>,
        %get3A_198 = arith.index_cast %scan3A_181 : i32 to index
        %get3A_199 = arith.constant 16 : index
        %get3A_200 = tpu.vector_load %arg11[%get3A_198, %get3A_199] {strides = array<i32>} : memref<80x128xf32, #tpu.memory_space<vmem>>, vector<16xf32>,
        %add3A_201 = arith.addf %get3A_197, %get3A_200 : vector<16xf32>
        %max3A_202 = arith.constant 0.000000e+00 : f32
        %max3A_203 = vector.broadcast %max3A_202 : f32 to vector<16xf32>
        %max3A_204 = arith.maximumf %add3A_201, %max3A_203 : vector<16xf32>
        %add3A_205 = arith.addi %shift_left3A_184, %add3A_13 : vector<16xi32>
        tpu.vector_store_idx %arg12[%add3A_205], %max3A_204 {add = true} : memref<41984xf32, #tpu.memory_space<vmem>>[vector<16xi32>], vector<16xf32>,
        %get3A_206 = arith.index_cast %scan3A_181 : i32 to index
        %get3A_207 = arith.constant 32 : index
        %get3A_208 = tpu.vector_load %arg10[%get3A_206, %get3A_207] {strides = array<i32>} : memref<80x128xf32, #tpu.memory_space<vmem>>, vector<16xf32>,
        %get3A_209 = arith.index_cast %scan3A_181 : i32 to index
        %get3A_210 = arith.constant 32 : index
        %get3A_211 = tpu.vector_load %arg11[%get3A_209, %get3A_210] {strides = array<i32>} : memref<80x128xf32, #tpu.memory_space<vmem>>, vector<16xf32>,
        %add3A_212 = arith.addf %get3A_208, %get3A_211 : vector<16xf32>
        %max3A_213 = arith.constant 0.000000e+00 : f32
        %max3A_214 = vector.broadcast %max3A_213 : f32 to vector<16xf32>
        %max3A_215 = arith.maximumf %add3A_212, %max3A_214 : vector<16xf32>
        %add3A_216 = arith.addi %shift_left3A_184, %add3A_17 : vector<16xi32>
        tpu.vector_store_idx %arg12[%add3A_216], %max3A_215 {add = true} : memref<41984xf32, #tpu.memory_space<vmem>>[vector<16xi32>], vector<16xf32>,
        %get3A_217 = arith.index_cast %scan3A_181 : i32 to index
        %get3A_218 = arith.constant 48 : index
        %get3A_219 = tpu.vector_load %arg10[%get3A_217, %get3A_218] {strides = array<i32>} : memref<80x128xf32, #tpu.memory_space<vmem>>, vector<16xf32>,
        %get3A_220 = arith.index_cast %scan3A_181 : i32 to index
        %get3A_221 = arith.constant 48 : index
        %get3A_222 = tpu.vector_load %arg11[%get3A_220, %get3A_221] {strides = array<i32>} : memref<80x128xf32, #tpu.memory_space<vmem>>, vector<16xf32>,
        %add3A_223 = arith.addf %get3A_219, %get3A_222 : vector<16xf32>
        %max3A_224 = arith.constant 0.000000e+00 : f32
        %max3A_225 = vector.broadcast %max3A_224 : f32 to vector<16xf32>
        %max3A_226 = arith.maximumf %add3A_223, %max3A_225 : vector<16xf32>
        %add3A_227 = arith.addi %shift_left3A_184, %add3A_21 : vector<16xi32>
        tpu.vector_store_idx %arg12[%add3A_227], %max3A_226 {add = true} : memref<41984xf32, #tpu.memory_space<vmem>>[vector<16xi32>], vector<16xf32>,
        %get3A_228 = arith.index_cast %scan3A_181 : i32 to index
        %get3A_229 = arith.constant 64 : index
        %get3A_230 = tpu.vector_load %arg10[%get3A_228, %get3A_229] {strides = array<i32>} : memref<80x128xf32, #tpu.memory_space<vmem>>, vector<16xf32>,
        %get3A_231 = arith.index_cast %scan3A_181 : i32 to index
        %get3A_232 = arith.constant 64 : index
        %get3A_233 = tpu.vector_load %arg11[%get3A_231, %get3A_232] {strides = array<i32>} : memref<80x128xf32, #tpu.memory_space<vmem>>, vector<16xf32>,
        %add3A_234 = arith.addf %get3A_230, %get3A_233 : vector<16xf32>
        %max3A_235 = arith.constant 0.000000e+00 : f32
        %max3A_236 = vector.broadcast %max3A_235 : f32 to vector<16xf32>
        %max3A_237 = arith.maximumf %add3A_234, %max3A_236 : vector<16xf32>
        %add3A_238 = arith.addi %shift_left3A_184, %add3A_25 : vector<16xi32>
        tpu.vector_store_idx %arg12[%add3A_238], %max3A_237 {add = true} : memref<41984xf32, #tpu.memory_space<vmem>>[vector<16xi32>], vector<16xf32>,
        %get3A_239 = arith.index_cast %scan3A_181 : i32 to index
        %get3A_240 = arith.constant 80 : index
        %get3A_241 = tpu.vector_load %arg10[%get3A_239, %get3A_240] {strides = array<i32>} : memref<80x128xf32, #tpu.memory_space<vmem>>, vector<16xf32>,
        %get3A_242 = arith.index_cast %scan3A_181 : i32 to index
        %get3A_243 = arith.constant 80 : index
        %get3A_244 = tpu.vector_load %arg11[%get3A_242, %get3A_243] {strides = array<i32>} : memref<80x128xf32, #tpu.memory_space<vmem>>, vector<16xf32>,
        %add3A_245 = arith.addf %get3A_241, %get3A_244 : vector<16xf32>
        %max3A_246 = arith.constant 0.000000e+00 : f32
        %max3A_247 = vector.broadcast %max3A_246 : f32 to vector<16xf32>
        %max3A_248 = arith.maximumf %add3A_245, %max3A_247 : vector<16xf32>
        %add3A_249 = arith.addi %shift_left3A_184, %add3A_29 : vector<16xi32>
        tpu.vector_store_idx %arg12[%add3A_249], %max3A_248 {add = true} : memref<41984xf32, #tpu.memory_space<vmem>>[vector<16xi32>], vector<16xf32>,
        %get3A_250 = arith.index_cast %scan3A_181 : i32 to index
        %get3A_251 = arith.constant 96 : index
        %get3A_252 = tpu.vector_load %arg10[%get3A_250, %get3A_251] {strides = array<i32>} : memref<80x128xf32, #tpu.memory_space<vmem>>, vector<16xf32>,
        %get3A_253 = arith.index_cast %scan3A_181 : i32 to index
        %get3A_254 = arith.constant 96 : index
        %get3A_255 = tpu.vector_load %arg11[%get3A_253, %get3A_254] {strides = array<i32>} : memref<80x128xf32, #tpu.memory_space<vmem>>, vector<16xf32>,
        %add3A_256 = arith.addf %get3A_252, %get3A_255 : vector<16xf32>
        %max3A_257 = arith.constant 0.000000e+00 : f32
        %max3A_258 = vector.broadcast %max3A_257 : f32 to vector<16xf32>
        %max3A_259 = arith.maximumf %add3A_256, %max3A_258 : vector<16xf32>
        %add3A_260 = arith.addi %shift_left3A_184, %add3A_33 : vector<16xi32>
        tpu.vector_store_idx %arg12[%add3A_260], %max3A_259 {add = true} : memref<41984xf32, #tpu.memory_space<vmem>>[vector<16xi32>], vector<16xf32>,
        %get3A_261 = arith.index_cast %scan3A_181 : i32 to index
        %get3A_262 = arith.constant 112 : index
        %get3A_263 = tpu.vector_load %arg10[%get3A_261, %get3A_262] {strides = array<i32>} : memref<80x128xf32, #tpu.memory_space<vmem>>, vector<16xf32>,
        %get3A_264 = arith.index_cast %scan3A_181 : i32 to index
        %get3A_265 = arith.constant 112 : index
        %get3A_266 = tpu.vector_load %arg11[%get3A_264, %get3A_265] {strides = array<i32>} : memref<80x128xf32, #tpu.memory_space<vmem>>, vector<16xf32>,
        %add3A_267 = arith.addf %get3A_263, %get3A_266 : vector<16xf32>
        %max3A_268 = arith.constant 0.000000e+00 : f32
        %max3A_269 = vector.broadcast %max3A_268 : f32 to vector<16xf32>
        %max3A_270 = arith.maximumf %add3A_267, %max3A_269 : vector<16xf32>
        %add3A_271 = arith.addi %shift_left3A_184, %add3A_37 : vector<16xi32>
        tpu.vector_store_idx %arg12[%add3A_271], %max3A_270 {add = true} : memref<41984xf32, #tpu.memory_space<vmem>>[vector<16xi32>], vector<16xf32>,
      }
      %scan3A_180 = arith.constant 80 : i32
    }
    %scan3A_43 = arith.constant 135 : i32
    %mul3A_44 = arith.constant 320 : i32
    %mul3A_45 = arith.muli %add3A, %mul3A_44 : i32
    %mul3A_46 = arith.constant 128 : i32
    %mul3A_47 = arith.muli %mul3A_45, %mul3A_46 : i32
    "tpu.region"() ({
      %run_scoped3A = tpu.sem_alloc : memref<!tpu.dma_semaphore, #tpu.memory_space<semaphore_mem>>
      %dma_start3A = arith.constant 0 : i32
      %dma_start3A_48 = tpu.memref_slice %arg12[%dma_start3A] : memref<41984xf32, #tpu.memory_space<vmem>> -> memref<40960xf32, #tpu.memory_space<vmem>>
      %dma_start3A_49 = tpu.memref_slice %arg5[%mul3A_47] : memref<1310720xf32, #tpu.memory_space<hbm>> -> memref<40960xf32, #tpu.memory_space<hbm>>
      %dma_start3A_50 = tpu.memref_slice %arg5[%mul3A_47] : memref<1310720xf32, #tpu.memory_space<hbm>> -> memref<40960xf32, #tpu.memory_space<hbm>>
      %dma_start3A_51 = arith.constant 0 : i32
      %dma_start3A_52 = tpu.memref_slice %arg12[%dma_start3A_51] : memref<41984xf32, #tpu.memory_space<vmem>> -> memref<40960xf32, #tpu.memory_space<vmem>>
      tpu.enqueue_dma source(%dma_start3A_52 : memref<40960xf32, #tpu.memory_space<vmem>>) target(%dma_start3A_50 : memref<40960xf32, #tpu.memory_space<hbm>>) target_semaphore(%run_scoped3A : memref<!tpu.dma_semaphore, #tpu.memory_space<semaphore_mem>>)
      %dma_wait3A = arith.constant 0 : i32
      %dma_wait3A_53 = tpu.memref_slice %arg12[%dma_wait3A] : memref<41984xf32, #tpu.memory_space<vmem>> -> memref<40960xf32, #tpu.memory_space<vmem>>
      %dma_wait3A_54 = tpu.memref_slice %arg5[%mul3A_47] : memref<1310720xf32, #tpu.memory_space<hbm>> -> memref<40960xf32, #tpu.memory_space<hbm>>
      %dma_wait3A_55 = tpu.memref_slice %arg5[%mul3A_47] : memref<1310720xf32, #tpu.memory_space<hbm>> -> memref<40960xf32, #tpu.memory_space<hbm>>
      %dma_wait3A_56 = arith.constant 0 : i32
      %dma_wait3A_57 = tpu.memref_slice %arg12[%dma_wait3A_56] : memref<41984xf32, #tpu.memory_space<vmem>> -> memref<40960xf32, #tpu.memory_space<vmem>>
      tpu.wait_dma2 semaphore(%run_scoped3A : memref<!tpu.dma_semaphore, #tpu.memory_space<semaphore_mem>>) src(%dma_wait3A_57 : memref<40960xf32, #tpu.memory_space<vmem>>) dst(%dma_wait3A_55 : memref<40960xf32, #tpu.memory_space<hbm>>)
      tpu.yield
    }) : () -> ()
    return
  }
}

#map = affine_map<(d0, d1) -> (0, 0)>
#map1 = affine_map<(d0, d1) -> (0)>
module attributes {stable_mosaic.version = 14 : i64} {
  func.func @run(%arg0: i32, %arg1: i32, %arg2: memref<10000x128xf32, #tpu.memory_space<hbm>>, %arg3: memref<346112xi32, #tpu.memory_space<hbm>>, %arg4: memref<60x128xf32, #tpu.memory_space<hbm>>, %arg5: memref<1310720xf32, #tpu.memory_space<hbm>>, %arg6: memref<80xi32, #tpu.memory_space<vmem>>, %arg7: memref<80xi32, #tpu.memory_space<vmem>>, %arg8: memref<80xi32, #tpu.memory_space<vmem>>, %arg9: memref<80xi32, #tpu.memory_space<vmem>>, %arg10: memref<80x128xf32, #tpu.memory_space<vmem>>, %arg11: memref<80x128xf32, #tpu.memory_space<vmem>>, %arg12: memref<41984xf32, #tpu.memory_space<vmem>>, %arg13: memref<!tpu.dma_semaphore, #tpu.memory_space<semaphore_mem>>, %arg14: memref<!tpu.dma_semaphore, #tpu.memory_space<semaphore_mem>>) attributes {dimension_semantics = [#tpu.dimension_semantics<core_parallel>, #tpu.dimension_semantics<subcore_parallel>], iteration_bounds = array<i64: 2, 16>, scalar_prefetch = 0 : i64, scratch_operands = 9 : i64, tpu.core_type = #tpu.core_type<sc_vector_subcore>, window_params = [{transform_indices = #map}, {transform_indices = #map1}, {transform_indices = #map}, {transform_indices = #map1}]} {
    %mul3A = arith.constant 2 : i32
    %mul3A_0 = arith.muli %arg1, %mul3A : i32
    %add3A = arith.addi %mul3A_0, %arg0 : i32
    %broadcast_in_dim3A = arith.constant 0.000000e+00 : f32
    %broadcast_in_dim3A_1 = vector.broadcast %broadcast_in_dim3A : f32 to vector<16xf32>
    %scan3A = arith.constant 0 : i32
    %scan3A_2 = arith.constant 0 : i32
    %scan3A_3 = arith.constant 2624 : i32
    %scan3A_4 = arith.addi %scan3A_2, %scan3A_3 : i32
    %scan3A_5 = arith.constant 1 : i32
    scf.for %scan3A_48 = %scan3A_2 to %scan3A_4 step %scan3A_5  : i32 {
      %mul3A_49 = arith.constant 16 : i32
      %mul3A_50 = arith.muli %scan3A_48, %mul3A_49 : i32
      %swap3A = arith.index_cast %mul3A_50 : i32 to index
      %swap3A_51 = tpu.vector_load %arg12[%swap3A] {strides = array<i32>} : memref<41984xf32, #tpu.memory_space<vmem>>, vector<16xf32>,
      tpu.vector_store %arg12[%swap3A], %broadcast_in_dim3A_1 {strides = array<i32>} : memref<41984xf32, #tpu.memory_space<vmem>>, vector<16xf32>,
    }
    %scan3A_6 = arith.constant 2624 : i32
    %iota3A = tpu.iota {dimensions = array<i32: 0>} : vector<16xi32>
    %add3A_7 = arith.constant 0 : i32
    %add3A_8 = vector.broadcast %add3A_7 : i32 to vector<16xi32>
    %add3A_9 = arith.addi %iota3A, %add3A_8 : vector<16xi32>
    %iota3A_10 = tpu.iota {dimensions = array<i32: 0>} : vector<16xi32>
    %add3A_11 = arith.constant 16 : i32
    %add3A_12 = vector.broadcast %add3A_11 : i32 to vector<16xi32>
    %add3A_13 = arith.addi %iota3A_10, %add3A_12 : vector<16xi32>
    %iota3A_14 = tpu.iota {dimensions = array<i32: 0>} : vector<16xi32>
    %add3A_15 = arith.constant 32 : i32
    %add3A_16 = vector.broadcast %add3A_15 : i32 to vector<16xi32>
    %add3A_17 = arith.addi %iota3A_14, %add3A_16 : vector<16xi32>
    %iota3A_18 = tpu.iota {dimensions = array<i32: 0>} : vector<16xi32>
    %add3A_19 = arith.constant 48 : i32
    %add3A_20 = vector.broadcast %add3A_19 : i32 to vector<16xi32>
    %add3A_21 = arith.addi %iota3A_18, %add3A_20 : vector<16xi32>
    %iota3A_22 = tpu.iota {dimensions = array<i32: 0>} : vector<16xi32>
    %add3A_23 = arith.constant 64 : i32
    %add3A_24 = vector.broadcast %add3A_23 : i32 to vector<16xi32>
    %add3A_25 = arith.addi %iota3A_22, %add3A_24 : vector<16xi32>
    %iota3A_26 = tpu.iota {dimensions = array<i32: 0>} : vector<16xi32>
    %add3A_27 = arith.constant 80 : i32
    %add3A_28 = vector.broadcast %add3A_27 : i32 to vector<16xi32>
    %add3A_29 = arith.addi %iota3A_26, %add3A_28 : vector<16xi32>
    %iota3A_30 = tpu.iota {dimensions = array<i32: 0>} : vector<16xi32>
    %add3A_31 = arith.constant 96 : i32
    %add3A_32 = vector.broadcast %add3A_31 : i32 to vector<16xi32>
    %add3A_33 = arith.addi %iota3A_30, %add3A_32 : vector<16xi32>
    %iota3A_34 = tpu.iota {dimensions = array<i32: 0>} : vector<16xi32>
    %add3A_35 = arith.constant 112 : i32
    %add3A_36 = vector.broadcast %add3A_35 : i32 to vector<16xi32>
    %add3A_37 = arith.addi %iota3A_34, %add3A_36 : vector<16xi32>
    %scan3A_38 = arith.constant 0 : i32
    %scan3A_39 = arith.constant 0 : i32
    %scan3A_40 = arith.constant 135 : i32
    %scan3A_41 = arith.addi %scan3A_39, %scan3A_40 : i32
    %scan3A_42 = arith.constant 1 : i32
    scf.for %scan3A_48 = %scan3A_39 to %scan3A_41 step %scan3A_42  : i32 {
      %mul3A_49 = arith.constant 10816 : i32
      %mul3A_50 = arith.muli %add3A, %mul3A_49 : i32
      %mul3A_51 = arith.constant 80 : i32
      %mul3A_52 = arith.muli %scan3A_48, %mul3A_51 : i32
      %add3A_53 = arith.addi %mul3A_50, %mul3A_52 : i32
      "tpu.region"() ({
        %run_scoped3A = tpu.sem_alloc : memref<!tpu.dma_semaphore, #tpu.memory_space<semaphore_mem>>
        %dma_start3A_181 = tpu.memref_slice %arg3[%add3A_53] : memref<346112xi32, #tpu.memory_space<hbm>> -> memref<80xi32, #tpu.memory_space<hbm>>
        %dma_start3A_182 = tpu.memref_slice %arg3[%add3A_53] : memref<346112xi32, #tpu.memory_space<hbm>> -> memref<80xi32, #tpu.memory_space<hbm>>
        tpu.enqueue_dma source(%dma_start3A_182 : memref<80xi32, #tpu.memory_space<hbm>>) target(%arg6 : memref<80xi32, #tpu.memory_space<vmem>>) target_semaphore(%run_scoped3A : memref<!tpu.dma_semaphore, #tpu.memory_space<semaphore_mem>>)
        %dma_wait3A_183 = tpu.memref_slice %arg3[%add3A_53] : memref<346112xi32, #tpu.memory_space<hbm>> -> memref<80xi32, #tpu.memory_space<hbm>>
        %dma_wait3A_184 = tpu.memref_slice %arg3[%add3A_53] : memref<346112xi32, #tpu.memory_space<hbm>> -> memref<80xi32, #tpu.memory_space<hbm>>
        tpu.wait_dma2 semaphore(%run_scoped3A : memref<!tpu.dma_semaphore, #tpu.memory_space<semaphore_mem>>) src(%dma_wait3A_184 : memref<80xi32, #tpu.memory_space<hbm>>) dst(%arg6 : memref<80xi32, #tpu.memory_space<vmem>>)
        tpu.yield
      }) : () -> ()
      %get3A = arith.constant 0 : index
      %get3A_54 = tpu.vector_load %arg6[%get3A] {strides = array<i32>} : memref<80xi32, #tpu.memory_space<vmem>>, vector<16xi32>,
      %and3A = arith.constant 16383 : i32
      %and3A_55 = vector.broadcast %and3A : i32 to vector<16xi32>
      %and3A_56 = arith.andi %get3A_54, %and3A_55 : vector<16xi32>
      %swap3A = arith.constant 0 : index
      %swap3A_57 = tpu.vector_load %arg7[%swap3A] {strides = array<i32>} : memref<80xi32, #tpu.memory_space<vmem>>, vector<16xi32>,
      tpu.vector_store %arg7[%swap3A], %and3A_56 {strides = array<i32>} : memref<80xi32, #tpu.memory_space<vmem>>, vector<16xi32>,
      %shift_right_arithmetic3A = arith.constant 14 : i32
      %shift_right_arithmetic3A_58 = vector.broadcast %shift_right_arithmetic3A : i32 to vector<16xi32>
      %shift_right_arithmetic3A_59 = arith.shrsi %get3A_54, %shift_right_arithmetic3A_58 : vector<16xi32>
      %and3A_60 = arith.constant 63 : i32
      %and3A_61 = vector.broadcast %and3A_60 : i32 to vector<16xi32>
      %and3A_62 = arith.andi %shift_right_arithmetic3A_59, %and3A_61 : vector<16xi32>
      %swap3A_63 = arith.constant 0 : index
      %swap3A_64 = tpu.vector_load %arg8[%swap3A_63] {strides = array<i32>} : memref<80xi32, #tpu.memory_space<vmem>>, vector<16xi32>,
      tpu.vector_store %arg8[%swap3A_63], %and3A_62 {strides = array<i32>} : memref<80xi32, #tpu.memory_space<vmem>>, vector<16xi32>,
      %shift_right_arithmetic3A_65 = arith.constant 20 : i32
      %shift_right_arithmetic3A_66 = vector.broadcast %shift_right_arithmetic3A_65 : i32 to vector<16xi32>
      %shift_right_arithmetic3A_67 = arith.shrsi %get3A_54, %shift_right_arithmetic3A_66 : vector<16xi32>
      %and3A_68 = arith.constant 1023 : i32
      %and3A_69 = vector.broadcast %and3A_68 : i32 to vector<16xi32>
      %and3A_70 = arith.andi %shift_right_arithmetic3A_67, %and3A_69 : vector<16xi32>
      %swap3A_71 = arith.constant 0 : index
      %swap3A_72 = tpu.vector_load %arg9[%swap3A_71] {strides = array<i32>} : memref<80xi32, #tpu.memory_space<vmem>>, vector<16xi32>,
      tpu.vector_store %arg9[%swap3A_71], %and3A_70 {strides = array<i32>} : memref<80xi32, #tpu.memory_space<vmem>>, vector<16xi32>,
      %get3A_73 = arith.constant 16 : index
      %get3A_74 = tpu.vector_load %arg6[%get3A_73] {strides = array<i32>} : memref<80xi32, #tpu.memory_space<vmem>>, vector<16xi32>,
      %and3A_75 = arith.constant 16383 : i32
      %and3A_76 = vector.broadcast %and3A_75 : i32 to vector<16xi32>
      %and3A_77 = arith.andi %get3A_74, %and3A_76 : vector<16xi32>
      %swap3A_78 = arith.constant 16 : index
      %swap3A_79 = tpu.vector_load %arg7[%swap3A_78] {strides = array<i32>} : memref<80xi32, #tpu.memory_space<vmem>>, vector<16xi32>,
      tpu.vector_store %arg7[%swap3A_78], %and3A_77 {strides = array<i32>} : memref<80xi32, #tpu.memory_space<vmem>>, vector<16xi32>,
      %shift_right_arithmetic3A_80 = arith.constant 14 : i32
      %shift_right_arithmetic3A_81 = vector.broadcast %shift_right_arithmetic3A_80 : i32 to vector<16xi32>
      %shift_right_arithmetic3A_82 = arith.shrsi %get3A_74, %shift_right_arithmetic3A_81 : vector<16xi32>
      %and3A_83 = arith.constant 63 : i32
      %and3A_84 = vector.broadcast %and3A_83 : i32 to vector<16xi32>
      %and3A_85 = arith.andi %shift_right_arithmetic3A_82, %and3A_84 : vector<16xi32>
      %swap3A_86 = arith.constant 16 : index
      %swap3A_87 = tpu.vector_load %arg8[%swap3A_86] {strides = array<i32>} : memref<80xi32, #tpu.memory_space<vmem>>, vector<16xi32>,
      tpu.vector_store %arg8[%swap3A_86], %and3A_85 {strides = array<i32>} : memref<80xi32, #tpu.memory_space<vmem>>, vector<16xi32>,
      %shift_right_arithmetic3A_88 = arith.constant 20 : i32
      %shift_right_arithmetic3A_89 = vector.broadcast %shift_right_arithmetic3A_88 : i32 to vector<16xi32>
      %shift_right_arithmetic3A_90 = arith.shrsi %get3A_74, %shift_right_arithmetic3A_89 : vector<16xi32>
      %and3A_91 = arith.constant 1023 : i32
      %and3A_92 = vector.broadcast %and3A_91 : i32 to vector<16xi32>
      %and3A_93 = arith.andi %shift_right_arithmetic3A_90, %and3A_92 : vector<16xi32>
      %swap3A_94 = arith.constant 16 : index
      %swap3A_95 = tpu.vector_load %arg9[%swap3A_94] {strides = array<i32>} : memref<80xi32, #tpu.memory_space<vmem>>, vector<16xi32>,
      tpu.vector_store %arg9[%swap3A_94], %and3A_93 {strides = array<i32>} : memref<80xi32, #tpu.memory_space<vmem>>, vector<16xi32>,
      %get3A_96 = arith.constant 32 : index
      %get3A_97 = tpu.vector_load %arg6[%get3A_96] {strides = array<i32>} : memref<80xi32, #tpu.memory_space<vmem>>, vector<16xi32>,
      %and3A_98 = arith.constant 16383 : i32
      %and3A_99 = vector.broadcast %and3A_98 : i32 to vector<16xi32>
      %and3A_100 = arith.andi %get3A_97, %and3A_99 : vector<16xi32>
      %swap3A_101 = arith.constant 32 : index
      %swap3A_102 = tpu.vector_load %arg7[%swap3A_101] {strides = array<i32>} : memref<80xi32, #tpu.memory_space<vmem>>, vector<16xi32>,
      tpu.vector_store %arg7[%swap3A_101], %and3A_100 {strides = array<i32>} : memref<80xi32, #tpu.memory_space<vmem>>, vector<16xi32>,
      %shift_right_arithmetic3A_103 = arith.constant 14 : i32
      %shift_right_arithmetic3A_104 = vector.broadcast %shift_right_arithmetic3A_103 : i32 to vector<16xi32>
      %shift_right_arithmetic3A_105 = arith.shrsi %get3A_97, %shift_right_arithmetic3A_104 : vector<16xi32>
      %and3A_106 = arith.constant 63 : i32
      %and3A_107 = vector.broadcast %and3A_106 : i32 to vector<16xi32>
      %and3A_108 = arith.andi %shift_right_arithmetic3A_105, %and3A_107 : vector<16xi32>
      %swap3A_109 = arith.constant 32 : index
      %swap3A_110 = tpu.vector_load %arg8[%swap3A_109] {strides = array<i32>} : memref<80xi32, #tpu.memory_space<vmem>>, vector<16xi32>,
      tpu.vector_store %arg8[%swap3A_109], %and3A_108 {strides = array<i32>} : memref<80xi32, #tpu.memory_space<vmem>>, vector<16xi32>,
      %shift_right_arithmetic3A_111 = arith.constant 20 : i32
      %shift_right_arithmetic3A_112 = vector.broadcast %shift_right_arithmetic3A_111 : i32 to vector<16xi32>
      %shift_right_arithmetic3A_113 = arith.shrsi %get3A_97, %shift_right_arithmetic3A_112 : vector<16xi32>
      %and3A_114 = arith.constant 1023 : i32
      %and3A_115 = vector.broadcast %and3A_114 : i32 to vector<16xi32>
      %and3A_116 = arith.andi %shift_right_arithmetic3A_113, %and3A_115 : vector<16xi32>
      %swap3A_117 = arith.constant 32 : index
      %swap3A_118 = tpu.vector_load %arg9[%swap3A_117] {strides = array<i32>} : memref<80xi32, #tpu.memory_space<vmem>>, vector<16xi32>,
      tpu.vector_store %arg9[%swap3A_117], %and3A_116 {strides = array<i32>} : memref<80xi32, #tpu.memory_space<vmem>>, vector<16xi32>,
      %get3A_119 = arith.constant 48 : index
      %get3A_120 = tpu.vector_load %arg6[%get3A_119] {strides = array<i32>} : memref<80xi32, #tpu.memory_space<vmem>>, vector<16xi32>,
      %and3A_121 = arith.constant 16383 : i32
      %and3A_122 = vector.broadcast %and3A_121 : i32 to vector<16xi32>
      %and3A_123 = arith.andi %get3A_120, %and3A_122 : vector<16xi32>
      %swap3A_124 = arith.constant 48 : index
      %swap3A_125 = tpu.vector_load %arg7[%swap3A_124] {strides = array<i32>} : memref<80xi32, #tpu.memory_space<vmem>>, vector<16xi32>,
      tpu.vector_store %arg7[%swap3A_124], %and3A_123 {strides = array<i32>} : memref<80xi32, #tpu.memory_space<vmem>>, vector<16xi32>,
      %shift_right_arithmetic3A_126 = arith.constant 14 : i32
      %shift_right_arithmetic3A_127 = vector.broadcast %shift_right_arithmetic3A_126 : i32 to vector<16xi32>
      %shift_right_arithmetic3A_128 = arith.shrsi %get3A_120, %shift_right_arithmetic3A_127 : vector<16xi32>
      %and3A_129 = arith.constant 63 : i32
      %and3A_130 = vector.broadcast %and3A_129 : i32 to vector<16xi32>
      %and3A_131 = arith.andi %shift_right_arithmetic3A_128, %and3A_130 : vector<16xi32>
      %swap3A_132 = arith.constant 48 : index
      %swap3A_133 = tpu.vector_load %arg8[%swap3A_132] {strides = array<i32>} : memref<80xi32, #tpu.memory_space<vmem>>, vector<16xi32>,
      tpu.vector_store %arg8[%swap3A_132], %and3A_131 {strides = array<i32>} : memref<80xi32, #tpu.memory_space<vmem>>, vector<16xi32>,
      %shift_right_arithmetic3A_134 = arith.constant 20 : i32
      %shift_right_arithmetic3A_135 = vector.broadcast %shift_right_arithmetic3A_134 : i32 to vector<16xi32>
      %shift_right_arithmetic3A_136 = arith.shrsi %get3A_120, %shift_right_arithmetic3A_135 : vector<16xi32>
      %and3A_137 = arith.constant 1023 : i32
      %and3A_138 = vector.broadcast %and3A_137 : i32 to vector<16xi32>
      %and3A_139 = arith.andi %shift_right_arithmetic3A_136, %and3A_138 : vector<16xi32>
      %swap3A_140 = arith.constant 48 : index
      %swap3A_141 = tpu.vector_load %arg9[%swap3A_140] {strides = array<i32>} : memref<80xi32, #tpu.memory_space<vmem>>, vector<16xi32>,
      tpu.vector_store %arg9[%swap3A_140], %and3A_139 {strides = array<i32>} : memref<80xi32, #tpu.memory_space<vmem>>, vector<16xi32>,
      %get3A_142 = arith.constant 64 : index
      %get3A_143 = tpu.vector_load %arg6[%get3A_142] {strides = array<i32>} : memref<80xi32, #tpu.memory_space<vmem>>, vector<16xi32>,
      %and3A_144 = arith.constant 16383 : i32
      %and3A_145 = vector.broadcast %and3A_144 : i32 to vector<16xi32>
      %and3A_146 = arith.andi %get3A_143, %and3A_145 : vector<16xi32>
      %swap3A_147 = arith.constant 64 : index
      %swap3A_148 = tpu.vector_load %arg7[%swap3A_147] {strides = array<i32>} : memref<80xi32, #tpu.memory_space<vmem>>, vector<16xi32>,
      tpu.vector_store %arg7[%swap3A_147], %and3A_146 {strides = array<i32>} : memref<80xi32, #tpu.memory_space<vmem>>, vector<16xi32>,
      %shift_right_arithmetic3A_149 = arith.constant 14 : i32
      %shift_right_arithmetic3A_150 = vector.broadcast %shift_right_arithmetic3A_149 : i32 to vector<16xi32>
      %shift_right_arithmetic3A_151 = arith.shrsi %get3A_143, %shift_right_arithmetic3A_150 : vector<16xi32>
      %and3A_152 = arith.constant 63 : i32
      %and3A_153 = vector.broadcast %and3A_152 : i32 to vector<16xi32>
      %and3A_154 = arith.andi %shift_right_arithmetic3A_151, %and3A_153 : vector<16xi32>
      %swap3A_155 = arith.constant 64 : index
      %swap3A_156 = tpu.vector_load %arg8[%swap3A_155] {strides = array<i32>} : memref<80xi32, #tpu.memory_space<vmem>>, vector<16xi32>,
      tpu.vector_store %arg8[%swap3A_155], %and3A_154 {strides = array<i32>} : memref<80xi32, #tpu.memory_space<vmem>>, vector<16xi32>,
      %shift_right_arithmetic3A_157 = arith.constant 20 : i32
      %shift_right_arithmetic3A_158 = vector.broadcast %shift_right_arithmetic3A_157 : i32 to vector<16xi32>
      %shift_right_arithmetic3A_159 = arith.shrsi %get3A_143, %shift_right_arithmetic3A_158 : vector<16xi32>
      %and3A_160 = arith.constant 1023 : i32
      %and3A_161 = vector.broadcast %and3A_160 : i32 to vector<16xi32>
      %and3A_162 = arith.andi %shift_right_arithmetic3A_159, %and3A_161 : vector<16xi32>
      %swap3A_163 = arith.constant 64 : index
      %swap3A_164 = tpu.vector_load %arg9[%swap3A_163] {strides = array<i32>} : memref<80xi32, #tpu.memory_space<vmem>>, vector<16xi32>,
      tpu.vector_store %arg9[%swap3A_163], %and3A_162 {strides = array<i32>} : memref<80xi32, #tpu.memory_space<vmem>>, vector<16xi32>,
      %dma_start3A = arith.constant 0 : i32
      %dma_start3A_165 = arith.constant 0 : i32
      %dma_start3A_166 = tpu.memref_slice %arg2[%dma_start3A, %dma_start3A_165] : memref<10000x128xf32, #tpu.memory_space<hbm>> -> memref<10000x128xf32, #tpu.memory_space<hbm>>
      tpu.enqueue_indirect_dma source(%dma_start3A_166 : memref<10000x128xf32, #tpu.memory_space<hbm>>) target(%arg10 : memref<80x128xf32, #tpu.memory_space<vmem>>) offsets(%arg7 : memref<80xi32, #tpu.memory_space<vmem>>) semaphore(%arg13 : memref<!tpu.dma_semaphore, #tpu.memory_space<semaphore_mem>>)
      %dma_start3A_167 = arith.constant 0 : i32
      %dma_start3A_168 = arith.constant 0 : i32
      %dma_start3A_169 = tpu.memref_slice %arg4[%dma_start3A_167, %dma_start3A_168] : memref<60x128xf32, #tpu.memory_space<hbm>> -> memref<60x128xf32, #tpu.memory_space<hbm>>
      tpu.enqueue_indirect_dma source(%dma_start3A_169 : memref<60x128xf32, #tpu.memory_space<hbm>>) target(%arg11 : memref<80x128xf32, #tpu.memory_space<vmem>>) offsets(%arg8 : memref<80xi32, #tpu.memory_space<vmem>>) semaphore(%arg14 : memref<!tpu.dma_semaphore, #tpu.memory_space<semaphore_mem>>)
      %dma_wait3A = arith.constant 0 : i32
      %dma_wait3A_170 = arith.constant 0 : i32
      %dma_wait3A_171 = tpu.memref_slice %arg2[%dma_wait3A, %dma_wait3A_170] : memref<10000x128xf32, #tpu.memory_space<hbm>> -> memref<10000x128xf32, #tpu.memory_space<hbm>>
      tpu.wait_indirect_dma semaphore(%arg13 : memref<!tpu.dma_semaphore, #tpu.memory_space<semaphore_mem>>) src(%dma_wait3A_171 : memref<10000x128xf32, #tpu.memory_space<hbm>>) dst(%arg10 : memref<80x128xf32, #tpu.memory_space<vmem>>)
      %dma_wait3A_172 = arith.constant 0 : i32
      %dma_wait3A_173 = arith.constant 0 : i32
      %dma_wait3A_174 = tpu.memref_slice %arg4[%dma_wait3A_172, %dma_wait3A_173] : memref<60x128xf32, #tpu.memory_space<hbm>> -> memref<60x128xf32, #tpu.memory_space<hbm>>
      tpu.wait_indirect_dma semaphore(%arg14 : memref<!tpu.dma_semaphore, #tpu.memory_space<semaphore_mem>>) src(%dma_wait3A_174 : memref<60x128xf32, #tpu.memory_space<hbm>>) dst(%arg11 : memref<80x128xf32, #tpu.memory_space<vmem>>)
      %scan3A_175 = arith.constant 0 : i32
      %scan3A_176 = arith.constant 0 : i32
      %scan3A_177 = arith.constant 80 : i32
      %scan3A_178 = arith.addi %scan3A_176, %scan3A_177 : i32
      %scan3A_179 = arith.constant 1 : i32
      scf.for %scan3A_181 = %scan3A_176 to %scan3A_178 step %scan3A_179  : i32 {
        %broadcast_in_dim3A_182 = vector.broadcast %scan3A_181 : i32 to vector<16xi32>
        %gather3A = tpu.vector_load_idx %arg9[%broadcast_in_dim3A_182] : memref<80xi32, #tpu.memory_space<vmem>>[vector<16xi32>], vector<16xi32>,
        %shift_left3A = arith.constant 7 : i32
        %shift_left3A_183 = vector.broadcast %shift_left3A : i32 to vector<16xi32>
        %shift_left3A_184 = arith.shli %gather3A, %shift_left3A_183 : vector<16xi32>
        %get3A_185 = arith.index_cast %scan3A_181 : i32 to index
        %get3A_186 = arith.constant 0 : index
        %get3A_187 = tpu.vector_load %arg10[%get3A_185, %get3A_186] {strides = array<i32>} : memref<80x128xf32, #tpu.memory_space<vmem>>, vector<16xf32>,
        %get3A_188 = arith.index_cast %scan3A_181 : i32 to index
        %get3A_189 = arith.constant 0 : index
        %get3A_190 = tpu.vector_load %arg11[%get3A_188, %get3A_189] {strides = array<i32>} : memref<80x128xf32, #tpu.memory_space<vmem>>, vector<16xf32>,
        %add3A_191 = arith.addf %get3A_187, %get3A_190 : vector<16xf32>
        %max3A = arith.constant 0.000000e+00 : f32
        %max3A_192 = vector.broadcast %max3A : f32 to vector<16xf32>
        %max3A_193 = arith.maximumf %add3A_191, %max3A_192 : vector<16xf32>
        %add3A_194 = arith.addi %shift_left3A_184, %add3A_9 : vector<16xi32>
        tpu.vector_store_idx %arg12[%add3A_194], %max3A_193 {add = true} : memref<41984xf32, #tpu.memory_space<vmem>>[vector<16xi32>], vector<16xf32>,
        %get3A_195 = arith.index_cast %scan3A_181 : i32 to index
        %get3A_196 = arith.constant 16 : index
        %get3A_197 = tpu.vector_load %arg10[%get3A_195, %get3A_196] {strides = array<i32>} : memref<80x128xf32, #tpu.memory_space<vmem>>, vector<16xf32>,
        %get3A_198 = arith.index_cast %scan3A_181 : i32 to index
        %get3A_199 = arith.constant 16 : index
        %get3A_200 = tpu.vector_load %arg11[%get3A_198, %get3A_199] {strides = array<i32>} : memref<80x128xf32, #tpu.memory_space<vmem>>, vector<16xf32>,
        %add3A_201 = arith.addf %get3A_197, %get3A_200 : vector<16xf32>
        %max3A_202 = arith.constant 0.000000e+00 : f32
        %max3A_203 = vector.broadcast %max3A_202 : f32 to vector<16xf32>
        %max3A_204 = arith.maximumf %add3A_201, %max3A_203 : vector<16xf32>
        %add3A_205 = arith.addi %shift_left3A_184, %add3A_13 : vector<16xi32>
        tpu.vector_store_idx %arg12[%add3A_205], %max3A_204 {add = true} : memref<41984xf32, #tpu.memory_space<vmem>>[vector<16xi32>], vector<16xf32>,
        %get3A_206 = arith.index_cast %scan3A_181 : i32 to index
        %get3A_207 = arith.constant 32 : index
        %get3A_208 = tpu.vector_load %arg10[%get3A_206, %get3A_207] {strides = array<i32>} : memref<80x128xf32, #tpu.memory_space<vmem>>, vector<16xf32>,
        %get3A_209 = arith.index_cast %scan3A_181 : i32 to index
        %get3A_210 = arith.constant 32 : index
        %get3A_211 = tpu.vector_load %arg11[%get3A_209, %get3A_210] {strides = array<i32>} : memref<80x128xf32, #tpu.memory_space<vmem>>, vector<16xf32>,
        %add3A_212 = arith.addf %get3A_208, %get3A_211 : vector<16xf32>
        %max3A_213 = arith.constant 0.000000e+00 : f32
        %max3A_214 = vector.broadcast %max3A_213 : f32 to vector<16xf32>
        %max3A_215 = arith.maximumf %add3A_212, %max3A_214 : vector<16xf32>
        %add3A_216 = arith.addi %shift_left3A_184, %add3A_17 : vector<16xi32>
        tpu.vector_store_idx %arg12[%add3A_216], %max3A_215 {add = true} : memref<41984xf32, #tpu.memory_space<vmem>>[vector<16xi32>], vector<16xf32>,
        %get3A_217 = arith.index_cast %scan3A_181 : i32 to index
        %get3A_218 = arith.constant 48 : index
        %get3A_219 = tpu.vector_load %arg10[%get3A_217, %get3A_218] {strides = array<i32>} : memref<80x128xf32, #tpu.memory_space<vmem>>, vector<16xf32>,
        %get3A_220 = arith.index_cast %scan3A_181 : i32 to index
        %get3A_221 = arith.constant 48 : index
        %get3A_222 = tpu.vector_load %arg11[%get3A_220, %get3A_221] {strides = array<i32>} : memref<80x128xf32, #tpu.memory_space<vmem>>, vector<16xf32>,
        %add3A_223 = arith.addf %get3A_219, %get3A_222 : vector<16xf32>
        %max3A_224 = arith.constant 0.000000e+00 : f32
        %max3A_225 = vector.broadcast %max3A_224 : f32 to vector<16xf32>
        %max3A_226 = arith.maximumf %add3A_223, %max3A_225 : vector<16xf32>
        %add3A_227 = arith.addi %shift_left3A_184, %add3A_21 : vector<16xi32>
        tpu.vector_store_idx %arg12[%add3A_227], %max3A_226 {add = true} : memref<41984xf32, #tpu.memory_space<vmem>>[vector<16xi32>], vector<16xf32>,
        %get3A_228 = arith.index_cast %scan3A_181 : i32 to index
        %get3A_229 = arith.constant 64 : index
        %get3A_230 = tpu.vector_load %arg10[%get3A_228, %get3A_229] {strides = array<i32>} : memref<80x128xf32, #tpu.memory_space<vmem>>, vector<16xf32>,
        %get3A_231 = arith.index_cast %scan3A_181 : i32 to index
        %get3A_232 = arith.constant 64 : index
        %get3A_233 = tpu.vector_load %arg11[%get3A_231, %get3A_232] {strides = array<i32>} : memref<80x128xf32, #tpu.memory_space<vmem>>, vector<16xf32>,
        %add3A_234 = arith.addf %get3A_230, %get3A_233 : vector<16xf32>
        %max3A_235 = arith.constant 0.000000e+00 : f32
        %max3A_236 = vector.broadcast %max3A_235 : f32 to vector<16xf32>
        %max3A_237 = arith.maximumf %add3A_234, %max3A_236 : vector<16xf32>
        %add3A_238 = arith.addi %shift_left3A_184, %add3A_25 : vector<16xi32>
        tpu.vector_store_idx %arg12[%add3A_238], %max3A_237 {add = true} : memref<41984xf32, #tpu.memory_space<vmem>>[vector<16xi32>], vector<16xf32>,
        %get3A_239 = arith.index_cast %scan3A_181 : i32 to index
        %get3A_240 = arith.constant 80 : index
        %get3A_241 = tpu.vector_load %arg10[%get3A_239, %get3A_240] {strides = array<i32>} : memref<80x128xf32, #tpu.memory_space<vmem>>, vector<16xf32>,
        %get3A_242 = arith.index_cast %scan3A_181 : i32 to index
        %get3A_243 = arith.constant 80 : index
        %get3A_244 = tpu.vector_load %arg11[%get3A_242, %get3A_243] {strides = array<i32>} : memref<80x128xf32, #tpu.memory_space<vmem>>, vector<16xf32>,
        %add3A_245 = arith.addf %get3A_241, %get3A_244 : vector<16xf32>
        %max3A_246 = arith.constant 0.000000e+00 : f32
        %max3A_247 = vector.broadcast %max3A_246 : f32 to vector<16xf32>
        %max3A_248 = arith.maximumf %add3A_245, %max3A_247 : vector<16xf32>
        %add3A_249 = arith.addi %shift_left3A_184, %add3A_29 : vector<16xi32>
        tpu.vector_store_idx %arg12[%add3A_249], %max3A_248 {add = true} : memref<41984xf32, #tpu.memory_space<vmem>>[vector<16xi32>], vector<16xf32>,
        %get3A_250 = arith.index_cast %scan3A_181 : i32 to index
        %get3A_251 = arith.constant 96 : index
        %get3A_252 = tpu.vector_load %arg10[%get3A_250, %get3A_251] {strides = array<i32>} : memref<80x128xf32, #tpu.memory_space<vmem>>, vector<16xf32>,
        %get3A_253 = arith.index_cast %scan3A_181 : i32 to index
        %get3A_254 = arith.constant 96 : index
        %get3A_255 = tpu.vector_load %arg11[%get3A_253, %get3A_254] {strides = array<i32>} : memref<80x128xf32, #tpu.memory_space<vmem>>, vector<16xf32>,
        %add3A_256 = arith.addf %get3A_252, %get3A_255 : vector<16xf32>
        %max3A_257 = arith.constant 0.000000e+00 : f32
        %max3A_258 = vector.broadcast %max3A_257 : f32 to vector<16xf32>
        %max3A_259 = arith.maximumf %add3A_256, %max3A_258 : vector<16xf32>
        %add3A_260 = arith.addi %shift_left3A_184, %add3A_33 : vector<16xi32>
        tpu.vector_store_idx %arg12[%add3A_260], %max3A_259 {add = true} : memref<41984xf32, #tpu.memory_space<vmem>>[vector<16xi32>], vector<16xf32>,
        %get3A_261 = arith.index_cast %scan3A_181 : i32 to index
        %get3A_262 = arith.constant 112 : index
        %get3A_263 = tpu.vector_load %arg10[%get3A_261, %get3A_262] {strides = array<i32>} : memref<80x128xf32, #tpu.memory_space<vmem>>, vector<16xf32>,
        %get3A_264 = arith.index_cast %scan3A_181 : i32 to index
        %get3A_265 = arith.constant 112 : index
        %get3A_266 = tpu.vector_load %arg11[%get3A_264, %get3A_265] {strides = array<i32>} : memref<80x128xf32, #tpu.memory_space<vmem>>, vector<16xf32>,
        %add3A_267 = arith.addf %get3A_263, %get3A_266 : vector<16xf32>
        %max3A_268 = arith.constant 0.000000e+00 : f32
        %max3A_269 = vector.broadcast %max3A_268 : f32 to vector<16xf32>
        %max3A_270 = arith.maximumf %add3A_267, %max3A_269 : vector<16xf32>
        %add3A_271 = arith.addi %shift_left3A_184, %add3A_37 : vector<16xi32>
        tpu.vector_store_idx %arg12[%add3A_271], %max3A_270 {add = true} : memref<41984xf32, #tpu.memory_space<vmem>>[vector<16xi32>], vector<16xf32>,
      }
      %scan3A_180 = arith.constant 80 : i32
    }
    %scan3A_43 = arith.constant 135 : i32
    %mul3A_44 = arith.constant 320 : i32
    %mul3A_45 = arith.muli %add3A, %mul3A_44 : i32
    %mul3A_46 = arith.constant 128 : i32
    %mul3A_47 = arith.muli %mul3A_45, %mul3A_46 : i32
    "tpu.region"() ({
      %run_scoped3A = tpu.sem_alloc : memref<!tpu.dma_semaphore, #tpu.memory_space<semaphore_mem>>
      %dma_start3A = arith.constant 0 : i32
      %dma_start3A_48 = tpu.memref_slice %arg12[%dma_start3A] : memref<41984xf32, #tpu.memory_space<vmem>> -> memref<40960xf32, #tpu.memory_space<vmem>>
      %dma_start3A_49 = tpu.memref_slice %arg5[%mul3A_47] : memref<1310720xf32, #tpu.memory_space<hbm>> -> memref<40960xf32, #tpu.memory_space<hbm>>
      %dma_start3A_50 = tpu.memref_slice %arg5[%mul3A_47] : memref<1310720xf32, #tpu.memory_space<hbm>> -> memref<40960xf32, #tpu.memory_space<hbm>>
      %dma_start3A_51 = arith.constant 0 : i32
      %dma_start3A_52 = tpu.memref_slice %arg12[%dma_start3A_51] : memref<41984xf32, #tpu.memory_space<vmem>> -> memref<40960xf32, #tpu.memory_space<vmem>>
      tpu.enqueue_dma source(%dma_start3A_52 : memref<40960xf32, #tpu.memory_space<vmem>>) target(%dma_start3A_50 : memref<40960xf32, #tpu.memory_space<hbm>>) target_semaphore(%run_scoped3A : memref<!tpu.dma_semaphore, #tpu.memory_space<semaphore_mem>>)
      %dma_wait3A = arith.constant 0 : i32
      %dma_wait3A_53 = tpu.memref_slice %arg12[%dma_wait3A] : memref<41984xf32, #tpu.memory_space<vmem>> -> memref<40960xf32, #tpu.memory_space<vmem>>
      %dma_wait3A_54 = tpu.memref_slice %arg5[%mul3A_47] : memref<1310720xf32, #tpu.memory_space<hbm>> -> memref<40960xf32, #tpu.memory_space<hbm>>
      %dma_wait3A_55 = tpu.memref_slice %arg5[%mul3A_47] : memref<1310720xf32, #tpu.memory_space<hbm>> -> memref<40960xf32, #tpu.memory_space<hbm>>
      %dma_wait3A_56 = arith.constant 0 : i32
      %dma_wait3A_57 = tpu.memref_slice %arg12[%dma_wait3A_56] : memref<41984xf32, #tpu.memory_space<vmem>> -> memref<40960xf32, #tpu.memory_space<vmem>>
      tpu.wait_dma2 semaphore(%run_scoped3A : memref<!tpu.dma_semaphore, #tpu.memory_space<semaphore_mem>>) src(%dma_wait3A_57 : memref<40960xf32, #tpu.memory_space<vmem>>) dst(%dma_wait3A_55 : memref<40960xf32, #tpu.memory_space<hbm>>)
      tpu.yield
    }) : () -> ()
    return
  }
}

#map = affine_map<(d0, d1) -> (0, 0)>
#map1 = affine_map<(d0, d1) -> (0)>
module attributes {stable_mosaic.version = 14 : i64} {
  func.func @run(%arg0: i32, %arg1: i32, %arg2: memref<10000x128xf32, #tpu.memory_space<hbm>>, %arg3: memref<346112xi32, #tpu.memory_space<hbm>>, %arg4: memref<60x128xf32, #tpu.memory_space<hbm>>, %arg5: memref<1310720xf32, #tpu.memory_space<hbm>>, %arg6: memref<80xi32, #tpu.memory_space<vmem>>, %arg7: memref<80xi32, #tpu.memory_space<vmem>>, %arg8: memref<80xi32, #tpu.memory_space<vmem>>, %arg9: memref<80xi32, #tpu.memory_space<vmem>>, %arg10: memref<80x128xf32, #tpu.memory_space<vmem>>, %arg11: memref<80x128xf32, #tpu.memory_space<vmem>>, %arg12: memref<41984xf32, #tpu.memory_space<vmem>>, %arg13: memref<!tpu.dma_semaphore, #tpu.memory_space<semaphore_mem>>, %arg14: memref<!tpu.dma_semaphore, #tpu.memory_space<semaphore_mem>>) attributes {dimension_semantics = [#tpu.dimension_semantics<core_parallel>, #tpu.dimension_semantics<subcore_parallel>], iteration_bounds = array<i64: 2, 16>, scalar_prefetch = 0 : i64, scratch_operands = 9 : i64, tpu.core_type = #tpu.core_type<sc_vector_subcore>, window_params = [{transform_indices = #map}, {transform_indices = #map1}, {transform_indices = #map}, {transform_indices = #map1}]} {
    %mul3A = arith.constant 2 : i32
    %mul3A_0 = arith.muli %arg1, %mul3A : i32
    %add3A = arith.addi %mul3A_0, %arg0 : i32
    %broadcast_in_dim3A = arith.constant 0.000000e+00 : f32
    %broadcast_in_dim3A_1 = vector.broadcast %broadcast_in_dim3A : f32 to vector<16xf32>
    %scan3A = arith.constant 0 : i32
    %scan3A_2 = arith.constant 0 : i32
    %scan3A_3 = arith.constant 2624 : i32
    %scan3A_4 = arith.addi %scan3A_2, %scan3A_3 : i32
    %scan3A_5 = arith.constant 1 : i32
    scf.for %scan3A_48 = %scan3A_2 to %scan3A_4 step %scan3A_5  : i32 {
      %mul3A_49 = arith.constant 16 : i32
      %mul3A_50 = arith.muli %scan3A_48, %mul3A_49 : i32
      %swap3A = arith.index_cast %mul3A_50 : i32 to index
      %swap3A_51 = tpu.vector_load %arg12[%swap3A] {strides = array<i32>} : memref<41984xf32, #tpu.memory_space<vmem>>, vector<16xf32>,
      tpu.vector_store %arg12[%swap3A], %broadcast_in_dim3A_1 {strides = array<i32>} : memref<41984xf32, #tpu.memory_space<vmem>>, vector<16xf32>,
    }
    %scan3A_6 = arith.constant 2624 : i32
    %iota3A = tpu.iota {dimensions = array<i32: 0>} : vector<16xi32>
    %add3A_7 = arith.constant 0 : i32
    %add3A_8 = vector.broadcast %add3A_7 : i32 to vector<16xi32>
    %add3A_9 = arith.addi %iota3A, %add3A_8 : vector<16xi32>
    %iota3A_10 = tpu.iota {dimensions = array<i32: 0>} : vector<16xi32>
    %add3A_11 = arith.constant 16 : i32
    %add3A_12 = vector.broadcast %add3A_11 : i32 to vector<16xi32>
    %add3A_13 = arith.addi %iota3A_10, %add3A_12 : vector<16xi32>
    %iota3A_14 = tpu.iota {dimensions = array<i32: 0>} : vector<16xi32>
    %add3A_15 = arith.constant 32 : i32
    %add3A_16 = vector.broadcast %add3A_15 : i32 to vector<16xi32>
    %add3A_17 = arith.addi %iota3A_14, %add3A_16 : vector<16xi32>
    %iota3A_18 = tpu.iota {dimensions = array<i32: 0>} : vector<16xi32>
    %add3A_19 = arith.constant 48 : i32
    %add3A_20 = vector.broadcast %add3A_19 : i32 to vector<16xi32>
    %add3A_21 = arith.addi %iota3A_18, %add3A_20 : vector<16xi32>
    %iota3A_22 = tpu.iota {dimensions = array<i32: 0>} : vector<16xi32>
    %add3A_23 = arith.constant 64 : i32
    %add3A_24 = vector.broadcast %add3A_23 : i32 to vector<16xi32>
    %add3A_25 = arith.addi %iota3A_22, %add3A_24 : vector<16xi32>
    %iota3A_26 = tpu.iota {dimensions = array<i32: 0>} : vector<16xi32>
    %add3A_27 = arith.constant 80 : i32
    %add3A_28 = vector.broadcast %add3A_27 : i32 to vector<16xi32>
    %add3A_29 = arith.addi %iota3A_26, %add3A_28 : vector<16xi32>
    %iota3A_30 = tpu.iota {dimensions = array<i32: 0>} : vector<16xi32>
    %add3A_31 = arith.constant 96 : i32
    %add3A_32 = vector.broadcast %add3A_31 : i32 to vector<16xi32>
    %add3A_33 = arith.addi %iota3A_30, %add3A_32 : vector<16xi32>
    %iota3A_34 = tpu.iota {dimensions = array<i32: 0>} : vector<16xi32>
    %add3A_35 = arith.constant 112 : i32
    %add3A_36 = vector.broadcast %add3A_35 : i32 to vector<16xi32>
    %add3A_37 = arith.addi %iota3A_34, %add3A_36 : vector<16xi32>
    %scan3A_38 = arith.constant 0 : i32
    %scan3A_39 = arith.constant 0 : i32
    %scan3A_40 = arith.constant 135 : i32
    %scan3A_41 = arith.addi %scan3A_39, %scan3A_40 : i32
    %scan3A_42 = arith.constant 1 : i32
    scf.for %scan3A_48 = %scan3A_39 to %scan3A_41 step %scan3A_42  : i32 {
      %mul3A_49 = arith.constant 10816 : i32
      %mul3A_50 = arith.muli %add3A, %mul3A_49 : i32
      %mul3A_51 = arith.constant 80 : i32
      %mul3A_52 = arith.muli %scan3A_48, %mul3A_51 : i32
      %add3A_53 = arith.addi %mul3A_50, %mul3A_52 : i32
      "tpu.region"() ({
        %run_scoped3A = tpu.sem_alloc : memref<!tpu.dma_semaphore, #tpu.memory_space<semaphore_mem>>
        %dma_start3A_181 = tpu.memref_slice %arg3[%add3A_53] : memref<346112xi32, #tpu.memory_space<hbm>> -> memref<80xi32, #tpu.memory_space<hbm>>
        %dma_start3A_182 = tpu.memref_slice %arg3[%add3A_53] : memref<346112xi32, #tpu.memory_space<hbm>> -> memref<80xi32, #tpu.memory_space<hbm>>
        tpu.enqueue_dma source(%dma_start3A_182 : memref<80xi32, #tpu.memory_space<hbm>>) target(%arg6 : memref<80xi32, #tpu.memory_space<vmem>>) target_semaphore(%run_scoped3A : memref<!tpu.dma_semaphore, #tpu.memory_space<semaphore_mem>>)
        %dma_wait3A_183 = tpu.memref_slice %arg3[%add3A_53] : memref<346112xi32, #tpu.memory_space<hbm>> -> memref<80xi32, #tpu.memory_space<hbm>>
        %dma_wait3A_184 = tpu.memref_slice %arg3[%add3A_53] : memref<346112xi32, #tpu.memory_space<hbm>> -> memref<80xi32, #tpu.memory_space<hbm>>
        tpu.wait_dma2 semaphore(%run_scoped3A : memref<!tpu.dma_semaphore, #tpu.memory_space<semaphore_mem>>) src(%dma_wait3A_184 : memref<80xi32, #tpu.memory_space<hbm>>) dst(%arg6 : memref<80xi32, #tpu.memory_space<vmem>>)
        tpu.yield
      }) : () -> ()
      %get3A = arith.constant 0 : index
      %get3A_54 = tpu.vector_load %arg6[%get3A] {strides = array<i32>} : memref<80xi32, #tpu.memory_space<vmem>>, vector<16xi32>,
      %and3A = arith.constant 16383 : i32
      %and3A_55 = vector.broadcast %and3A : i32 to vector<16xi32>
      %and3A_56 = arith.andi %get3A_54, %and3A_55 : vector<16xi32>
      %swap3A = arith.constant 0 : index
      %swap3A_57 = tpu.vector_load %arg7[%swap3A] {strides = array<i32>} : memref<80xi32, #tpu.memory_space<vmem>>, vector<16xi32>,
      tpu.vector_store %arg7[%swap3A], %and3A_56 {strides = array<i32>} : memref<80xi32, #tpu.memory_space<vmem>>, vector<16xi32>,
      %shift_right_arithmetic3A = arith.constant 14 : i32
      %shift_right_arithmetic3A_58 = vector.broadcast %shift_right_arithmetic3A : i32 to vector<16xi32>
      %shift_right_arithmetic3A_59 = arith.shrsi %get3A_54, %shift_right_arithmetic3A_58 : vector<16xi32>
      %and3A_60 = arith.constant 63 : i32
      %and3A_61 = vector.broadcast %and3A_60 : i32 to vector<16xi32>
      %and3A_62 = arith.andi %shift_right_arithmetic3A_59, %and3A_61 : vector<16xi32>
      %swap3A_63 = arith.constant 0 : index
      %swap3A_64 = tpu.vector_load %arg8[%swap3A_63] {strides = array<i32>} : memref<80xi32, #tpu.memory_space<vmem>>, vector<16xi32>,
      tpu.vector_store %arg8[%swap3A_63], %and3A_62 {strides = array<i32>} : memref<80xi32, #tpu.memory_space<vmem>>, vector<16xi32>,
      %shift_right_arithmetic3A_65 = arith.constant 20 : i32
      %shift_right_arithmetic3A_66 = vector.broadcast %shift_right_arithmetic3A_65 : i32 to vector<16xi32>
      %shift_right_arithmetic3A_67 = arith.shrsi %get3A_54, %shift_right_arithmetic3A_66 : vector<16xi32>
      %and3A_68 = arith.constant 1023 : i32
      %and3A_69 = vector.broadcast %and3A_68 : i32 to vector<16xi32>
      %and3A_70 = arith.andi %shift_right_arithmetic3A_67, %and3A_69 : vector<16xi32>
      %swap3A_71 = arith.constant 0 : index
      %swap3A_72 = tpu.vector_load %arg9[%swap3A_71] {strides = array<i32>} : memref<80xi32, #tpu.memory_space<vmem>>, vector<16xi32>,
      tpu.vector_store %arg9[%swap3A_71], %and3A_70 {strides = array<i32>} : memref<80xi32, #tpu.memory_space<vmem>>, vector<16xi32>,
      %get3A_73 = arith.constant 16 : index
      %get3A_74 = tpu.vector_load %arg6[%get3A_73] {strides = array<i32>} : memref<80xi32, #tpu.memory_space<vmem>>, vector<16xi32>,
      %and3A_75 = arith.constant 16383 : i32
      %and3A_76 = vector.broadcast %and3A_75 : i32 to vector<16xi32>
      %and3A_77 = arith.andi %get3A_74, %and3A_76 : vector<16xi32>
      %swap3A_78 = arith.constant 16 : index
      %swap3A_79 = tpu.vector_load %arg7[%swap3A_78] {strides = array<i32>} : memref<80xi32, #tpu.memory_space<vmem>>, vector<16xi32>,
      tpu.vector_store %arg7[%swap3A_78], %and3A_77 {strides = array<i32>} : memref<80xi32, #tpu.memory_space<vmem>>, vector<16xi32>,
      %shift_right_arithmetic3A_80 = arith.constant 14 : i32
      %shift_right_arithmetic3A_81 = vector.broadcast %shift_right_arithmetic3A_80 : i32 to vector<16xi32>
      %shift_right_arithmetic3A_82 = arith.shrsi %get3A_74, %shift_right_arithmetic3A_81 : vector<16xi32>
      %and3A_83 = arith.constant 63 : i32
      %and3A_84 = vector.broadcast %and3A_83 : i32 to vector<16xi32>
      %and3A_85 = arith.andi %shift_right_arithmetic3A_82, %and3A_84 : vector<16xi32>
      %swap3A_86 = arith.constant 16 : index
      %swap3A_87 = tpu.vector_load %arg8[%swap3A_86] {strides = array<i32>} : memref<80xi32, #tpu.memory_space<vmem>>, vector<16xi32>,
      tpu.vector_store %arg8[%swap3A_86], %and3A_85 {strides = array<i32>} : memref<80xi32, #tpu.memory_space<vmem>>, vector<16xi32>,
      %shift_right_arithmetic3A_88 = arith.constant 20 : i32
      %shift_right_arithmetic3A_89 = vector.broadcast %shift_right_arithmetic3A_88 : i32 to vector<16xi32>
      %shift_right_arithmetic3A_90 = arith.shrsi %get3A_74, %shift_right_arithmetic3A_89 : vector<16xi32>
      %and3A_91 = arith.constant 1023 : i32
      %and3A_92 = vector.broadcast %and3A_91 : i32 to vector<16xi32>
      %and3A_93 = arith.andi %shift_right_arithmetic3A_90, %and3A_92 : vector<16xi32>
      %swap3A_94 = arith.constant 16 : index
      %swap3A_95 = tpu.vector_load %arg9[%swap3A_94] {strides = array<i32>} : memref<80xi32, #tpu.memory_space<vmem>>, vector<16xi32>,
      tpu.vector_store %arg9[%swap3A_94], %and3A_93 {strides = array<i32>} : memref<80xi32, #tpu.memory_space<vmem>>, vector<16xi32>,
      %get3A_96 = arith.constant 32 : index
      %get3A_97 = tpu.vector_load %arg6[%get3A_96] {strides = array<i32>} : memref<80xi32, #tpu.memory_space<vmem>>, vector<16xi32>,
      %and3A_98 = arith.constant 16383 : i32
      %and3A_99 = vector.broadcast %and3A_98 : i32 to vector<16xi32>
      %and3A_100 = arith.andi %get3A_97, %and3A_99 : vector<16xi32>
      %swap3A_101 = arith.constant 32 : index
      %swap3A_102 = tpu.vector_load %arg7[%swap3A_101] {strides = array<i32>} : memref<80xi32, #tpu.memory_space<vmem>>, vector<16xi32>,
      tpu.vector_store %arg7[%swap3A_101], %and3A_100 {strides = array<i32>} : memref<80xi32, #tpu.memory_space<vmem>>, vector<16xi32>,
      %shift_right_arithmetic3A_103 = arith.constant 14 : i32
      %shift_right_arithmetic3A_104 = vector.broadcast %shift_right_arithmetic3A_103 : i32 to vector<16xi32>
      %shift_right_arithmetic3A_105 = arith.shrsi %get3A_97, %shift_right_arithmetic3A_104 : vector<16xi32>
      %and3A_106 = arith.constant 63 : i32
      %and3A_107 = vector.broadcast %and3A_106 : i32 to vector<16xi32>
      %and3A_108 = arith.andi %shift_right_arithmetic3A_105, %and3A_107 : vector<16xi32>
      %swap3A_109 = arith.constant 32 : index
      %swap3A_110 = tpu.vector_load %arg8[%swap3A_109] {strides = array<i32>} : memref<80xi32, #tpu.memory_space<vmem>>, vector<16xi32>,
      tpu.vector_store %arg8[%swap3A_109], %and3A_108 {strides = array<i32>} : memref<80xi32, #tpu.memory_space<vmem>>, vector<16xi32>,
      %shift_right_arithmetic3A_111 = arith.constant 20 : i32
      %shift_right_arithmetic3A_112 = vector.broadcast %shift_right_arithmetic3A_111 : i32 to vector<16xi32>
      %shift_right_arithmetic3A_113 = arith.shrsi %get3A_97, %shift_right_arithmetic3A_112 : vector<16xi32>
      %and3A_114 = arith.constant 1023 : i32
      %and3A_115 = vector.broadcast %and3A_114 : i32 to vector<16xi32>
      %and3A_116 = arith.andi %shift_right_arithmetic3A_113, %and3A_115 : vector<16xi32>
      %swap3A_117 = arith.constant 32 : index
      %swap3A_118 = tpu.vector_load %arg9[%swap3A_117] {strides = array<i32>} : memref<80xi32, #tpu.memory_space<vmem>>, vector<16xi32>,
      tpu.vector_store %arg9[%swap3A_117], %and3A_116 {strides = array<i32>} : memref<80xi32, #tpu.memory_space<vmem>>, vector<16xi32>,
      %get3A_119 = arith.constant 48 : index
      %get3A_120 = tpu.vector_load %arg6[%get3A_119] {strides = array<i32>} : memref<80xi32, #tpu.memory_space<vmem>>, vector<16xi32>,
      %and3A_121 = arith.constant 16383 : i32
      %and3A_122 = vector.broadcast %and3A_121 : i32 to vector<16xi32>
      %and3A_123 = arith.andi %get3A_120, %and3A_122 : vector<16xi32>
      %swap3A_124 = arith.constant 48 : index
      %swap3A_125 = tpu.vector_load %arg7[%swap3A_124] {strides = array<i32>} : memref<80xi32, #tpu.memory_space<vmem>>, vector<16xi32>,
      tpu.vector_store %arg7[%swap3A_124], %and3A_123 {strides = array<i32>} : memref<80xi32, #tpu.memory_space<vmem>>, vector<16xi32>,
      %shift_right_arithmetic3A_126 = arith.constant 14 : i32
      %shift_right_arithmetic3A_127 = vector.broadcast %shift_right_arithmetic3A_126 : i32 to vector<16xi32>
      %shift_right_arithmetic3A_128 = arith.shrsi %get3A_120, %shift_right_arithmetic3A_127 : vector<16xi32>
      %and3A_129 = arith.constant 63 : i32
      %and3A_130 = vector.broadcast %and3A_129 : i32 to vector<16xi32>
      %and3A_131 = arith.andi %shift_right_arithmetic3A_128, %and3A_130 : vector<16xi32>
      %swap3A_132 = arith.constant 48 : index
      %swap3A_133 = tpu.vector_load %arg8[%swap3A_132] {strides = array<i32>} : memref<80xi32, #tpu.memory_space<vmem>>, vector<16xi32>,
      tpu.vector_store %arg8[%swap3A_132], %and3A_131 {strides = array<i32>} : memref<80xi32, #tpu.memory_space<vmem>>, vector<16xi32>,
      %shift_right_arithmetic3A_134 = arith.constant 20 : i32
      %shift_right_arithmetic3A_135 = vector.broadcast %shift_right_arithmetic3A_134 : i32 to vector<16xi32>
      %shift_right_arithmetic3A_136 = arith.shrsi %get3A_120, %shift_right_arithmetic3A_135 : vector<16xi32>
      %and3A_137 = arith.constant 1023 : i32
      %and3A_138 = vector.broadcast %and3A_137 : i32 to vector<16xi32>
      %and3A_139 = arith.andi %shift_right_arithmetic3A_136, %and3A_138 : vector<16xi32>
      %swap3A_140 = arith.constant 48 : index
      %swap3A_141 = tpu.vector_load %arg9[%swap3A_140] {strides = array<i32>} : memref<80xi32, #tpu.memory_space<vmem>>, vector<16xi32>,
      tpu.vector_store %arg9[%swap3A_140], %and3A_139 {strides = array<i32>} : memref<80xi32, #tpu.memory_space<vmem>>, vector<16xi32>,
      %get3A_142 = arith.constant 64 : index
      %get3A_143 = tpu.vector_load %arg6[%get3A_142] {strides = array<i32>} : memref<80xi32, #tpu.memory_space<vmem>>, vector<16xi32>,
      %and3A_144 = arith.constant 16383 : i32
      %and3A_145 = vector.broadcast %and3A_144 : i32 to vector<16xi32>
      %and3A_146 = arith.andi %get3A_143, %and3A_145 : vector<16xi32>
      %swap3A_147 = arith.constant 64 : index
      %swap3A_148 = tpu.vector_load %arg7[%swap3A_147] {strides = array<i32>} : memref<80xi32, #tpu.memory_space<vmem>>, vector<16xi32>,
      tpu.vector_store %arg7[%swap3A_147], %and3A_146 {strides = array<i32>} : memref<80xi32, #tpu.memory_space<vmem>>, vector<16xi32>,
      %shift_right_arithmetic3A_149 = arith.constant 14 : i32
      %shift_right_arithmetic3A_150 = vector.broadcast %shift_right_arithmetic3A_149 : i32 to vector<16xi32>
      %shift_right_arithmetic3A_151 = arith.shrsi %get3A_143, %shift_right_arithmetic3A_150 : vector<16xi32>
      %and3A_152 = arith.constant 63 : i32
      %and3A_153 = vector.broadcast %and3A_152 : i32 to vector<16xi32>
      %and3A_154 = arith.andi %shift_right_arithmetic3A_151, %and3A_153 : vector<16xi32>
      %swap3A_155 = arith.constant 64 : index
      %swap3A_156 = tpu.vector_load %arg8[%swap3A_155] {strides = array<i32>} : memref<80xi32, #tpu.memory_space<vmem>>, vector<16xi32>,
      tpu.vector_store %arg8[%swap3A_155], %and3A_154 {strides = array<i32>} : memref<80xi32, #tpu.memory_space<vmem>>, vector<16xi32>,
      %shift_right_arithmetic3A_157 = arith.constant 20 : i32
      %shift_right_arithmetic3A_158 = vector.broadcast %shift_right_arithmetic3A_157 : i32 to vector<16xi32>
      %shift_right_arithmetic3A_159 = arith.shrsi %get3A_143, %shift_right_arithmetic3A_158 : vector<16xi32>
      %and3A_160 = arith.constant 1023 : i32
      %and3A_161 = vector.broadcast %and3A_160 : i32 to vector<16xi32>
      %and3A_162 = arith.andi %shift_right_arithmetic3A_159, %and3A_161 : vector<16xi32>
      %swap3A_163 = arith.constant 64 : index
      %swap3A_164 = tpu.vector_load %arg9[%swap3A_163] {strides = array<i32>} : memref<80xi32, #tpu.memory_space<vmem>>, vector<16xi32>,
      tpu.vector_store %arg9[%swap3A_163], %and3A_162 {strides = array<i32>} : memref<80xi32, #tpu.memory_space<vmem>>, vector<16xi32>,
      %dma_start3A = arith.constant 0 : i32
      %dma_start3A_165 = arith.constant 0 : i32
      %dma_start3A_166 = tpu.memref_slice %arg2[%dma_start3A, %dma_start3A_165] : memref<10000x128xf32, #tpu.memory_space<hbm>> -> memref<10000x128xf32, #tpu.memory_space<hbm>>
      tpu.enqueue_indirect_dma source(%dma_start3A_166 : memref<10000x128xf32, #tpu.memory_space<hbm>>) target(%arg10 : memref<80x128xf32, #tpu.memory_space<vmem>>) offsets(%arg7 : memref<80xi32, #tpu.memory_space<vmem>>) semaphore(%arg13 : memref<!tpu.dma_semaphore, #tpu.memory_space<semaphore_mem>>)
      %dma_start3A_167 = arith.constant 0 : i32
      %dma_start3A_168 = arith.constant 0 : i32
      %dma_start3A_169 = tpu.memref_slice %arg4[%dma_start3A_167, %dma_start3A_168] : memref<60x128xf32, #tpu.memory_space<hbm>> -> memref<60x128xf32, #tpu.memory_space<hbm>>
      tpu.enqueue_indirect_dma source(%dma_start3A_169 : memref<60x128xf32, #tpu.memory_space<hbm>>) target(%arg11 : memref<80x128xf32, #tpu.memory_space<vmem>>) offsets(%arg8 : memref<80xi32, #tpu.memory_space<vmem>>) semaphore(%arg14 : memref<!tpu.dma_semaphore, #tpu.memory_space<semaphore_mem>>)
      %dma_wait3A = arith.constant 0 : i32
      %dma_wait3A_170 = arith.constant 0 : i32
      %dma_wait3A_171 = tpu.memref_slice %arg2[%dma_wait3A, %dma_wait3A_170] : memref<10000x128xf32, #tpu.memory_space<hbm>> -> memref<10000x128xf32, #tpu.memory_space<hbm>>
      tpu.wait_indirect_dma semaphore(%arg13 : memref<!tpu.dma_semaphore, #tpu.memory_space<semaphore_mem>>) src(%dma_wait3A_171 : memref<10000x128xf32, #tpu.memory_space<hbm>>) dst(%arg10 : memref<80x128xf32, #tpu.memory_space<vmem>>)
      %dma_wait3A_172 = arith.constant 0 : i32
      %dma_wait3A_173 = arith.constant 0 : i32
      %dma_wait3A_174 = tpu.memref_slice %arg4[%dma_wait3A_172, %dma_wait3A_173] : memref<60x128xf32, #tpu.memory_space<hbm>> -> memref<60x128xf32, #tpu.memory_space<hbm>>
      tpu.wait_indirect_dma semaphore(%arg14 : memref<!tpu.dma_semaphore, #tpu.memory_space<semaphore_mem>>) src(%dma_wait3A_174 : memref<60x128xf32, #tpu.memory_space<hbm>>) dst(%arg11 : memref<80x128xf32, #tpu.memory_space<vmem>>)
      %scan3A_175 = arith.constant 0 : i32
      %scan3A_176 = arith.constant 0 : i32
      %scan3A_177 = arith.constant 80 : i32
      %scan3A_178 = arith.addi %scan3A_176, %scan3A_177 : i32
      %scan3A_179 = arith.constant 1 : i32
      scf.for %scan3A_181 = %scan3A_176 to %scan3A_178 step %scan3A_179  : i32 {
        %broadcast_in_dim3A_182 = vector.broadcast %scan3A_181 : i32 to vector<16xi32>
        %gather3A = tpu.vector_load_idx %arg9[%broadcast_in_dim3A_182] : memref<80xi32, #tpu.memory_space<vmem>>[vector<16xi32>], vector<16xi32>,
        %shift_left3A = arith.constant 7 : i32
        %shift_left3A_183 = vector.broadcast %shift_left3A : i32 to vector<16xi32>
        %shift_left3A_184 = arith.shli %gather3A, %shift_left3A_183 : vector<16xi32>
        %get3A_185 = arith.index_cast %scan3A_181 : i32 to index
        %get3A_186 = arith.constant 0 : index
        %get3A_187 = tpu.vector_load %arg10[%get3A_185, %get3A_186] {strides = array<i32>} : memref<80x128xf32, #tpu.memory_space<vmem>>, vector<16xf32>,
        %get3A_188 = arith.index_cast %scan3A_181 : i32 to index
        %get3A_189 = arith.constant 0 : index
        %get3A_190 = tpu.vector_load %arg11[%get3A_188, %get3A_189] {strides = array<i32>} : memref<80x128xf32, #tpu.memory_space<vmem>>, vector<16xf32>,
        %add3A_191 = arith.addf %get3A_187, %get3A_190 : vector<16xf32>
        %max3A = arith.constant 0.000000e+00 : f32
        %max3A_192 = vector.broadcast %max3A : f32 to vector<16xf32>
        %max3A_193 = arith.maximumf %add3A_191, %max3A_192 : vector<16xf32>
        %add3A_194 = arith.addi %shift_left3A_184, %add3A_9 : vector<16xi32>
        tpu.vector_store_idx %arg12[%add3A_194], %max3A_193 {add = true} : memref<41984xf32, #tpu.memory_space<vmem>>[vector<16xi32>], vector<16xf32>,
        %get3A_195 = arith.index_cast %scan3A_181 : i32 to index
        %get3A_196 = arith.constant 16 : index
        %get3A_197 = tpu.vector_load %arg10[%get3A_195, %get3A_196] {strides = array<i32>} : memref<80x128xf32, #tpu.memory_space<vmem>>, vector<16xf32>,
        %get3A_198 = arith.index_cast %scan3A_181 : i32 to index
        %get3A_199 = arith.constant 16 : index
        %get3A_200 = tpu.vector_load %arg11[%get3A_198, %get3A_199] {strides = array<i32>} : memref<80x128xf32, #tpu.memory_space<vmem>>, vector<16xf32>,
        %add3A_201 = arith.addf %get3A_197, %get3A_200 : vector<16xf32>
        %max3A_202 = arith.constant 0.000000e+00 : f32
        %max3A_203 = vector.broadcast %max3A_202 : f32 to vector<16xf32>
        %max3A_204 = arith.maximumf %add3A_201, %max3A_203 : vector<16xf32>
        %add3A_205 = arith.addi %shift_left3A_184, %add3A_13 : vector<16xi32>
        tpu.vector_store_idx %arg12[%add3A_205], %max3A_204 {add = true} : memref<41984xf32, #tpu.memory_space<vmem>>[vector<16xi32>], vector<16xf32>,
        %get3A_206 = arith.index_cast %scan3A_181 : i32 to index
        %get3A_207 = arith.constant 32 : index
        %get3A_208 = tpu.vector_load %arg10[%get3A_206, %get3A_207] {strides = array<i32>} : memref<80x128xf32, #tpu.memory_space<vmem>>, vector<16xf32>,
        %get3A_209 = arith.index_cast %scan3A_181 : i32 to index
        %get3A_210 = arith.constant 32 : index
        %get3A_211 = tpu.vector_load %arg11[%get3A_209, %get3A_210] {strides = array<i32>} : memref<80x128xf32, #tpu.memory_space<vmem>>, vector<16xf32>,
        %add3A_212 = arith.addf %get3A_208, %get3A_211 : vector<16xf32>
        %max3A_213 = arith.constant 0.000000e+00 : f32
        %max3A_214 = vector.broadcast %max3A_213 : f32 to vector<16xf32>
        %max3A_215 = arith.maximumf %add3A_212, %max3A_214 : vector<16xf32>
        %add3A_216 = arith.addi %shift_left3A_184, %add3A_17 : vector<16xi32>
        tpu.vector_store_idx %arg12[%add3A_216], %max3A_215 {add = true} : memref<41984xf32, #tpu.memory_space<vmem>>[vector<16xi32>], vector<16xf32>,
        %get3A_217 = arith.index_cast %scan3A_181 : i32 to index
        %get3A_218 = arith.constant 48 : index
        %get3A_219 = tpu.vector_load %arg10[%get3A_217, %get3A_218] {strides = array<i32>} : memref<80x128xf32, #tpu.memory_space<vmem>>, vector<16xf32>,
        %get3A_220 = arith.index_cast %scan3A_181 : i32 to index
        %get3A_221 = arith.constant 48 : index
        %get3A_222 = tpu.vector_load %arg11[%get3A_220, %get3A_221] {strides = array<i32>} : memref<80x128xf32, #tpu.memory_space<vmem>>, vector<16xf32>,
        %add3A_223 = arith.addf %get3A_219, %get3A_222 : vector<16xf32>
        %max3A_224 = arith.constant 0.000000e+00 : f32
        %max3A_225 = vector.broadcast %max3A_224 : f32 to vector<16xf32>
        %max3A_226 = arith.maximumf %add3A_223, %max3A_225 : vector<16xf32>
        %add3A_227 = arith.addi %shift_left3A_184, %add3A_21 : vector<16xi32>
        tpu.vector_store_idx %arg12[%add3A_227], %max3A_226 {add = true} : memref<41984xf32, #tpu.memory_space<vmem>>[vector<16xi32>], vector<16xf32>,
        %get3A_228 = arith.index_cast %scan3A_181 : i32 to index
        %get3A_229 = arith.constant 64 : index
        %get3A_230 = tpu.vector_load %arg10[%get3A_228, %get3A_229] {strides = array<i32>} : memref<80x128xf32, #tpu.memory_space<vmem>>, vector<16xf32>,
        %get3A_231 = arith.index_cast %scan3A_181 : i32 to index
        %get3A_232 = arith.constant 64 : index
        %get3A_233 = tpu.vector_load %arg11[%get3A_231, %get3A_232] {strides = array<i32>} : memref<80x128xf32, #tpu.memory_space<vmem>>, vector<16xf32>,
        %add3A_234 = arith.addf %get3A_230, %get3A_233 : vector<16xf32>
        %max3A_235 = arith.constant 0.000000e+00 : f32
        %max3A_236 = vector.broadcast %max3A_235 : f32 to vector<16xf32>
        %max3A_237 = arith.maximumf %add3A_234, %max3A_236 : vector<16xf32>
        %add3A_238 = arith.addi %shift_left3A_184, %add3A_25 : vector<16xi32>
        tpu.vector_store_idx %arg12[%add3A_238], %max3A_237 {add = true} : memref<41984xf32, #tpu.memory_space<vmem>>[vector<16xi32>], vector<16xf32>,
        %get3A_239 = arith.index_cast %scan3A_181 : i32 to index
        %get3A_240 = arith.constant 80 : index
        %get3A_241 = tpu.vector_load %arg10[%get3A_239, %get3A_240] {strides = array<i32>} : memref<80x128xf32, #tpu.memory_space<vmem>>, vector<16xf32>,
        %get3A_242 = arith.index_cast %scan3A_181 : i32 to index
        %get3A_243 = arith.constant 80 : index
        %get3A_244 = tpu.vector_load %arg11[%get3A_242, %get3A_243] {strides = array<i32>} : memref<80x128xf32, #tpu.memory_space<vmem>>, vector<16xf32>,
        %add3A_245 = arith.addf %get3A_241, %get3A_244 : vector<16xf32>
        %max3A_246 = arith.constant 0.000000e+00 : f32
        %max3A_247 = vector.broadcast %max3A_246 : f32 to vector<16xf32>
        %max3A_248 = arith.maximumf %add3A_245, %max3A_247 : vector<16xf32>
        %add3A_249 = arith.addi %shift_left3A_184, %add3A_29 : vector<16xi32>
        tpu.vector_store_idx %arg12[%add3A_249], %max3A_248 {add = true} : memref<41984xf32, #tpu.memory_space<vmem>>[vector<16xi32>], vector<16xf32>,
        %get3A_250 = arith.index_cast %scan3A_181 : i32 to index
        %get3A_251 = arith.constant 96 : index
        %get3A_252 = tpu.vector_load %arg10[%get3A_250, %get3A_251] {strides = array<i32>} : memref<80x128xf32, #tpu.memory_space<vmem>>, vector<16xf32>,
        %get3A_253 = arith.index_cast %scan3A_181 : i32 to index
        %get3A_254 = arith.constant 96 : index
        %get3A_255 = tpu.vector_load %arg11[%get3A_253, %get3A_254] {strides = array<i32>} : memref<80x128xf32, #tpu.memory_space<vmem>>, vector<16xf32>,
        %add3A_256 = arith.addf %get3A_252, %get3A_255 : vector<16xf32>
        %max3A_257 = arith.constant 0.000000e+00 : f32
        %max3A_258 = vector.broadcast %max3A_257 : f32 to vector<16xf32>
        %max3A_259 = arith.maximumf %add3A_256, %max3A_258 : vector<16xf32>
        %add3A_260 = arith.addi %shift_left3A_184, %add3A_33 : vector<16xi32>
        tpu.vector_store_idx %arg12[%add3A_260], %max3A_259 {add = true} : memref<41984xf32, #tpu.memory_space<vmem>>[vector<16xi32>], vector<16xf32>,
        %get3A_261 = arith.index_cast %scan3A_181 : i32 to index
        %get3A_262 = arith.constant 112 : index
        %get3A_263 = tpu.vector_load %arg10[%get3A_261, %get3A_262] {strides = array<i32>} : memref<80x128xf32, #tpu.memory_space<vmem>>, vector<16xf32>,
        %get3A_264 = arith.index_cast %scan3A_181 : i32 to index
        %get3A_265 = arith.constant 112 : index
        %get3A_266 = tpu.vector_load %arg11[%get3A_264, %get3A_265] {strides = array<i32>} : memref<80x128xf32, #tpu.memory_space<vmem>>, vector<16xf32>,
        %add3A_267 = arith.addf %get3A_263, %get3A_266 : vector<16xf32>
        %max3A_268 = arith.constant 0.000000e+00 : f32
        %max3A_269 = vector.broadcast %max3A_268 : f32 to vector<16xf32>
        %max3A_270 = arith.maximumf %add3A_267, %max3A_269 : vector<16xf32>
        %add3A_271 = arith.addi %shift_left3A_184, %add3A_37 : vector<16xi32>
        tpu.vector_store_idx %arg12[%add3A_271], %max3A_270 {add = true} : memref<41984xf32, #tpu.memory_space<vmem>>[vector<16xi32>], vector<16xf32>,
      }
      %scan3A_180 = arith.constant 80 : i32
    }
    %scan3A_43 = arith.constant 135 : i32
    %mul3A_44 = arith.constant 320 : i32
    %mul3A_45 = arith.muli %add3A, %mul3A_44 : i32
    %mul3A_46 = arith.constant 128 : i32
    %mul3A_47 = arith.muli %mul3A_45, %mul3A_46 : i32
    "tpu.region"() ({
      %run_scoped3A = tpu.sem_alloc : memref<!tpu.dma_semaphore, #tpu.memory_space<semaphore_mem>>
      %dma_start3A = arith.constant 0 : i32
      %dma_start3A_48 = tpu.memref_slice %arg12[%dma_start3A] : memref<41984xf32, #tpu.memory_space<vmem>> -> memref<40960xf32, #tpu.memory_space<vmem>>
      %dma_start3A_49 = tpu.memref_slice %arg5[%mul3A_47] : memref<1310720xf32, #tpu.memory_space<hbm>> -> memref<40960xf32, #tpu.memory_space<hbm>>
      %dma_start3A_50 = tpu.memref_slice %arg5[%mul3A_47] : memref<1310720xf32, #tpu.memory_space<hbm>> -> memref<40960xf32, #tpu.memory_space<hbm>>
      %dma_start3A_51 = arith.constant 0 : i32
      %dma_start3A_52 = tpu.memref_slice %arg12[%dma_start3A_51] : memref<41984xf32, #tpu.memory_space<vmem>> -> memref<40960xf32, #tpu.memory_space<vmem>>
      tpu.enqueue_dma source(%dma_start3A_52 : memref<40960xf32, #tpu.memory_space<vmem>>) target(%dma_start3A_50 : memref<40960xf32, #tpu.memory_space<hbm>>) target_semaphore(%run_scoped3A : memref<!tpu.dma_semaphore, #tpu.memory_space<semaphore_mem>>)
      %dma_wait3A = arith.constant 0 : i32
      %dma_wait3A_53 = tpu.memref_slice %arg12[%dma_wait3A] : memref<41984xf32, #tpu.memory_space<vmem>> -> memref<40960xf32, #tpu.memory_space<vmem>>
      %dma_wait3A_54 = tpu.memref_slice %arg5[%mul3A_47] : memref<1310720xf32, #tpu.memory_space<hbm>> -> memref<40960xf32, #tpu.memory_space<hbm>>
      %dma_wait3A_55 = tpu.memref_slice %arg5[%mul3A_47] : memref<1310720xf32, #tpu.memory_space<hbm>> -> memref<40960xf32, #tpu.memory_space<hbm>>
      %dma_wait3A_56 = arith.constant 0 : i32
      %dma_wait3A_57 = tpu.memref_slice %arg12[%dma_wait3A_56] : memref<41984xf32, #tpu.memory_space<vmem>> -> memref<40960xf32, #tpu.memory_space<vmem>>
      tpu.wait_dma2 semaphore(%run_scoped3A : memref<!tpu.dma_semaphore, #tpu.memory_space<semaphore_mem>>) src(%dma_wait3A_57 : memref<40960xf32, #tpu.memory_space<vmem>>) dst(%dma_wait3A_55 : memref<40960xf32, #tpu.memory_space<hbm>>)
      tpu.yield
    }) : () -> ()
    return
  }
}

#map = affine_map<(d0, d1) -> (0, 0)>
#map1 = affine_map<(d0, d1) -> (0)>
module attributes {stable_mosaic.version = 14 : i64} {
  func.func @run(%arg0: i32, %arg1: i32, %arg2: memref<10000x128xf32, #tpu.memory_space<hbm>>, %arg3: memref<346112xi32, #tpu.memory_space<hbm>>, %arg4: memref<60x128xf32, #tpu.memory_space<hbm>>, %arg5: memref<1310720xf32, #tpu.memory_space<hbm>>, %arg6: memref<80xi32, #tpu.memory_space<vmem>>, %arg7: memref<80xi32, #tpu.memory_space<vmem>>, %arg8: memref<80xi32, #tpu.memory_space<vmem>>, %arg9: memref<80xi32, #tpu.memory_space<vmem>>, %arg10: memref<80x128xf32, #tpu.memory_space<vmem>>, %arg11: memref<80x128xf32, #tpu.memory_space<vmem>>, %arg12: memref<41984xf32, #tpu.memory_space<vmem>>, %arg13: memref<!tpu.dma_semaphore, #tpu.memory_space<semaphore_mem>>, %arg14: memref<!tpu.dma_semaphore, #tpu.memory_space<semaphore_mem>>) attributes {dimension_semantics = [#tpu.dimension_semantics<core_parallel>, #tpu.dimension_semantics<subcore_parallel>], iteration_bounds = array<i64: 2, 16>, scalar_prefetch = 0 : i64, scratch_operands = 9 : i64, tpu.core_type = #tpu.core_type<sc_vector_subcore>, window_params = [{transform_indices = #map}, {transform_indices = #map1}, {transform_indices = #map}, {transform_indices = #map1}]} {
    %mul3A = arith.constant 2 : i32
    %mul3A_0 = arith.muli %arg1, %mul3A : i32
    %add3A = arith.addi %mul3A_0, %arg0 : i32
    %broadcast_in_dim3A = arith.constant 0.000000e+00 : f32
    %broadcast_in_dim3A_1 = vector.broadcast %broadcast_in_dim3A : f32 to vector<16xf32>
    %scan3A = arith.constant 0 : i32
    %scan3A_2 = arith.constant 0 : i32
    %scan3A_3 = arith.constant 2624 : i32
    %scan3A_4 = arith.addi %scan3A_2, %scan3A_3 : i32
    %scan3A_5 = arith.constant 1 : i32
    scf.for %scan3A_48 = %scan3A_2 to %scan3A_4 step %scan3A_5  : i32 {
      %mul3A_49 = arith.constant 16 : i32
      %mul3A_50 = arith.muli %scan3A_48, %mul3A_49 : i32
      %swap3A = arith.index_cast %mul3A_50 : i32 to index
      %swap3A_51 = tpu.vector_load %arg12[%swap3A] {strides = array<i32>} : memref<41984xf32, #tpu.memory_space<vmem>>, vector<16xf32>,
      tpu.vector_store %arg12[%swap3A], %broadcast_in_dim3A_1 {strides = array<i32>} : memref<41984xf32, #tpu.memory_space<vmem>>, vector<16xf32>,
    }
    %scan3A_6 = arith.constant 2624 : i32
    %iota3A = tpu.iota {dimensions = array<i32: 0>} : vector<16xi32>
    %add3A_7 = arith.constant 0 : i32
    %add3A_8 = vector.broadcast %add3A_7 : i32 to vector<16xi32>
    %add3A_9 = arith.addi %iota3A, %add3A_8 : vector<16xi32>
    %iota3A_10 = tpu.iota {dimensions = array<i32: 0>} : vector<16xi32>
    %add3A_11 = arith.constant 16 : i32
    %add3A_12 = vector.broadcast %add3A_11 : i32 to vector<16xi32>
    %add3A_13 = arith.addi %iota3A_10, %add3A_12 : vector<16xi32>
    %iota3A_14 = tpu.iota {dimensions = array<i32: 0>} : vector<16xi32>
    %add3A_15 = arith.constant 32 : i32
    %add3A_16 = vector.broadcast %add3A_15 : i32 to vector<16xi32>
    %add3A_17 = arith.addi %iota3A_14, %add3A_16 : vector<16xi32>
    %iota3A_18 = tpu.iota {dimensions = array<i32: 0>} : vector<16xi32>
    %add3A_19 = arith.constant 48 : i32
    %add3A_20 = vector.broadcast %add3A_19 : i32 to vector<16xi32>
    %add3A_21 = arith.addi %iota3A_18, %add3A_20 : vector<16xi32>
    %iota3A_22 = tpu.iota {dimensions = array<i32: 0>} : vector<16xi32>
    %add3A_23 = arith.constant 64 : i32
    %add3A_24 = vector.broadcast %add3A_23 : i32 to vector<16xi32>
    %add3A_25 = arith.addi %iota3A_22, %add3A_24 : vector<16xi32>
    %iota3A_26 = tpu.iota {dimensions = array<i32: 0>} : vector<16xi32>
    %add3A_27 = arith.constant 80 : i32
    %add3A_28 = vector.broadcast %add3A_27 : i32 to vector<16xi32>
    %add3A_29 = arith.addi %iota3A_26, %add3A_28 : vector<16xi32>
    %iota3A_30 = tpu.iota {dimensions = array<i32: 0>} : vector<16xi32>
    %add3A_31 = arith.constant 96 : i32
    %add3A_32 = vector.broadcast %add3A_31 : i32 to vector<16xi32>
    %add3A_33 = arith.addi %iota3A_30, %add3A_32 : vector<16xi32>
    %iota3A_34 = tpu.iota {dimensions = array<i32: 0>} : vector<16xi32>
    %add3A_35 = arith.constant 112 : i32
    %add3A_36 = vector.broadcast %add3A_35 : i32 to vector<16xi32>
    %add3A_37 = arith.addi %iota3A_34, %add3A_36 : vector<16xi32>
    %scan3A_38 = arith.constant 0 : i32
    %scan3A_39 = arith.constant 0 : i32
    %scan3A_40 = arith.constant 135 : i32
    %scan3A_41 = arith.addi %scan3A_39, %scan3A_40 : i32
    %scan3A_42 = arith.constant 1 : i32
    scf.for %scan3A_48 = %scan3A_39 to %scan3A_41 step %scan3A_42  : i32 {
      %mul3A_49 = arith.constant 10816 : i32
      %mul3A_50 = arith.muli %add3A, %mul3A_49 : i32
      %mul3A_51 = arith.constant 80 : i32
      %mul3A_52 = arith.muli %scan3A_48, %mul3A_51 : i32
      %add3A_53 = arith.addi %mul3A_50, %mul3A_52 : i32
      "tpu.region"() ({
        %run_scoped3A = tpu.sem_alloc : memref<!tpu.dma_semaphore, #tpu.memory_space<semaphore_mem>>
        %dma_start3A_181 = tpu.memref_slice %arg3[%add3A_53] : memref<346112xi32, #tpu.memory_space<hbm>> -> memref<80xi32, #tpu.memory_space<hbm>>
        %dma_start3A_182 = tpu.memref_slice %arg3[%add3A_53] : memref<346112xi32, #tpu.memory_space<hbm>> -> memref<80xi32, #tpu.memory_space<hbm>>
        tpu.enqueue_dma source(%dma_start3A_182 : memref<80xi32, #tpu.memory_space<hbm>>) target(%arg6 : memref<80xi32, #tpu.memory_space<vmem>>) target_semaphore(%run_scoped3A : memref<!tpu.dma_semaphore, #tpu.memory_space<semaphore_mem>>)
        %dma_wait3A_183 = tpu.memref_slice %arg3[%add3A_53] : memref<346112xi32, #tpu.memory_space<hbm>> -> memref<80xi32, #tpu.memory_space<hbm>>
        %dma_wait3A_184 = tpu.memref_slice %arg3[%add3A_53] : memref<346112xi32, #tpu.memory_space<hbm>> -> memref<80xi32, #tpu.memory_space<hbm>>
        tpu.wait_dma2 semaphore(%run_scoped3A : memref<!tpu.dma_semaphore, #tpu.memory_space<semaphore_mem>>) src(%dma_wait3A_184 : memref<80xi32, #tpu.memory_space<hbm>>) dst(%arg6 : memref<80xi32, #tpu.memory_space<vmem>>)
        tpu.yield
      }) : () -> ()
      %get3A = arith.constant 0 : index
      %get3A_54 = tpu.vector_load %arg6[%get3A] {strides = array<i32>} : memref<80xi32, #tpu.memory_space<vmem>>, vector<16xi32>,
      %and3A = arith.constant 16383 : i32
      %and3A_55 = vector.broadcast %and3A : i32 to vector<16xi32>
      %and3A_56 = arith.andi %get3A_54, %and3A_55 : vector<16xi32>
      %swap3A = arith.constant 0 : index
      %swap3A_57 = tpu.vector_load %arg7[%swap3A] {strides = array<i32>} : memref<80xi32, #tpu.memory_space<vmem>>, vector<16xi32>,
      tpu.vector_store %arg7[%swap3A], %and3A_56 {strides = array<i32>} : memref<80xi32, #tpu.memory_space<vmem>>, vector<16xi32>,
      %shift_right_arithmetic3A = arith.constant 14 : i32
      %shift_right_arithmetic3A_58 = vector.broadcast %shift_right_arithmetic3A : i32 to vector<16xi32>
      %shift_right_arithmetic3A_59 = arith.shrsi %get3A_54, %shift_right_arithmetic3A_58 : vector<16xi32>
      %and3A_60 = arith.constant 63 : i32
      %and3A_61 = vector.broadcast %and3A_60 : i32 to vector<16xi32>
      %and3A_62 = arith.andi %shift_right_arithmetic3A_59, %and3A_61 : vector<16xi32>
      %swap3A_63 = arith.constant 0 : index
      %swap3A_64 = tpu.vector_load %arg8[%swap3A_63] {strides = array<i32>} : memref<80xi32, #tpu.memory_space<vmem>>, vector<16xi32>,
      tpu.vector_store %arg8[%swap3A_63], %and3A_62 {strides = array<i32>} : memref<80xi32, #tpu.memory_space<vmem>>, vector<16xi32>,
      %shift_right_arithmetic3A_65 = arith.constant 20 : i32
      %shift_right_arithmetic3A_66 = vector.broadcast %shift_right_arithmetic3A_65 : i32 to vector<16xi32>
      %shift_right_arithmetic3A_67 = arith.shrsi %get3A_54, %shift_right_arithmetic3A_66 : vector<16xi32>
      %and3A_68 = arith.constant 1023 : i32
      %and3A_69 = vector.broadcast %and3A_68 : i32 to vector<16xi32>
      %and3A_70 = arith.andi %shift_right_arithmetic3A_67, %and3A_69 : vector<16xi32>
      %swap3A_71 = arith.constant 0 : index
      %swap3A_72 = tpu.vector_load %arg9[%swap3A_71] {strides = array<i32>} : memref<80xi32, #tpu.memory_space<vmem>>, vector<16xi32>,
      tpu.vector_store %arg9[%swap3A_71], %and3A_70 {strides = array<i32>} : memref<80xi32, #tpu.memory_space<vmem>>, vector<16xi32>,
      %get3A_73 = arith.constant 16 : index
      %get3A_74 = tpu.vector_load %arg6[%get3A_73] {strides = array<i32>} : memref<80xi32, #tpu.memory_space<vmem>>, vector<16xi32>,
      %and3A_75 = arith.constant 16383 : i32
      %and3A_76 = vector.broadcast %and3A_75 : i32 to vector<16xi32>
      %and3A_77 = arith.andi %get3A_74, %and3A_76 : vector<16xi32>
      %swap3A_78 = arith.constant 16 : index
      %swap3A_79 = tpu.vector_load %arg7[%swap3A_78] {strides = array<i32>} : memref<80xi32, #tpu.memory_space<vmem>>, vector<16xi32>,
      tpu.vector_store %arg7[%swap3A_78], %and3A_77 {strides = array<i32>} : memref<80xi32, #tpu.memory_space<vmem>>, vector<16xi32>,
      %shift_right_arithmetic3A_80 = arith.constant 14 : i32
      %shift_right_arithmetic3A_81 = vector.broadcast %shift_right_arithmetic3A_80 : i32 to vector<16xi32>
      %shift_right_arithmetic3A_82 = arith.shrsi %get3A_74, %shift_right_arithmetic3A_81 : vector<16xi32>
      %and3A_83 = arith.constant 63 : i32
      %and3A_84 = vector.broadcast %and3A_83 : i32 to vector<16xi32>
      %and3A_85 = arith.andi %shift_right_arithmetic3A_82, %and3A_84 : vector<16xi32>
      %swap3A_86 = arith.constant 16 : index
      %swap3A_87 = tpu.vector_load %arg8[%swap3A_86] {strides = array<i32>} : memref<80xi32, #tpu.memory_space<vmem>>, vector<16xi32>,
      tpu.vector_store %arg8[%swap3A_86], %and3A_85 {strides = array<i32>} : memref<80xi32, #tpu.memory_space<vmem>>, vector<16xi32>,
      %shift_right_arithmetic3A_88 = arith.constant 20 : i32
      %shift_right_arithmetic3A_89 = vector.broadcast %shift_right_arithmetic3A_88 : i32 to vector<16xi32>
      %shift_right_arithmetic3A_90 = arith.shrsi %get3A_74, %shift_right_arithmetic3A_89 : vector<16xi32>
      %and3A_91 = arith.constant 1023 : i32
      %and3A_92 = vector.broadcast %and3A_91 : i32 to vector<16xi32>
      %and3A_93 = arith.andi %shift_right_arithmetic3A_90, %and3A_92 : vector<16xi32>
      %swap3A_94 = arith.constant 16 : index
      %swap3A_95 = tpu.vector_load %arg9[%swap3A_94] {strides = array<i32>} : memref<80xi32, #tpu.memory_space<vmem>>, vector<16xi32>,
      tpu.vector_store %arg9[%swap3A_94], %and3A_93 {strides = array<i32>} : memref<80xi32, #tpu.memory_space<vmem>>, vector<16xi32>,
      %get3A_96 = arith.constant 32 : index
      %get3A_97 = tpu.vector_load %arg6[%get3A_96] {strides = array<i32>} : memref<80xi32, #tpu.memory_space<vmem>>, vector<16xi32>,
      %and3A_98 = arith.constant 16383 : i32
      %and3A_99 = vector.broadcast %and3A_98 : i32 to vector<16xi32>
      %and3A_100 = arith.andi %get3A_97, %and3A_99 : vector<16xi32>
      %swap3A_101 = arith.constant 32 : index
      %swap3A_102 = tpu.vector_load %arg7[%swap3A_101] {strides = array<i32>} : memref<80xi32, #tpu.memory_space<vmem>>, vector<16xi32>,
      tpu.vector_store %arg7[%swap3A_101], %and3A_100 {strides = array<i32>} : memref<80xi32, #tpu.memory_space<vmem>>, vector<16xi32>,
      %shift_right_arithmetic3A_103 = arith.constant 14 : i32
      %shift_right_arithmetic3A_104 = vector.broadcast %shift_right_arithmetic3A_103 : i32 to vector<16xi32>
      %shift_right_arithmetic3A_105 = arith.shrsi %get3A_97, %shift_right_arithmetic3A_104 : vector<16xi32>
      %and3A_106 = arith.constant 63 : i32
      %and3A_107 = vector.broadcast %and3A_106 : i32 to vector<16xi32>
      %and3A_108 = arith.andi %shift_right_arithmetic3A_105, %and3A_107 : vector<16xi32>
      %swap3A_109 = arith.constant 32 : index
      %swap3A_110 = tpu.vector_load %arg8[%swap3A_109] {strides = array<i32>} : memref<80xi32, #tpu.memory_space<vmem>>, vector<16xi32>,
      tpu.vector_store %arg8[%swap3A_109], %and3A_108 {strides = array<i32>} : memref<80xi32, #tpu.memory_space<vmem>>, vector<16xi32>,
      %shift_right_arithmetic3A_111 = arith.constant 20 : i32
      %shift_right_arithmetic3A_112 = vector.broadcast %shift_right_arithmetic3A_111 : i32 to vector<16xi32>
      %shift_right_arithmetic3A_113 = arith.shrsi %get3A_97, %shift_right_arithmetic3A_112 : vector<16xi32>
      %and3A_114 = arith.constant 1023 : i32
      %and3A_115 = vector.broadcast %and3A_114 : i32 to vector<16xi32>
      %and3A_116 = arith.andi %shift_right_arithmetic3A_113, %and3A_115 : vector<16xi32>
      %swap3A_117 = arith.constant 32 : index
      %swap3A_118 = tpu.vector_load %arg9[%swap3A_117] {strides = array<i32>} : memref<80xi32, #tpu.memory_space<vmem>>, vector<16xi32>,
      tpu.vector_store %arg9[%swap3A_117], %and3A_116 {strides = array<i32>} : memref<80xi32, #tpu.memory_space<vmem>>, vector<16xi32>,
      %get3A_119 = arith.constant 48 : index
      %get3A_120 = tpu.vector_load %arg6[%get3A_119] {strides = array<i32>} : memref<80xi32, #tpu.memory_space<vmem>>, vector<16xi32>,
      %and3A_121 = arith.constant 16383 : i32
      %and3A_122 = vector.broadcast %and3A_121 : i32 to vector<16xi32>
      %and3A_123 = arith.andi %get3A_120, %and3A_122 : vector<16xi32>
      %swap3A_124 = arith.constant 48 : index
      %swap3A_125 = tpu.vector_load %arg7[%swap3A_124] {strides = array<i32>} : memref<80xi32, #tpu.memory_space<vmem>>, vector<16xi32>,
      tpu.vector_store %arg7[%swap3A_124], %and3A_123 {strides = array<i32>} : memref<80xi32, #tpu.memory_space<vmem>>, vector<16xi32>,
      %shift_right_arithmetic3A_126 = arith.constant 14 : i32
      %shift_right_arithmetic3A_127 = vector.broadcast %shift_right_arithmetic3A_126 : i32 to vector<16xi32>
      %shift_right_arithmetic3A_128 = arith.shrsi %get3A_120, %shift_right_arithmetic3A_127 : vector<16xi32>
      %and3A_129 = arith.constant 63 : i32
      %and3A_130 = vector.broadcast %and3A_129 : i32 to vector<16xi32>
      %and3A_131 = arith.andi %shift_right_arithmetic3A_128, %and3A_130 : vector<16xi32>
      %swap3A_132 = arith.constant 48 : index
      %swap3A_133 = tpu.vector_load %arg8[%swap3A_132] {strides = array<i32>} : memref<80xi32, #tpu.memory_space<vmem>>, vector<16xi32>,
      tpu.vector_store %arg8[%swap3A_132], %and3A_131 {strides = array<i32>} : memref<80xi32, #tpu.memory_space<vmem>>, vector<16xi32>,
      %shift_right_arithmetic3A_134 = arith.constant 20 : i32
      %shift_right_arithmetic3A_135 = vector.broadcast %shift_right_arithmetic3A_134 : i32 to vector<16xi32>
      %shift_right_arithmetic3A_136 = arith.shrsi %get3A_120, %shift_right_arithmetic3A_135 : vector<16xi32>
      %and3A_137 = arith.constant 1023 : i32
      %and3A_138 = vector.broadcast %and3A_137 : i32 to vector<16xi32>
      %and3A_139 = arith.andi %shift_right_arithmetic3A_136, %and3A_138 : vector<16xi32>
      %swap3A_140 = arith.constant 48 : index
      %swap3A_141 = tpu.vector_load %arg9[%swap3A_140] {strides = array<i32>} : memref<80xi32, #tpu.memory_space<vmem>>, vector<16xi32>,
      tpu.vector_store %arg9[%swap3A_140], %and3A_139 {strides = array<i32>} : memref<80xi32, #tpu.memory_space<vmem>>, vector<16xi32>,
      %get3A_142 = arith.constant 64 : index
      %get3A_143 = tpu.vector_load %arg6[%get3A_142] {strides = array<i32>} : memref<80xi32, #tpu.memory_space<vmem>>, vector<16xi32>,
      %and3A_144 = arith.constant 16383 : i32
      %and3A_145 = vector.broadcast %and3A_144 : i32 to vector<16xi32>
      %and3A_146 = arith.andi %get3A_143, %and3A_145 : vector<16xi32>
      %swap3A_147 = arith.constant 64 : index
      %swap3A_148 = tpu.vector_load %arg7[%swap3A_147] {strides = array<i32>} : memref<80xi32, #tpu.memory_space<vmem>>, vector<16xi32>,
      tpu.vector_store %arg7[%swap3A_147], %and3A_146 {strides = array<i32>} : memref<80xi32, #tpu.memory_space<vmem>>, vector<16xi32>,
      %shift_right_arithmetic3A_149 = arith.constant 14 : i32
      %shift_right_arithmetic3A_150 = vector.broadcast %shift_right_arithmetic3A_149 : i32 to vector<16xi32>
      %shift_right_arithmetic3A_151 = arith.shrsi %get3A_143, %shift_right_arithmetic3A_150 : vector<16xi32>
      %and3A_152 = arith.constant 63 : i32
      %and3A_153 = vector.broadcast %and3A_152 : i32 to vector<16xi32>
      %and3A_154 = arith.andi %shift_right_arithmetic3A_151, %and3A_153 : vector<16xi32>
      %swap3A_155 = arith.constant 64 : index
      %swap3A_156 = tpu.vector_load %arg8[%swap3A_155] {strides = array<i32>} : memref<80xi32, #tpu.memory_space<vmem>>, vector<16xi32>,
      tpu.vector_store %arg8[%swap3A_155], %and3A_154 {strides = array<i32>} : memref<80xi32, #tpu.memory_space<vmem>>, vector<16xi32>,
      %shift_right_arithmetic3A_157 = arith.constant 20 : i32
      %shift_right_arithmetic3A_158 = vector.broadcast %shift_right_arithmetic3A_157 : i32 to vector<16xi32>
      %shift_right_arithmetic3A_159 = arith.shrsi %get3A_143, %shift_right_arithmetic3A_158 : vector<16xi32>
      %and3A_160 = arith.constant 1023 : i32
      %and3A_161 = vector.broadcast %and3A_160 : i32 to vector<16xi32>
      %and3A_162 = arith.andi %shift_right_arithmetic3A_159, %and3A_161 : vector<16xi32>
      %swap3A_163 = arith.constant 64 : index
      %swap3A_164 = tpu.vector_load %arg9[%swap3A_163] {strides = array<i32>} : memref<80xi32, #tpu.memory_space<vmem>>, vector<16xi32>,
      tpu.vector_store %arg9[%swap3A_163], %and3A_162 {strides = array<i32>} : memref<80xi32, #tpu.memory_space<vmem>>, vector<16xi32>,
      %dma_start3A = arith.constant 0 : i32
      %dma_start3A_165 = arith.constant 0 : i32
      %dma_start3A_166 = tpu.memref_slice %arg2[%dma_start3A, %dma_start3A_165] : memref<10000x128xf32, #tpu.memory_space<hbm>> -> memref<10000x128xf32, #tpu.memory_space<hbm>>
      tpu.enqueue_indirect_dma source(%dma_start3A_166 : memref<10000x128xf32, #tpu.memory_space<hbm>>) target(%arg10 : memref<80x128xf32, #tpu.memory_space<vmem>>) offsets(%arg7 : memref<80xi32, #tpu.memory_space<vmem>>) semaphore(%arg13 : memref<!tpu.dma_semaphore, #tpu.memory_space<semaphore_mem>>)
      %dma_start3A_167 = arith.constant 0 : i32
      %dma_start3A_168 = arith.constant 0 : i32
      %dma_start3A_169 = tpu.memref_slice %arg4[%dma_start3A_167, %dma_start3A_168] : memref<60x128xf32, #tpu.memory_space<hbm>> -> memref<60x128xf32, #tpu.memory_space<hbm>>
      tpu.enqueue_indirect_dma source(%dma_start3A_169 : memref<60x128xf32, #tpu.memory_space<hbm>>) target(%arg11 : memref<80x128xf32, #tpu.memory_space<vmem>>) offsets(%arg8 : memref<80xi32, #tpu.memory_space<vmem>>) semaphore(%arg14 : memref<!tpu.dma_semaphore, #tpu.memory_space<semaphore_mem>>)
      %dma_wait3A = arith.constant 0 : i32
      %dma_wait3A_170 = arith.constant 0 : i32
      %dma_wait3A_171 = tpu.memref_slice %arg2[%dma_wait3A, %dma_wait3A_170] : memref<10000x128xf32, #tpu.memory_space<hbm>> -> memref<10000x128xf32, #tpu.memory_space<hbm>>
      tpu.wait_indirect_dma semaphore(%arg13 : memref<!tpu.dma_semaphore, #tpu.memory_space<semaphore_mem>>) src(%dma_wait3A_171 : memref<10000x128xf32, #tpu.memory_space<hbm>>) dst(%arg10 : memref<80x128xf32, #tpu.memory_space<vmem>>)
      %dma_wait3A_172 = arith.constant 0 : i32
      %dma_wait3A_173 = arith.constant 0 : i32
      %dma_wait3A_174 = tpu.memref_slice %arg4[%dma_wait3A_172, %dma_wait3A_173] : memref<60x128xf32, #tpu.memory_space<hbm>> -> memref<60x128xf32, #tpu.memory_space<hbm>>
      tpu.wait_indirect_dma semaphore(%arg14 : memref<!tpu.dma_semaphore, #tpu.memory_space<semaphore_mem>>) src(%dma_wait3A_174 : memref<60x128xf32, #tpu.memory_space<hbm>>) dst(%arg11 : memref<80x128xf32, #tpu.memory_space<vmem>>)
      %scan3A_175 = arith.constant 0 : i32
      %scan3A_176 = arith.constant 0 : i32
      %scan3A_177 = arith.constant 80 : i32
      %scan3A_178 = arith.addi %scan3A_176, %scan3A_177 : i32
      %scan3A_179 = arith.constant 1 : i32
      scf.for %scan3A_181 = %scan3A_176 to %scan3A_178 step %scan3A_179  : i32 {
        %broadcast_in_dim3A_182 = vector.broadcast %scan3A_181 : i32 to vector<16xi32>
        %gather3A = tpu.vector_load_idx %arg9[%broadcast_in_dim3A_182] : memref<80xi32, #tpu.memory_space<vmem>>[vector<16xi32>], vector<16xi32>,
        %shift_left3A = arith.constant 7 : i32
        %shift_left3A_183 = vector.broadcast %shift_left3A : i32 to vector<16xi32>
        %shift_left3A_184 = arith.shli %gather3A, %shift_left3A_183 : vector<16xi32>
        %get3A_185 = arith.index_cast %scan3A_181 : i32 to index
        %get3A_186 = arith.constant 0 : index
        %get3A_187 = tpu.vector_load %arg10[%get3A_185, %get3A_186] {strides = array<i32>} : memref<80x128xf32, #tpu.memory_space<vmem>>, vector<16xf32>,
        %get3A_188 = arith.index_cast %scan3A_181 : i32 to index
        %get3A_189 = arith.constant 0 : index
        %get3A_190 = tpu.vector_load %arg11[%get3A_188, %get3A_189] {strides = array<i32>} : memref<80x128xf32, #tpu.memory_space<vmem>>, vector<16xf32>,
        %add3A_191 = arith.addf %get3A_187, %get3A_190 : vector<16xf32>
        %max3A = arith.constant 0.000000e+00 : f32
        %max3A_192 = vector.broadcast %max3A : f32 to vector<16xf32>
        %max3A_193 = arith.maximumf %add3A_191, %max3A_192 : vector<16xf32>
        %add3A_194 = arith.addi %shift_left3A_184, %add3A_9 : vector<16xi32>
        tpu.vector_store_idx %arg12[%add3A_194], %max3A_193 {add = true} : memref<41984xf32, #tpu.memory_space<vmem>>[vector<16xi32>], vector<16xf32>,
        %get3A_195 = arith.index_cast %scan3A_181 : i32 to index
        %get3A_196 = arith.constant 16 : index
        %get3A_197 = tpu.vector_load %arg10[%get3A_195, %get3A_196] {strides = array<i32>} : memref<80x128xf32, #tpu.memory_space<vmem>>, vector<16xf32>,
        %get3A_198 = arith.index_cast %scan3A_181 : i32 to index
        %get3A_199 = arith.constant 16 : index
        %get3A_200 = tpu.vector_load %arg11[%get3A_198, %get3A_199] {strides = array<i32>} : memref<80x128xf32, #tpu.memory_space<vmem>>, vector<16xf32>,
        %add3A_201 = arith.addf %get3A_197, %get3A_200 : vector<16xf32>
        %max3A_202 = arith.constant 0.000000e+00 : f32
        %max3A_203 = vector.broadcast %max3A_202 : f32 to vector<16xf32>
        %max3A_204 = arith.maximumf %add3A_201, %max3A_203 : vector<16xf32>
        %add3A_205 = arith.addi %shift_left3A_184, %add3A_13 : vector<16xi32>
        tpu.vector_store_idx %arg12[%add3A_205], %max3A_204 {add = true} : memref<41984xf32, #tpu.memory_space<vmem>>[vector<16xi32>], vector<16xf32>,
        %get3A_206 = arith.index_cast %scan3A_181 : i32 to index
        %get3A_207 = arith.constant 32 : index
        %get3A_208 = tpu.vector_load %arg10[%get3A_206, %get3A_207] {strides = array<i32>} : memref<80x128xf32, #tpu.memory_space<vmem>>, vector<16xf32>,
        %get3A_209 = arith.index_cast %scan3A_181 : i32 to index
        %get3A_210 = arith.constant 32 : index
        %get3A_211 = tpu.vector_load %arg11[%get3A_209, %get3A_210] {strides = array<i32>} : memref<80x128xf32, #tpu.memory_space<vmem>>, vector<16xf32>,
        %add3A_212 = arith.addf %get3A_208, %get3A_211 : vector<16xf32>
        %max3A_213 = arith.constant 0.000000e+00 : f32
        %max3A_214 = vector.broadcast %max3A_213 : f32 to vector<16xf32>
        %max3A_215 = arith.maximumf %add3A_212, %max3A_214 : vector<16xf32>
        %add3A_216 = arith.addi %shift_left3A_184, %add3A_17 : vector<16xi32>
        tpu.vector_store_idx %arg12[%add3A_216], %max3A_215 {add = true} : memref<41984xf32, #tpu.memory_space<vmem>>[vector<16xi32>], vector<16xf32>,
        %get3A_217 = arith.index_cast %scan3A_181 : i32 to index
        %get3A_218 = arith.constant 48 : index
        %get3A_219 = tpu.vector_load %arg10[%get3A_217, %get3A_218] {strides = array<i32>} : memref<80x128xf32, #tpu.memory_space<vmem>>, vector<16xf32>,
        %get3A_220 = arith.index_cast %scan3A_181 : i32 to index
        %get3A_221 = arith.constant 48 : index
        %get3A_222 = tpu.vector_load %arg11[%get3A_220, %get3A_221] {strides = array<i32>} : memref<80x128xf32, #tpu.memory_space<vmem>>, vector<16xf32>,
        %add3A_223 = arith.addf %get3A_219, %get3A_222 : vector<16xf32>
        %max3A_224 = arith.constant 0.000000e+00 : f32
        %max3A_225 = vector.broadcast %max3A_224 : f32 to vector<16xf32>
        %max3A_226 = arith.maximumf %add3A_223, %max3A_225 : vector<16xf32>
        %add3A_227 = arith.addi %shift_left3A_184, %add3A_21 : vector<16xi32>
        tpu.vector_store_idx %arg12[%add3A_227], %max3A_226 {add = true} : memref<41984xf32, #tpu.memory_space<vmem>>[vector<16xi32>], vector<16xf32>,
        %get3A_228 = arith.index_cast %scan3A_181 : i32 to index
        %get3A_229 = arith.constant 64 : index
        %get3A_230 = tpu.vector_load %arg10[%get3A_228, %get3A_229] {strides = array<i32>} : memref<80x128xf32, #tpu.memory_space<vmem>>, vector<16xf32>,
        %get3A_231 = arith.index_cast %scan3A_181 : i32 to index
        %get3A_232 = arith.constant 64 : index
        %get3A_233 = tpu.vector_load %arg11[%get3A_231, %get3A_232] {strides = array<i32>} : memref<80x128xf32, #tpu.memory_space<vmem>>, vector<16xf32>,
        %add3A_234 = arith.addf %get3A_230, %get3A_233 : vector<16xf32>
        %max3A_235 = arith.constant 0.000000e+00 : f32
        %max3A_236 = vector.broadcast %max3A_235 : f32 to vector<16xf32>
        %max3A_237 = arith.maximumf %add3A_234, %max3A_236 : vector<16xf32>
        %add3A_238 = arith.addi %shift_left3A_184, %add3A_25 : vector<16xi32>
        tpu.vector_store_idx %arg12[%add3A_238], %max3A_237 {add = true} : memref<41984xf32, #tpu.memory_space<vmem>>[vector<16xi32>], vector<16xf32>,
        %get3A_239 = arith.index_cast %scan3A_181 : i32 to index
        %get3A_240 = arith.constant 80 : index
        %get3A_241 = tpu.vector_load %arg10[%get3A_239, %get3A_240] {strides = array<i32>} : memref<80x128xf32, #tpu.memory_space<vmem>>, vector<16xf32>,
        %get3A_242 = arith.index_cast %scan3A_181 : i32 to index
        %get3A_243 = arith.constant 80 : index
        %get3A_244 = tpu.vector_load %arg11[%get3A_242, %get3A_243] {strides = array<i32>} : memref<80x128xf32, #tpu.memory_space<vmem>>, vector<16xf32>,
        %add3A_245 = arith.addf %get3A_241, %get3A_244 : vector<16xf32>
        %max3A_246 = arith.constant 0.000000e+00 : f32
        %max3A_247 = vector.broadcast %max3A_246 : f32 to vector<16xf32>
        %max3A_248 = arith.maximumf %add3A_245, %max3A_247 : vector<16xf32>
        %add3A_249 = arith.addi %shift_left3A_184, %add3A_29 : vector<16xi32>
        tpu.vector_store_idx %arg12[%add3A_249], %max3A_248 {add = true} : memref<41984xf32, #tpu.memory_space<vmem>>[vector<16xi32>], vector<16xf32>,
        %get3A_250 = arith.index_cast %scan3A_181 : i32 to index
        %get3A_251 = arith.constant 96 : index
        %get3A_252 = tpu.vector_load %arg10[%get3A_250, %get3A_251] {strides = array<i32>} : memref<80x128xf32, #tpu.memory_space<vmem>>, vector<16xf32>,
        %get3A_253 = arith.index_cast %scan3A_181 : i32 to index
        %get3A_254 = arith.constant 96 : index
        %get3A_255 = tpu.vector_load %arg11[%get3A_253, %get3A_254] {strides = array<i32>} : memref<80x128xf32, #tpu.memory_space<vmem>>, vector<16xf32>,
        %add3A_256 = arith.addf %get3A_252, %get3A_255 : vector<16xf32>
        %max3A_257 = arith.constant 0.000000e+00 : f32
        %max3A_258 = vector.broadcast %max3A_257 : f32 to vector<16xf32>
        %max3A_259 = arith.maximumf %add3A_256, %max3A_258 : vector<16xf32>
        %add3A_260 = arith.addi %shift_left3A_184, %add3A_33 : vector<16xi32>
        tpu.vector_store_idx %arg12[%add3A_260], %max3A_259 {add = true} : memref<41984xf32, #tpu.memory_space<vmem>>[vector<16xi32>], vector<16xf32>,
        %get3A_261 = arith.index_cast %scan3A_181 : i32 to index
        %get3A_262 = arith.constant 112 : index
        %get3A_263 = tpu.vector_load %arg10[%get3A_261, %get3A_262] {strides = array<i32>} : memref<80x128xf32, #tpu.memory_space<vmem>>, vector<16xf32>,
        %get3A_264 = arith.index_cast %scan3A_181 : i32 to index
        %get3A_265 = arith.constant 112 : index
        %get3A_266 = tpu.vector_load %arg11[%get3A_264, %get3A_265] {strides = array<i32>} : memref<80x128xf32, #tpu.memory_space<vmem>>, vector<16xf32>,
        %add3A_267 = arith.addf %get3A_263, %get3A_266 : vector<16xf32>
        %max3A_268 = arith.constant 0.000000e+00 : f32
        %max3A_269 = vector.broadcast %max3A_268 : f32 to vector<16xf32>
        %max3A_270 = arith.maximumf %add3A_267, %max3A_269 : vector<16xf32>
        %add3A_271 = arith.addi %shift_left3A_184, %add3A_37 : vector<16xi32>
        tpu.vector_store_idx %arg12[%add3A_271], %max3A_270 {add = true} : memref<41984xf32, #tpu.memory_space<vmem>>[vector<16xi32>], vector<16xf32>,
      }
      %scan3A_180 = arith.constant 80 : i32
    }
    %scan3A_43 = arith.constant 135 : i32
    %mul3A_44 = arith.constant 320 : i32
    %mul3A_45 = arith.muli %add3A, %mul3A_44 : i32
    %mul3A_46 = arith.constant 128 : i32
    %mul3A_47 = arith.muli %mul3A_45, %mul3A_46 : i32
    "tpu.region"() ({
      %run_scoped3A = tpu.sem_alloc : memref<!tpu.dma_semaphore, #tpu.memory_space<semaphore_mem>>
      %dma_start3A = arith.constant 0 : i32
      %dma_start3A_48 = tpu.memref_slice %arg12[%dma_start3A] : memref<41984xf32, #tpu.memory_space<vmem>> -> memref<40960xf32, #tpu.memory_space<vmem>>
      %dma_start3A_49 = tpu.memref_slice %arg5[%mul3A_47] : memref<1310720xf32, #tpu.memory_space<hbm>> -> memref<40960xf32, #tpu.memory_space<hbm>>
      %dma_start3A_50 = tpu.memref_slice %arg5[%mul3A_47] : memref<1310720xf32, #tpu.memory_space<hbm>> -> memref<40960xf32, #tpu.memory_space<hbm>>
      %dma_start3A_51 = arith.constant 0 : i32
      %dma_start3A_52 = tpu.memref_slice %arg12[%dma_start3A_51] : memref<41984xf32, #tpu.memory_space<vmem>> -> memref<40960xf32, #tpu.memory_space<vmem>>
      tpu.enqueue_dma source(%dma_start3A_52 : memref<40960xf32, #tpu.memory_space<vmem>>) target(%dma_start3A_50 : memref<40960xf32, #tpu.memory_space<hbm>>) target_semaphore(%run_scoped3A : memref<!tpu.dma_semaphore, #tpu.memory_space<semaphore_mem>>)
      %dma_wait3A = arith.constant 0 : i32
      %dma_wait3A_53 = tpu.memref_slice %arg12[%dma_wait3A] : memref<41984xf32, #tpu.memory_space<vmem>> -> memref<40960xf32, #tpu.memory_space<vmem>>
      %dma_wait3A_54 = tpu.memref_slice %arg5[%mul3A_47] : memref<1310720xf32, #tpu.memory_space<hbm>> -> memref<40960xf32, #tpu.memory_space<hbm>>
      %dma_wait3A_55 = tpu.memref_slice %arg5[%mul3A_47] : memref<1310720xf32, #tpu.memory_space<hbm>> -> memref<40960xf32, #tpu.memory_space<hbm>>
      %dma_wait3A_56 = arith.constant 0 : i32
      %dma_wait3A_57 = tpu.memref_slice %arg12[%dma_wait3A_56] : memref<41984xf32, #tpu.memory_space<vmem>> -> memref<40960xf32, #tpu.memory_space<vmem>>
      tpu.wait_dma2 semaphore(%run_scoped3A : memref<!tpu.dma_semaphore, #tpu.memory_space<semaphore_mem>>) src(%dma_wait3A_57 : memref<40960xf32, #tpu.memory_space<vmem>>) dst(%dma_wait3A_55 : memref<40960xf32, #tpu.memory_space<hbm>>)
      tpu.yield
    }) : () -> ()
    return
  }
}

module attributes {stable_mosaic.version = 14 : i64} {
  func.func @_prefix_body(%arg0: i32, %arg1: memref<256x256xbf16, #tpu.memory_space<vmem>>, %arg2: memref<256x1xi32, #tpu.memory_space<vmem>>, %arg3: memref<256x1xi32, #tpu.memory_space<vmem>>, %arg4: memref<256x1xi32, #tpu.memory_space<vmem>>, %arg5: memref<256x1xi32, #tpu.memory_space<vmem>>, %arg6: memref<256x1xi32, #tpu.memory_space<vmem>>, %arg7: memref<8x128xf32, #tpu.memory_space<vmem>>) attributes {dimension_semantics = [#tpu.dimension_semantics<arbitrary>], iteration_bounds = array<i64: 1250>, scalar_prefetch = 0 : i64, scratch_operands = 1 : i64, tpu.core_type = #tpu.core_type<tc>, window_params = [{pipeline_mode = #tpu.pipeline_mode<synchronous>, transform_indices = @transform_0, window_bounds = array<i64: 256, 256>}, {transform_indices = @transform_1, window_bounds = array<i64: 256, 1>}, {transform_indices = @transform_2, window_bounds = array<i64: 256, 1>}, {transform_indices = @transform_3, window_bounds = array<i64: 256, 1>}, {transform_indices = @transform_4, window_bounds = array<i64: 256, 1>}, {transform_indices = @transform_5, window_bounds = array<i64: 256, 1>}]} {
    %eq3A = arith.constant 0 : i32
    %eq3A_0 = arith.cmpi eq, %arg0, %eq3A : i32
    %convert_element_type3A = arith.extui %eq3A_0 : i1 to i32
    %cond3A = arith.constant 0 : i32
    %cond3A_1 = arith.cmpi ne, %convert_element_type3A, %cond3A : i32
    scf.if %cond3A_1 {
      %broadcast_in_dim3A_61 = arith.constant 0.000000e+00 : f32
      %broadcast_in_dim3A_62 = vector.broadcast %broadcast_in_dim3A_61 : f32 to vector<8x128xf32>
      %swap3A_63 = arith.constant 0 : index
      %swap3A_64 = arith.constant 0 : index
      %swap3A_65 = vector.load %arg7[%swap3A_63, %swap3A_64] : memref<8x128xf32, #tpu.memory_space<vmem>>, vector<8x128xf32>
      tpu.vector_store %arg7[%swap3A_63, %swap3A_64], %broadcast_in_dim3A_62 {strides = array<i32>} : memref<8x128xf32, #tpu.memory_space<vmem>>, vector<8x128xf32>,
    } else {
    }
    %get3A = arith.constant 0 : index
    %get3A_2 = arith.constant 0 : index
    %get3A_3 = vector.load %arg3[%get3A, %get3A_2] : memref<256x1xi32, #tpu.memory_space<vmem>>, vector<256x1xi32>
    %get3A_4 = arith.constant 0 : index
    %get3A_5 = arith.constant 0 : index
    %get3A_6 = vector.load %arg2[%get3A_4, %get3A_5] : memref<256x1xi32, #tpu.memory_space<vmem>>, vector<256x1xi32>
    %get3A_7 = arith.constant 0 : index
    %get3A_8 = arith.constant 0 : index
    %get3A_9 = vector.load %arg4[%get3A_7, %get3A_8] : memref<256x1xi32, #tpu.memory_space<vmem>>, vector<256x1xi32>
    %mul3A = arith.constant 13108 : i32
    %mul3A_10 = vector.broadcast %mul3A : i32 to vector<256x1xi32>
    %mul3A_11 = arith.muli %get3A_3, %mul3A_10 : vector<256x1xi32>
    %shift_right_arithmetic3A = arith.constant 22 : i32
    %shift_right_arithmetic3A_12 = vector.broadcast %shift_right_arithmetic3A : i32 to vector<256x1xi32>
    %shift_right_arithmetic3A_13 = arith.shrsi %mul3A_11, %shift_right_arithmetic3A_12 : vector<256x1xi32>
    %iota3A = tpu.iota {dimensions = array<i32: 1>} : vector<1x128xi32>
    %iota3A_14 = vector.shape_cast %iota3A : vector<1x128xi32> to vector<128xi32>
    %broadcast_in_dim3A = vector.shape_cast %iota3A_14 : vector<128xi32> to vector<1x128xi32>
    %eq3A_15 = vector.broadcast %shift_right_arithmetic3A_13 : vector<256x1xi32> to vector<256x128xi32>
    %eq3A_16 = vector.broadcast %broadcast_in_dim3A : vector<1x128xi32> to vector<256x128xi32>
    %eq3A_17 = arith.cmpi eq, %eq3A_15, %eq3A_16 : vector<256x128xi32>
    %convert_element_type3A_18 = arith.extui %eq3A_17 : vector<256x128xi1> to vector<256x128xi32>
    %convert_element_type3A_19 = arith.sitofp %convert_element_type3A_18 : vector<256x128xi32> to vector<256x128xf32>
    %convert_element_type3A_20 = arith.truncf %convert_element_type3A_19 : vector<256x128xf32> to vector<256x128xbf16>
    %get3A_21 = arith.constant 0 : index
    %get3A_22 = arith.constant 0 : index
    %get3A_23 = vector.load %arg1[%get3A_21, %get3A_22] : memref<256x256xbf16, #tpu.memory_space<vmem>>, vector<256x256xbf16>
    %dot_general3A = arith.constant dense<0.000000e+00> : vector<256x128xf32>
    %dot_general3A_24 = tpu.matmul %get3A_23, %convert_element_type3A_20, %dot_general3A {dimension_numbers = #tpu.dot_dimension_numbers<[1], [0], [0], [1], [0, 0, 1, 1], [], []>, transpose_lhs_hint = false} : vector<256x256xbf16>, vector<256x128xbf16>, vector<256x128xf32> -> vector<256x128xf32>
    %convert_element_type3A_25 = arith.extf %convert_element_type3A_20 : vector<256x128xbf16> to vector<256x128xf32>
    %get3A_26 = arith.constant 0 : index
    %get3A_27 = arith.constant 0 : index
    %get3A_28 = vector.load %arg7[%get3A_26, %get3A_27] : memref<8x128xf32, #tpu.memory_space<vmem>>, vector<1x128xf32>
    %add3A = vector.broadcast %get3A_28 : vector<1x128xf32> to vector<256x128xf32>
    %add3A_29 = arith.addf %dot_general3A_24, %add3A : vector<256x128xf32>
    %mul3A_30 = arith.mulf %add3A_29, %convert_element_type3A_25 : vector<256x128xf32>
    %reduce_sum3A = arith.constant dense<0.000000e+00> : vector<256xf32>
    %reduce_sum3A_31 = vector.multi_reduction <add>, %mul3A_30, %reduce_sum3A [1] : vector<256x128xf32> to vector<256xf32>
    %broadcast_in_dim3A_32 = vector.shape_cast %reduce_sum3A_31 : vector<256xf32> to vector<256x1xf32>
    %convert_element_type3A_33 = arith.fptosi %broadcast_in_dim3A_32 : vector<256x1xf32> to vector<256x1xi32>
    %min3A = arith.constant 10808 : i32
    %min3A_34 = vector.broadcast %min3A : i32 to vector<256x1xi32>
    %min3A_35 = arith.minsi %convert_element_type3A_33, %min3A_34 : vector<256x1xi32>
    %mul3A_36 = arith.constant 10816 : i32
    %mul3A_37 = vector.broadcast %mul3A_36 : i32 to vector<256x1xi32>
    %mul3A_38 = arith.muli %shift_right_arithmetic3A_13, %mul3A_37 : vector<256x1xi32>
    %add3A_39 = arith.addi %mul3A_38, %min3A_35 : vector<256x1xi32>
    %swap3A = arith.constant 0 : index
    %swap3A_40 = arith.constant 0 : index
    %swap3A_41 = vector.load %arg5[%swap3A, %swap3A_40] : memref<256x1xi32, #tpu.memory_space<vmem>>, vector<256x1xi32>
    tpu.vector_store %arg5[%swap3A, %swap3A_40], %add3A_39 {strides = array<i32>} : memref<256x1xi32, #tpu.memory_space<vmem>>, vector<256x1xi32>,
    %mul3A_42 = arith.constant 320 : i32
    %mul3A_43 = vector.broadcast %mul3A_42 : i32 to vector<256x1xi32>
    %mul3A_44 = arith.muli %shift_right_arithmetic3A_13, %mul3A_43 : vector<256x1xi32>
    %sub3A = arith.subi %get3A_3, %mul3A_44 : vector<256x1xi32>
    %shift_left3A = arith.constant 14 : i32
    %shift_left3A_45 = vector.broadcast %shift_left3A : i32 to vector<256x1xi32>
    %shift_left3A_46 = arith.shli %get3A_9, %shift_left3A_45 : vector<256x1xi32>
    %or3A = arith.ori %get3A_6, %shift_left3A_46 : vector<256x1xi32>
    %shift_left3A_47 = arith.constant 20 : i32
    %shift_left3A_48 = vector.broadcast %shift_left3A_47 : i32 to vector<256x1xi32>
    %shift_left3A_49 = arith.shli %sub3A, %shift_left3A_48 : vector<256x1xi32>
    %or3A_50 = arith.ori %or3A, %shift_left3A_49 : vector<256x1xi32>
    %swap3A_51 = arith.constant 0 : index
    %swap3A_52 = arith.constant 0 : index
    %swap3A_53 = vector.load %arg6[%swap3A_51, %swap3A_52] : memref<256x1xi32, #tpu.memory_space<vmem>>, vector<256x1xi32>
    tpu.vector_store %arg6[%swap3A_51, %swap3A_52], %or3A_50 {strides = array<i32>} : memref<256x1xi32, #tpu.memory_space<vmem>>, vector<256x1xi32>,
    %reduce_sum3A_54 = arith.constant dense<0.000000e+00> : vector<128xf32>
    %reduce_sum3A_55 = vector.multi_reduction <add>, %convert_element_type3A_25, %reduce_sum3A_54 [0] : vector<256x128xf32> to vector<128xf32>
    %broadcast_in_dim3A_56 = vector.shape_cast %reduce_sum3A_55 : vector<128xf32> to vector<1x128xf32>
    %add3A_57 = arith.addf %get3A_28, %broadcast_in_dim3A_56 : vector<1x128xf32>
    %swap3A_58 = arith.constant 0 : index
    %swap3A_59 = arith.constant 0 : index
    %swap3A_60 = vector.load %arg7[%swap3A_58, %swap3A_59] : memref<8x128xf32, #tpu.memory_space<vmem>>, vector<1x128xf32>
    tpu.vector_store %arg7[%swap3A_58, %swap3A_59], %add3A_57 {strides = array<i32>} : memref<8x128xf32, #tpu.memory_space<vmem>>, vector<1x128xf32>,
    return
  }
  func.func @transform_0(%arg0: i32) -> (i32, i32) {
    %c0_i32 = arith.constant 0 : i32
    %c0_i32_0 = arith.constant 0 : i32
    %c0_i32_1 = arith.constant 0 : i32
    return %c0_i32, %c0_i32_0 : i32, i32
  }
  func.func @transform_1(%arg0: i32) -> (i32, i32) {
    %c0_i32 = arith.constant 0 : i32
    %c0_i32_0 = arith.constant 0 : i32
    return %arg0, %c0_i32 : i32, i32
  }
  func.func @transform_2(%arg0: i32) -> (i32, i32) {
    %c0_i32 = arith.constant 0 : i32
    %c0_i32_0 = arith.constant 0 : i32
    return %arg0, %c0_i32 : i32, i32
  }
  func.func @transform_3(%arg0: i32) -> (i32, i32) {
    %c0_i32 = arith.constant 0 : i32
    %c0_i32_0 = arith.constant 0 : i32
    return %arg0, %c0_i32 : i32, i32
  }
  func.func @transform_4(%arg0: i32) -> (i32, i32) {
    %c0_i32 = arith.constant 0 : i32
    %c0_i32_0 = arith.constant 0 : i32
    return %arg0, %c0_i32 : i32, i32
  }
  func.func @transform_5(%arg0: i32) -> (i32, i32) {
    %c0_i32 = arith.constant 0 : i32
    %c0_i32_0 = arith.constant 0 : i32
    return %arg0, %c0_i32 : i32, i32
  }
}

module attributes {stable_mosaic.version = 14 : i64} {
  func.func @_atom_body(%arg0: i32, %arg1: memref<1000x9xi32, #tpu.memory_space<vmem>>, %arg2: memref<176x128xf32, #tpu.memory_space<vmem>>, %arg3: memref<1000x128xf32, #tpu.memory_space<vmem>>) attributes {dimension_semantics = [#tpu.dimension_semantics<arbitrary>], iteration_bounds = array<i64: 10>, scalar_prefetch = 0 : i64, scratch_operands = 0 : i64, tpu.core_type = #tpu.core_type<tc>, window_params = [{transform_indices = @transform_0, window_bounds = array<i64: 1000, 9>}, {pipeline_mode = #tpu.pipeline_mode<synchronous>, transform_indices = @transform_1, window_bounds = array<i64: 176, 128>}, {transform_indices = @transform_2, window_bounds = array<i64: 1000, 128>}]} {
    %get3A = arith.constant 0 : index
    %get3A_0 = arith.constant 0 : index
    %get3A_1 = vector.load %arg1[%get3A, %get3A_0] : memref<1000x9xi32, #tpu.memory_space<vmem>>, vector<1000x9xi32>
    %broadcast_in_dim3A = arith.constant 0.000000e+00 : f32
    %broadcast_in_dim3A_2 = vector.broadcast %broadcast_in_dim3A : f32 to vector<1000x128xf32>
    %slice3A = vector.extract_strided_slice %get3A_1 {offsets = [0, 0], sizes = [1000, 1], strides = [1, 1]} : vector<1000x9xi32> to vector<1000x1xi32>
    %squeeze3A = vector.shape_cast %slice3A : vector<1000x1xi32> to vector<1000xi32>
    %broadcast_in_dim3A_3 = vector.shape_cast %squeeze3A : vector<1000xi32> to vector<1000x1xi32>
    %broadcast_in_dim3A_4 = arith.constant 0.000000e+00 : f32
    %broadcast_in_dim3A_5 = vector.broadcast %broadcast_in_dim3A_4 : f32 to vector<1000x128xf32>
    %scan3A = arith.constant 0 : i32
    %scan3A_6 = arith.constant 119 : i32
    %scan3A_7 = arith.addi %scan3A, %scan3A_6 : i32
    %scan3A_8 = arith.constant 1 : i32
    %scan3A_9 = scf.for %scan3A_109 = %scan3A to %scan3A_7 step %scan3A_8 iter_args(%scan3A_110 = %broadcast_in_dim3A_5) -> (vector<1000x128xf32>)  : i32 {
      %add3A_111 = arith.constant 0 : i32
      %add3A_112 = arith.addi %add3A_111, %scan3A_109 : i32
      %get3A_113 = arith.index_cast %add3A_112 : i32 to index
      %get3A_114 = arith.constant 0 : index
      %get3A_115 = vector.load %arg2[%get3A_113, %get3A_114] : memref<176x128xf32, #tpu.memory_space<vmem>>, vector<1x128xf32>
      %eq3A = vector.broadcast %scan3A_109 : i32 to vector<1000x1xi32>
      %eq3A_116 = arith.cmpi eq, %broadcast_in_dim3A_3, %eq3A : vector<1000x1xi32>
      %jit3A = arith.constant 0.000000e+00 : f32
      %broadcast_in_dim3A_117 = vector.shape_cast %eq3A_116 : vector<1000x1xi1> to vector<1000x1xi1>
      %broadcast_in_dim3A_118 = vector.broadcast %broadcast_in_dim3A_117 : vector<1000x1xi1> to vector<1000x128xi1>
      %broadcast_in_dim3A_119 = vector.shape_cast %get3A_115 : vector<1x128xf32> to vector<1x128xf32>
      %broadcast_in_dim3A_120 = vector.broadcast %broadcast_in_dim3A_119 : vector<1x128xf32> to vector<1000x128xf32>
      %broadcast_in_dim3A_121 = vector.broadcast %jit3A : f32 to vector<1000x128xf32>
      %select_n3A = arith.select %broadcast_in_dim3A_118, %broadcast_in_dim3A_120, %broadcast_in_dim3A_121 : vector<1000x128xi1>, vector<1000x128xf32>
      %add3A_122 = arith.addf %scan3A_110, %select_n3A : vector<1000x128xf32>
      scf.yield %add3A_122 : vector<1000x128xf32>
    }
    %scan3A_10 = arith.constant 119 : i32
    %add3A = arith.addf %broadcast_in_dim3A_2, %scan3A_9 : vector<1000x128xf32>
    %slice3A_11 = vector.extract_strided_slice %get3A_1 {offsets = [0, 1], sizes = [1000, 1], strides = [1, 1]} : vector<1000x9xi32> to vector<1000x1xi32>
    %squeeze3A_12 = vector.shape_cast %slice3A_11 : vector<1000x1xi32> to vector<1000xi32>
    %broadcast_in_dim3A_13 = vector.shape_cast %squeeze3A_12 : vector<1000xi32> to vector<1000x1xi32>
    %broadcast_in_dim3A_14 = arith.constant 0.000000e+00 : f32
    %broadcast_in_dim3A_15 = vector.broadcast %broadcast_in_dim3A_14 : f32 to vector<1000x128xf32>
    %scan3A_16 = arith.constant 0 : i32
    %scan3A_17 = arith.constant 4 : i32
    %scan3A_18 = arith.addi %scan3A_16, %scan3A_17 : i32
    %scan3A_19 = arith.constant 1 : i32
    %scan3A_20 = scf.for %scan3A_109 = %scan3A_16 to %scan3A_18 step %scan3A_19 iter_args(%scan3A_110 = %broadcast_in_dim3A_15) -> (vector<1000x128xf32>)  : i32 {
      %add3A_111 = arith.constant 119 : i32
      %add3A_112 = arith.addi %add3A_111, %scan3A_109 : i32
      %get3A_113 = arith.index_cast %add3A_112 : i32 to index
      %get3A_114 = arith.constant 0 : index
      %get3A_115 = vector.load %arg2[%get3A_113, %get3A_114] : memref<176x128xf32, #tpu.memory_space<vmem>>, vector<1x128xf32>
      %eq3A = vector.broadcast %scan3A_109 : i32 to vector<1000x1xi32>
      %eq3A_116 = arith.cmpi eq, %broadcast_in_dim3A_13, %eq3A : vector<1000x1xi32>
      %jit3A = arith.constant 0.000000e+00 : f32
      %broadcast_in_dim3A_117 = vector.shape_cast %eq3A_116 : vector<1000x1xi1> to vector<1000x1xi1>
      %broadcast_in_dim3A_118 = vector.broadcast %broadcast_in_dim3A_117 : vector<1000x1xi1> to vector<1000x128xi1>
      %broadcast_in_dim3A_119 = vector.shape_cast %get3A_115 : vector<1x128xf32> to vector<1x128xf32>
      %broadcast_in_dim3A_120 = vector.broadcast %broadcast_in_dim3A_119 : vector<1x128xf32> to vector<1000x128xf32>
      %broadcast_in_dim3A_121 = vector.broadcast %jit3A : f32 to vector<1000x128xf32>
      %select_n3A = arith.select %broadcast_in_dim3A_118, %broadcast_in_dim3A_120, %broadcast_in_dim3A_121 : vector<1000x128xi1>, vector<1000x128xf32>
      %add3A_122 = arith.addf %scan3A_110, %select_n3A : vector<1000x128xf32>
      scf.yield %add3A_122 : vector<1000x128xf32>
    }
    %scan3A_21 = arith.constant 4 : i32
    %add3A_22 = arith.addf %add3A, %scan3A_20 : vector<1000x128xf32>
    %slice3A_23 = vector.extract_strided_slice %get3A_1 {offsets = [0, 2], sizes = [1000, 1], strides = [1, 1]} : vector<1000x9xi32> to vector<1000x1xi32>
    %squeeze3A_24 = vector.shape_cast %slice3A_23 : vector<1000x1xi32> to vector<1000xi32>
    %broadcast_in_dim3A_25 = vector.shape_cast %squeeze3A_24 : vector<1000xi32> to vector<1000x1xi32>
    %broadcast_in_dim3A_26 = arith.constant 0.000000e+00 : f32
    %broadcast_in_dim3A_27 = vector.broadcast %broadcast_in_dim3A_26 : f32 to vector<1000x128xf32>
    %scan3A_28 = arith.constant 0 : i32
    %scan3A_29 = arith.constant 12 : i32
    %scan3A_30 = arith.addi %scan3A_28, %scan3A_29 : i32
    %scan3A_31 = arith.constant 1 : i32
    %scan3A_32 = scf.for %scan3A_109 = %scan3A_28 to %scan3A_30 step %scan3A_31 iter_args(%scan3A_110 = %broadcast_in_dim3A_27) -> (vector<1000x128xf32>)  : i32 {
      %add3A_111 = arith.constant 123 : i32
      %add3A_112 = arith.addi %add3A_111, %scan3A_109 : i32
      %get3A_113 = arith.index_cast %add3A_112 : i32 to index
      %get3A_114 = arith.constant 0 : index
      %get3A_115 = vector.load %arg2[%get3A_113, %get3A_114] : memref<176x128xf32, #tpu.memory_space<vmem>>, vector<1x128xf32>
      %eq3A = vector.broadcast %scan3A_109 : i32 to vector<1000x1xi32>
      %eq3A_116 = arith.cmpi eq, %broadcast_in_dim3A_25, %eq3A : vector<1000x1xi32>
      %jit3A = arith.constant 0.000000e+00 : f32
      %broadcast_in_dim3A_117 = vector.shape_cast %eq3A_116 : vector<1000x1xi1> to vector<1000x1xi1>
      %broadcast_in_dim3A_118 = vector.broadcast %broadcast_in_dim3A_117 : vector<1000x1xi1> to vector<1000x128xi1>
      %broadcast_in_dim3A_119 = vector.shape_cast %get3A_115 : vector<1x128xf32> to vector<1x128xf32>
      %broadcast_in_dim3A_120 = vector.broadcast %broadcast_in_dim3A_119 : vector<1x128xf32> to vector<1000x128xf32>
      %broadcast_in_dim3A_121 = vector.broadcast %jit3A : f32 to vector<1000x128xf32>
      %select_n3A = arith.select %broadcast_in_dim3A_118, %broadcast_in_dim3A_120, %broadcast_in_dim3A_121 : vector<1000x128xi1>, vector<1000x128xf32>
      %add3A_122 = arith.addf %scan3A_110, %select_n3A : vector<1000x128xf32>
      scf.yield %add3A_122 : vector<1000x128xf32>
    }
    %scan3A_33 = arith.constant 12 : i32
    %add3A_34 = arith.addf %add3A_22, %scan3A_32 : vector<1000x128xf32>
    %slice3A_35 = vector.extract_strided_slice %get3A_1 {offsets = [0, 3], sizes = [1000, 1], strides = [1, 1]} : vector<1000x9xi32> to vector<1000x1xi32>
    %squeeze3A_36 = vector.shape_cast %slice3A_35 : vector<1000x1xi32> to vector<1000xi32>
    %broadcast_in_dim3A_37 = vector.shape_cast %squeeze3A_36 : vector<1000xi32> to vector<1000x1xi32>
    %broadcast_in_dim3A_38 = arith.constant 0.000000e+00 : f32
    %broadcast_in_dim3A_39 = vector.broadcast %broadcast_in_dim3A_38 : f32 to vector<1000x128xf32>
    %scan3A_40 = arith.constant 0 : i32
    %scan3A_41 = arith.constant 12 : i32
    %scan3A_42 = arith.addi %scan3A_40, %scan3A_41 : i32
    %scan3A_43 = arith.constant 1 : i32
    %scan3A_44 = scf.for %scan3A_109 = %scan3A_40 to %scan3A_42 step %scan3A_43 iter_args(%scan3A_110 = %broadcast_in_dim3A_39) -> (vector<1000x128xf32>)  : i32 {
      %add3A_111 = arith.constant 135 : i32
      %add3A_112 = arith.addi %add3A_111, %scan3A_109 : i32
      %get3A_113 = arith.index_cast %add3A_112 : i32 to index
      %get3A_114 = arith.constant 0 : index
      %get3A_115 = vector.load %arg2[%get3A_113, %get3A_114] : memref<176x128xf32, #tpu.memory_space<vmem>>, vector<1x128xf32>
      %eq3A = vector.broadcast %scan3A_109 : i32 to vector<1000x1xi32>
      %eq3A_116 = arith.cmpi eq, %broadcast_in_dim3A_37, %eq3A : vector<1000x1xi32>
      %jit3A = arith.constant 0.000000e+00 : f32
      %broadcast_in_dim3A_117 = vector.shape_cast %eq3A_116 : vector<1000x1xi1> to vector<1000x1xi1>
      %broadcast_in_dim3A_118 = vector.broadcast %broadcast_in_dim3A_117 : vector<1000x1xi1> to vector<1000x128xi1>
      %broadcast_in_dim3A_119 = vector.shape_cast %get3A_115 : vector<1x128xf32> to vector<1x128xf32>
      %broadcast_in_dim3A_120 = vector.broadcast %broadcast_in_dim3A_119 : vector<1x128xf32> to vector<1000x128xf32>
      %broadcast_in_dim3A_121 = vector.broadcast %jit3A : f32 to vector<1000x128xf32>
      %select_n3A = arith.select %broadcast_in_dim3A_118, %broadcast_in_dim3A_120, %broadcast_in_dim3A_121 : vector<1000x128xi1>, vector<1000x128xf32>
      %add3A_122 = arith.addf %scan3A_110, %select_n3A : vector<1000x128xf32>
      scf.yield %add3A_122 : vector<1000x128xf32>
    }
    %scan3A_45 = arith.constant 12 : i32
    %add3A_46 = arith.addf %add3A_34, %scan3A_44 : vector<1000x128xf32>
    %slice3A_47 = vector.extract_strided_slice %get3A_1 {offsets = [0, 4], sizes = [1000, 1], strides = [1, 1]} : vector<1000x9xi32> to vector<1000x1xi32>
    %squeeze3A_48 = vector.shape_cast %slice3A_47 : vector<1000x1xi32> to vector<1000xi32>
    %broadcast_in_dim3A_49 = vector.shape_cast %squeeze3A_48 : vector<1000xi32> to vector<1000x1xi32>
    %broadcast_in_dim3A_50 = arith.constant 0.000000e+00 : f32
    %broadcast_in_dim3A_51 = vector.broadcast %broadcast_in_dim3A_50 : f32 to vector<1000x128xf32>
    %scan3A_52 = arith.constant 0 : i32
    %scan3A_53 = arith.constant 10 : i32
    %scan3A_54 = arith.addi %scan3A_52, %scan3A_53 : i32
    %scan3A_55 = arith.constant 1 : i32
    %scan3A_56 = scf.for %scan3A_109 = %scan3A_52 to %scan3A_54 step %scan3A_55 iter_args(%scan3A_110 = %broadcast_in_dim3A_51) -> (vector<1000x128xf32>)  : i32 {
      %add3A_111 = arith.constant 147 : i32
      %add3A_112 = arith.addi %add3A_111, %scan3A_109 : i32
      %get3A_113 = arith.index_cast %add3A_112 : i32 to index
      %get3A_114 = arith.constant 0 : index
      %get3A_115 = vector.load %arg2[%get3A_113, %get3A_114] : memref<176x128xf32, #tpu.memory_space<vmem>>, vector<1x128xf32>
      %eq3A = vector.broadcast %scan3A_109 : i32 to vector<1000x1xi32>
      %eq3A_116 = arith.cmpi eq, %broadcast_in_dim3A_49, %eq3A : vector<1000x1xi32>
      %jit3A = arith.constant 0.000000e+00 : f32
      %broadcast_in_dim3A_117 = vector.shape_cast %eq3A_116 : vector<1000x1xi1> to vector<1000x1xi1>
      %broadcast_in_dim3A_118 = vector.broadcast %broadcast_in_dim3A_117 : vector<1000x1xi1> to vector<1000x128xi1>
      %broadcast_in_dim3A_119 = vector.shape_cast %get3A_115 : vector<1x128xf32> to vector<1x128xf32>
      %broadcast_in_dim3A_120 = vector.broadcast %broadcast_in_dim3A_119 : vector<1x128xf32> to vector<1000x128xf32>
      %broadcast_in_dim3A_121 = vector.broadcast %jit3A : f32 to vector<1000x128xf32>
      %select_n3A = arith.select %broadcast_in_dim3A_118, %broadcast_in_dim3A_120, %broadcast_in_dim3A_121 : vector<1000x128xi1>, vector<1000x128xf32>
      %add3A_122 = arith.addf %scan3A_110, %select_n3A : vector<1000x128xf32>
      scf.yield %add3A_122 : vector<1000x128xf32>
    }
    %scan3A_57 = arith.constant 10 : i32
    %add3A_58 = arith.addf %add3A_46, %scan3A_56 : vector<1000x128xf32>
    %slice3A_59 = vector.extract_strided_slice %get3A_1 {offsets = [0, 5], sizes = [1000, 1], strides = [1, 1]} : vector<1000x9xi32> to vector<1000x1xi32>
    %squeeze3A_60 = vector.shape_cast %slice3A_59 : vector<1000x1xi32> to vector<1000xi32>
    %broadcast_in_dim3A_61 = vector.shape_cast %squeeze3A_60 : vector<1000xi32> to vector<1000x1xi32>
    %broadcast_in_dim3A_62 = arith.constant 0.000000e+00 : f32
    %broadcast_in_dim3A_63 = vector.broadcast %broadcast_in_dim3A_62 : f32 to vector<1000x128xf32>
    %scan3A_64 = arith.constant 0 : i32
    %scan3A_65 = arith.constant 6 : i32
    %scan3A_66 = arith.addi %scan3A_64, %scan3A_65 : i32
    %scan3A_67 = arith.constant 1 : i32
    %scan3A_68 = scf.for %scan3A_109 = %scan3A_64 to %scan3A_66 step %scan3A_67 iter_args(%scan3A_110 = %broadcast_in_dim3A_63) -> (vector<1000x128xf32>)  : i32 {
      %add3A_111 = arith.constant 157 : i32
      %add3A_112 = arith.addi %add3A_111, %scan3A_109 : i32
      %get3A_113 = arith.index_cast %add3A_112 : i32 to index
      %get3A_114 = arith.constant 0 : index
      %get3A_115 = vector.load %arg2[%get3A_113, %get3A_114] : memref<176x128xf32, #tpu.memory_space<vmem>>, vector<1x128xf32>
      %eq3A = vector.broadcast %scan3A_109 : i32 to vector<1000x1xi32>
      %eq3A_116 = arith.cmpi eq, %broadcast_in_dim3A_61, %eq3A : vector<1000x1xi32>
      %jit3A = arith.constant 0.000000e+00 : f32
      %broadcast_in_dim3A_117 = vector.shape_cast %eq3A_116 : vector<1000x1xi1> to vector<1000x1xi1>
      %broadcast_in_dim3A_118 = vector.broadcast %broadcast_in_dim3A_117 : vector<1000x1xi1> to vector<1000x128xi1>
      %broadcast_in_dim3A_119 = vector.shape_cast %get3A_115 : vector<1x128xf32> to vector<1x128xf32>
      %broadcast_in_dim3A_120 = vector.broadcast %broadcast_in_dim3A_119 : vector<1x128xf32> to vector<1000x128xf32>
      %broadcast_in_dim3A_121 = vector.broadcast %jit3A : f32 to vector<1000x128xf32>
      %select_n3A = arith.select %broadcast_in_dim3A_118, %broadcast_in_dim3A_120, %broadcast_in_dim3A_121 : vector<1000x128xi1>, vector<1000x128xf32>
      %add3A_122 = arith.addf %scan3A_110, %select_n3A : vector<1000x128xf32>
      scf.yield %add3A_122 : vector<1000x128xf32>
    }
    %scan3A_69 = arith.constant 6 : i32
    %add3A_70 = arith.addf %add3A_58, %scan3A_68 : vector<1000x128xf32>
    %slice3A_71 = vector.extract_strided_slice %get3A_1 {offsets = [0, 6], sizes = [1000, 1], strides = [1, 1]} : vector<1000x9xi32> to vector<1000x1xi32>
    %squeeze3A_72 = vector.shape_cast %slice3A_71 : vector<1000x1xi32> to vector<1000xi32>
    %broadcast_in_dim3A_73 = vector.shape_cast %squeeze3A_72 : vector<1000xi32> to vector<1000x1xi32>
    %broadcast_in_dim3A_74 = arith.constant 0.000000e+00 : f32
    %broadcast_in_dim3A_75 = vector.broadcast %broadcast_in_dim3A_74 : f32 to vector<1000x128xf32>
    %scan3A_76 = arith.constant 0 : i32
    %scan3A_77 = arith.constant 6 : i32
    %scan3A_78 = arith.addi %scan3A_76, %scan3A_77 : i32
    %scan3A_79 = arith.constant 1 : i32
    %scan3A_80 = scf.for %scan3A_109 = %scan3A_76 to %scan3A_78 step %scan3A_79 iter_args(%scan3A_110 = %broadcast_in_dim3A_75) -> (vector<1000x128xf32>)  : i32 {
      %add3A_111 = arith.constant 163 : i32
      %add3A_112 = arith.addi %add3A_111, %scan3A_109 : i32
      %get3A_113 = arith.index_cast %add3A_112 : i32 to index
      %get3A_114 = arith.constant 0 : index
      %get3A_115 = vector.load %arg2[%get3A_113, %get3A_114] : memref<176x128xf32, #tpu.memory_space<vmem>>, vector<1x128xf32>
      %eq3A = vector.broadcast %scan3A_109 : i32 to vector<1000x1xi32>
      %eq3A_116 = arith.cmpi eq, %broadcast_in_dim3A_73, %eq3A : vector<1000x1xi32>
      %jit3A = arith.constant 0.000000e+00 : f32
      %broadcast_in_dim3A_117 = vector.shape_cast %eq3A_116 : vector<1000x1xi1> to vector<1000x1xi1>
      %broadcast_in_dim3A_118 = vector.broadcast %broadcast_in_dim3A_117 : vector<1000x1xi1> to vector<1000x128xi1>
      %broadcast_in_dim3A_119 = vector.shape_cast %get3A_115 : vector<1x128xf32> to vector<1x128xf32>
      %broadcast_in_dim3A_120 = vector.broadcast %broadcast_in_dim3A_119 : vector<1x128xf32> to vector<1000x128xf32>
      %broadcast_in_dim3A_121 = vector.broadcast %jit3A : f32 to vector<1000x128xf32>
      %select_n3A = arith.select %broadcast_in_dim3A_118, %broadcast_in_dim3A_120, %broadcast_in_dim3A_121 : vector<1000x128xi1>, vector<1000x128xf32>
      %add3A_122 = arith.addf %scan3A_110, %select_n3A : vector<1000x128xf32>
      scf.yield %add3A_122 : vector<1000x128xf32>
    }
    %scan3A_81 = arith.constant 6 : i32
    %add3A_82 = arith.addf %add3A_70, %scan3A_80 : vector<1000x128xf32>
    %slice3A_83 = vector.extract_strided_slice %get3A_1 {offsets = [0, 7], sizes = [1000, 1], strides = [1, 1]} : vector<1000x9xi32> to vector<1000x1xi32>
    %squeeze3A_84 = vector.shape_cast %slice3A_83 : vector<1000x1xi32> to vector<1000xi32>
    %broadcast_in_dim3A_85 = vector.shape_cast %squeeze3A_84 : vector<1000xi32> to vector<1000x1xi32>
    %broadcast_in_dim3A_86 = arith.constant 0.000000e+00 : f32
    %broadcast_in_dim3A_87 = vector.broadcast %broadcast_in_dim3A_86 : f32 to vector<1000x128xf32>
    %scan3A_88 = arith.constant 0 : i32
    %scan3A_89 = arith.constant 2 : i32
    %scan3A_90 = arith.addi %scan3A_88, %scan3A_89 : i32
    %scan3A_91 = arith.constant 1 : i32
    %scan3A_92 = scf.for %scan3A_109 = %scan3A_88 to %scan3A_90 step %scan3A_91 iter_args(%scan3A_110 = %broadcast_in_dim3A_87) -> (vector<1000x128xf32>)  : i32 {
      %add3A_111 = arith.constant 169 : i32
      %add3A_112 = arith.addi %add3A_111, %scan3A_109 : i32
      %get3A_113 = arith.index_cast %add3A_112 : i32 to index
      %get3A_114 = arith.constant 0 : index
      %get3A_115 = vector.load %arg2[%get3A_113, %get3A_114] : memref<176x128xf32, #tpu.memory_space<vmem>>, vector<1x128xf32>
      %eq3A = vector.broadcast %scan3A_109 : i32 to vector<1000x1xi32>
      %eq3A_116 = arith.cmpi eq, %broadcast_in_dim3A_85, %eq3A : vector<1000x1xi32>
      %jit3A = arith.constant 0.000000e+00 : f32
      %broadcast_in_dim3A_117 = vector.shape_cast %eq3A_116 : vector<1000x1xi1> to vector<1000x1xi1>
      %broadcast_in_dim3A_118 = vector.broadcast %broadcast_in_dim3A_117 : vector<1000x1xi1> to vector<1000x128xi1>
      %broadcast_in_dim3A_119 = vector.shape_cast %get3A_115 : vector<1x128xf32> to vector<1x128xf32>
      %broadcast_in_dim3A_120 = vector.broadcast %broadcast_in_dim3A_119 : vector<1x128xf32> to vector<1000x128xf32>
      %broadcast_in_dim3A_121 = vector.broadcast %jit3A : f32 to vector<1000x128xf32>
      %select_n3A = arith.select %broadcast_in_dim3A_118, %broadcast_in_dim3A_120, %broadcast_in_dim3A_121 : vector<1000x128xi1>, vector<1000x128xf32>
      %add3A_122 = arith.addf %scan3A_110, %select_n3A : vector<1000x128xf32>
      scf.yield %add3A_122 : vector<1000x128xf32>
    }
    %scan3A_93 = arith.constant 2 : i32
    %add3A_94 = arith.addf %add3A_82, %scan3A_92 : vector<1000x128xf32>
    %slice3A_95 = vector.extract_strided_slice %get3A_1 {offsets = [0, 8], sizes = [1000, 1], strides = [1, 1]} : vector<1000x9xi32> to vector<1000x1xi32>
    %squeeze3A_96 = vector.shape_cast %slice3A_95 : vector<1000x1xi32> to vector<1000xi32>
    %broadcast_in_dim3A_97 = vector.shape_cast %squeeze3A_96 : vector<1000xi32> to vector<1000x1xi32>
    %broadcast_in_dim3A_98 = arith.constant 0.000000e+00 : f32
    %broadcast_in_dim3A_99 = vector.broadcast %broadcast_in_dim3A_98 : f32 to vector<1000x128xf32>
    %scan3A_100 = arith.constant 0 : i32
    %scan3A_101 = arith.constant 2 : i32
    %scan3A_102 = arith.addi %scan3A_100, %scan3A_101 : i32
    %scan3A_103 = arith.constant 1 : i32
    %scan3A_104 = scf.for %scan3A_109 = %scan3A_100 to %scan3A_102 step %scan3A_103 iter_args(%scan3A_110 = %broadcast_in_dim3A_99) -> (vector<1000x128xf32>)  : i32 {
      %add3A_111 = arith.constant 171 : i32
      %add3A_112 = arith.addi %add3A_111, %scan3A_109 : i32
      %get3A_113 = arith.index_cast %add3A_112 : i32 to index
      %get3A_114 = arith.constant 0 : index
      %get3A_115 = vector.load %arg2[%get3A_113, %get3A_114] : memref<176x128xf32, #tpu.memory_space<vmem>>, vector<1x128xf32>
      %eq3A = vector.broadcast %scan3A_109 : i32 to vector<1000x1xi32>
      %eq3A_116 = arith.cmpi eq, %broadcast_in_dim3A_97, %eq3A : vector<1000x1xi32>
      %jit3A = arith.constant 0.000000e+00 : f32
      %broadcast_in_dim3A_117 = vector.shape_cast %eq3A_116 : vector<1000x1xi1> to vector<1000x1xi1>
      %broadcast_in_dim3A_118 = vector.broadcast %broadcast_in_dim3A_117 : vector<1000x1xi1> to vector<1000x128xi1>
      %broadcast_in_dim3A_119 = vector.shape_cast %get3A_115 : vector<1x128xf32> to vector<1x128xf32>
      %broadcast_in_dim3A_120 = vector.broadcast %broadcast_in_dim3A_119 : vector<1x128xf32> to vector<1000x128xf32>
      %broadcast_in_dim3A_121 = vector.broadcast %jit3A : f32 to vector<1000x128xf32>
      %select_n3A = arith.select %broadcast_in_dim3A_118, %broadcast_in_dim3A_120, %broadcast_in_dim3A_121 : vector<1000x128xi1>, vector<1000x128xf32>
      %add3A_122 = arith.addf %scan3A_110, %select_n3A : vector<1000x128xf32>
      scf.yield %add3A_122 : vector<1000x128xf32>
    }
    %scan3A_105 = arith.constant 2 : i32
    %add3A_106 = arith.addf %add3A_94, %scan3A_104 : vector<1000x128xf32>
    %swap3A = arith.constant 0 : index
    %swap3A_107 = arith.constant 0 : index
    %swap3A_108 = vector.load %arg3[%swap3A, %swap3A_107] : memref<1000x128xf32, #tpu.memory_space<vmem>>, vector<1000x128xf32>
    tpu.vector_store %arg3[%swap3A, %swap3A_107], %add3A_106 {strides = array<i32>} : memref<1000x128xf32, #tpu.memory_space<vmem>>, vector<1000x128xf32>,
    return
  }
  func.func @transform_0(%arg0: i32) -> (i32, i32) {
    %c0_i32 = arith.constant 0 : i32
    %c0_i32_0 = arith.constant 0 : i32
    return %arg0, %c0_i32 : i32, i32
  }
  func.func @transform_1(%arg0: i32) -> (i32, i32) {
    %c0_i32 = arith.constant 0 : i32
    %c0_i32_0 = arith.constant 0 : i32
    %c0_i32_1 = arith.constant 0 : i32
    return %c0_i32, %c0_i32_0 : i32, i32
  }
  func.func @transform_2(%arg0: i32) -> (i32, i32) {
    %c0_i32 = arith.constant 0 : i32
    %c0_i32_0 = arith.constant 0 : i32
    return %arg0, %c0_i32 : i32, i32
  }
}

</mosaic_0001>

<sc_bundles>
// kernel: kernel.10.cloned.1.call-start
scs
__scs_entry_jumppad:
0x0: {  	(pc) =	sbr.rel $0x88, $3  }
0x1: {  	(tag) =	ssettag $0x0;
	lr =	simm.s32 $0x1  }
0x2: {  	[smem:$0x3F59] =	sst lr;
	_ =	strace $0xD0000000  }
0x3: {  	_ = 	snop  }
0x4: {  	_ = 	snop  }
0x5: {  	_ = 	snop  }
0x6: {  	_ = 	snop  }
0x7: {  	_ = 	snop  }
__scs_overlays_trampoline_lowered:
0x8: {  	[smem:$0x3F68] =	sst s0  }
0x9: {  	[smem:$0x3F69] =	sst s1  }
0xa: {  	[smem:$0x3F6A] =	sst s2  }
0xb: {  	[smem:$0x3F6B] =	sst s3  }
0xc: {  	[smem:$0x3F6C] =	sst s4  }
0xd: {  	[smem:$0x3F6D] =	sst s5  }
0xe: {  	[smem:$0x3F6E] =	sst s6  }
0xf: {  	[smem:$0x3F6F] =	sst s7  }
0x10: {  	[smem:$0x3F70] =	sst s8  }
0x11: {  	[smem:$0x3F71] =	sst s9;
	s0 =	simm.s32 @!p0 $0x0  }
0x12: {  	s1 =	sld [smem:$0x3F57];
	s0 =	simm.s32 @p0 $0x1  }
0x13: {  	[smem:$0x3F72] =	sst s0;
	s0 =	simm.s32 @!p1 $0x0  }
0x14: {  	s2 =	sld [smem:$0x3F56];
	s0 =	simm.s32 @p1 $0x1  }
0x15: {  	[smem:$0x3F73] =	sst s0;
	s0 =	simm.s32 @!p2 $0x0  }
0x16: {  	s3 =	sld [smem:$0x3FDB];
	s0 =	simm.s32 @p2 $0x1  }
0x17: {  	s4 =	simm.s32 $0x1BF5;
	[smem:$0x3F75] =	sst s0  }
0x18: {  	s0 =	sld [smem:$0x3F58];
	_ =	swait.ge [sflag:s4], $0x0  }
0x19: {  	s7 =	sld [smem:$0x3F59]  }
0x1a: {  	s8 =	sadd.s32 $0xFFFFE003, lr  }
0x1b: {  	s9 =	sadd.s32 $0xFFFFFEF7, lr;
	s5 =	simm.s32 $0xFFFFFFFF;
	p2 =	slt.u32 s8, $0xFFFFF086  }
0x1c: {  	p1 =	slt.u32 s9, $0xF7A;
	s5 =	simm.s32 @!p2 $0x0  }
0x1d: {  	s5 =	simm.s32 @p1 $0x1;
	p0 =	seq.s32 s7, s2  }
0x1e: {  	s7 =	smul.u32 @!p0 $0xF7A, s2;
	p2 =	seq.s32 @!p0 s5, $0x0  }
0x1f: {  	s9 =	smul.u32 $0xF7A, s1;
	s8 =	simm.s32 @!p0 $0x1BF5;
	p2 =	por !p2, p0  }
0x20: {  	[sflag:s8] =	ssyncset.s32 @!p0 $0xFFFFF086;
	s6 =	sadd.s32 @!p0 s3, s7;
	s7 =	simm.s32 @!p0 $0x108  }
0x21: {  	s3 =	sadd.s32 s3, s9;
	s6 =	sadd.s32 @!p0 $0x88, s6;
	s7 =	simm.s32 @p2 $0x1082  }
0x22: {  	[simem:s7], [sflag:s8] =	dma.local @!p0 [hbm:s6], $0xF7A  }
0x23: {  	s9 =	sor.u32 $0xD0000000, s2;
	s6 =	simm.s32 $0x108;
	_ =	swait.ge @!p0 [sflag:s8], $0x0  }
0x24: {  	s3 =	sadd.s32 $0x88, s3;
	s6 =	simm.s32 @!p1 $0x1082;
	[sflag:s4] =	ssyncset.s32 $0xFFFFF086  }
0x25: {  	[simem:s6], [sflag:s4] =	dma.local [hbm:s3], $0xF7A  }
0x26: {  	[smem:$0x3F59] =	sst s1;
	(tag) =	ssettag s2;
	_ =	strace s9  }
0x27: {  	s1 =	sld [smem:$0x3F69]  }
0x28: {  	s2 =	sld [smem:$0x3F6A]  }
0x29: {  	s4 =	sld [smem:$0x3F6C]  }
0x2a: {  	p0 =	seq.s32 s5, $0x0;
	s5 =	sld [smem:$0x3F6D]  }
0x2b: {  	s6 =	sld [smem:$0x3F6E]  }
0x2c: {  	s7 =	sld [smem:$0x3F6F]  }
0x2d: {  	s3 =	simm.s32 $0x108;
	s8 =	sld [smem:$0x3F70]  }
0x2e: {  	s3 =	simm.s32 @!p0 $0x1082;
	s9 =	sld [smem:$0x3F71]  }
0x2f: {  	lr =	sadd.s32 s0, s3;
	s0 =	sld [smem:$0x3F68]  }
0x30: {  	s3 =	sld [smem:$0x3F6B]  }
0x31: {  	[smem:$0x3F74] =	sst s10  }
0x32: {  	s10 =	sld [smem:$0x3F72];
	_ =	sdelay $0x3  }
0x33: {  	p0 =	seq.s32 s10, $0x1;
	s10 =	sld [smem:$0x3F74];
	_ =	sdelay $0x3  }
0x34: {  	[smem:$0x3F74] =	sst s10  }
0x35: {  	s10 =	sld [smem:$0x3F73];
	_ =	sdelay $0x3  }
0x36: {  	p1 =	seq.s32 s10, $0x1;
	s10 =	sld [smem:$0x3F74];
	_ =	sdelay $0x3  }
0x37: {  	[smem:$0x3F74] =	sst s10  }
0x38: {  	s10 =	sld [smem:$0x3F75]  }
0x39: {  	_ = 	snop;
	(pc) =	sbr.ind lr, $3  }
0x3a: {  	_ = 	snop  }
0x3b: {  	_ = 	snop  }
0x3c: {  	p2 =	seq.s32 s10, $0x1;
	s10 =	sld [smem:$0x3F74]  }
0x3d: {  	_ =	shalt  }
0x3e: {  	_ =	shalt  }
0x3f: {  	_ =	shalt  }
0x40: {  	_ =	shalt  }
0x41: {  	_ =	shalt  }
0x42: {  	_ =	shalt  }
0x43: {  	_ =	shalt  }
0x44: {  	_ =	shalt  }
0x45: {  	_ =	shalt  }
0x46: {  	_ =	shalt  }
0x47: {  	_ =	shalt  }
0x48: {  	_ =	shalt  }
0x49: {  	_ =	shalt  }
0x4a: {  	_ =	shalt  }
0x4b: {  	_ =	shalt  }
0x4c: {  	_ =	shalt  }
0x4d: {  	_ =	shalt  }
0x4e: {  	_ =	shalt  }
0x4f: {  	_ =	shalt  }
0x50: {  	_ =	shalt  }
0x51: {  	_ =	shalt  }
0x52: {  	_ =	shalt  }
0x53: {  	_ =	shalt  }
0x54: {  	_ =	shalt  }
0x55: {  	_ =	shalt  }
0x56: {  	_ =	shalt  }
0x57: {  	_ =	shalt  }
0x58: {  	_ =	shalt  }
0x59: {  	_ =	shalt  }
0x5a: {  	_ =	shalt  }
0x5b: {  	_ =	shalt  }
0x5c: {  	_ =	shalt  }
0x5d: {  	_ =	shalt  }
0x5e: {  	_ =	shalt  }
0x5f: {  	_ =	shalt  }
0x60: {  	_ =	shalt  }
0x61: {  	_ =	shalt  }
0x62: {  	_ =	shalt  }
0x63: {  	_ =	shalt  }
0x64: {  	_ =	shalt  }
0x65: {  	_ =	shalt  }
0x66: {  	_ =	shalt  }
0x67: {  	_ =	shalt  }
0x68: {  	_ =	shalt  }
0x69: {  	_ =	shalt  }
0x6a: {  	_ =	shalt  }
0x6b: {  	_ =	shalt  }
0x6c: {  	_ =	shalt  }
0x6d: {  	_ =	shalt  }
0x6e: {  	_ =	shalt  }
0x6f: {  	_ =	shalt  }
0x70: {  	_ =	shalt  }
0x71: {  	_ =	shalt  }
0x72: {  	_ =	shalt  }
0x73: {  	_ =	shalt  }
0x74: {  	_ =	shalt  }
0x75: {  	_ =	shalt  }
0x76: {  	_ =	shalt  }
0x77: {  	_ =	shalt  }
0x78: {  	_ =	shalt  }
0x79: {  	_ =	shalt  }
0x7a: {  	_ =	shalt  }
0x7b: {  	_ =	shalt  }
0x7c: {  	_ =	shalt  }
0x7d: {  	_ =	shalt  }
0x7e: {  	_ =	shalt  }
0x7f: {  	_ =	shalt  }
0x80: {  	_ =	shalt  }
0x81: {  	_ =	shalt  }
0x82: {  	_ =	shalt  }
0x83: {  	_ =	shalt  }
0x84: {  	_ =	shalt  }
0x85: {  	_ =	shalt  }
0x86: {  	_ =	shalt  }
0x87: {  	_ =	shalt  }
.Lfunc_end0:
.L_simem_size_0:
called_computation_lowered:
.L_overlay_start_0:
0x88: {  	s2 =	sld [smem:$0x3FD9]  }
0x89: {  	s3 =	sld [smem:$0x3FFE];
	_ =	sdelay $0x1  }
0x8a: {  	s1 =	srdreg.scid  }
0x8b: {  	s0 =	sand.u32 $0x1, s1  }
0x8c: {  	s16 =	sshll.u32 s0, $0xA;
	s2 =	sadd.s32 s3, s2  }
0x8d: {  	s2 =	sadd.s32 s2, s16  }
0x8e: {  	[smem:$0x3F80] =	sst s2  }
0x8f: {  	_ = 	snop  }
0x90: {  	(tm) =	ssettm $0x1  }
0x91: {  	s17 =	sld [smem:$0x3FFB];
	_ =	sdelay $0x3  }
0x92: {  	_ =	strace s17  }
0x93: {  	s2 =	sld [smem:$0x3FFC];
	_ =	sdelay $0x3  }
0x94: {  	_ =	strace s2  }
0x95: {  	s2 =	sld [smem:$0x3FFD];
	_ =	sdelay $0x3  }
0x96: {  	_ =	strace s2  }
0x97: {  	_ =	strace $0x8FFFFFFF  }
0x98: {  	s18 =	sld [smem:$0x3FDB];
	_ =	sdelay $0x1  }
0x99: {  	s19 =	simm.s32 $_scs_section_size  }
0x9a: {  	s4 =	simm.s32 $_size__tile_overlayer_lowered;
	s5 =	simm.s32 $_tile_overlayer_lowered  }
0x9b: {  	s22 =	simm.s32 $0x1BFF;
	s21 =	sshll.u32 s5, $0x1;
	s2 =	sadd.s32 s19, s18  }
0x9c: {  	s6 =	simm.s32 $0x0;
	s20 =	sshll.u32 s4, $0x1;
	s4 =	sadd.s32 s21, s2  }
0x9d: {  	[timem:s6], [sflag:s22] =	dma.local [hbm:s4], s20  }
0x9e: {  	_ =	swait.ge [sflag:s22], s20  }
0x9f: {  	s3 =	ssub.s32 $0x0, s20;
	[sflag:s22] =	ssyncset.done $0x0  }
0xa0: {  	[sflag:s22] =	ssyncadd.s32 s3;
	_ =	sdelay $0x1  }
0xa1: {  	s23 =	simm.s32 $0x1B8B  }
0xa2: {  	_ =	swait.ge [sflag:s23], $0x1  }
0xa3: {  	[sflag:s23] =	ssyncset.done $0x0  }
0xa4: {  	s25 =	simm.s32 $0x1B8E;
	s24 =	sld [smem:$0x3FFE];
	[sflag:s23] =	ssyncadd.s32 $0xFFFFFFFF  }
0xa5: {  	s26 =	simm.s32 $execute0_lowered;
	[smem:$0x3FD2] =	sst s25  }
0xa6: {  	s4 =	sshll.u32 s26, $0x1;
	_ =	strace $0x80000046;
	[dreg:$0x1] =	wrdreg $0xFFFFFFFF  }
0xa7: {  	s28 =	simm.s32 $_size_execute0_lowered;
	s2 =	sadd.s32 s2, s4;
	[dreg:$0x0] =	wrdreg $0x0  }
0xa8: {  	s4 =	sshll.u32 s28, $0x1;
	[dreg:$0x2] =	wrdreg s2  }
0xa9: {  	[dreg:$0x3] =	wrdreg s4  }
0xaa: {  	[dreg:$0x4] =	wrdreg $0xC0  }
0xab: {  	_ =	task [dreg:s6], $0x5FFFF  }
0xac: {  	[dreg:$0x1] =	wrdreg $0xFFFFFFFF  }
0xad: {  	[dreg:$0x0] =	wrdreg $0x60  }
0xae: {  	[dreg:$0x2] =	wrdreg s24  }
0xaf: {  	[dreg:$0x3] =	wrdreg $0x9  }
0xb0: {  	_ =	task.clear_ibuf [dreg:s6], $0x4FFFF;
	_ =	strace $0x90000046  }
0xb1: {  	s29 =	simm.s32 $0x9;
	_ =	strace $0x80000048  }
0xb2: {  	_ =	swait.ge [sflag:s29], $0x1  }
0xb3: {  	[sflag:s29] =	ssyncadd.s32 $0xFFFFFFFF  }
0xb4: {  	_ =	strace $0x90000048  }
0xb5: {  	_ =	sfence  }
0xb6: {  	s30 =	sld [smem:$0x0];
	_ =	sdelay $0x2  }
0xb7: {  	s31 =	sshll.u32 s1, $0xD;
	s1 =	sshrl.u32 s1, $0x2  }
0xb8: {  	s3 =	sand.u32 $0x4000, s31;
	s1 =	sadd.s32 s1, s30  }
0xb9: {  	s0 =	sor.u32 s3, s0;
	s1 =	sshll.u32 s1, $0x11  }
0xba: {  	s0 =	sor.u32 s1, s0  }
0xbb: {  	s0 =	sadd.s32 $0x8F2B, s0  }
0xbc: {  	[sflag:s0] =	ssyncadd.remote.s32 $0x1  }
0xbd: {  	_ =	sfence.sel $0xFFFF  }
0xbe: {  	[dreg:$0x0] =	wrdreg $0xFFFFFFFF;
	(pc) =	sbr.abs _section_cstart, $3  }
0xbf: {  	[dreg:$0x1] =	wrdreg $0xFFFFFFFF  }
0xc0: {  	_ =	task.clear_ibuf [dreg:s6], $0x2FFFF;
	_ =	strace $0x9FFFFFFF  }
0xc1: {  	(tm) =	ssettm $0x7FFFFFFF  }
tec
execute0_lowered:
.L_overlay_start_1:
0x0: {  	(tag) =	ssettag $0x1  }
0x1: {  	s1 =	srdreg.scid  }
0x2: {  	s0 =	stileid.u32;
	s5 =	rddreg [dreg:$0x0]  }
0x3: {  	s2 =	simm.s32 $0x0;
	s3 =	sand.u32 $0x1, s1;
	s4 =	sshll.u32 s0, $0x1  }
0x4: {  	s10 =	simm.s32 $0x0;
	s1 =	rddreg [dreg:$0x1];
	s4 =	sor.u32 s3, s4  }
0x5: {  	[smem:$0x7FF] =	sst s2;
	s6 =	ssub.s32 $0x2, s3;
	s8 =	smul.u32 $0x2A40, s4  }
0x6: {  	_ =	strace $0x80000047;
	s3 =	sadd.s32 $0x6200, s5;
	s9 =	sshrl.u32 s6, $0x1  }
0x7: {  	s4 =	sadd.s32 $0x10000, s5;
	s6 =	ssub.s32 s6, s9;
	s7 =	sshrl.u32 s8, $0x3  }
0x8: {  	s9 =	simm.s32 $0x1000;
	s6 =	smax.u32 s6, $0x1;
	s5 =	sadd.s32 s7, s5  }
0x9: {  	v1 =	vimm.s32 $0x14000000;
	v0 =	vmov s8;
	s8 =	simm.s32 $0x800;
	s7 =	simm.s32 $0x1;
	s5 =	sadd.s32 $0x19E00, s5  }
.LBB2_1:
0xa: {  	s11 =	simm.s32 $0x40;
	s12 =	simm.s32 $0x0  }
.LBB2_2:
0xb: {  	p0 =	sne.s32 s11, $0xA8C0;
	[tilespmem:s12+$0x1000] =	vst v1;
	s12 =	smov.u32 s11;
	s11 =	sadd.s32 $0x40, s11  }
.Ltmp0:
0xc: {  	(pc) =	sbr.rel @p0 .LBB2_2-.Ltmp0, $2  }
0xd: {  	_ =	sdelay $0x2  }
0xe: {  	s12 =	sshra.s32 s12, $0x2  }
0xf: {  	[tilespmem:s12+$0x1000] =	vst v1;
	s11 =	simm.s32 $0x0;
	s12 =	simm.s32 $0x0  }
.LBB2_4:
0x10: {  	s13 =	smul.u32 $0xFA, s12;
	_ =	sdelay $0x1  }
0x11: {  	s14 =	sadd.s32 s3, s13  }
0x12: {  	[tilespmem:s11], [sflag:$0x1] =	stream.linear.gather [hbm4b:s14+s11], $0x7D0, $0x38;
	[tilespmem:$0x3A80] =	vst v63  }
0x13: {  	_ =	swait.ge [sflag:s7], $0x7D0  }
0x14: {  	[sflag:s7] =	ssyncset.done $0x0  }
0x15: {  	s13 =	sadd.s32 s4, s13;
	[sflag:s7] =	ssyncadd.s32 $0xFFFFF830  }
0x16: {  	[tilespmem:s8], [sflag:$0x1] =	stream.linear.gather [hbm4b:s13+s11], $0x7D0, $0x38;
	[tilespmem:$0x3A80] =	vst v63  }
0x17: {  	_ =	swait.ge [sflag:s7], $0x7D0  }
0x18: {  	[sflag:s7] =	ssyncset.done $0x0  }
0x19: {  	s14 =	simm.s32 $0x0;
	s13 =	simm.s32 $0x40;
	[sflag:s7] =	ssyncadd.s32 $0xFFFFF830  }
.LBB2_5:
0x1a: {  	p0 =	sne.s32 s13, $0x1F00;
	v2 =	vld [tilespmem:s14+$0x0];
	_ =	sdelay $0x4  }
0x1b: {  	v2 =	vsub.s32 v2, v0  }
0x1c: {  	vm0 =	vlt.u32 v2, $0x2A40  }
0x1d: {  	v3 =	vld [tilespmem:s14+$0x800];
	v2 =	vnsel vm0, $0x0, v2  }
.Ltmp1:
0x1e: {  	(pc) =	sbr.rel @p0 .LBB2_5-.Ltmp1, $2  }
0x1f: {  	_ =	sdelay $0x2  }
0x20: {  	s14 =	sshra.s32 s13, $0x2;
	s13 =	sadd.s32 $0x40, s13;
	[tilespmem:v2+s9+$0x0] =	vst.idx.msk vm0, v3  }
0x21: {  	v2 =	vld [tilespmem:s14+$0x0];
	_ =	sdelay $0x4  }
0x22: {  	v2 =	vsub.s32 v2, v0  }
0x23: {  	s12 =	sadd.s32 $0x1, s12;
	vm0 =	vlt.u32 v2, $0x2A40  }
0x24: {  	v3 =	vld [tilespmem:s14+$0x800];
	p0 =	sne.s32 s12, $0xA0;
	v2 =	vnsel vm0, $0x0, v2  }
.Ltmp2:
0x25: {  	_ = 	snop;
	(pc) =	sbr.rel @p0 .LBB2_4-.Ltmp2, $2  }
0x26: {  	_ =	sdelay $0x2  }
0x27: {  	[tilespmem:v2+s9+$0x0] =	vst.idx.msk vm0, v3  }
0x28: {  	s10 =	sadd.s32 $0x1, s10  }
0x29: {  	p0 =	sne.s32 s10, s6  }
.Ltmp3:
0x2a: {  	_ = 	snop;
	(pc) =	sbr.rel @p0 .LBB2_1-.Ltmp3, $4  }
0x2b: {  	[hbm4b:s5+s2] =	stream.linear.scatter [tilespmem:s9], [sflag:$0x1], $0x2A40, $0x38;
	[tilespmem:$0x3A80] =	vst v63  }
0x2c: {  	_ =	swait.ge [sflag:s7], $0x2A40  }
0x2d: {  	[sflag:s7] =	ssyncset.done $0x0  }
0x2e: {  	[sflag:s7] =	ssyncadd.s32 $0xFFFFD5C0  }
0x2f: {  	_ =	sfence.sel $0x180000  }
0x30: {  	[bflag:$0x0] =	sbarrier.arrive $0xFFFF  }
0x31: {  	p0 =	sne.s32 s0, $0x0;
	_ =	strace $0x90000047  }
0x32: {  	s0 =	sadd.s32 @!p0 $0x100000, s1;
	[bflag:$0x2] =	sbarrier.arrive $0xFFFF  }
0x33: {  	[sflag:s0] =	ssyncadd.tile.s32 @!p0 $0x1;
	_ =	shalt  }
.Lfunc_end2:
_tile_overlayer_lowered:
.L_overlay_start_2:
0x34: {  	(tag) =	ssettag $0x2  }
0x35: {  	s0 =	rddreg [dreg:$0x0];
	s2 =	stileid.u32  }
0x36: {  	s1 =	rddreg [dreg:$0x1];
	p0 =	sne.s32 s2, $0x0  }
0x37: {  	s3 =	rddreg [dreg:$0x2];
	[bflag:$0x3] =	sbarrier.arrive $0xFFFF;
	s2 =	simm.s32 @!p0 $0x1C01  }
0x38: {  	[timem:s3], [sflag:s2] =	dma.local @!p0 [hbm:s0], s1  }
0x39: {  	s0 =	simm.s32 @!p0 $0x1  }
0x3a: {  	_ =	swait.ge @!p0 [sflag:s0], s1  }
0x3b: {  	s1 =	ssub.s32 @!p0 $0x0, s1;
	[sflag:s0] =	ssyncset.done @!p0 $0x0  }
0x3c: {  	[sflag:s0] =	ssyncadd.s32 @!p0 s1  }
0x3d: {  	[bflag:$0x3] =	sbarrier.arrive $0xFFFF  }
0x3e: {  	_ =	shalt  }

// kernel: kernel.13.cloned.1.call-start
scs
__scs_entry_jumppad:
0x0: {  	(pc) =	sbr.rel $0x88, $3  }
0x1: {  	(tag) =	ssettag $0x0;
	lr =	simm.s32 $0x1  }
0x2: {  	[smem:$0x3F59] =	sst lr;
	_ =	strace $0xD0000000  }
0x3: {  	_ = 	snop  }
0x4: {  	_ = 	snop  }
0x5: {  	_ = 	snop  }
0x6: {  	_ = 	snop  }
0x7: {  	_ = 	snop  }
__scs_overlays_trampoline_lowered:
0x8: {  	[smem:$0x3F68] =	sst s0  }
0x9: {  	[smem:$0x3F69] =	sst s1  }
0xa: {  	[smem:$0x3F6A] =	sst s2  }
0xb: {  	[smem:$0x3F6B] =	sst s3  }
0xc: {  	[smem:$0x3F6C] =	sst s4  }
0xd: {  	[smem:$0x3F6D] =	sst s5  }
0xe: {  	[smem:$0x3F6E] =	sst s6  }
0xf: {  	[smem:$0x3F6F] =	sst s7  }
0x10: {  	[smem:$0x3F70] =	sst s8  }
0x11: {  	[smem:$0x3F71] =	sst s9;
	s0 =	simm.s32 @!p0 $0x0  }
0x12: {  	s1 =	sld [smem:$0x3F57];
	s0 =	simm.s32 @p0 $0x1  }
0x13: {  	[smem:$0x3F72] =	sst s0;
	s0 =	simm.s32 @!p1 $0x0  }
0x14: {  	s2 =	sld [smem:$0x3F56];
	s0 =	simm.s32 @p1 $0x1  }
0x15: {  	[smem:$0x3F73] =	sst s0;
	s0 =	simm.s32 @!p2 $0x0  }
0x16: {  	s3 =	sld [smem:$0x3FDB];
	s0 =	simm.s32 @p2 $0x1  }
0x17: {  	s4 =	simm.s32 $0x1BF5;
	[smem:$0x3F75] =	sst s0  }
0x18: {  	s0 =	sld [smem:$0x3F58];
	_ =	swait.ge [sflag:s4], $0x0  }
0x19: {  	s7 =	sld [smem:$0x3F59]  }
0x1a: {  	s8 =	sadd.s32 $0xFFFFE003, lr  }
0x1b: {  	s9 =	sadd.s32 $0xFFFFFEF7, lr;
	s5 =	simm.s32 $0xFFFFFFFF;
	p2 =	slt.u32 s8, $0xFFFFF086  }
0x1c: {  	p1 =	slt.u32 s9, $0xF7A;
	s5 =	simm.s32 @!p2 $0x0  }
0x1d: {  	s5 =	simm.s32 @p1 $0x1;
	p0 =	seq.s32 s7, s2  }
0x1e: {  	s7 =	smul.u32 @!p0 $0xF7A, s2;
	p2 =	seq.s32 @!p0 s5, $0x0  }
0x1f: {  	s9 =	smul.u32 $0xF7A, s1;
	s8 =	simm.s32 @!p0 $0x1BF5;
	p2 =	por !p2, p0  }
0x20: {  	[sflag:s8] =	ssyncset.s32 @!p0 $0xFFFFF086;
	s6 =	sadd.s32 @!p0 s3, s7;
	s7 =	simm.s32 @!p0 $0x108  }
0x21: {  	s3 =	sadd.s32 s3, s9;
	s6 =	sadd.s32 @!p0 $0x88, s6;
	s7 =	simm.s32 @p2 $0x1082  }
0x22: {  	[simem:s7], [sflag:s8] =	dma.local @!p0 [hbm:s6], $0xF7A  }
0x23: {  	s9 =	sor.u32 $0xD0000000, s2;
	s6 =	simm.s32 $0x108;
	_ =	swait.ge @!p0 [sflag:s8], $0x0  }
0x24: {  	s3 =	sadd.s32 $0x88, s3;
	s6 =	simm.s32 @!p1 $0x1082;
	[sflag:s4] =	ssyncset.s32 $0xFFFFF086  }
0x25: {  	[simem:s6], [sflag:s4] =	dma.local [hbm:s3], $0xF7A  }
0x26: {  	[smem:$0x3F59] =	sst s1;
	(tag) =	ssettag s2;
	_ =	strace s9  }
0x27: {  	s1 =	sld [smem:$0x3F69]  }
0x28: {  	s2 =	sld [smem:$0x3F6A]  }
0x29: {  	s4 =	sld [smem:$0x3F6C]  }
0x2a: {  	p0 =	seq.s32 s5, $0x0;
	s5 =	sld [smem:$0x3F6D]  }
0x2b: {  	s6 =	sld [smem:$0x3F6E]  }
0x2c: {  	s7 =	sld [smem:$0x3F6F]  }
0x2d: {  	s3 =	simm.s32 $0x108;
	s8 =	sld [smem:$0x3F70]  }
0x2e: {  	s3 =	simm.s32 @!p0 $0x1082;
	s9 =	sld [smem:$0x3F71]  }
0x2f: {  	lr =	sadd.s32 s0, s3;
	s0 =	sld [smem:$0x3F68]  }
0x30: {  	s3 =	sld [smem:$0x3F6B]  }
0x31: {  	[smem:$0x3F74] =	sst s10  }
0x32: {  	s10 =	sld [smem:$0x3F72];
	_ =	sdelay $0x3  }
0x33: {  	p0 =	seq.s32 s10, $0x1;
	s10 =	sld [smem:$0x3F74];
	_ =	sdelay $0x3  }
0x34: {  	[smem:$0x3F74] =	sst s10  }
0x35: {  	s10 =	sld [smem:$0x3F73];
	_ =	sdelay $0x3  }
0x36: {  	p1 =	seq.s32 s10, $0x1;
	s10 =	sld [smem:$0x3F74];
	_ =	sdelay $0x3  }
0x37: {  	[smem:$0x3F74] =	sst s10  }
0x38: {  	s10 =	sld [smem:$0x3F75]  }
0x39: {  	_ = 	snop;
	(pc) =	sbr.ind lr, $3  }
0x3a: {  	_ = 	snop  }
0x3b: {  	_ = 	snop  }
0x3c: {  	p2 =	seq.s32 s10, $0x1;
	s10 =	sld [smem:$0x3F74]  }
0x3d: {  	_ =	shalt  }
0x3e: {  	_ =	shalt  }
0x3f: {  	_ =	shalt  }
0x40: {  	_ =	shalt  }
0x41: {  	_ =	shalt  }
0x42: {  	_ =	shalt  }
0x43: {  	_ =	shalt  }
0x44: {  	_ =	shalt  }
0x45: {  	_ =	shalt  }
0x46: {  	_ =	shalt  }
0x47: {  	_ =	shalt  }
0x48: {  	_ =	shalt  }
0x49: {  	_ =	shalt  }
0x4a: {  	_ =	shalt  }
0x4b: {  	_ =	shalt  }
0x4c: {  	_ =	shalt  }
0x4d: {  	_ =	shalt  }
0x4e: {  	_ =	shalt  }
0x4f: {  	_ =	shalt  }
0x50: {  	_ =	shalt  }
0x51: {  	_ =	shalt  }
0x52: {  	_ =	shalt  }
0x53: {  	_ =	shalt  }
0x54: {  	_ =	shalt  }
0x55: {  	_ =	shalt  }
0x56: {  	_ =	shalt  }
0x57: {  	_ =	shalt  }
0x58: {  	_ =	shalt  }
0x59: {  	_ =	shalt  }
0x5a: {  	_ =	shalt  }
0x5b: {  	_ =	shalt  }
0x5c: {  	_ =	shalt  }
0x5d: {  	_ =	shalt  }
0x5e: {  	_ =	shalt  }
0x5f: {  	_ =	shalt  }
0x60: {  	_ =	shalt  }
0x61: {  	_ =	shalt  }
0x62: {  	_ =	shalt  }
0x63: {  	_ =	shalt  }
0x64: {  	_ =	shalt  }
0x65: {  	_ =	shalt  }
0x66: {  	_ =	shalt  }
0x67: {  	_ =	shalt  }
0x68: {  	_ =	shalt  }
0x69: {  	_ =	shalt  }
0x6a: {  	_ =	shalt  }
0x6b: {  	_ =	shalt  }
0x6c: {  	_ =	shalt  }
0x6d: {  	_ =	shalt  }
0x6e: {  	_ =	shalt  }
0x6f: {  	_ =	shalt  }
0x70: {  	_ =	shalt  }
0x71: {  	_ =	shalt  }
0x72: {  	_ =	shalt  }
0x73: {  	_ =	shalt  }
0x74: {  	_ =	shalt  }
0x75: {  	_ =	shalt  }
0x76: {  	_ =	shalt  }
0x77: {  	_ =	shalt  }
0x78: {  	_ =	shalt  }
0x79: {  	_ =	shalt  }
0x7a: {  	_ =	shalt  }
0x7b: {  	_ =	shalt  }
0x7c: {  	_ =	shalt  }
0x7d: {  	_ =	shalt  }
0x7e: {  	_ =	shalt  }
0x7f: {  	_ =	shalt  }
0x80: {  	_ =	shalt  }
0x81: {  	_ =	shalt  }
0x82: {  	_ =	shalt  }
0x83: {  	_ =	shalt  }
0x84: {  	_ =	shalt  }
0x85: {  	_ =	shalt  }
0x86: {  	_ =	shalt  }
0x87: {  	_ =	shalt  }
.Lfunc_end0:
.L_simem_size_0:
called_computation.1_lowered:
.L_overlay_start_0:
0x88: {  	s2 =	sld [smem:$0x3FD9]  }
0x89: {  	s3 =	sld [smem:$0x3FFE];
	_ =	sdelay $0x1  }
0x8a: {  	s1 =	srdreg.scid  }
0x8b: {  	s0 =	sand.u32 $0x1, s1  }
0x8c: {  	s17 =	sshll.u32 s0, $0xA;
	s2 =	sadd.s32 s3, s2  }
0x8d: {  	s2 =	sadd.s32 s2, s17  }
0x8e: {  	[smem:$0x3F80] =	sst s2  }
0x8f: {  	_ = 	snop  }
0x90: {  	s2 =	sld [smem:$0x3FD0];
	(tm) =	ssettm $0x1  }
0x91: {  	s18 =	sld [smem:$0x3FFB];
	_ =	sdelay $0x3  }
0x92: {  	_ =	strace s18  }
0x93: {  	s3 =	sld [smem:$0x3FFC];
	_ =	sdelay $0x3  }
0x94: {  	_ =	strace s3  }
0x95: {  	s3 =	sld [smem:$0x3FFD];
	_ =	sdelay $0x3  }
0x96: {  	_ =	strace s3  }
0x97: {  	_ =	strace $0x8FFFFFFF  }
0x98: {  	s19 =	sld [smem:$0x3FDB];
	_ =	sdelay $0x1  }
0x99: {  	s4 =	simm.s32 $_scs_section_size  }
0x9a: {  	s5 =	simm.s32 $_size__tile_overlayer_lowered;
	s6 =	simm.s32 $_tile_overlayer_lowered  }
0x9b: {  	s22 =	simm.s32 $0x1BFF;
	s21 =	sshll.u32 s6, $0x1;
	s3 =	sadd.s32 s4, s19  }
0x9c: {  	s7 =	simm.s32 $0x0;
	s20 =	sshll.u32 s5, $0x1;
	s5 =	sadd.s32 s21, s3  }
0x9d: {  	[timem:s7], [sflag:s22] =	dma.local [hbm:s5], s20  }
0x9e: {  	_ =	swait.ge [sflag:s22], s20  }
0x9f: {  	s4 =	ssub.s32 $0x0, s20;
	[sflag:s22] =	ssyncset.done $0x0  }
0xa0: {  	[sflag:s22] =	ssyncadd.s32 s4;
	_ =	sdelay $0x1  }
0xa1: {  	s23 =	simm.s32 $0x1B8B  }
0xa2: {  	_ =	swait.ge [sflag:s23], $0x1  }
0xa3: {  	[sflag:s23] =	ssyncset.done $0x0  }
0xa4: {  	s25 =	simm.s32 $0x1B8E;
	s24 =	sld [smem:$0x3FFE];
	[sflag:s23] =	ssyncadd.s32 $0xFFFFFFFF  }
0xa5: {  	s26 =	simm.s32 $execute0_lowered;
	[smem:$0x3FD2] =	sst s25  }
0xa6: {  	s5 =	sshll.u32 s26, $0x1;
	_ =	strace $0x80000049;
	[dreg:$0x1] =	wrdreg $0xFFFFFFFF  }
0xa7: {  	s28 =	simm.s32 $_size_execute0_lowered;
	s3 =	sadd.s32 s3, s5;
	[dreg:$0x0] =	wrdreg $0x0  }
0xa8: {  	s5 =	sshll.u32 s28, $0x1;
	[dreg:$0x2] =	wrdreg s3  }
0xa9: {  	[dreg:$0x3] =	wrdreg s5  }
0xaa: {  	[dreg:$0x4] =	wrdreg $0xC0  }
0xab: {  	_ =	task [dreg:s7], $0x5FFFF  }
0xac: {  	[dreg:$0x1] =	wrdreg $0xFFFFFFFF  }
0xad: {  	[dreg:$0x0] =	wrdreg $0x60  }
0xae: {  	[dreg:$0x2] =	wrdreg s2  }
0xaf: {  	[dreg:$0x3] =	wrdreg s24  }
0xb0: {  	[dreg:$0x4] =	wrdreg $0x9  }
0xb1: {  	_ =	task.clear_ibuf [dreg:s7], $0x5FFFF;
	_ =	strace $0x90000049  }
0xb2: {  	s29 =	simm.s32 $0x9;
	_ =	strace $0x8000004B  }
0xb3: {  	_ =	swait.ge [sflag:s29], $0x1  }
0xb4: {  	[sflag:s29] =	ssyncadd.s32 $0xFFFFFFFF  }
0xb5: {  	_ =	strace $0x9000004B  }
0xb6: {  	_ =	sfence  }
0xb7: {  	s30 =	sld [smem:$0x0];
	_ =	sdelay $0x2  }
0xb8: {  	s31 =	sshll.u32 s1, $0xD;
	s1 =	sshrl.u32 s1, $0x2  }
0xb9: {  	s3 =	sand.u32 $0x4000, s31;
	s1 =	sadd.s32 s1, s30  }
0xba: {  	s0 =	sor.u32 s3, s0;
	s1 =	sshll.u32 s1, $0x11  }
0xbb: {  	s0 =	sor.u32 s1, s0  }
0xbc: {  	s0 =	sadd.s32 $0x8F2B, s0  }
0xbd: {  	[sflag:s0] =	ssyncadd.remote.s32 $0x1  }
0xbe: {  	_ =	sfence.sel $0xFFFF  }
0xbf: {  	[dreg:$0x0] =	wrdreg $0xFFFFFFFF;
	(pc) =	sbr.abs _section_cstart, $3  }
0xc0: {  	[dreg:$0x1] =	wrdreg $0xFFFFFFFF  }
0xc1: {  	_ =	task.clear_ibuf [dreg:s7], $0x2FFFF;
	_ =	strace $0x9FFFFFFF  }
0xc2: {  	(tm) =	ssettm $0x7FFFFFFF  }
0xc3: {  	_ =	shalt  }
tec
execute0_lowered:
.L_overlay_start_1:
0x0: {  	(tag) =	ssettag $0x1  }
0x1: {  	s2 =	rddreg [dreg:$0x0];
	s1 =	srdreg.scid  }
0x2: {  	s0 =	stileid.u32;
	s6 =	rddreg [dreg:$0x1];
	s3 =	simm.s32 $0x0  }
0x3: {  	s10 =	simm.s32 $0x50;
	s11 =	simm.s32 $0x80;
	s12 =	simm.s32 $0x200  }
0x4: {  	s13 =	simm.s32 $0x100;
	s14 =	simm.s32 $0x2A00;
	s15 =	simm.s32 $0x1  }
0x5: {  	s16 =	simm.s32 $0x2;
	s17 =	simm.s32 $0x180;
	s18 =	simm.s32 $0x5200  }
0x6: {  	s5 =	sand.u32 $0x1, s1;
	s4 =	sshll.u32 s0, $0x1;
	s1 =	rddreg [dreg:$0x2]  }
0x7: {  	s19 =	simm.s32 $0x0;
	[smem:$0x7FF] =	sst s3;
	s7 =	sor.u32 s5, s4  }
0x8: {  	v0 =	vlaneseq.u32;
	_ =	strace $0x8000004A;
	s9 =	ssub.s32 $0x2, s5;
	s8 =	smul.u32 $0x1400, s7  }
0x9: {  	v1 =	vimm.f32 $0.0e+00;
	v2 =	vor.u32 $0x10, v0;
	s4 =	sadd.s32 $0x19E00, s6;
	s5 =	sadd.s32 $0x24800, s6;
	s31 =	sshrl.u32 s9, $0x1  }
0xa: {  	v3 =	vor.u32 $0x20, v0;
	v4 =	vor.u32 $0x30, v0;
	v5 =	vor.u32 $0x40, v0;
	s9 =	ssub.s32 s9, s31;
	s8 =	sadd.s32 s8, s6;
	s6 =	smul.u32 $0x2A40, s7  }
0xb: {  	v6 =	vor.u32 $0x50, v0;
	v7 =	vor.u32 $0x60, v0;
	v8 =	vor.u32 $0x70, v0;
	s7 =	sadd.s32 $0x24C00, s8;
	s8 =	smax.u32 s9, $0x1;
	s9 =	simm.s32 $0x3  }
.LBB2_1:
0xc: {  	s20 =	simm.s32 $0x40;
	s21 =	simm.s32 $0x0  }
.LBB2_2:
0xd: {  	p0 =	sne.s32 s20, $0x28FC0;
	[tilespmem:s21+$0x5200] =	vst v1;
	s21 =	smov.u32 s20;
	s20 =	sadd.s32 $0x40, s20  }
.Ltmp0:
0xe: {  	(pc) =	sbr.rel @p0 .LBB2_2-.Ltmp0, $2  }
0xf: {  	_ =	sdelay $0x2  }
0x10: {  	s21 =	sshra.s32 s21, $0x2  }
0x11: {  	[tilespmem:s21+$0x5200] =	vst v1;
	s20 =	simm.s32 $0x0;
	s21 =	simm.s32 $0x0  }
.LBB2_4:
0x12: {  	s22 =	smul.u32 $0x50, s21;
	_ =	sdelay $0x1  }
0x13: {  	s22 =	sadd.s32 s6, s22  }
0x14: {  	s22 =	sshrl.u32 s22, $0x3  }
0x15: {  	s22 =	sadd.s32 s4, s22  }
0x16: {  	[tilespmem:s20], [sflag:$0x3] =	stream.linear.gather [hbm4b:s22+s20], $0x50, $0x38;
	[tilespmem:$0xF600] =	vst v63  }
0x17: {  	_ =	swait.ge [sflag:s9], $0x50  }
0x18: {  	[sflag:s9] =	ssyncset.done $0x0  }
0x19: {  	[sflag:s9] =	ssyncadd.s32 $0xFFFFFFB0  }
0x1a: {  	v9 =	vld [tilespmem:$0x0];
	_ =	sdelay $0x2  }
0x1b: {  	v10 =	vld [tilespmem:$0x10];
	_ =	sdelay $0x1  }
0x1c: {  	v11 =	vand.u32 $0x3FFF, v9;
	v12 =	vshrl.u32 v9, $0xE  }
0x1d: {  	v55 =	vld [tilespmem:$0x20];
	v9 =	vshrl.u32 v9, $0x14;
	[tilespmem:$0x80] =	vst v11;
	v11 =	vand.u32 $0x3F, v12  }
0x1e: {  	v9 =	vand.u32 $0x3FF, v9;
	[tilespmem:$0x100] =	vst v11  }
0x1f: {  	[tilespmem:$0x180] =	vst v9;
	v9 =	vand.u32 $0x3FFF, v10;
	v11 =	vshrl.u32 v10, $0xE  }
0x20: {  	v10 =	vshrl.u32 v10, $0x14;
	[tilespmem:$0x90] =	vst v9;
	v9 =	vand.u32 $0x3F, v11;
	v11 =	vld [tilespmem:$0x30]  }
0x21: {  	[tilespmem:$0x110] =	vst v9;
	v9 =	vand.u32 $0x3FF, v10  }
0x22: {  	v10 =	vshrl.u32 v55, $0xE;
	[tilespmem:$0x190] =	vst v9;
	v9 =	vand.u32 $0x3FFF, v55  }
0x23: {  	v56 =	vld [tilespmem:$0x40];
	[tilespmem:$0xA0] =	vst v9;
	v9 =	vand.u32 $0x3F, v10;
	v10 =	vshrl.u32 v55, $0x14  }
0x24: {  	[tilespmem:$0x120] =	vst v9;
	v9 =	vand.u32 $0x3FF, v10  }
0x25: {  	[tilespmem:$0x1A0] =	vst v9;
	v9 =	vand.u32 $0x3FFF, v11;
	v10 =	vshrl.u32 v11, $0xE  }
0x26: {  	[tilespmem:$0xB0] =	vst v9;
	v9 =	vand.u32 $0x3F, v10;
	v10 =	vshrl.u32 v11, $0x14  }
0x27: {  	[tilespmem:$0x130] =	vst v9;
	v9 =	vand.u32 $0x3FF, v10  }
0x28: {  	v10 =	vshrl.u32 v56, $0xE;
	[tilespmem:$0x1B0] =	vst v9;
	v9 =	vand.u32 $0x3FFF, v56  }
0x29: {  	[tilespmem:$0xC0] =	vst v9;
	v9 =	vand.u32 $0x3F, v10;
	v10 =	vshrl.u32 v56, $0x14  }
0x2a: {  	[tilespmem:$0x140] =	vst v9;
	v9 =	vand.u32 $0x3FF, v10  }
0x2b: {  	[tilespmem:$0x1C0] =	vst v9  }
0x2c: {  	[tilespmem:s12], [sflag:$0x1] =	stream.indirect.gather [hbm4b:s2+s10], $0x80, s11, s10, $0xb8;
	[tilespmem:$0xF600] =	vst v63  }
0x2d: {  	_ = 	snop  }
0x2e: {  	[tilespmem:s14], [sflag:$0x2] =	stream.indirect.gather [hbm4b:s5+s10], $0x80, s13, s10, $0xb8;
	[tilespmem:$0xF600] =	vst v63  }
0x2f: {  	_ =	swait.ge [sflag:s15], $0x2800  }
0x30: {  	v9 =	vmov s20;
	[sflag:s15] =	ssyncset.done $0x0  }
0x31: {  	[sflag:s15] =	ssyncadd.s32 $0xFFFFD800  }
0x32: {  	_ =	swait.ge [sflag:s16], $0x2800  }
0x33: {  	[sflag:s16] =	ssyncset.done $0x0  }
0x34: {  	[sflag:s16] =	ssyncadd.s32 $0xFFFFD800  }
0x35: {  	v9 =	vld.idx.msk [tilespmem:v9+s17+$0x0], $0xffff  }
0x36: {  	s22 =	simm.s32 $0x2A40  }
0x37: {  	s23 =	simm.s32 $0x240;
	v10 =	vld [tilespmem:s22+$0xFFFFFFC0]  }
0x38: {  	v11 =	vld [tilespmem:s23+$0xFFFFFFC0];
	_ =	sdelay $0x1  }
0x39: {  	v9 =	vshll.u32 v9, $0x7  }
0x3a: {  	v57 =	vor.u32 v0, v9;
	_ =	sdelay $0x1  }
0x3b: {  	v10 =	vadd.f32 v10, v11;
	_ =	sdelay $0x1  }
0x3c: {  	v10 =	vmax.f32 v10, $0.0e+00  }
0x3d: {  	[tilespmem:v57+s18+$0x0] =	vst.idx.add.f32.msk $0xffff, v10  }
0x3e: {  	v10 =	vld [tilespmem:s23+$0xFFFFFFD0]  }
0x3f: {  	v11 =	vld [tilespmem:s22+$0xFFFFFFD0];
	_ =	sdelay $0x2  }
0x40: {  	v58 =	vor.u32 v2, v9;
	_ =	sdelay $0x1  }
0x41: {  	v10 =	vadd.f32 v11, v10;
	_ =	sdelay $0x1  }
0x42: {  	v10 =	vmax.f32 v10, $0.0e+00  }
0x43: {  	[tilespmem:v58+s18+$0x0] =	vst.idx.add.f32.msk $0xffff, v10  }
0x44: {  	v10 =	vld [tilespmem:s23+$0xFFFFFFE0]  }
0x45: {  	v11 =	vld [tilespmem:s22+$0xFFFFFFE0];
	_ =	sdelay $0x2  }
0x46: {  	v59 =	vor.u32 v3, v9;
	_ =	sdelay $0x1  }
0x47: {  	v10 =	vadd.f32 v11, v10;
	_ =	sdelay $0x1  }
0x48: {  	v10 =	vmax.f32 v10, $0.0e+00  }
0x49: {  	[tilespmem:v59+s18+$0x0] =	vst.idx.add.f32.msk $0xffff, v10  }
0x4a: {  	v10 =	vld [tilespmem:s23+$0xFFFFFFF0]  }
0x4b: {  	v11 =	vld [tilespmem:s22+$0xFFFFFFF0];
	_ =	sdelay $0x2  }
0x4c: {  	v60 =	vor.u32 v4, v9;
	_ =	sdelay $0x1  }
0x4d: {  	v10 =	vadd.f32 v11, v10;
	_ =	sdelay $0x1  }
0x4e: {  	v10 =	vmax.f32 v10, $0.0e+00  }
0x4f: {  	[tilespmem:v60+s18+$0x0] =	vst.idx.add.f32.msk $0xffff, v10  }
0x50: {  	v10 =	vld [tilespmem:s23+$0x0]  }
0x51: {  	v11 =	vld [tilespmem:s22+$0x0];
	_ =	sdelay $0x2  }
0x52: {  	v61 =	vor.u32 v5, v9;
	_ =	sdelay $0x1  }
0x53: {  	v10 =	vadd.f32 v11, v10;
	_ =	sdelay $0x1  }
0x54: {  	v10 =	vmax.f32 v10, $0.0e+00  }
0x55: {  	[tilespmem:v61+s18+$0x0] =	vst.idx.add.f32.msk $0xffff, v10  }
0x56: {  	v10 =	vld [tilespmem:s23+$0x10]  }
0x57: {  	v11 =	vld [tilespmem:s22+$0x10];
	_ =	sdelay $0x2  }
0x58: {  	v62 =	vor.u32 v6, v9;
	_ =	sdelay $0x1  }
0x59: {  	v10 =	vadd.f32 v11, v10;
	_ =	sdelay $0x1  }
0x5a: {  	v10 =	vmax.f32 v10, $0.0e+00  }
0x5b: {  	[tilespmem:v62+s18+$0x0] =	vst.idx.add.f32.msk $0xffff, v10  }
0x5c: {  	v10 =	vld [tilespmem:s23+$0x20]  }
0x5d: {  	v11 =	vld [tilespmem:s22+$0x20];
	_ =	sdelay $0x2  }
0x5e: {  	v63 =	vor.u32 v7, v9;
	_ =	sdelay $0x1  }
0x5f: {  	v10 =	vadd.f32 v11, v10;
	_ =	sdelay $0x1  }
0x60: {  	v10 =	vmax.f32 v10, $0.0e+00  }
0x61: {  	[tilespmem:v63+s18+$0x0] =	vst.idx.add.f32.msk $0xffff, v10  }
0x62: {  	v10 =	vld [tilespmem:s23+$0x30]  }
0x63: {  	s24 =	simm.s32 $0x1;
	v9 =	vor.u32 v8, v9;
	v11 =	vld [tilespmem:s22+$0x30]  }
.LBB2_5:
0x64: {  	p0 =	sne.s32 s24, $0x4F;
	s22 =	sadd.s32 $0x80, s22;
	s23 =	sadd.s32 $0x80, s23  }
0x65: {  	s25 =	smov.u32 s24;
	s24 =	sadd.s32 $0x1, s24;
	_ =	sdelay $0x1  }
0x66: {  	v12 =	vmov s25  }
0x67: {  	v10 =	vadd.f32 v11, v10;
	_ =	sdelay $0x1  }
0x68: {  	v10 =	vmax.f32 v10, $0.0e+00  }
0x69: {  	[tilespmem:v9+s18+$0x0] =	vst.idx.add.f32.msk $0xffff, v10  }
0x6a: {  	v9 =	vld.idx.msk [tilespmem:v12+s17+$0x0], $0xffff;
	_ =	sdelay $0x2  }
0x6b: {  	v10 =	vld [tilespmem:s22+$0xFFFFFFC0]  }
0x6c: {  	v11 =	vld [tilespmem:s23+$0xFFFFFFC0];
	_ =	sdelay $0x1  }
0x6d: {  	v9 =	vshll.u32 v9, $0x7  }
0x6e: {  	v12 =	vor.u32 v0, v9;
	_ =	sdelay $0x1  }
0x6f: {  	v10 =	vadd.f32 v10, v11;
	_ =	sdelay $0x1  }
0x70: {  	v10 =	vmax.f32 v10, $0.0e+00  }
0x71: {  	[tilespmem:v12+s18+$0x0] =	vst.idx.add.f32.msk $0xffff, v10  }
0x72: {  	v10 =	vld [tilespmem:s23+$0xFFFFFFD0]  }
0x73: {  	v11 =	vld [tilespmem:s22+$0xFFFFFFD0];
	_ =	sdelay $0x1  }
0x74: {  	v12 =	vor.u32 v2, v9;
	_ =	sdelay $0x2  }
0x75: {  	v10 =	vadd.f32 v11, v10;
	_ =	sdelay $0x1  }
0x76: {  	v10 =	vmax.f32 v10, $0.0e+00  }
0x77: {  	[tilespmem:v12+s18+$0x0] =	vst.idx.add.f32.msk $0xffff, v10  }
0x78: {  	v10 =	vld [tilespmem:s23+$0xFFFFFFE0]  }
0x79: {  	v11 =	vld [tilespmem:s22+$0xFFFFFFE0]  }
0x7a: {  	v12 =	vor.u32 v3, v9;
	_ =	sdelay $0x3  }
0x7b: {  	v10 =	vadd.f32 v11, v10;
	_ =	sdelay $0x1  }
0x7c: {  	v10 =	vmax.f32 v10, $0.0e+00  }
0x7d: {  	[tilespmem:v12+s18+$0x0] =	vst.idx.add.f32.msk $0xffff, v10  }
0x7e: {  	v10 =	vld [tilespmem:s23+$0xFFFFFFF0]  }
0x7f: {  	v12 =	vor.u32 v4, v9;
	v11 =	vld [tilespmem:s22+$0xFFFFFFF0];
	_ =	sdelay $0x4  }
0x80: {  	v10 =	vadd.f32 v11, v10;
	_ =	sdelay $0x1  }
0x81: {  	v10 =	vmax.f32 v10, $0.0e+00  }
0x82: {  	[tilespmem:v12+s18+$0x0] =	vst.idx.add.f32.msk $0xffff, v10  }
0x83: {  	v11 =	vor.u32 v5, v9;
	v10 =	vld [tilespmem:s23+$0x0]  }
0x84: {  	v12 =	vld [tilespmem:s22+$0x0];
	_ =	sdelay $0x4  }
0x85: {  	v10 =	vadd.f32 v12, v10;
	_ =	sdelay $0x1  }
0x86: {  	v10 =	vmax.f32 v10, $0.0e+00  }
0x87: {  	[tilespmem:v11+s18+$0x0] =	vst.idx.add.f32.msk $0xffff, v10;
	v10 =	vor.u32 v6, v9  }
0x88: {  	v11 =	vld [tilespmem:s23+$0x10]  }
0x89: {  	v12 =	vld [tilespmem:s22+$0x10];
	_ =	sdelay $0x4  }
0x8a: {  	v11 =	vadd.f32 v12, v11;
	_ =	sdelay $0x1  }
0x8b: {  	v12 =	vor.u32 v7, v9;
	v11 =	vmax.f32 v11, $0.0e+00  }
0x8c: {  	[tilespmem:v10+s18+$0x0] =	vst.idx.add.f32.msk $0xffff, v11  }
0x8d: {  	v10 =	vld [tilespmem:s23+$0x20]  }
0x8e: {  	v11 =	vld [tilespmem:s22+$0x20];
	_ =	sdelay $0x4  }
0x8f: {  	v10 =	vadd.f32 v11, v10  }
.Ltmp1:
0x90: {  	v9 =	vor.u32 v8, v9;
	(pc) =	sbr.rel @p0 .LBB2_5-.Ltmp1, $4  }
0x91: {  	v10 =	vmax.f32 v10, $0.0e+00  }
0x92: {  	[tilespmem:v12+s18+$0x0] =	vst.idx.add.f32.msk $0xffff, v10  }
0x93: {  	v10 =	vld [tilespmem:s23+$0x30]  }
0x94: {  	v11 =	vld [tilespmem:s22+$0x30]  }
0x95: {  	_ = 	snop  }
0x96: {  	s21 =	sadd.s32 $0x1, s21  }
0x97: {  	p0 =	sne.s32 s21, $0x87  }
.Ltmp2:
0x98: {  	_ = 	snop;
	(pc) =	sbr.rel @p0 .LBB2_4-.Ltmp2, $3  }
0x99: {  	v10 =	vadd.f32 v11, v10;
	_ =	sdelay $0x1  }
0x9a: {  	v10 =	vmax.f32 v10, $0.0e+00  }
0x9b: {  	[tilespmem:v9+s18+$0x0] =	vst.idx.add.f32.msk $0xffff, v10  }
0x9c: {  	s19 =	sadd.s32 $0x1, s19  }
0x9d: {  	p0 =	sne.s32 s19, s8  }
.Ltmp3:
0x9e: {  	_ = 	snop;
	(pc) =	sbr.rel @p0 .LBB2_1-.Ltmp3, $4  }
0x9f: {  	[hbm4b:s7+s3] =	stream.linear.scatter [tilespmem:s18], [sflag:$0x3], $0xA000, $0x38;
	[tilespmem:$0xF600] =	vst v63  }
0xa0: {  	_ =	swait.ge [sflag:s9], $0xA000  }
0xa1: {  	[sflag:s9] =	ssyncset.done $0x0  }
0xa2: {  	[sflag:s9] =	ssyncadd.s32 $0xFFFF6000  }
0xa3: {  	_ =	sfence.sel $0x180000  }
0xa4: {  	[bflag:$0x0] =	sbarrier.arrive $0xFFFF  }
0xa5: {  	p0 =	sne.s32 s0, $0x0;
	_ =	strace $0x9000004A  }
0xa6: {  	s0 =	sadd.s32 @!p0 $0x100000, s1;
	[bflag:$0x2] =	sbarrier.arrive $0xFFFF  }
0xa7: {  	[sflag:s0] =	ssyncadd.tile.s32 @!p0 $0x1;
	_ =	shalt  }
.Lfunc_end2:
_tile_overlayer_lowered:
.L_overlay_start_2:
0xa8: {  	(tag) =	ssettag $0x2  }
0xa9: {  	s0 =	rddreg [dreg:$0x0];
	s2 =	stileid.u32  }
0xaa: {  	s1 =	rddreg [dreg:$0x1];
	p0 =	sne.s32 s2, $0x0  }
0xab: {  	s3 =	rddreg [dreg:$0x2];
	[bflag:$0x3] =	sbarrier.arrive $0xFFFF;
	s2 =	simm.s32 @!p0 $0x1C03  }
0xac: {  	[timem:s3], [sflag:s2] =	dma.local @!p0 [hbm:s0], s1  }
0xad: {  	s0 =	simm.s32 @!p0 $0x3  }
0xae: {  	_ =	swait.ge @!p0 [sflag:s0], s1  }
0xaf: {  	s1 =	ssub.s32 @!p0 $0x0, s1;
	[sflag:s0] =	ssyncset.done @!p0 $0x0  }
0xb0: {  	[sflag:s0] =	ssyncadd.s32 @!p0 s1  }
0xb1: {  	[bflag:$0x3] =	sbarrier.arrive $0xFFFF  }
0xb2: {  	_ =	shalt  }

// kernel: kernel.16.cloned.1.call-start
scs
__scs_entry_jumppad:
0x0: {  	(pc) =	sbr.rel $0x88, $3  }
0x1: {  	(tag) =	ssettag $0x0;
	lr =	simm.s32 $0x1  }
0x2: {  	[smem:$0x3F59] =	sst lr;
	_ =	strace $0xD0000000  }
0x3: {  	_ = 	snop  }
0x4: {  	_ = 	snop  }
0x5: {  	_ = 	snop  }
0x6: {  	_ = 	snop  }
0x7: {  	_ = 	snop  }
__scs_overlays_trampoline_lowered:
0x8: {  	[smem:$0x3F68] =	sst s0  }
0x9: {  	[smem:$0x3F69] =	sst s1  }
0xa: {  	[smem:$0x3F6A] =	sst s2  }
0xb: {  	[smem:$0x3F6B] =	sst s3  }
0xc: {  	[smem:$0x3F6C] =	sst s4  }
0xd: {  	[smem:$0x3F6D] =	sst s5  }
0xe: {  	[smem:$0x3F6E] =	sst s6  }
0xf: {  	[smem:$0x3F6F] =	sst s7  }
0x10: {  	[smem:$0x3F70] =	sst s8  }
0x11: {  	[smem:$0x3F71] =	sst s9;
	s0 =	simm.s32 @!p0 $0x0  }
0x12: {  	s1 =	sld [smem:$0x3F57];
	s0 =	simm.s32 @p0 $0x1  }
0x13: {  	[smem:$0x3F72] =	sst s0;
	s0 =	simm.s32 @!p1 $0x0  }
0x14: {  	s2 =	sld [smem:$0x3F56];
	s0 =	simm.s32 @p1 $0x1  }
0x15: {  	[smem:$0x3F73] =	sst s0;
	s0 =	simm.s32 @!p2 $0x0  }
0x16: {  	s3 =	sld [smem:$0x3FDB];
	s0 =	simm.s32 @p2 $0x1  }
0x17: {  	s4 =	simm.s32 $0x1BF5;
	[smem:$0x3F75] =	sst s0  }
0x18: {  	s0 =	sld [smem:$0x3F58];
	_ =	swait.ge [sflag:s4], $0x0  }
0x19: {  	s7 =	sld [smem:$0x3F59]  }
0x1a: {  	s8 =	sadd.s32 $0xFFFFE003, lr  }
0x1b: {  	s9 =	sadd.s32 $0xFFFFFEF7, lr;
	s5 =	simm.s32 $0xFFFFFFFF;
	p2 =	slt.u32 s8, $0xFFFFF086  }
0x1c: {  	p1 =	slt.u32 s9, $0xF7A;
	s5 =	simm.s32 @!p2 $0x0  }
0x1d: {  	s5 =	simm.s32 @p1 $0x1;
	p0 =	seq.s32 s7, s2  }
0x1e: {  	s7 =	smul.u32 @!p0 $0xF7A, s2;
	p2 =	seq.s32 @!p0 s5, $0x0  }
0x1f: {  	s9 =	smul.u32 $0xF7A, s1;
	s8 =	simm.s32 @!p0 $0x1BF5;
	p2 =	por !p2, p0  }
0x20: {  	[sflag:s8] =	ssyncset.s32 @!p0 $0xFFFFF086;
	s6 =	sadd.s32 @!p0 s3, s7;
	s7 =	simm.s32 @!p0 $0x108  }
0x21: {  	s3 =	sadd.s32 s3, s9;
	s6 =	sadd.s32 @!p0 $0x88, s6;
	s7 =	simm.s32 @p2 $0x1082  }
0x22: {  	[simem:s7], [sflag:s8] =	dma.local @!p0 [hbm:s6], $0xF7A  }
0x23: {  	s9 =	sor.u32 $0xD0000000, s2;
	s6 =	simm.s32 $0x108;
	_ =	swait.ge @!p0 [sflag:s8], $0x0  }
0x24: {  	s3 =	sadd.s32 $0x88, s3;
	s6 =	simm.s32 @!p1 $0x1082;
	[sflag:s4] =	ssyncset.s32 $0xFFFFF086  }
0x25: {  	[simem:s6], [sflag:s4] =	dma.local [hbm:s3], $0xF7A  }
0x26: {  	[smem:$0x3F59] =	sst s1;
	(tag) =	ssettag s2;
	_ =	strace s9  }
0x27: {  	s1 =	sld [smem:$0x3F69]  }
0x28: {  	s2 =	sld [smem:$0x3F6A]  }
0x29: {  	s4 =	sld [smem:$0x3F6C]  }
0x2a: {  	p0 =	seq.s32 s5, $0x0;
	s5 =	sld [smem:$0x3F6D]  }
0x2b: {  	s6 =	sld [smem:$0x3F6E]  }
0x2c: {  	s7 =	sld [smem:$0x3F6F]  }
0x2d: {  	s3 =	simm.s32 $0x108;
	s8 =	sld [smem:$0x3F70]  }
0x2e: {  	s3 =	simm.s32 @!p0 $0x1082;
	s9 =	sld [smem:$0x3F71]  }
0x2f: {  	lr =	sadd.s32 s0, s3;
	s0 =	sld [smem:$0x3F68]  }
0x30: {  	s3 =	sld [smem:$0x3F6B]  }
0x31: {  	[smem:$0x3F74] =	sst s10  }
0x32: {  	s10 =	sld [smem:$0x3F72];
	_ =	sdelay $0x3  }
0x33: {  	p0 =	seq.s32 s10, $0x1;
	s10 =	sld [smem:$0x3F74];
	_ =	sdelay $0x3  }
0x34: {  	[smem:$0x3F74] =	sst s10  }
0x35: {  	s10 =	sld [smem:$0x3F73];
	_ =	sdelay $0x3  }
0x36: {  	p1 =	seq.s32 s10, $0x1;
	s10 =	sld [smem:$0x3F74];
	_ =	sdelay $0x3  }
0x37: {  	[smem:$0x3F74] =	sst s10  }
0x38: {  	s10 =	sld [smem:$0x3F75]  }
0x39: {  	_ = 	snop;
	(pc) =	sbr.ind lr, $3  }
0x3a: {  	_ = 	snop  }
0x3b: {  	_ = 	snop  }
0x3c: {  	p2 =	seq.s32 s10, $0x1;
	s10 =	sld [smem:$0x3F74]  }
0x3d: {  	_ =	shalt  }
0x3e: {  	_ =	shalt  }
0x3f: {  	_ =	shalt  }
0x40: {  	_ =	shalt  }
0x41: {  	_ =	shalt  }
0x42: {  	_ =	shalt  }
0x43: {  	_ =	shalt  }
0x44: {  	_ =	shalt  }
0x45: {  	_ =	shalt  }
0x46: {  	_ =	shalt  }
0x47: {  	_ =	shalt  }
0x48: {  	_ =	shalt  }
0x49: {  	_ =	shalt  }
0x4a: {  	_ =	shalt  }
0x4b: {  	_ =	shalt  }
0x4c: {  	_ =	shalt  }
0x4d: {  	_ =	shalt  }
0x4e: {  	_ =	shalt  }
0x4f: {  	_ =	shalt  }
0x50: {  	_ =	shalt  }
0x51: {  	_ =	shalt  }
0x52: {  	_ =	shalt  }
0x53: {  	_ =	shalt  }
0x54: {  	_ =	shalt  }
0x55: {  	_ =	shalt  }
0x56: {  	_ =	shalt  }
0x57: {  	_ =	shalt  }
0x58: {  	_ =	shalt  }
0x59: {  	_ =	shalt  }
0x5a: {  	_ =	shalt  }
0x5b: {  	_ =	shalt  }
0x5c: {  	_ =	shalt  }
0x5d: {  	_ =	shalt  }
0x5e: {  	_ =	shalt  }
0x5f: {  	_ =	shalt  }
0x60: {  	_ =	shalt  }
0x61: {  	_ =	shalt  }
0x62: {  	_ =	shalt  }
0x63: {  	_ =	shalt  }
0x64: {  	_ =	shalt  }
0x65: {  	_ =	shalt  }
0x66: {  	_ =	shalt  }
0x67: {  	_ =	shalt  }
0x68: {  	_ =	shalt  }
0x69: {  	_ =	shalt  }
0x6a: {  	_ =	shalt  }
0x6b: {  	_ =	shalt  }
0x6c: {  	_ =	shalt  }
0x6d: {  	_ =	shalt  }
0x6e: {  	_ =	shalt  }
0x6f: {  	_ =	shalt  }
0x70: {  	_ =	shalt  }
0x71: {  	_ =	shalt  }
0x72: {  	_ =	shalt  }
0x73: {  	_ =	shalt  }
0x74: {  	_ =	shalt  }
0x75: {  	_ =	shalt  }
0x76: {  	_ =	shalt  }
0x77: {  	_ =	shalt  }
0x78: {  	_ =	shalt  }
0x79: {  	_ =	shalt  }
0x7a: {  	_ =	shalt  }
0x7b: {  	_ =	shalt  }
0x7c: {  	_ =	shalt  }
0x7d: {  	_ =	shalt  }
0x7e: {  	_ =	shalt  }
0x7f: {  	_ =	shalt  }
0x80: {  	_ =	shalt  }
0x81: {  	_ =	shalt  }
0x82: {  	_ =	shalt  }
0x83: {  	_ =	shalt  }
0x84: {  	_ =	shalt  }
0x85: {  	_ =	shalt  }
0x86: {  	_ =	shalt  }
0x87: {  	_ =	shalt  }
.Lfunc_end0:
.L_simem_size_0:
called_computation.2_lowered:
.L_overlay_start_0:
0x88: {  	s2 =	sld [smem:$0x3FD9]  }
0x89: {  	s3 =	sld [smem:$0x3FFE];
	_ =	sdelay $0x1  }
0x8a: {  	s1 =	srdreg.scid  }
0x8b: {  	s0 =	sand.u32 $0x1, s1  }
0x8c: {  	s17 =	sshll.u32 s0, $0xA;
	s2 =	sadd.s32 s3, s2  }
0x8d: {  	s2 =	sadd.s32 s2, s17  }
0x8e: {  	[smem:$0x3F80] =	sst s2  }
0x8f: {  	_ = 	snop  }
0x90: {  	s2 =	sld [smem:$0x3FD0];
	(tm) =	ssettm $0x1  }
0x91: {  	s18 =	sld [smem:$0x3FFB];
	_ =	sdelay $0x3  }
0x92: {  	_ =	strace s18  }
0x93: {  	s3 =	sld [smem:$0x3FFC];
	_ =	sdelay $0x3  }
0x94: {  	_ =	strace s3  }
0x95: {  	s3 =	sld [smem:$0x3FFD];
	_ =	sdelay $0x3  }
0x96: {  	_ =	strace s3  }
0x97: {  	_ =	strace $0x8FFFFFFF  }
0x98: {  	s19 =	sld [smem:$0x3FDB];
	_ =	sdelay $0x1  }
0x99: {  	s4 =	simm.s32 $_scs_section_size  }
0x9a: {  	s5 =	simm.s32 $_size__tile_overlayer_lowered;
	s6 =	simm.s32 $_tile_overlayer_lowered  }
0x9b: {  	s22 =	simm.s32 $0x1BFF;
	s21 =	sshll.u32 s6, $0x1;
	s3 =	sadd.s32 s4, s19  }
0x9c: {  	s7 =	simm.s32 $0x0;
	s20 =	sshll.u32 s5, $0x1;
	s5 =	sadd.s32 s21, s3  }
0x9d: {  	[timem:s7], [sflag:s22] =	dma.local [hbm:s5], s20  }
0x9e: {  	_ =	swait.ge [sflag:s22], s20  }
0x9f: {  	s4 =	ssub.s32 $0x0, s20;
	[sflag:s22] =	ssyncset.done $0x0  }
0xa0: {  	[sflag:s22] =	ssyncadd.s32 s4;
	_ =	sdelay $0x1  }
0xa1: {  	s23 =	simm.s32 $0x1B8B  }
0xa2: {  	_ =	swait.ge [sflag:s23], $0x1  }
0xa3: {  	[sflag:s23] =	ssyncset.done $0x0  }
0xa4: {  	s25 =	simm.s32 $0x1B8E;
	s24 =	sld [smem:$0x3FFE];
	[sflag:s23] =	ssyncadd.s32 $0xFFFFFFFF  }
0xa5: {  	s26 =	simm.s32 $execute0_lowered;
	[smem:$0x3FD2] =	sst s25  }
0xa6: {  	s5 =	sshll.u32 s26, $0x1;
	_ =	strace $0x8000004C;
	[dreg:$0x1] =	wrdreg $0xFFFFFFFF  }
0xa7: {  	s28 =	simm.s32 $_size_execute0_lowered;
	s3 =	sadd.s32 s3, s5;
	[dreg:$0x0] =	wrdreg $0x0  }
0xa8: {  	s5 =	sshll.u32 s28, $0x1;
	[dreg:$0x2] =	wrdreg s3  }
0xa9: {  	[dreg:$0x3] =	wrdreg s5  }
0xaa: {  	[dreg:$0x4] =	wrdreg $0xC0  }
0xab: {  	_ =	task [dreg:s7], $0x5FFFF  }
0xac: {  	[dreg:$0x1] =	wrdreg $0xFFFFFFFF  }
0xad: {  	[dreg:$0x0] =	wrdreg $0x60  }
0xae: {  	[dreg:$0x2] =	wrdreg s2  }
0xaf: {  	[dreg:$0x3] =	wrdreg s24  }
0xb0: {  	[dreg:$0x4] =	wrdreg $0x9  }
0xb1: {  	_ =	task.clear_ibuf [dreg:s7], $0x5FFFF;
	_ =	strace $0x9000004C  }
0xb2: {  	s29 =	simm.s32 $0x9;
	_ =	strace $0x8000004E  }
0xb3: {  	_ =	swait.ge [sflag:s29], $0x1  }
0xb4: {  	[sflag:s29] =	ssyncadd.s32 $0xFFFFFFFF  }
0xb5: {  	_ =	strace $0x9000004E  }
0xb6: {  	_ =	sfence  }
0xb7: {  	s30 =	sld [smem:$0x0];
	_ =	sdelay $0x2  }
0xb8: {  	s31 =	sshll.u32 s1, $0xD;
	s1 =	sshrl.u32 s1, $0x2  }
0xb9: {  	s3 =	sand.u32 $0x4000, s31;
	s1 =	sadd.s32 s1, s30  }
0xba: {  	s0 =	sor.u32 s3, s0;
	s1 =	sshll.u32 s1, $0x11  }
0xbb: {  	s0 =	sor.u32 s1, s0  }
0xbc: {  	s0 =	sadd.s32 $0x8F2B, s0  }
0xbd: {  	[sflag:s0] =	ssyncadd.remote.s32 $0x1  }
0xbe: {  	_ =	sfence.sel $0xFFFF  }
0xbf: {  	[dreg:$0x0] =	wrdreg $0xFFFFFFFF;
	(pc) =	sbr.abs _section_cstart, $3  }
0xc0: {  	[dreg:$0x1] =	wrdreg $0xFFFFFFFF  }
0xc1: {  	_ =	task.clear_ibuf [dreg:s7], $0x2FFFF;
	_ =	strace $0x9FFFFFFF  }
0xc2: {  	(tm) =	ssettm $0x7FFFFFFF  }
0xc3: {  	_ =	shalt  }
tec
execute0_lowered:
.L_overlay_start_1:
0x0: {  	(tag) =	ssettag $0x1  }
0x1: {  	s2 =	rddreg [dreg:$0x0];
	s1 =	srdreg.scid  }
0x2: {  	s0 =	stileid.u32;
	s6 =	rddreg [dreg:$0x1];
	s3 =	simm.s32 $0x0  }
0x3: {  	s10 =	simm.s32 $0x50;
	s11 =	simm.s32 $0x80;
	s12 =	simm.s32 $0x200  }
0x4: {  	s13 =	simm.s32 $0x100;
	s14 =	simm.s32 $0x2A00;
	s15 =	simm.s32 $0x1  }
0x5: {  	s16 =	simm.s32 $0x2;
	s17 =	simm.s32 $0x180;
	s18 =	simm.s32 $0x5200  }
0x6: {  	s5 =	sand.u32 $0x1, s1;
	s4 =	sshll.u32 s0, $0x1;
	s1 =	rddreg [dreg:$0x2]  }
0x7: {  	s19 =	simm.s32 $0x0;
	[smem:$0x7FF] =	sst s3;
	s7 =	sor.u32 s5, s4  }
0x8: {  	v0 =	vlaneseq.u32;
	_ =	strace $0x8000004D;
	s9 =	ssub.s32 $0x2, s5;
	s8 =	smul.u32 $0x1400, s7  }
0x9: {  	v1 =	vimm.f32 $0.0e+00;
	v2 =	vor.u32 $0x10, v0;
	s4 =	sadd.s32 $0x19E00, s6;
	s5 =	sadd.s32 $0x6200, s6;
	s31 =	sshrl.u32 s9, $0x1  }
0xa: {  	v3 =	vor.u32 $0x20, v0;
	v4 =	vor.u32 $0x30, v0;
	v5 =	vor.u32 $0x40, v0;
	s9 =	ssub.s32 s9, s31;
	s8 =	sadd.s32 s8, s6;
	s6 =	smul.u32 $0x2A40, s7  }
0xb: {  	v6 =	vor.u32 $0x50, v0;
	v7 =	vor.u32 $0x60, v0;
	v8 =	vor.u32 $0x70, v0;
	s7 =	sadd.s32 $0x24800, s8;
	s8 =	smax.u32 s9, $0x1;
	s9 =	simm.s32 $0x3  }
.LBB2_1:
0xc: {  	s20 =	simm.s32 $0x40;
	s21 =	simm.s32 $0x0  }
.LBB2_2:
0xd: {  	p0 =	sne.s32 s20, $0x28FC0;
	[tilespmem:s21+$0x5200] =	vst v1;
	s21 =	smov.u32 s20;
	s20 =	sadd.s32 $0x40, s20  }
.Ltmp0:
0xe: {  	(pc) =	sbr.rel @p0 .LBB2_2-.Ltmp0, $2  }
0xf: {  	_ =	sdelay $0x2  }
0x10: {  	s21 =	sshra.s32 s21, $0x2  }
0x11: {  	[tilespmem:s21+$0x5200] =	vst v1;
	s20 =	simm.s32 $0x0;
	s21 =	simm.s32 $0x0  }
.LBB2_4:
0x12: {  	s22 =	smul.u32 $0x50, s21;
	_ =	sdelay $0x1  }
0x13: {  	s22 =	sadd.s32 s6, s22  }
0x14: {  	s22 =	sshrl.u32 s22, $0x3  }
0x15: {  	s22 =	sadd.s32 s4, s22  }
0x16: {  	[tilespmem:s20], [sflag:$0x3] =	stream.linear.gather [hbm4b:s22+s20], $0x50, $0x38;
	[tilespmem:$0xF600] =	vst v63  }
0x17: {  	_ =	swait.ge [sflag:s9], $0x50  }
0x18: {  	[sflag:s9] =	ssyncset.done $0x0  }
0x19: {  	[sflag:s9] =	ssyncadd.s32 $0xFFFFFFB0  }
0x1a: {  	v9 =	vld [tilespmem:$0x0];
	_ =	sdelay $0x2  }
0x1b: {  	v10 =	vld [tilespmem:$0x10];
	_ =	sdelay $0x1  }
0x1c: {  	v11 =	vand.u32 $0x3FFF, v9;
	v12 =	vshrl.u32 v9, $0xE  }
0x1d: {  	v55 =	vld [tilespmem:$0x20];
	v9 =	vshrl.u32 v9, $0x14;
	[tilespmem:$0x80] =	vst v11;
	v11 =	vand.u32 $0x3F, v12  }
0x1e: {  	v9 =	vand.u32 $0x3FF, v9;
	[tilespmem:$0x100] =	vst v11  }
0x1f: {  	[tilespmem:$0x180] =	vst v9;
	v9 =	vand.u32 $0x3FFF, v10;
	v11 =	vshrl.u32 v10, $0xE  }
0x20: {  	v10 =	vshrl.u32 v10, $0x14;
	[tilespmem:$0x90] =	vst v9;
	v9 =	vand.u32 $0x3F, v11;
	v11 =	vld [tilespmem:$0x30]  }
0x21: {  	[tilespmem:$0x110] =	vst v9;
	v9 =	vand.u32 $0x3FF, v10  }
0x22: {  	v10 =	vshrl.u32 v55, $0xE;
	[tilespmem:$0x190] =	vst v9;
	v9 =	vand.u32 $0x3FFF, v55  }
0x23: {  	v56 =	vld [tilespmem:$0x40];
	[tilespmem:$0xA0] =	vst v9;
	v9 =	vand.u32 $0x3F, v10;
	v10 =	vshrl.u32 v55, $0x14  }
0x24: {  	[tilespmem:$0x120] =	vst v9;
	v9 =	vand.u32 $0x3FF, v10  }
0x25: {  	[tilespmem:$0x1A0] =	vst v9;
	v9 =	vand.u32 $0x3FFF, v11;
	v10 =	vshrl.u32 v11, $0xE  }
0x26: {  	[tilespmem:$0xB0] =	vst v9;
	v9 =	vand.u32 $0x3F, v10;
	v10 =	vshrl.u32 v11, $0x14  }
0x27: {  	[tilespmem:$0x130] =	vst v9;
	v9 =	vand.u32 $0x3FF, v10  }
0x28: {  	v10 =	vshrl.u32 v56, $0xE;
	[tilespmem:$0x1B0] =	vst v9;
	v9 =	vand.u32 $0x3FFF, v56  }
0x29: {  	[tilespmem:$0xC0] =	vst v9;
	v9 =	vand.u32 $0x3F, v10;
	v10 =	vshrl.u32 v56, $0x14  }
0x2a: {  	[tilespmem:$0x140] =	vst v9;
	v9 =	vand.u32 $0x3FF, v10  }
0x2b: {  	[tilespmem:$0x1C0] =	vst v9  }
0x2c: {  	[tilespmem:s12], [sflag:$0x1] =	stream.indirect.gather [hbm4b:s2+s10], $0x80, s11, s10, $0xb8;
	[tilespmem:$0xF600] =	vst v63  }
0x2d: {  	_ = 	snop  }
0x2e: {  	[tilespmem:s14], [sflag:$0x2] =	stream.indirect.gather [hbm4b:s5+s10], $0x80, s13, s10, $0xb8;
	[tilespmem:$0xF600] =	vst v63  }
0x2f: {  	_ =	swait.ge [sflag:s15], $0x2800  }
0x30: {  	v9 =	vmov s20;
	[sflag:s15] =	ssyncset.done $0x0  }
0x31: {  	[sflag:s15] =	ssyncadd.s32 $0xFFFFD800  }
0x32: {  	_ =	swait.ge [sflag:s16], $0x2800  }
0x33: {  	[sflag:s16] =	ssyncset.done $0x0  }
0x34: {  	[sflag:s16] =	ssyncadd.s32 $0xFFFFD800  }
0x35: {  	v9 =	vld.idx.msk [tilespmem:v9+s17+$0x0], $0xffff  }
0x36: {  	s22 =	simm.s32 $0x2A40  }
0x37: {  	s23 =	simm.s32 $0x240;
	v10 =	vld [tilespmem:s22+$0xFFFFFFC0]  }
0x38: {  	v11 =	vld [tilespmem:s23+$0xFFFFFFC0];
	_ =	sdelay $0x1  }
0x39: {  	v9 =	vshll.u32 v9, $0x7  }
0x3a: {  	v57 =	vor.u32 v0, v9;
	_ =	sdelay $0x1  }
0x3b: {  	v10 =	vadd.f32 v10, v11;
	_ =	sdelay $0x1  }
0x3c: {  	v10 =	vmax.f32 v10, $0.0e+00  }
0x3d: {  	[tilespmem:v57+s18+$0x0] =	vst.idx.add.f32.msk $0xffff, v10  }
0x3e: {  	v10 =	vld [tilespmem:s23+$0xFFFFFFD0]  }
0x3f: {  	v11 =	vld [tilespmem:s22+$0xFFFFFFD0];
	_ =	sdelay $0x2  }
0x40: {  	v58 =	vor.u32 v2, v9;
	_ =	sdelay $0x1  }
0x41: {  	v10 =	vadd.f32 v11, v10;
	_ =	sdelay $0x1  }
0x42: {  	v10 =	vmax.f32 v10, $0.0e+00  }
0x43: {  	[tilespmem:v58+s18+$0x0] =	vst.idx.add.f32.msk $0xffff, v10  }
0x44: {  	v10 =	vld [tilespmem:s23+$0xFFFFFFE0]  }
0x45: {  	v11 =	vld [tilespmem:s22+$0xFFFFFFE0];
	_ =	sdelay $0x2  }
0x46: {  	v59 =	vor.u32 v3, v9;
	_ =	sdelay $0x1  }
0x47: {  	v10 =	vadd.f32 v11, v10;
	_ =	sdelay $0x1  }
0x48: {  	v10 =	vmax.f32 v10, $0.0e+00  }
0x49: {  	[tilespmem:v59+s18+$0x0] =	vst.idx.add.f32.msk $0xffff, v10  }
0x4a: {  	v10 =	vld [tilespmem:s23+$0xFFFFFFF0]  }
0x4b: {  	v11 =	vld [tilespmem:s22+$0xFFFFFFF0];
	_ =	sdelay $0x2  }
0x4c: {  	v60 =	vor.u32 v4, v9;
	_ =	sdelay $0x1  }
0x4d: {  	v10 =	vadd.f32 v11, v10;
	_ =	sdelay $0x1  }
0x4e: {  	v10 =	vmax.f32 v10, $0.0e+00  }
0x4f: {  	[tilespmem:v60+s18+$0x0] =	vst.idx.add.f32.msk $0xffff, v10  }
0x50: {  	v10 =	vld [tilespmem:s23+$0x0]  }
0x51: {  	v11 =	vld [tilespmem:s22+$0x0];
	_ =	sdelay $0x2  }
0x52: {  	v61 =	vor.u32 v5, v9;
	_ =	sdelay $0x1  }
0x53: {  	v10 =	vadd.f32 v11, v10;
	_ =	sdelay $0x1  }
0x54: {  	v10 =	vmax.f32 v10, $0.0e+00  }
0x55: {  	[tilespmem:v61+s18+$0x0] =	vst.idx.add.f32.msk $0xffff, v10  }
0x56: {  	v10 =	vld [tilespmem:s23+$0x10]  }
0x57: {  	v11 =	vld [tilespmem:s22+$0x10];
	_ =	sdelay $0x2  }
0x58: {  	v62 =	vor.u32 v6, v9;
	_ =	sdelay $0x1  }
0x59: {  	v10 =	vadd.f32 v11, v10;
	_ =	sdelay $0x1  }
0x5a: {  	v10 =	vmax.f32 v10, $0.0e+00  }
0x5b: {  	[tilespmem:v62+s18+$0x0] =	vst.idx.add.f32.msk $0xffff, v10  }
0x5c: {  	v10 =	vld [tilespmem:s23+$0x20]  }
0x5d: {  	v11 =	vld [tilespmem:s22+$0x20];
	_ =	sdelay $0x2  }
0x5e: {  	v63 =	vor.u32 v7, v9;
	_ =	sdelay $0x1  }
0x5f: {  	v10 =	vadd.f32 v11, v10;
	_ =	sdelay $0x1  }
0x60: {  	v10 =	vmax.f32 v10, $0.0e+00  }
0x61: {  	[tilespmem:v63+s18+$0x0] =	vst.idx.add.f32.msk $0xffff, v10  }
0x62: {  	v10 =	vld [tilespmem:s23+$0x30]  }
0x63: {  	s24 =	simm.s32 $0x1;
	v9 =	vor.u32 v8, v9;
	v11 =	vld [tilespmem:s22+$0x30]  }
.LBB2_5:
0x64: {  	p0 =	sne.s32 s24, $0x4F;
	s22 =	sadd.s32 $0x80, s22;
	s23 =	sadd.s32 $0x80, s23  }
0x65: {  	s25 =	smov.u32 s24;
	s24 =	sadd.s32 $0x1, s24;
	_ =	sdelay $0x1  }
0x66: {  	v12 =	vmov s25  }
0x67: {  	v10 =	vadd.f32 v11, v10;
	_ =	sdelay $0x1  }
0x68: {  	v10 =	vmax.f32 v10, $0.0e+00  }
0x69: {  	[tilespmem:v9+s18+$0x0] =	vst.idx.add.f32.msk $0xffff, v10  }
0x6a: {  	v9 =	vld.idx.msk [tilespmem:v12+s17+$0x0], $0xffff;
	_ =	sdelay $0x2  }
0x6b: {  	v10 =	vld [tilespmem:s22+$0xFFFFFFC0]  }
0x6c: {  	v11 =	vld [tilespmem:s23+$0xFFFFFFC0];
	_ =	sdelay $0x1  }
0x6d: {  	v9 =	vshll.u32 v9, $0x7  }
0x6e: {  	v12 =	vor.u32 v0, v9;
	_ =	sdelay $0x1  }
0x6f: {  	v10 =	vadd.f32 v10, v11;
	_ =	sdelay $0x1  }
0x70: {  	v10 =	vmax.f32 v10, $0.0e+00  }
0x71: {  	[tilespmem:v12+s18+$0x0] =	vst.idx.add.f32.msk $0xffff, v10  }
0x72: {  	v10 =	vld [tilespmem:s23+$0xFFFFFFD0]  }
0x73: {  	v11 =	vld [tilespmem:s22+$0xFFFFFFD0];
	_ =	sdelay $0x1  }
0x74: {  	v12 =	vor.u32 v2, v9;
	_ =	sdelay $0x2  }
0x75: {  	v10 =	vadd.f32 v11, v10;
	_ =	sdelay $0x1  }
0x76: {  	v10 =	vmax.f32 v10, $0.0e+00  }
0x77: {  	[tilespmem:v12+s18+$0x0] =	vst.idx.add.f32.msk $0xffff, v10  }
0x78: {  	v10 =	vld [tilespmem:s23+$0xFFFFFFE0]  }
0x79: {  	v11 =	vld [tilespmem:s22+$0xFFFFFFE0]  }
0x7a: {  	v12 =	vor.u32 v3, v9;
	_ =	sdelay $0x3  }
0x7b: {  	v10 =	vadd.f32 v11, v10;
	_ =	sdelay $0x1  }
0x7c: {  	v10 =	vmax.f32 v10, $0.0e+00  }
0x7d: {  	[tilespmem:v12+s18+$0x0] =	vst.idx.add.f32.msk $0xffff, v10  }
0x7e: {  	v10 =	vld [tilespmem:s23+$0xFFFFFFF0]  }
0x7f: {  	v12 =	vor.u32 v4, v9;
	v11 =	vld [tilespmem:s22+$0xFFFFFFF0];
	_ =	sdelay $0x4  }
0x80: {  	v10 =	vadd.f32 v11, v10;
	_ =	sdelay $0x1  }
0x81: {  	v10 =	vmax.f32 v10, $0.0e+00  }
0x82: {  	[tilespmem:v12+s18+$0x0] =	vst.idx.add.f32.msk $0xffff, v10  }
0x83: {  	v11 =	vor.u32 v5, v9;
	v10 =	vld [tilespmem:s23+$0x0]  }
0x84: {  	v12 =	vld [tilespmem:s22+$0x0];
	_ =	sdelay $0x4  }
0x85: {  	v10 =	vadd.f32 v12, v10;
	_ =	sdelay $0x1  }
0x86: {  	v10 =	vmax.f32 v10, $0.0e+00  }
0x87: {  	[tilespmem:v11+s18+$0x0] =	vst.idx.add.f32.msk $0xffff, v10;
	v10 =	vor.u32 v6, v9  }
0x88: {  	v11 =	vld [tilespmem:s23+$0x10]  }
0x89: {  	v12 =	vld [tilespmem:s22+$0x10];
	_ =	sdelay $0x4  }
0x8a: {  	v11 =	vadd.f32 v12, v11;
	_ =	sdelay $0x1  }
0x8b: {  	v12 =	vor.u32 v7, v9;
	v11 =	vmax.f32 v11, $0.0e+00  }
0x8c: {  	[tilespmem:v10+s18+$0x0] =	vst.idx.add.f32.msk $0xffff, v11  }
0x8d: {  	v10 =	vld [tilespmem:s23+$0x20]  }
0x8e: {  	v11 =	vld [tilespmem:s22+$0x20];
	_ =	sdelay $0x4  }
0x8f: {  	v10 =	vadd.f32 v11, v10  }
.Ltmp1:
0x90: {  	v9 =	vor.u32 v8, v9;
	(pc) =	sbr.rel @p0 .LBB2_5-.Ltmp1, $4  }
0x91: {  	v10 =	vmax.f32 v10, $0.0e+00  }
0x92: {  	[tilespmem:v12+s18+$0x0] =	vst.idx.add.f32.msk $0xffff, v10  }
0x93: {  	v10 =	vld [tilespmem:s23+$0x30]  }
0x94: {  	v11 =	vld [tilespmem:s22+$0x30]  }
0x95: {  	_ = 	snop  }
0x96: {  	s21 =	sadd.s32 $0x1, s21  }
0x97: {  	p0 =	sne.s32 s21, $0x87  }
.Ltmp2:
0x98: {  	_ = 	snop;
	(pc) =	sbr.rel @p0 .LBB2_4-.Ltmp2, $3  }
0x99: {  	v10 =	vadd.f32 v11, v10;
	_ =	sdelay $0x1  }
0x9a: {  	v10 =	vmax.f32 v10, $0.0e+00  }
0x9b: {  	[tilespmem:v9+s18+$0x0] =	vst.idx.add.f32.msk $0xffff, v10  }
0x9c: {  	s19 =	sadd.s32 $0x1, s19  }
0x9d: {  	p0 =	sne.s32 s19, s8  }
.Ltmp3:
0x9e: {  	_ = 	snop;
	(pc) =	sbr.rel @p0 .LBB2_1-.Ltmp3, $4  }
0x9f: {  	[hbm4b:s7+s3] =	stream.linear.scatter [tilespmem:s18], [sflag:$0x3], $0xA000, $0x38;
	[tilespmem:$0xF600] =	vst v63  }
0xa0: {  	_ =	swait.ge [sflag:s9], $0xA000  }
0xa1: {  	[sflag:s9] =	ssyncset.done $0x0  }
0xa2: {  	[sflag:s9] =	ssyncadd.s32 $0xFFFF6000  }
0xa3: {  	_ =	sfence.sel $0x180000  }
0xa4: {  	[bflag:$0x0] =	sbarrier.arrive $0xFFFF  }
0xa5: {  	p0 =	sne.s32 s0, $0x0;
	_ =	strace $0x9000004D  }
0xa6: {  	s0 =	sadd.s32 @!p0 $0x100000, s1;
	[bflag:$0x2] =	sbarrier.arrive $0xFFFF  }
0xa7: {  	[sflag:s0] =	ssyncadd.tile.s32 @!p0 $0x1;
	_ =	shalt  }
.Lfunc_end2:
_tile_overlayer_lowered:
.L_overlay_start_2:
0xa8: {  	(tag) =	ssettag $0x2  }
0xa9: {  	s0 =	rddreg [dreg:$0x0];
	s2 =	stileid.u32  }
0xaa: {  	s1 =	rddreg [dreg:$0x1];
	p0 =	sne.s32 s2, $0x0  }
0xab: {  	s3 =	rddreg [dreg:$0x2];
	[bflag:$0x3] =	sbarrier.arrive $0xFFFF;
	s2 =	simm.s32 @!p0 $0x1C03  }
0xac: {  	[timem:s3], [sflag:s2] =	dma.local @!p0 [hbm:s0], s1  }
0xad: {  	s0 =	simm.s32 @!p0 $0x3  }
0xae: {  	_ =	swait.ge @!p0 [sflag:s0], s1  }
0xaf: {  	s1 =	ssub.s32 @!p0 $0x0, s1;
	[sflag:s0] =	ssyncset.done @!p0 $0x0  }
0xb0: {  	[sflag:s0] =	ssyncadd.s32 @!p0 s1  }
0xb1: {  	[bflag:$0x3] =	sbarrier.arrive $0xFFFF  }
0xb2: {  	_ =	shalt  }

// kernel: kernel.19.cloned.1.call-start
scs
__scs_entry_jumppad:
0x0: {  	(pc) =	sbr.rel $0x88, $3  }
0x1: {  	(tag) =	ssettag $0x0;
	lr =	simm.s32 $0x1  }
0x2: {  	[smem:$0x3F59] =	sst lr;
	_ =	strace $0xD0000000  }
0x3: {  	_ = 	snop  }
0x4: {  	_ = 	snop  }
0x5: {  	_ = 	snop  }
0x6: {  	_ = 	snop  }
0x7: {  	_ = 	snop  }
__scs_overlays_trampoline_lowered:
0x8: {  	[smem:$0x3F68] =	sst s0  }
0x9: {  	[smem:$0x3F69] =	sst s1  }
0xa: {  	[smem:$0x3F6A] =	sst s2  }
0xb: {  	[smem:$0x3F6B] =	sst s3  }
0xc: {  	[smem:$0x3F6C] =	sst s4  }
0xd: {  	[smem:$0x3F6D] =	sst s5  }
0xe: {  	[smem:$0x3F6E] =	sst s6  }
0xf: {  	[smem:$0x3F6F] =	sst s7  }
0x10: {  	[smem:$0x3F70] =	sst s8  }
0x11: {  	[smem:$0x3F71] =	sst s9;
	s0 =	simm.s32 @!p0 $0x0  }
0x12: {  	s1 =	sld [smem:$0x3F57];
	s0 =	simm.s32 @p0 $0x1  }
0x13: {  	[smem:$0x3F72] =	sst s0;
	s0 =	simm.s32 @!p1 $0x0  }
0x14: {  	s2 =	sld [smem:$0x3F56];
	s0 =	simm.s32 @p1 $0x1  }
0x15: {  	[smem:$0x3F73] =	sst s0;
	s0 =	simm.s32 @!p2 $0x0  }
0x16: {  	s3 =	sld [smem:$0x3FDB];
	s0 =	simm.s32 @p2 $0x1  }
0x17: {  	s4 =	simm.s32 $0x1BF5;
	[smem:$0x3F75] =	sst s0  }
0x18: {  	s0 =	sld [smem:$0x3F58];
	_ =	swait.ge [sflag:s4], $0x0  }
0x19: {  	s7 =	sld [smem:$0x3F59]  }
0x1a: {  	s8 =	sadd.s32 $0xFFFFE003, lr  }
0x1b: {  	s9 =	sadd.s32 $0xFFFFFEF7, lr;
	s5 =	simm.s32 $0xFFFFFFFF;
	p2 =	slt.u32 s8, $0xFFFFF086  }
0x1c: {  	p1 =	slt.u32 s9, $0xF7A;
	s5 =	simm.s32 @!p2 $0x0  }
0x1d: {  	s5 =	simm.s32 @p1 $0x1;
	p0 =	seq.s32 s7, s2  }
0x1e: {  	s7 =	smul.u32 @!p0 $0xF7A, s2;
	p2 =	seq.s32 @!p0 s5, $0x0  }
0x1f: {  	s9 =	smul.u32 $0xF7A, s1;
	s8 =	simm.s32 @!p0 $0x1BF5;
	p2 =	por !p2, p0  }
0x20: {  	[sflag:s8] =	ssyncset.s32 @!p0 $0xFFFFF086;
	s6 =	sadd.s32 @!p0 s3, s7;
	s7 =	simm.s32 @!p0 $0x108  }
0x21: {  	s3 =	sadd.s32 s3, s9;
	s6 =	sadd.s32 @!p0 $0x88, s6;
	s7 =	simm.s32 @p2 $0x1082  }
0x22: {  	[simem:s7], [sflag:s8] =	dma.local @!p0 [hbm:s6], $0xF7A  }
0x23: {  	s9 =	sor.u32 $0xD0000000, s2;
	s6 =	simm.s32 $0x108;
	_ =	swait.ge @!p0 [sflag:s8], $0x0  }
0x24: {  	s3 =	sadd.s32 $0x88, s3;
	s6 =	simm.s32 @!p1 $0x1082;
	[sflag:s4] =	ssyncset.s32 $0xFFFFF086  }
0x25: {  	[simem:s6], [sflag:s4] =	dma.local [hbm:s3], $0xF7A  }
0x26: {  	[smem:$0x3F59] =	sst s1;
	(tag) =	ssettag s2;
	_ =	strace s9  }
0x27: {  	s1 =	sld [smem:$0x3F69]  }
0x28: {  	s2 =	sld [smem:$0x3F6A]  }
0x29: {  	s4 =	sld [smem:$0x3F6C]  }
0x2a: {  	p0 =	seq.s32 s5, $0x0;
	s5 =	sld [smem:$0x3F6D]  }
0x2b: {  	s6 =	sld [smem:$0x3F6E]  }
0x2c: {  	s7 =	sld [smem:$0x3F6F]  }
0x2d: {  	s3 =	simm.s32 $0x108;
	s8 =	sld [smem:$0x3F70]  }
0x2e: {  	s3 =	simm.s32 @!p0 $0x1082;
	s9 =	sld [smem:$0x3F71]  }
0x2f: {  	lr =	sadd.s32 s0, s3;
	s0 =	sld [smem:$0x3F68]  }
0x30: {  	s3 =	sld [smem:$0x3F6B]  }
0x31: {  	[smem:$0x3F74] =	sst s10  }
0x32: {  	s10 =	sld [smem:$0x3F72];
	_ =	sdelay $0x3  }
0x33: {  	p0 =	seq.s32 s10, $0x1;
	s10 =	sld [smem:$0x3F74];
	_ =	sdelay $0x3  }
0x34: {  	[smem:$0x3F74] =	sst s10  }
0x35: {  	s10 =	sld [smem:$0x3F73];
	_ =	sdelay $0x3  }
0x36: {  	p1 =	seq.s32 s10, $0x1;
	s10 =	sld [smem:$0x3F74];
	_ =	sdelay $0x3  }
0x37: {  	[smem:$0x3F74] =	sst s10  }
0x38: {  	s10 =	sld [smem:$0x3F75]  }
0x39: {  	_ = 	snop;
	(pc) =	sbr.ind lr, $3  }
0x3a: {  	_ = 	snop  }
0x3b: {  	_ = 	snop  }
0x3c: {  	p2 =	seq.s32 s10, $0x1;
	s10 =	sld [smem:$0x3F74]  }
0x3d: {  	_ =	shalt  }
0x3e: {  	_ =	shalt  }
0x3f: {  	_ =	shalt  }
0x40: {  	_ =	shalt  }
0x41: {  	_ =	shalt  }
0x42: {  	_ =	shalt  }
0x43: {  	_ =	shalt  }
0x44: {  	_ =	shalt  }
0x45: {  	_ =	shalt  }
0x46: {  	_ =	shalt  }
0x47: {  	_ =	shalt  }
0x48: {  	_ =	shalt  }
0x49: {  	_ =	shalt  }
0x4a: {  	_ =	shalt  }
0x4b: {  	_ =	shalt  }
0x4c: {  	_ =	shalt  }
0x4d: {  	_ =	shalt  }
0x4e: {  	_ =	shalt  }
0x4f: {  	_ =	shalt  }
0x50: {  	_ =	shalt  }
0x51: {  	_ =	shalt  }
0x52: {  	_ =	shalt  }
0x53: {  	_ =	shalt  }
0x54: {  	_ =	shalt  }
0x55: {  	_ =	shalt  }
0x56: {  	_ =	shalt  }
0x57: {  	_ =	shalt  }
0x58: {  	_ =	shalt  }
0x59: {  	_ =	shalt  }
0x5a: {  	_ =	shalt  }
0x5b: {  	_ =	shalt  }
0x5c: {  	_ =	shalt  }
0x5d: {  	_ =	shalt  }
0x5e: {  	_ =	shalt  }
0x5f: {  	_ =	shalt  }
0x60: {  	_ =	shalt  }
0x61: {  	_ =	shalt  }
0x62: {  	_ =	shalt  }
0x63: {  	_ =	shalt  }
0x64: {  	_ =	shalt  }
0x65: {  	_ =	shalt  }
0x66: {  	_ =	shalt  }
0x67: {  	_ =	shalt  }
0x68: {  	_ =	shalt  }
0x69: {  	_ =	shalt  }
0x6a: {  	_ =	shalt  }
0x6b: {  	_ =	shalt  }
0x6c: {  	_ =	shalt  }
0x6d: {  	_ =	shalt  }
0x6e: {  	_ =	shalt  }
0x6f: {  	_ =	shalt  }
0x70: {  	_ =	shalt  }
0x71: {  	_ =	shalt  }
0x72: {  	_ =	shalt  }
0x73: {  	_ =	shalt  }
0x74: {  	_ =	shalt  }
0x75: {  	_ =	shalt  }
0x76: {  	_ =	shalt  }
0x77: {  	_ =	shalt  }
0x78: {  	_ =	shalt  }
0x79: {  	_ =	shalt  }
0x7a: {  	_ =	shalt  }
0x7b: {  	_ =	shalt  }
0x7c: {  	_ =	shalt  }
0x7d: {  	_ =	shalt  }
0x7e: {  	_ =	shalt  }
0x7f: {  	_ =	shalt  }
0x80: {  	_ =	shalt  }
0x81: {  	_ =	shalt  }
0x82: {  	_ =	shalt  }
0x83: {  	_ =	shalt  }
0x84: {  	_ =	shalt  }
0x85: {  	_ =	shalt  }
0x86: {  	_ =	shalt  }
0x87: {  	_ =	shalt  }
.Lfunc_end0:
.L_simem_size_0:
called_computation.3_lowered:
.L_overlay_start_0:
0x88: {  	s2 =	sld [smem:$0x3FD9]  }
0x89: {  	s3 =	sld [smem:$0x3FFE];
	_ =	sdelay $0x1  }
0x8a: {  	s1 =	srdreg.scid  }
0x8b: {  	s0 =	sand.u32 $0x1, s1  }
0x8c: {  	s17 =	sshll.u32 s0, $0xA;
	s2 =	sadd.s32 s3, s2  }
0x8d: {  	s2 =	sadd.s32 s2, s17  }
0x8e: {  	[smem:$0x3F80] =	sst s2  }
0x8f: {  	_ = 	snop  }
0x90: {  	s2 =	sld [smem:$0x3FD0];
	(tm) =	ssettm $0x1  }
0x91: {  	s18 =	sld [smem:$0x3FFB];
	_ =	sdelay $0x3  }
0x92: {  	_ =	strace s18  }
0x93: {  	s3 =	sld [smem:$0x3FFC];
	_ =	sdelay $0x3  }
0x94: {  	_ =	strace s3  }
0x95: {  	s3 =	sld [smem:$0x3FFD];
	_ =	sdelay $0x3  }
0x96: {  	_ =	strace s3  }
0x97: {  	_ =	strace $0x8FFFFFFF  }
0x98: {  	s19 =	sld [smem:$0x3FDB];
	_ =	sdelay $0x1  }
0x99: {  	s4 =	simm.s32 $_scs_section_size  }
0x9a: {  	s5 =	simm.s32 $_size__tile_overlayer_lowered;
	s6 =	simm.s32 $_tile_overlayer_lowered  }
0x9b: {  	s22 =	simm.s32 $0x1BFF;
	s21 =	sshll.u32 s6, $0x1;
	s3 =	sadd.s32 s4, s19  }
0x9c: {  	s7 =	simm.s32 $0x0;
	s20 =	sshll.u32 s5, $0x1;
	s5 =	sadd.s32 s21, s3  }
0x9d: {  	[timem:s7], [sflag:s22] =	dma.local [hbm:s5], s20  }
0x9e: {  	_ =	swait.ge [sflag:s22], s20  }
0x9f: {  	s4 =	ssub.s32 $0x0, s20;
	[sflag:s22] =	ssyncset.done $0x0  }
0xa0: {  	[sflag:s22] =	ssyncadd.s32 s4;
	_ =	sdelay $0x1  }
0xa1: {  	s23 =	simm.s32 $0x1B8B  }
0xa2: {  	_ =	swait.ge [sflag:s23], $0x1  }
0xa3: {  	[sflag:s23] =	ssyncset.done $0x0  }
0xa4: {  	s25 =	simm.s32 $0x1B8E;
	s24 =	sld [smem:$0x3FFE];
	[sflag:s23] =	ssyncadd.s32 $0xFFFFFFFF  }
0xa5: {  	s26 =	simm.s32 $execute0_lowered;
	[smem:$0x3FD2] =	sst s25  }
0xa6: {  	s5 =	sshll.u32 s26, $0x1;
	_ =	strace $0x8000004F;
	[dreg:$0x1] =	wrdreg $0xFFFFFFFF  }
0xa7: {  	s28 =	simm.s32 $_size_execute0_lowered;
	s3 =	sadd.s32 s3, s5;
	[dreg:$0x0] =	wrdreg $0x0  }
0xa8: {  	s5 =	sshll.u32 s28, $0x1;
	[dreg:$0x2] =	wrdreg s3  }
0xa9: {  	[dreg:$0x3] =	wrdreg s5  }
0xaa: {  	[dreg:$0x4] =	wrdreg $0xC0  }
0xab: {  	_ =	task [dreg:s7], $0x5FFFF  }
0xac: {  	[dreg:$0x1] =	wrdreg $0xFFFFFFFF  }
0xad: {  	[dreg:$0x0] =	wrdreg $0x60  }
0xae: {  	[dreg:$0x2] =	wrdreg s2  }
0xaf: {  	[dreg:$0x3] =	wrdreg s24  }
0xb0: {  	[dreg:$0x4] =	wrdreg $0x9  }
0xb1: {  	_ =	task.clear_ibuf [dreg:s7], $0x5FFFF;
	_ =	strace $0x9000004F  }
0xb2: {  	s29 =	simm.s32 $0x9;
	_ =	strace $0x80000051  }
0xb3: {  	_ =	swait.ge [sflag:s29], $0x1  }
0xb4: {  	[sflag:s29] =	ssyncadd.s32 $0xFFFFFFFF  }
0xb5: {  	_ =	strace $0x90000051  }
0xb6: {  	_ =	sfence  }
0xb7: {  	s30 =	sld [smem:$0x0];
	_ =	sdelay $0x2  }
0xb8: {  	s31 =	sshll.u32 s1, $0xD;
	s1 =	sshrl.u32 s1, $0x2  }
0xb9: {  	s3 =	sand.u32 $0x4000, s31;
	s1 =	sadd.s32 s1, s30  }
0xba: {  	s0 =	sor.u32 s3, s0;
	s1 =	sshll.u32 s1, $0x11  }
0xbb: {  	s0 =	sor.u32 s1, s0  }
0xbc: {  	s0 =	sadd.s32 $0x8F2B, s0  }
0xbd: {  	[sflag:s0] =	ssyncadd.remote.s32 $0x1  }
0xbe: {  	_ =	sfence.sel $0xFFFF  }
0xbf: {  	[dreg:$0x0] =	wrdreg $0xFFFFFFFF;
	(pc) =	sbr.abs _section_cstart, $3  }
0xc0: {  	[dreg:$0x1] =	wrdreg $0xFFFFFFFF  }
0xc1: {  	_ =	task.clear_ibuf [dreg:s7], $0x2FFFF;
	_ =	strace $0x9FFFFFFF  }
0xc2: {  	(tm) =	ssettm $0x7FFFFFFF  }
0xc3: {  	_ =	shalt  }
tec
execute0_lowered:
.L_overlay_start_1:
0x0: {  	(tag) =	ssettag $0x1  }
0x1: {  	s2 =	rddreg [dreg:$0x0];
	s1 =	srdreg.scid  }
0x2: {  	s0 =	stileid.u32;
	s6 =	rddreg [dreg:$0x1];
	s3 =	simm.s32 $0x0  }
0x3: {  	s10 =	simm.s32 $0x50;
	s11 =	simm.s32 $0x80;
	s12 =	simm.s32 $0x200  }
0x4: {  	s13 =	simm.s32 $0x100;
	s14 =	simm.s32 $0x2A00;
	s15 =	simm.s32 $0x1  }
0x5: {  	s16 =	simm.s32 $0x2;
	s17 =	simm.s32 $0x180;
	s18 =	simm.s32 $0x5200  }
0x6: {  	s5 =	sand.u32 $0x1, s1;
	s4 =	sshll.u32 s0, $0x1;
	s1 =	rddreg [dreg:$0x2]  }
0x7: {  	s19 =	simm.s32 $0x0;
	[smem:$0x7FF] =	sst s3;
	s7 =	sor.u32 s5, s4  }
0x8: {  	v0 =	vlaneseq.u32;
	_ =	strace $0x80000050;
	s9 =	ssub.s32 $0x2, s5;
	s8 =	smul.u32 $0x1400, s7  }
0x9: {  	v1 =	vimm.f32 $0.0e+00;
	v2 =	vor.u32 $0x10, v0;
	s4 =	sadd.s32 $0x19E00, s6;
	s5 =	sadd.s32 $0x6600, s6;
	s31 =	sshrl.u32 s9, $0x1  }
0xa: {  	v3 =	vor.u32 $0x20, v0;
	v4 =	vor.u32 $0x30, v0;
	v5 =	vor.u32 $0x40, v0;
	s9 =	ssub.s32 s9, s31;
	s8 =	sadd.s32 s8, s6;
	s6 =	smul.u32 $0x2A40, s7  }
0xb: {  	v6 =	vor.u32 $0x50, v0;
	v7 =	vor.u32 $0x60, v0;
	v8 =	vor.u32 $0x70, v0;
	s7 =	sadd.s32 $0x24800, s8;
	s8 =	smax.u32 s9, $0x1;
	s9 =	simm.s32 $0x3  }
.LBB2_1:
0xc: {  	s20 =	simm.s32 $0x40;
	s21 =	simm.s32 $0x0  }
.LBB2_2:
0xd: {  	p0 =	sne.s32 s20, $0x28FC0;
	[tilespmem:s21+$0x5200] =	vst v1;
	s21 =	smov.u32 s20;
	s20 =	sadd.s32 $0x40, s20  }
.Ltmp0:
0xe: {  	(pc) =	sbr.rel @p0 .LBB2_2-.Ltmp0, $2  }
0xf: {  	_ =	sdelay $0x2  }
0x10: {  	s21 =	sshra.s32 s21, $0x2  }
0x11: {  	[tilespmem:s21+$0x5200] =	vst v1;
	s20 =	simm.s32 $0x0;
	s21 =	simm.s32 $0x0  }
.LBB2_4:
0x12: {  	s22 =	smul.u32 $0x50, s21;
	_ =	sdelay $0x1  }
0x13: {  	s22 =	sadd.s32 s6, s22  }
0x14: {  	s22 =	sshrl.u32 s22, $0x3  }
0x15: {  	s22 =	sadd.s32 s4, s22  }
0x16: {  	[tilespmem:s20], [sflag:$0x3] =	stream.linear.gather [hbm4b:s22+s20], $0x50, $0x38;
	[tilespmem:$0xF600] =	vst v63  }
0x17: {  	_ =	swait.ge [sflag:s9], $0x50  }
0x18: {  	[sflag:s9] =	ssyncset.done $0x0  }
0x19: {  	[sflag:s9] =	ssyncadd.s32 $0xFFFFFFB0  }
0x1a: {  	v9 =	vld [tilespmem:$0x0];
	_ =	sdelay $0x2  }
0x1b: {  	v10 =	vld [tilespmem:$0x10];
	_ =	sdelay $0x1  }
0x1c: {  	v11 =	vand.u32 $0x3FFF, v9;
	v12 =	vshrl.u32 v9, $0xE  }
0x1d: {  	v55 =	vld [tilespmem:$0x20];
	v9 =	vshrl.u32 v9, $0x14;
	[tilespmem:$0x80] =	vst v11;
	v11 =	vand.u32 $0x3F, v12  }
0x1e: {  	v9 =	vand.u32 $0x3FF, v9;
	[tilespmem:$0x100] =	vst v11  }
0x1f: {  	[tilespmem:$0x180] =	vst v9;
	v9 =	vand.u32 $0x3FFF, v10;
	v11 =	vshrl.u32 v10, $0xE  }
0x20: {  	v10 =	vshrl.u32 v10, $0x14;
	[tilespmem:$0x90] =	vst v9;
	v9 =	vand.u32 $0x3F, v11;
	v11 =	vld [tilespmem:$0x30]  }
0x21: {  	[tilespmem:$0x110] =	vst v9;
	v9 =	vand.u32 $0x3FF, v10  }
0x22: {  	v10 =	vshrl.u32 v55, $0xE;
	[tilespmem:$0x190] =	vst v9;
	v9 =	vand.u32 $0x3FFF, v55  }
0x23: {  	v56 =	vld [tilespmem:$0x40];
	[tilespmem:$0xA0] =	vst v9;
	v9 =	vand.u32 $0x3F, v10;
	v10 =	vshrl.u32 v55, $0x14  }
0x24: {  	[tilespmem:$0x120] =	vst v9;
	v9 =	vand.u32 $0x3FF, v10  }
0x25: {  	[tilespmem:$0x1A0] =	vst v9;
	v9 =	vand.u32 $0x3FFF, v11;
	v10 =	vshrl.u32 v11, $0xE  }
0x26: {  	[tilespmem:$0xB0] =	vst v9;
	v9 =	vand.u32 $0x3F, v10;
	v10 =	vshrl.u32 v11, $0x14  }
0x27: {  	[tilespmem:$0x130] =	vst v9;
	v9 =	vand.u32 $0x3FF, v10  }
0x28: {  	v10 =	vshrl.u32 v56, $0xE;
	[tilespmem:$0x1B0] =	vst v9;
	v9 =	vand.u32 $0x3FFF, v56  }
0x29: {  	[tilespmem:$0xC0] =	vst v9;
	v9 =	vand.u32 $0x3F, v10;
	v10 =	vshrl.u32 v56, $0x14  }
0x2a: {  	[tilespmem:$0x140] =	vst v9;
	v9 =	vand.u32 $0x3FF, v10  }
0x2b: {  	[tilespmem:$0x1C0] =	vst v9  }
0x2c: {  	[tilespmem:s12], [sflag:$0x1] =	stream.indirect.gather [hbm4b:s2+s10], $0x80, s11, s10, $0xb8;
	[tilespmem:$0xF600] =	vst v63  }
0x2d: {  	_ = 	snop  }
0x2e: {  	[tilespmem:s14], [sflag:$0x2] =	stream.indirect.gather [hbm4b:s5+s10], $0x80, s13, s10, $0xb8;
	[tilespmem:$0xF600] =	vst v63  }
0x2f: {  	_ =	swait.ge [sflag:s15], $0x2800  }
0x30: {  	v9 =	vmov s20;
	[sflag:s15] =	ssyncset.done $0x0  }
0x31: {  	[sflag:s15] =	ssyncadd.s32 $0xFFFFD800  }
0x32: {  	_ =	swait.ge [sflag:s16], $0x2800  }
0x33: {  	[sflag:s16] =	ssyncset.done $0x0  }
0x34: {  	[sflag:s16] =	ssyncadd.s32 $0xFFFFD800  }
0x35: {  	v9 =	vld.idx.msk [tilespmem:v9+s17+$0x0], $0xffff  }
0x36: {  	s22 =	simm.s32 $0x2A40  }
0x37: {  	s23 =	simm.s32 $0x240;
	v10 =	vld [tilespmem:s22+$0xFFFFFFC0]  }
0x38: {  	v11 =	vld [tilespmem:s23+$0xFFFFFFC0];
	_ =	sdelay $0x1  }
0x39: {  	v9 =	vshll.u32 v9, $0x7  }
0x3a: {  	v57 =	vor.u32 v0, v9;
	_ =	sdelay $0x1  }
0x3b: {  	v10 =	vadd.f32 v10, v11;
	_ =	sdelay $0x1  }
0x3c: {  	v10 =	vmax.f32 v10, $0.0e+00  }
0x3d: {  	[tilespmem:v57+s18+$0x0] =	vst.idx.add.f32.msk $0xffff, v10  }
0x3e: {  	v10 =	vld [tilespmem:s23+$0xFFFFFFD0]  }
0x3f: {  	v11 =	vld [tilespmem:s22+$0xFFFFFFD0];
	_ =	sdelay $0x2  }
0x40: {  	v58 =	vor.u32 v2, v9;
	_ =	sdelay $0x1  }
0x41: {  	v10 =	vadd.f32 v11, v10;
	_ =	sdelay $0x1  }
0x42: {  	v10 =	vmax.f32 v10, $0.0e+00  }
0x43: {  	[tilespmem:v58+s18+$0x0] =	vst.idx.add.f32.msk $0xffff, v10  }
0x44: {  	v10 =	vld [tilespmem:s23+$0xFFFFFFE0]  }
0x45: {  	v11 =	vld [tilespmem:s22+$0xFFFFFFE0];
	_ =	sdelay $0x2  }
0x46: {  	v59 =	vor.u32 v3, v9;
	_ =	sdelay $0x1  }
0x47: {  	v10 =	vadd.f32 v11, v10;
	_ =	sdelay $0x1  }
0x48: {  	v10 =	vmax.f32 v10, $0.0e+00  }
0x49: {  	[tilespmem:v59+s18+$0x0] =	vst.idx.add.f32.msk $0xffff, v10  }
0x4a: {  	v10 =	vld [tilespmem:s23+$0xFFFFFFF0]  }
0x4b: {  	v11 =	vld [tilespmem:s22+$0xFFFFFFF0];
	_ =	sdelay $0x2  }
0x4c: {  	v60 =	vor.u32 v4, v9;
	_ =	sdelay $0x1  }
0x4d: {  	v10 =	vadd.f32 v11, v10;
	_ =	sdelay $0x1  }
0x4e: {  	v10 =	vmax.f32 v10, $0.0e+00  }
0x4f: {  	[tilespmem:v60+s18+$0x0] =	vst.idx.add.f32.msk $0xffff, v10  }
0x50: {  	v10 =	vld [tilespmem:s23+$0x0]  }
0x51: {  	v11 =	vld [tilespmem:s22+$0x0];
	_ =	sdelay $0x2  }
0x52: {  	v61 =	vor.u32 v5, v9;
	_ =	sdelay $0x1  }
0x53: {  	v10 =	vadd.f32 v11, v10;
	_ =	sdelay $0x1  }
0x54: {  	v10 =	vmax.f32 v10, $0.0e+00  }
0x55: {  	[tilespmem:v61+s18+$0x0] =	vst.idx.add.f32.msk $0xffff, v10  }
0x56: {  	v10 =	vld [tilespmem:s23+$0x10]  }
0x57: {  	v11 =	vld [tilespmem:s22+$0x10];
	_ =	sdelay $0x2  }
0x58: {  	v62 =	vor.u32 v6, v9;
	_ =	sdelay $0x1  }
0x59: {  	v10 =	vadd.f32 v11, v10;
	_ =	sdelay $0x1  }
0x5a: {  	v10 =	vmax.f32 v10, $0.0e+00  }
0x5b: {  	[tilespmem:v62+s18+$0x0] =	vst.idx.add.f32.msk $0xffff, v10  }
0x5c: {  	v10 =	vld [tilespmem:s23+$0x20]  }
0x5d: {  	v11 =	vld [tilespmem:s22+$0x20];
	_ =	sdelay $0x2  }
0x5e: {  	v63 =	vor.u32 v7, v9;
	_ =	sdelay $0x1  }
0x5f: {  	v10 =	vadd.f32 v11, v10;
	_ =	sdelay $0x1  }
0x60: {  	v10 =	vmax.f32 v10, $0.0e+00  }
0x61: {  	[tilespmem:v63+s18+$0x0] =	vst.idx.add.f32.msk $0xffff, v10  }
0x62: {  	v10 =	vld [tilespmem:s23+$0x30]  }
0x63: {  	s24 =	simm.s32 $0x1;
	v9 =	vor.u32 v8, v9;
	v11 =	vld [tilespmem:s22+$0x30]  }
.LBB2_5:
0x64: {  	p0 =	sne.s32 s24, $0x4F;
	s22 =	sadd.s32 $0x80, s22;
	s23 =	sadd.s32 $0x80, s23  }
0x65: {  	s25 =	smov.u32 s24;
	s24 =	sadd.s32 $0x1, s24;
	_ =	sdelay $0x1  }
0x66: {  	v12 =	vmov s25  }
0x67: {  	v10 =	vadd.f32 v11, v10;
	_ =	sdelay $0x1  }
0x68: {  	v10 =	vmax.f32 v10, $0.0e+00  }
0x69: {  	[tilespmem:v9+s18+$0x0] =	vst.idx.add.f32.msk $0xffff, v10  }
0x6a: {  	v9 =	vld.idx.msk [tilespmem:v12+s17+$0x0], $0xffff;
	_ =	sdelay $0x2  }
0x6b: {  	v10 =	vld [tilespmem:s22+$0xFFFFFFC0]  }
0x6c: {  	v11 =	vld [tilespmem:s23+$0xFFFFFFC0];
	_ =	sdelay $0x1  }
0x6d: {  	v9 =	vshll.u32 v9, $0x7  }
0x6e: {  	v12 =	vor.u32 v0, v9;
	_ =	sdelay $0x1  }
0x6f: {  	v10 =	vadd.f32 v10, v11;
	_ =	sdelay $0x1  }
0x70: {  	v10 =	vmax.f32 v10, $0.0e+00  }
0x71: {  	[tilespmem:v12+s18+$0x0] =	vst.idx.add.f32.msk $0xffff, v10  }
0x72: {  	v10 =	vld [tilespmem:s23+$0xFFFFFFD0]  }
0x73: {  	v11 =	vld [tilespmem:s22+$0xFFFFFFD0];
	_ =	sdelay $0x1  }
0x74: {  	v12 =	vor.u32 v2, v9;
	_ =	sdelay $0x2  }
0x75: {  	v10 =	vadd.f32 v11, v10;
	_ =	sdelay $0x1  }
0x76: {  	v10 =	vmax.f32 v10, $0.0e+00  }
0x77: {  	[tilespmem:v12+s18+$0x0] =	vst.idx.add.f32.msk $0xffff, v10  }
0x78: {  	v10 =	vld [tilespmem:s23+$0xFFFFFFE0]  }
0x79: {  	v11 =	vld [tilespmem:s22+$0xFFFFFFE0]  }
0x7a: {  	v12 =	vor.u32 v3, v9;
	_ =	sdelay $0x3  }
0x7b: {  	v10 =	vadd.f32 v11, v10;
	_ =	sdelay $0x1  }
0x7c: {  	v10 =	vmax.f32 v10, $0.0e+00  }
0x7d: {  	[tilespmem:v12+s18+$0x0] =	vst.idx.add.f32.msk $0xffff, v10  }
0x7e: {  	v10 =	vld [tilespmem:s23+$0xFFFFFFF0]  }
0x7f: {  	v12 =	vor.u32 v4, v9;
	v11 =	vld [tilespmem:s22+$0xFFFFFFF0];
	_ =	sdelay $0x4  }
0x80: {  	v10 =	vadd.f32 v11, v10;
	_ =	sdelay $0x1  }
0x81: {  	v10 =	vmax.f32 v10, $0.0e+00  }
0x82: {  	[tilespmem:v12+s18+$0x0] =	vst.idx.add.f32.msk $0xffff, v10  }
0x83: {  	v11 =	vor.u32 v5, v9;
	v10 =	vld [tilespmem:s23+$0x0]  }
0x84: {  	v12 =	vld [tilespmem:s22+$0x0];
	_ =	sdelay $0x4  }
0x85: {  	v10 =	vadd.f32 v12, v10;
	_ =	sdelay $0x1  }
0x86: {  	v10 =	vmax.f32 v10, $0.0e+00  }
0x87: {  	[tilespmem:v11+s18+$0x0] =	vst.idx.add.f32.msk $0xffff, v10;
	v10 =	vor.u32 v6, v9  }
0x88: {  	v11 =	vld [tilespmem:s23+$0x10]  }
0x89: {  	v12 =	vld [tilespmem:s22+$0x10];
	_ =	sdelay $0x4  }
0x8a: {  	v11 =	vadd.f32 v12, v11;
	_ =	sdelay $0x1  }
0x8b: {  	v12 =	vor.u32 v7, v9;
	v11 =	vmax.f32 v11, $0.0e+00  }
0x8c: {  	[tilespmem:v10+s18+$0x0] =	vst.idx.add.f32.msk $0xffff, v11  }
0x8d: {  	v10 =	vld [tilespmem:s23+$0x20]  }
0x8e: {  	v11 =	vld [tilespmem:s22+$0x20];
	_ =	sdelay $0x4  }
0x8f: {  	v10 =	vadd.f32 v11, v10  }
.Ltmp1:
0x90: {  	v9 =	vor.u32 v8, v9;
	(pc) =	sbr.rel @p0 .LBB2_5-.Ltmp1, $4  }
0x91: {  	v10 =	vmax.f32 v10, $0.0e+00  }
0x92: {  	[tilespmem:v12+s18+$0x0] =	vst.idx.add.f32.msk $0xffff, v10  }
0x93: {  	v10 =	vld [tilespmem:s23+$0x30]  }
0x94: {  	v11 =	vld [tilespmem:s22+$0x30]  }
0x95: {  	_ = 	snop  }
0x96: {  	s21 =	sadd.s32 $0x1, s21  }
0x97: {  	p0 =	sne.s32 s21, $0x87  }
.Ltmp2:
0x98: {  	_ = 	snop;
	(pc) =	sbr.rel @p0 .LBB2_4-.Ltmp2, $3  }
0x99: {  	v10 =	vadd.f32 v11, v10;
	_ =	sdelay $0x1  }
0x9a: {  	v10 =	vmax.f32 v10, $0.0e+00  }
0x9b: {  	[tilespmem:v9+s18+$0x0] =	vst.idx.add.f32.msk $0xffff, v10  }
0x9c: {  	s19 =	sadd.s32 $0x1, s19  }
0x9d: {  	p0 =	sne.s32 s19, s8  }
.Ltmp3:
0x9e: {  	_ = 	snop;
	(pc) =	sbr.rel @p0 .LBB2_1-.Ltmp3, $4  }
0x9f: {  	[hbm4b:s7+s3] =	stream.linear.scatter [tilespmem:s18], [sflag:$0x3], $0xA000, $0x38;
	[tilespmem:$0xF600] =	vst v63  }
0xa0: {  	_ =	swait.ge [sflag:s9], $0xA000  }
0xa1: {  	[sflag:s9] =	ssyncset.done $0x0  }
0xa2: {  	[sflag:s9] =	ssyncadd.s32 $0xFFFF6000  }
0xa3: {  	_ =	sfence.sel $0x180000  }
0xa4: {  	[bflag:$0x0] =	sbarrier.arrive $0xFFFF  }
0xa5: {  	p0 =	sne.s32 s0, $0x0;
	_ =	strace $0x90000050  }
0xa6: {  	s0 =	sadd.s32 @!p0 $0x100000, s1;
	[bflag:$0x2] =	sbarrier.arrive $0xFFFF  }
0xa7: {  	[sflag:s0] =	ssyncadd.tile.s32 @!p0 $0x1;
	_ =	shalt  }
.Lfunc_end2:
_tile_overlayer_lowered:
.L_overlay_start_2:
0xa8: {  	(tag) =	ssettag $0x2  }
0xa9: {  	s0 =	rddreg [dreg:$0x0];
	s2 =	stileid.u32  }
0xaa: {  	s1 =	rddreg [dreg:$0x1];
	p0 =	sne.s32 s2, $0x0  }
0xab: {  	s3 =	rddreg [dreg:$0x2];
	[bflag:$0x3] =	sbarrier.arrive $0xFFFF;
	s2 =	simm.s32 @!p0 $0x1C03  }
0xac: {  	[timem:s3], [sflag:s2] =	dma.local @!p0 [hbm:s0], s1  }
0xad: {  	s0 =	simm.s32 @!p0 $0x3  }
0xae: {  	_ =	swait.ge @!p0 [sflag:s0], s1  }
0xaf: {  	s1 =	ssub.s32 @!p0 $0x0, s1;
	[sflag:s0] =	ssyncset.done @!p0 $0x0  }
0xb0: {  	[sflag:s0] =	ssyncadd.s32 @!p0 s1  }
0xb1: {  	[bflag:$0x3] =	sbarrier.arrive $0xFFFF  }
0xb2: {  	_ =	shalt  }

// kernel: kernel.22.cloned.1.call-start
scs
__scs_entry_jumppad:
0x0: {  	(pc) =	sbr.rel $0x88, $3  }
0x1: {  	(tag) =	ssettag $0x0;
	lr =	simm.s32 $0x1  }
0x2: {  	[smem:$0x3F59] =	sst lr;
	_ =	strace $0xD0000000  }
0x3: {  	_ = 	snop  }
0x4: {  	_ = 	snop  }
0x5: {  	_ = 	snop  }
0x6: {  	_ = 	snop  }
0x7: {  	_ = 	snop  }
__scs_overlays_trampoline_lowered:
0x8: {  	[smem:$0x3F68] =	sst s0  }
0x9: {  	[smem:$0x3F69] =	sst s1  }
0xa: {  	[smem:$0x3F6A] =	sst s2  }
0xb: {  	[smem:$0x3F6B] =	sst s3  }
0xc: {  	[smem:$0x3F6C] =	sst s4  }
0xd: {  	[smem:$0x3F6D] =	sst s5  }
0xe: {  	[smem:$0x3F6E] =	sst s6  }
0xf: {  	[smem:$0x3F6F] =	sst s7  }
0x10: {  	[smem:$0x3F70] =	sst s8  }
0x11: {  	[smem:$0x3F71] =	sst s9;
	s0 =	simm.s32 @!p0 $0x0  }
0x12: {  	s1 =	sld [smem:$0x3F57];
	s0 =	simm.s32 @p0 $0x1  }
0x13: {  	[smem:$0x3F72] =	sst s0;
	s0 =	simm.s32 @!p1 $0x0  }
0x14: {  	s2 =	sld [smem:$0x3F56];
	s0 =	simm.s32 @p1 $0x1  }
0x15: {  	[smem:$0x3F73] =	sst s0;
	s0 =	simm.s32 @!p2 $0x0  }
0x16: {  	s3 =	sld [smem:$0x3FDB];
	s0 =	simm.s32 @p2 $0x1  }
0x17: {  	s4 =	simm.s32 $0x1BF5;
	[smem:$0x3F75] =	sst s0  }
0x18: {  	s0 =	sld [smem:$0x3F58];
	_ =	swait.ge [sflag:s4], $0x0  }
0x19: {  	s7 =	sld [smem:$0x3F59]  }
0x1a: {  	s8 =	sadd.s32 $0xFFFFE003, lr  }
0x1b: {  	s9 =	sadd.s32 $0xFFFFFEF7, lr;
	s5 =	simm.s32 $0xFFFFFFFF;
	p2 =	slt.u32 s8, $0xFFFFF086  }
0x1c: {  	p1 =	slt.u32 s9, $0xF7A;
	s5 =	simm.s32 @!p2 $0x0  }
0x1d: {  	s5 =	simm.s32 @p1 $0x1;
	p0 =	seq.s32 s7, s2  }
0x1e: {  	s7 =	smul.u32 @!p0 $0xF7A, s2;
	p2 =	seq.s32 @!p0 s5, $0x0  }
0x1f: {  	s9 =	smul.u32 $0xF7A, s1;
	s8 =	simm.s32 @!p0 $0x1BF5;
	p2 =	por !p2, p0  }
0x20: {  	[sflag:s8] =	ssyncset.s32 @!p0 $0xFFFFF086;
	s6 =	sadd.s32 @!p0 s3, s7;
	s7 =	simm.s32 @!p0 $0x108  }
0x21: {  	s3 =	sadd.s32 s3, s9;
	s6 =	sadd.s32 @!p0 $0x88, s6;
	s7 =	simm.s32 @p2 $0x1082  }
0x22: {  	[simem:s7], [sflag:s8] =	dma.local @!p0 [hbm:s6], $0xF7A  }
0x23: {  	s9 =	sor.u32 $0xD0000000, s2;
	s6 =	simm.s32 $0x108;
	_ =	swait.ge @!p0 [sflag:s8], $0x0  }
0x24: {  	s3 =	sadd.s32 $0x88, s3;
	s6 =	simm.s32 @!p1 $0x1082;
	[sflag:s4] =	ssyncset.s32 $0xFFFFF086  }
0x25: {  	[simem:s6], [sflag:s4] =	dma.local [hbm:s3], $0xF7A  }
0x26: {  	[smem:$0x3F59] =	sst s1;
	(tag) =	ssettag s2;
	_ =	strace s9  }
0x27: {  	s1 =	sld [smem:$0x3F69]  }
0x28: {  	s2 =	sld [smem:$0x3F6A]  }
0x29: {  	s4 =	sld [smem:$0x3F6C]  }
0x2a: {  	p0 =	seq.s32 s5, $0x0;
	s5 =	sld [smem:$0x3F6D]  }
0x2b: {  	s6 =	sld [smem:$0x3F6E]  }
0x2c: {  	s7 =	sld [smem:$0x3F6F]  }
0x2d: {  	s3 =	simm.s32 $0x108;
	s8 =	sld [smem:$0x3F70]  }
0x2e: {  	s3 =	simm.s32 @!p0 $0x1082;
	s9 =	sld [smem:$0x3F71]  }
0x2f: {  	lr =	sadd.s32 s0, s3;
	s0 =	sld [smem:$0x3F68]  }
0x30: {  	s3 =	sld [smem:$0x3F6B]  }
0x31: {  	[smem:$0x3F74] =	sst s10  }
0x32: {  	s10 =	sld [smem:$0x3F72];
	_ =	sdelay $0x3  }
0x33: {  	p0 =	seq.s32 s10, $0x1;
	s10 =	sld [smem:$0x3F74];
	_ =	sdelay $0x3  }
0x34: {  	[smem:$0x3F74] =	sst s10  }
0x35: {  	s10 =	sld [smem:$0x3F73];
	_ =	sdelay $0x3  }
0x36: {  	p1 =	seq.s32 s10, $0x1;
	s10 =	sld [smem:$0x3F74];
	_ =	sdelay $0x3  }
0x37: {  	[smem:$0x3F74] =	sst s10  }
0x38: {  	s10 =	sld [smem:$0x3F75]  }
0x39: {  	_ = 	snop;
	(pc) =	sbr.ind lr, $3  }
0x3a: {  	_ = 	snop  }
0x3b: {  	_ = 	snop  }
0x3c: {  	p2 =	seq.s32 s10, $0x1;
	s10 =	sld [smem:$0x3F74]  }
0x3d: {  	_ =	shalt  }
0x3e: {  	_ =	shalt  }
0x3f: {  	_ =	shalt  }
0x40: {  	_ =	shalt  }
0x41: {  	_ =	shalt  }
0x42: {  	_ =	shalt  }
0x43: {  	_ =	shalt  }
0x44: {  	_ =	shalt  }
0x45: {  	_ =	shalt  }
0x46: {  	_ =	shalt  }
0x47: {  	_ =	shalt  }
0x48: {  	_ =	shalt  }
0x49: {  	_ =	shalt  }
0x4a: {  	_ =	shalt  }
0x4b: {  	_ =	shalt  }
0x4c: {  	_ =	shalt  }
0x4d: {  	_ =	shalt  }
0x4e: {  	_ =	shalt  }
0x4f: {  	_ =	shalt  }
0x50: {  	_ =	shalt  }
0x51: {  	_ =	shalt  }
0x52: {  	_ =	shalt  }
0x53: {  	_ =	shalt  }
0x54: {  	_ =	shalt  }
0x55: {  	_ =	shalt  }
0x56: {  	_ =	shalt  }
0x57: {  	_ =	shalt  }
0x58: {  	_ =	shalt  }
0x59: {  	_ =	shalt  }
0x5a: {  	_ =	shalt  }
0x5b: {  	_ =	shalt  }
0x5c: {  	_ =	shalt  }
0x5d: {  	_ =	shalt  }
0x5e: {  	_ =	shalt  }
0x5f: {  	_ =	shalt  }
0x60: {  	_ =	shalt  }
0x61: {  	_ =	shalt  }
0x62: {  	_ =	shalt  }
0x63: {  	_ =	shalt  }
0x64: {  	_ =	shalt  }
0x65: {  	_ =	shalt  }
0x66: {  	_ =	shalt  }
0x67: {  	_ =	shalt  }
0x68: {  	_ =	shalt  }
0x69: {  	_ =	shalt  }
0x6a: {  	_ =	shalt  }
0x6b: {  	_ =	shalt  }
0x6c: {  	_ =	shalt  }
0x6d: {  	_ =	shalt  }
0x6e: {  	_ =	shalt  }
0x6f: {  	_ =	shalt  }
0x70: {  	_ =	shalt  }
0x71: {  	_ =	shalt  }
0x72: {  	_ =	shalt  }
0x73: {  	_ =	shalt  }
0x74: {  	_ =	shalt  }
0x75: {  	_ =	shalt  }
0x76: {  	_ =	shalt  }
0x77: {  	_ =	shalt  }
0x78: {  	_ =	shalt  }
0x79: {  	_ =	shalt  }
0x7a: {  	_ =	shalt  }
0x7b: {  	_ =	shalt  }
0x7c: {  	_ =	shalt  }
0x7d: {  	_ =	shalt  }
0x7e: {  	_ =	shalt  }
0x7f: {  	_ =	shalt  }
0x80: {  	_ =	shalt  }
0x81: {  	_ =	shalt  }
0x82: {  	_ =	shalt  }
0x83: {  	_ =	shalt  }
0x84: {  	_ =	shalt  }
0x85: {  	_ =	shalt  }
0x86: {  	_ =	shalt  }
0x87: {  	_ =	shalt  }
.Lfunc_end0:
.L_simem_size_0:
called_computation.4_lowered:
.L_overlay_start_0:
0x88: {  	s2 =	sld [smem:$0x3FD9]  }
0x89: {  	s3 =	sld [smem:$0x3FFE];
	_ =	sdelay $0x1  }
0x8a: {  	s1 =	srdreg.scid  }
0x8b: {  	s0 =	sand.u32 $0x1, s1  }
0x8c: {  	s17 =	sshll.u32 s0, $0xA;
	s2 =	sadd.s32 s3, s2  }
0x8d: {  	s2 =	sadd.s32 s2, s17  }
0x8e: {  	[smem:$0x3F80] =	sst s2  }
0x8f: {  	_ = 	snop  }
0x90: {  	s2 =	sld [smem:$0x3FD0];
	(tm) =	ssettm $0x1  }
0x91: {  	s18 =	sld [smem:$0x3FFB];
	_ =	sdelay $0x3  }
0x92: {  	_ =	strace s18  }
0x93: {  	s3 =	sld [smem:$0x3FFC];
	_ =	sdelay $0x3  }
0x94: {  	_ =	strace s3  }
0x95: {  	s3 =	sld [smem:$0x3FFD];
	_ =	sdelay $0x3  }
0x96: {  	_ =	strace s3  }
0x97: {  	_ =	strace $0x8FFFFFFF  }
0x98: {  	s19 =	sld [smem:$0x3FDB];
	_ =	sdelay $0x1  }
0x99: {  	s4 =	simm.s32 $_scs_section_size  }
0x9a: {  	s5 =	simm.s32 $_size__tile_overlayer_lowered;
	s6 =	simm.s32 $_tile_overlayer_lowered  }
0x9b: {  	s22 =	simm.s32 $0x1BFF;
	s21 =	sshll.u32 s6, $0x1;
	s3 =	sadd.s32 s4, s19  }
0x9c: {  	s7 =	simm.s32 $0x0;
	s20 =	sshll.u32 s5, $0x1;
	s5 =	sadd.s32 s21, s3  }
0x9d: {  	[timem:s7], [sflag:s22] =	dma.local [hbm:s5], s20  }
0x9e: {  	_ =	swait.ge [sflag:s22], s20  }
0x9f: {  	s4 =	ssub.s32 $0x0, s20;
	[sflag:s22] =	ssyncset.done $0x0  }
0xa0: {  	[sflag:s22] =	ssyncadd.s32 s4;
	_ =	sdelay $0x1  }
0xa1: {  	s23 =	simm.s32 $0x1B8B  }
0xa2: {  	_ =	swait.ge [sflag:s23], $0x1  }
0xa3: {  	[sflag:s23] =	ssyncset.done $0x0  }
0xa4: {  	s25 =	simm.s32 $0x1B8E;
	s24 =	sld [smem:$0x3FFE];
	[sflag:s23] =	ssyncadd.s32 $0xFFFFFFFF  }
0xa5: {  	s26 =	simm.s32 $execute0_lowered;
	[smem:$0x3FD2] =	sst s25  }
0xa6: {  	s5 =	sshll.u32 s26, $0x1;
	_ =	strace $0x80000052;
	[dreg:$0x1] =	wrdreg $0xFFFFFFFF  }
0xa7: {  	s28 =	simm.s32 $_size_execute0_lowered;
	s3 =	sadd.s32 s3, s5;
	[dreg:$0x0] =	wrdreg $0x0  }
0xa8: {  	s5 =	sshll.u32 s28, $0x1;
	[dreg:$0x2] =	wrdreg s3  }
0xa9: {  	[dreg:$0x3] =	wrdreg s5  }
0xaa: {  	[dreg:$0x4] =	wrdreg $0xC0  }
0xab: {  	_ =	task [dreg:s7], $0x5FFFF  }
0xac: {  	[dreg:$0x1] =	wrdreg $0xFFFFFFFF  }
0xad: {  	[dreg:$0x0] =	wrdreg $0x60  }
0xae: {  	[dreg:$0x2] =	wrdreg s2  }
0xaf: {  	[dreg:$0x3] =	wrdreg s24  }
0xb0: {  	[dreg:$0x4] =	wrdreg $0x9  }
0xb1: {  	_ =	task.clear_ibuf [dreg:s7], $0x5FFFF;
	_ =	strace $0x90000052  }
0xb2: {  	s29 =	simm.s32 $0x9;
	_ =	strace $0x80000054  }
0xb3: {  	_ =	swait.ge [sflag:s29], $0x1  }
0xb4: {  	[sflag:s29] =	ssyncadd.s32 $0xFFFFFFFF  }
0xb5: {  	_ =	strace $0x90000054  }
0xb6: {  	_ =	sfence  }
0xb7: {  	s30 =	sld [smem:$0x0];
	_ =	sdelay $0x2  }
0xb8: {  	s31 =	sshll.u32 s1, $0xD;
	s1 =	sshrl.u32 s1, $0x2  }
0xb9: {  	s3 =	sand.u32 $0x4000, s31;
	s1 =	sadd.s32 s1, s30  }
0xba: {  	s0 =	sor.u32 s3, s0;
	s1 =	sshll.u32 s1, $0x11  }
0xbb: {  	s0 =	sor.u32 s1, s0  }
0xbc: {  	s0 =	sadd.s32 $0x8F2B, s0  }
0xbd: {  	[sflag:s0] =	ssyncadd.remote.s32 $0x1  }
0xbe: {  	_ =	sfence.sel $0xFFFF  }
0xbf: {  	[dreg:$0x0] =	wrdreg $0xFFFFFFFF;
	(pc) =	sbr.abs _section_cstart, $3  }
0xc0: {  	[dreg:$0x1] =	wrdreg $0xFFFFFFFF  }
0xc1: {  	_ =	task.clear_ibuf [dreg:s7], $0x2FFFF;
	_ =	strace $0x9FFFFFFF  }
0xc2: {  	(tm) =	ssettm $0x7FFFFFFF  }
0xc3: {  	_ =	shalt  }
tec
execute0_lowered:
.L_overlay_start_1:
0x0: {  	(tag) =	ssettag $0x1  }
0x1: {  	s2 =	rddreg [dreg:$0x0];
	s1 =	srdreg.scid  }
0x2: {  	s0 =	stileid.u32;
	s6 =	rddreg [dreg:$0x1];
	s3 =	simm.s32 $0x0  }
0x3: {  	s10 =	simm.s32 $0x50;
	s11 =	simm.s32 $0x80;
	s12 =	simm.s32 $0x200  }
0x4: {  	s13 =	simm.s32 $0x100;
	s14 =	simm.s32 $0x2A00;
	s15 =	simm.s32 $0x1  }
0x5: {  	s16 =	simm.s32 $0x2;
	s17 =	simm.s32 $0x180;
	s18 =	simm.s32 $0x5200  }
0x6: {  	s5 =	sand.u32 $0x1, s1;
	s4 =	sshll.u32 s0, $0x1;
	s1 =	rddreg [dreg:$0x2]  }
0x7: {  	s19 =	simm.s32 $0x0;
	[smem:$0x7FF] =	sst s3;
	s7 =	sor.u32 s5, s4  }
0x8: {  	v0 =	vlaneseq.u32;
	_ =	strace $0x80000053;
	s9 =	ssub.s32 $0x2, s5;
	s8 =	smul.u32 $0x1400, s7  }
0x9: {  	v1 =	vimm.f32 $0.0e+00;
	v2 =	vor.u32 $0x10, v0;
	s4 =	sadd.s32 $0x19E00, s6;
	s5 =	sadd.s32 $0x6200, s6;
	s31 =	sshrl.u32 s9, $0x1  }
0xa: {  	v3 =	vor.u32 $0x20, v0;
	v4 =	vor.u32 $0x30, v0;
	v5 =	vor.u32 $0x40, v0;
	s9 =	ssub.s32 s9, s31;
	s8 =	sadd.s32 s8, s6;
	s6 =	smul.u32 $0x2A40, s7  }
0xb: {  	v6 =	vor.u32 $0x50, v0;
	v7 =	vor.u32 $0x60, v0;
	v8 =	vor.u32 $0x70, v0;
	s7 =	sadd.s32 $0x24800, s8;
	s8 =	smax.u32 s9, $0x1;
	s9 =	simm.s32 $0x3  }
.LBB2_1:
0xc: {  	s20 =	simm.s32 $0x40;
	s21 =	simm.s32 $0x0  }
.LBB2_2:
0xd: {  	p0 =	sne.s32 s20, $0x28FC0;
	[tilespmem:s21+$0x5200] =	vst v1;
	s21 =	smov.u32 s20;
	s20 =	sadd.s32 $0x40, s20  }
.Ltmp0:
0xe: {  	(pc) =	sbr.rel @p0 .LBB2_2-.Ltmp0, $2  }
0xf: {  	_ =	sdelay $0x2  }
0x10: {  	s21 =	sshra.s32 s21, $0x2  }
0x11: {  	[tilespmem:s21+$0x5200] =	vst v1;
	s20 =	simm.s32 $0x0;
	s21 =	simm.s32 $0x0  }
.LBB2_4:
0x12: {  	s22 =	smul.u32 $0x50, s21;
	_ =	sdelay $0x1  }
0x13: {  	s22 =	sadd.s32 s6, s22  }
0x14: {  	s22 =	sshrl.u32 s22, $0x3  }
0x15: {  	s22 =	sadd.s32 s4, s22  }
0x16: {  	[tilespmem:s20], [sflag:$0x3] =	stream.linear.gather [hbm4b:s22+s20], $0x50, $0x38;
	[tilespmem:$0xF600] =	vst v63  }
0x17: {  	_ =	swait.ge [sflag:s9], $0x50  }
0x18: {  	[sflag:s9] =	ssyncset.done $0x0  }
0x19: {  	[sflag:s9] =	ssyncadd.s32 $0xFFFFFFB0  }
0x1a: {  	v9 =	vld [tilespmem:$0x0];
	_ =	sdelay $0x2  }
0x1b: {  	v10 =	vld [tilespmem:$0x10];
	_ =	sdelay $0x1  }
0x1c: {  	v11 =	vand.u32 $0x3FFF, v9;
	v12 =	vshrl.u32 v9, $0xE  }
0x1d: {  	v55 =	vld [tilespmem:$0x20];
	v9 =	vshrl.u32 v9, $0x14;
	[tilespmem:$0x80] =	vst v11;
	v11 =	vand.u32 $0x3F, v12  }
0x1e: {  	v9 =	vand.u32 $0x3FF, v9;
	[tilespmem:$0x100] =	vst v11  }
0x1f: {  	[tilespmem:$0x180] =	vst v9;
	v9 =	vand.u32 $0x3FFF, v10;
	v11 =	vshrl.u32 v10, $0xE  }
0x20: {  	v10 =	vshrl.u32 v10, $0x14;
	[tilespmem:$0x90] =	vst v9;
	v9 =	vand.u32 $0x3F, v11;
	v11 =	vld [tilespmem:$0x30]  }
0x21: {  	[tilespmem:$0x110] =	vst v9;
	v9 =	vand.u32 $0x3FF, v10  }
0x22: {  	v10 =	vshrl.u32 v55, $0xE;
	[tilespmem:$0x190] =	vst v9;
	v9 =	vand.u32 $0x3FFF, v55  }
0x23: {  	v56 =	vld [tilespmem:$0x40];
	[tilespmem:$0xA0] =	vst v9;
	v9 =	vand.u32 $0x3F, v10;
	v10 =	vshrl.u32 v55, $0x14  }
0x24: {  	[tilespmem:$0x120] =	vst v9;
	v9 =	vand.u32 $0x3FF, v10  }
0x25: {  	[tilespmem:$0x1A0] =	vst v9;
	v9 =	vand.u32 $0x3FFF, v11;
	v10 =	vshrl.u32 v11, $0xE  }
0x26: {  	[tilespmem:$0xB0] =	vst v9;
	v9 =	vand.u32 $0x3F, v10;
	v10 =	vshrl.u32 v11, $0x14  }
0x27: {  	[tilespmem:$0x130] =	vst v9;
	v9 =	vand.u32 $0x3FF, v10  }
0x28: {  	v10 =	vshrl.u32 v56, $0xE;
	[tilespmem:$0x1B0] =	vst v9;
	v9 =	vand.u32 $0x3FFF, v56  }
0x29: {  	[tilespmem:$0xC0] =	vst v9;
	v9 =	vand.u32 $0x3F, v10;
	v10 =	vshrl.u32 v56, $0x14  }
0x2a: {  	[tilespmem:$0x140] =	vst v9;
	v9 =	vand.u32 $0x3FF, v10  }
0x2b: {  	[tilespmem:$0x1C0] =	vst v9  }
0x2c: {  	[tilespmem:s12], [sflag:$0x1] =	stream.indirect.gather [hbm4b:s2+s10], $0x80, s11, s10, $0xb8;
	[tilespmem:$0xF600] =	vst v63  }
0x2d: {  	_ = 	snop  }
0x2e: {  	[tilespmem:s14], [sflag:$0x2] =	stream.indirect.gather [hbm4b:s5+s10], $0x80, s13, s10, $0xb8;
	[tilespmem:$0xF600] =	vst v63  }
0x2f: {  	_ =	swait.ge [sflag:s15], $0x2800  }
0x30: {  	v9 =	vmov s20;
	[sflag:s15] =	ssyncset.done $0x0  }
0x31: {  	[sflag:s15] =	ssyncadd.s32 $0xFFFFD800  }
0x32: {  	_ =	swait.ge [sflag:s16], $0x2800  }
0x33: {  	[sflag:s16] =	ssyncset.done $0x0  }
0x34: {  	[sflag:s16] =	ssyncadd.s32 $0xFFFFD800  }
0x35: {  	v9 =	vld.idx.msk [tilespmem:v9+s17+$0x0], $0xffff  }
0x36: {  	s22 =	simm.s32 $0x2A40  }
0x37: {  	s23 =	simm.s32 $0x240;
	v10 =	vld [tilespmem:s22+$0xFFFFFFC0]  }
0x38: {  	v11 =	vld [tilespmem:s23+$0xFFFFFFC0];
	_ =	sdelay $0x1  }
0x39: {  	v9 =	vshll.u32 v9, $0x7  }
0x3a: {  	v57 =	vor.u32 v0, v9;
	_ =	sdelay $0x1  }
0x3b: {  	v10 =	vadd.f32 v10, v11;
	_ =	sdelay $0x1  }
0x3c: {  	v10 =	vmax.f32 v10, $0.0e+00  }
0x3d: {  	[tilespmem:v57+s18+$0x0] =	vst.idx.add.f32.msk $0xffff, v10  }
0x3e: {  	v10 =	vld [tilespmem:s23+$0xFFFFFFD0]  }
0x3f: {  	v11 =	vld [tilespmem:s22+$0xFFFFFFD0];
	_ =	sdelay $0x2  }
0x40: {  	v58 =	vor.u32 v2, v9;
	_ =	sdelay $0x1  }
0x41: {  	v10 =	vadd.f32 v11, v10;
	_ =	sdelay $0x1  }
0x42: {  	v10 =	vmax.f32 v10, $0.0e+00  }
0x43: {  	[tilespmem:v58+s18+$0x0] =	vst.idx.add.f32.msk $0xffff, v10  }
0x44: {  	v10 =	vld [tilespmem:s23+$0xFFFFFFE0]  }
0x45: {  	v11 =	vld [tilespmem:s22+$0xFFFFFFE0];
	_ =	sdelay $0x2  }
0x46: {  	v59 =	vor.u32 v3, v9;
	_ =	sdelay $0x1  }
0x47: {  	v10 =	vadd.f32 v11, v10;
	_ =	sdelay $0x1  }
0x48: {  	v10 =	vmax.f32 v10, $0.0e+00  }
0x49: {  	[tilespmem:v59+s18+$0x0] =	vst.idx.add.f32.msk $0xffff, v10  }
0x4a: {  	v10 =	vld [tilespmem:s23+$0xFFFFFFF0]  }
0x4b: {  	v11 =	vld [tilespmem:s22+$0xFFFFFFF0];
	_ =	sdelay $0x2  }
0x4c: {  	v60 =	vor.u32 v4, v9;
	_ =	sdelay $0x1  }
0x4d: {  	v10 =	vadd.f32 v11, v10;
	_ =	sdelay $0x1  }
0x4e: {  	v10 =	vmax.f32 v10, $0.0e+00  }
0x4f: {  	[tilespmem:v60+s18+$0x0] =	vst.idx.add.f32.msk $0xffff, v10  }
0x50: {  	v10 =	vld [tilespmem:s23+$0x0]  }
0x51: {  	v11 =	vld [tilespmem:s22+$0x0];
	_ =	sdelay $0x2  }
0x52: {  	v61 =	vor.u32 v5, v9;
	_ =	sdelay $0x1  }
0x53: {  	v10 =	vadd.f32 v11, v10;
	_ =	sdelay $0x1  }
0x54: {  	v10 =	vmax.f32 v10, $0.0e+00  }
0x55: {  	[tilespmem:v61+s18+$0x0] =	vst.idx.add.f32.msk $0xffff, v10  }
0x56: {  	v10 =	vld [tilespmem:s23+$0x10]  }
0x57: {  	v11 =	vld [tilespmem:s22+$0x10];
	_ =	sdelay $0x2  }
0x58: {  	v62 =	vor.u32 v6, v9;
	_ =	sdelay $0x1  }
0x59: {  	v10 =	vadd.f32 v11, v10;
	_ =	sdelay $0x1  }
0x5a: {  	v10 =	vmax.f32 v10, $0.0e+00  }
0x5b: {  	[tilespmem:v62+s18+$0x0] =	vst.idx.add.f32.msk $0xffff, v10  }
0x5c: {  	v10 =	vld [tilespmem:s23+$0x20]  }
0x5d: {  	v11 =	vld [tilespmem:s22+$0x20];
	_ =	sdelay $0x2  }
0x5e: {  	v63 =	vor.u32 v7, v9;
	_ =	sdelay $0x1  }
0x5f: {  	v10 =	vadd.f32 v11, v10;
	_ =	sdelay $0x1  }
0x60: {  	v10 =	vmax.f32 v10, $0.0e+00  }
0x61: {  	[tilespmem:v63+s18+$0x0] =	vst.idx.add.f32.msk $0xffff, v10  }
0x62: {  	v10 =	vld [tilespmem:s23+$0x30]  }
0x63: {  	s24 =	simm.s32 $0x1;
	v9 =	vor.u32 v8, v9;
	v11 =	vld [tilespmem:s22+$0x30]  }
.LBB2_5:
0x64: {  	p0 =	sne.s32 s24, $0x4F;
	s22 =	sadd.s32 $0x80, s22;
	s23 =	sadd.s32 $0x80, s23  }
0x65: {  	s25 =	smov.u32 s24;
	s24 =	sadd.s32 $0x1, s24;
	_ =	sdelay $0x1  }
0x66: {  	v12 =	vmov s25  }
0x67: {  	v10 =	vadd.f32 v11, v10;
	_ =	sdelay $0x1  }
0x68: {  	v10 =	vmax.f32 v10, $0.0e+00  }
0x69: {  	[tilespmem:v9+s18+$0x0] =	vst.idx.add.f32.msk $0xffff, v10  }
0x6a: {  	v9 =	vld.idx.msk [tilespmem:v12+s17+$0x0], $0xffff;
	_ =	sdelay $0x2  }
0x6b: {  	v10 =	vld [tilespmem:s22+$0xFFFFFFC0]  }
0x6c: {  	v11 =	vld [tilespmem:s23+$0xFFFFFFC0];
	_ =	sdelay $0x1  }
0x6d: {  	v9 =	vshll.u32 v9, $0x7  }
0x6e: {  	v12 =	vor.u32 v0, v9;
	_ =	sdelay $0x1  }
0x6f: {  	v10 =	vadd.f32 v10, v11;
	_ =	sdelay $0x1  }
0x70: {  	v10 =	vmax.f32 v10, $0.0e+00  }
0x71: {  	[tilespmem:v12+s18+$0x0] =	vst.idx.add.f32.msk $0xffff, v10  }
0x72: {  	v10 =	vld [tilespmem:s23+$0xFFFFFFD0]  }
0x73: {  	v11 =	vld [tilespmem:s22+$0xFFFFFFD0];
	_ =	sdelay $0x1  }
0x74: {  	v12 =	vor.u32 v2, v9;
	_ =	sdelay $0x2  }
0x75: {  	v10 =	vadd.f32 v11, v10;
	_ =	sdelay $0x1  }
0x76: {  	v10 =	vmax.f32 v10, $0.0e+00  }
0x77: {  	[tilespmem:v12+s18+$0x0] =	vst.idx.add.f32.msk $0xffff, v10  }
0x78: {  	v10 =	vld [tilespmem:s23+$0xFFFFFFE0]  }
0x79: {  	v11 =	vld [tilespmem:s22+$0xFFFFFFE0]  }
0x7a: {  	v12 =	vor.u32 v3, v9;
	_ =	sdelay $0x3  }
0x7b: {  	v10 =	vadd.f32 v11, v10;
	_ =	sdelay $0x1  }
0x7c: {  	v10 =	vmax.f32 v10, $0.0e+00  }
0x7d: {  	[tilespmem:v12+s18+$0x0] =	vst.idx.add.f32.msk $0xffff, v10  }
0x7e: {  	v10 =	vld [tilespmem:s23+$0xFFFFFFF0]  }
0x7f: {  	v12 =	vor.u32 v4, v9;
	v11 =	vld [tilespmem:s22+$0xFFFFFFF0];
	_ =	sdelay $0x4  }
0x80: {  	v10 =	vadd.f32 v11, v10;
	_ =	sdelay $0x1  }
0x81: {  	v10 =	vmax.f32 v10, $0.0e+00  }
0x82: {  	[tilespmem:v12+s18+$0x0] =	vst.idx.add.f32.msk $0xffff, v10  }
0x83: {  	v11 =	vor.u32 v5, v9;
	v10 =	vld [tilespmem:s23+$0x0]  }
0x84: {  	v12 =	vld [tilespmem:s22+$0x0];
	_ =	sdelay $0x4  }
0x85: {  	v10 =	vadd.f32 v12, v10;
	_ =	sdelay $0x1  }
0x86: {  	v10 =	vmax.f32 v10, $0.0e+00  }
0x87: {  	[tilespmem:v11+s18+$0x0] =	vst.idx.add.f32.msk $0xffff, v10;
	v10 =	vor.u32 v6, v9  }
0x88: {  	v11 =	vld [tilespmem:s23+$0x10]  }
0x89: {  	v12 =	vld [tilespmem:s22+$0x10];
	_ =	sdelay $0x4  }
0x8a: {  	v11 =	vadd.f32 v12, v11;
	_ =	sdelay $0x1  }
0x8b: {  	v12 =	vor.u32 v7, v9;
	v11 =	vmax.f32 v11, $0.0e+00  }
0x8c: {  	[tilespmem:v10+s18+$0x0] =	vst.idx.add.f32.msk $0xffff, v11  }
0x8d: {  	v10 =	vld [tilespmem:s23+$0x20]  }
0x8e: {  	v11 =	vld [tilespmem:s22+$0x20];
	_ =	sdelay $0x4  }
0x8f: {  	v10 =	vadd.f32 v11, v10  }
.Ltmp1:
0x90: {  	v9 =	vor.u32 v8, v9;
	(pc) =	sbr.rel @p0 .LBB2_5-.Ltmp1, $4  }
0x91: {  	v10 =	vmax.f32 v10, $0.0e+00  }
0x92: {  	[tilespmem:v12+s18+$0x0] =	vst.idx.add.f32.msk $0xffff, v10  }
0x93: {  	v10 =	vld [tilespmem:s23+$0x30]  }
0x94: {  	v11 =	vld [tilespmem:s22+$0x30]  }
0x95: {  	_ = 	snop  }
0x96: {  	s21 =	sadd.s32 $0x1, s21  }
0x97: {  	p0 =	sne.s32 s21, $0x87  }
.Ltmp2:
0x98: {  	_ = 	snop;
	(pc) =	sbr.rel @p0 .LBB2_4-.Ltmp2, $3  }
0x99: {  	v10 =	vadd.f32 v11, v10;
	_ =	sdelay $0x1  }
0x9a: {  	v10 =	vmax.f32 v10, $0.0e+00  }
0x9b: {  	[tilespmem:v9+s18+$0x0] =	vst.idx.add.f32.msk $0xffff, v10  }
0x9c: {  	s19 =	sadd.s32 $0x1, s19  }
0x9d: {  	p0 =	sne.s32 s19, s8  }
.Ltmp3:
0x9e: {  	_ = 	snop;
	(pc) =	sbr.rel @p0 .LBB2_1-.Ltmp3, $4  }
0x9f: {  	[hbm4b:s7+s3] =	stream.linear.scatter [tilespmem:s18], [sflag:$0x3], $0xA000, $0x38;
	[tilespmem:$0xF600] =	vst v63  }
0xa0: {  	_ =	swait.ge [sflag:s9], $0xA000  }
0xa1: {  	[sflag:s9] =	ssyncset.done $0x0  }
0xa2: {  	[sflag:s9] =	ssyncadd.s32 $0xFFFF6000  }
0xa3: {  	_ =	sfence.sel $0x180000  }
0xa4: {  	[bflag:$0x0] =	sbarrier.arrive $0xFFFF  }
0xa5: {  	p0 =	sne.s32 s0, $0x0;
	_ =	strace $0x90000053  }
0xa6: {  	s0 =	sadd.s32 @!p0 $0x100000, s1;
	[bflag:$0x2] =	sbarrier.arrive $0xFFFF  }
0xa7: {  	[sflag:s0] =	ssyncadd.tile.s32 @!p0 $0x1;
	_ =	shalt  }
.Lfunc_end2:
_tile_overlayer_lowered:
.L_overlay_start_2:
0xa8: {  	(tag) =	ssettag $0x2  }
0xa9: {  	s0 =	rddreg [dreg:$0x0];
	s2 =	stileid.u32  }
0xaa: {  	s1 =	rddreg [dreg:$0x1];
	p0 =	sne.s32 s2, $0x0  }
0xab: {  	s3 =	rddreg [dreg:$0x2];
	[bflag:$0x3] =	sbarrier.arrive $0xFFFF;
	s2 =	simm.s32 @!p0 $0x1C03  }
0xac: {  	[timem:s3], [sflag:s2] =	dma.local @!p0 [hbm:s0], s1  }
0xad: {  	s0 =	simm.s32 @!p0 $0x3  }
0xae: {  	_ =	swait.ge @!p0 [sflag:s0], s1  }
0xaf: {  	s1 =	ssub.s32 @!p0 $0x0, s1;
	[sflag:s0] =	ssyncset.done @!p0 $0x0  }
0xb0: {  	[sflag:s0] =	ssyncadd.s32 @!p0 s1  }
0xb1: {  	[bflag:$0x3] =	sbarrier.arrive $0xFFFF  }
0xb2: {  	_ =	shalt  }

// kernel: kernel.25.cloned.1.call-start
scs
__scs_entry_jumppad:
0x0: {  	(pc) =	sbr.rel $0x88, $3  }
0x1: {  	(tag) =	ssettag $0x0;
	lr =	simm.s32 $0x1  }
0x2: {  	[smem:$0x3F59] =	sst lr;
	_ =	strace $0xD0000000  }
0x3: {  	_ = 	snop  }
0x4: {  	_ = 	snop  }
0x5: {  	_ = 	snop  }
0x6: {  	_ = 	snop  }
0x7: {  	_ = 	snop  }
__scs_overlays_trampoline_lowered:
0x8: {  	[smem:$0x3F68] =	sst s0  }
0x9: {  	[smem:$0x3F69] =	sst s1  }
0xa: {  	[smem:$0x3F6A] =	sst s2  }
0xb: {  	[smem:$0x3F6B] =	sst s3  }
0xc: {  	[smem:$0x3F6C] =	sst s4  }
0xd: {  	[smem:$0x3F6D] =	sst s5  }
0xe: {  	[smem:$0x3F6E] =	sst s6  }
0xf: {  	[smem:$0x3F6F] =	sst s7  }
0x10: {  	[smem:$0x3F70] =	sst s8  }
0x11: {  	[smem:$0x3F71] =	sst s9;
	s0 =	simm.s32 @!p0 $0x0  }
0x12: {  	s1 =	sld [smem:$0x3F57];
	s0 =	simm.s32 @p0 $0x1  }
0x13: {  	[smem:$0x3F72] =	sst s0;
	s0 =	simm.s32 @!p1 $0x0  }
0x14: {  	s2 =	sld [smem:$0x3F56];
	s0 =	simm.s32 @p1 $0x1  }
0x15: {  	[smem:$0x3F73] =	sst s0;
	s0 =	simm.s32 @!p2 $0x0  }
0x16: {  	s3 =	sld [smem:$0x3FDB];
	s0 =	simm.s32 @p2 $0x1  }
0x17: {  	s4 =	simm.s32 $0x1BF5;
	[smem:$0x3F75] =	sst s0  }
0x18: {  	s0 =	sld [smem:$0x3F58];
	_ =	swait.ge [sflag:s4], $0x0  }
0x19: {  	s7 =	sld [smem:$0x3F59]  }
0x1a: {  	s8 =	sadd.s32 $0xFFFFE003, lr  }
0x1b: {  	s9 =	sadd.s32 $0xFFFFFEF7, lr;
	s5 =	simm.s32 $0xFFFFFFFF;
	p2 =	slt.u32 s8, $0xFFFFF086  }
0x1c: {  	p1 =	slt.u32 s9, $0xF7A;
	s5 =	simm.s32 @!p2 $0x0  }
0x1d: {  	s5 =	simm.s32 @p1 $0x1;
	p0 =	seq.s32 s7, s2  }
0x1e: {  	s7 =	smul.u32 @!p0 $0xF7A, s2;
	p2 =	seq.s32 @!p0 s5, $0x0  }
0x1f: {  	s9 =	smul.u32 $0xF7A, s1;
	s8 =	simm.s32 @!p0 $0x1BF5;
	p2 =	por !p2, p0  }
0x20: {  	[sflag:s8] =	ssyncset.s32 @!p0 $0xFFFFF086;
	s6 =	sadd.s32 @!p0 s3, s7;
	s7 =	simm.s32 @!p0 $0x108  }
0x21: {  	s3 =	sadd.s32 s3, s9;
	s6 =	sadd.s32 @!p0 $0x88, s6;
	s7 =	simm.s32 @p2 $0x1082  }
0x22: {  	[simem:s7], [sflag:s8] =	dma.local @!p0 [hbm:s6], $0xF7A  }
0x23: {  	s9 =	sor.u32 $0xD0000000, s2;
	s6 =	simm.s32 $0x108;
	_ =	swait.ge @!p0 [sflag:s8], $0x0  }
0x24: {  	s3 =	sadd.s32 $0x88, s3;
	s6 =	simm.s32 @!p1 $0x1082;
	[sflag:s4] =	ssyncset.s32 $0xFFFFF086  }
0x25: {  	[simem:s6], [sflag:s4] =	dma.local [hbm:s3], $0xF7A  }
0x26: {  	[smem:$0x3F59] =	sst s1;
	(tag) =	ssettag s2;
	_ =	strace s9  }
0x27: {  	s1 =	sld [smem:$0x3F69]  }
0x28: {  	s2 =	sld [smem:$0x3F6A]  }
0x29: {  	s4 =	sld [smem:$0x3F6C]  }
0x2a: {  	p0 =	seq.s32 s5, $0x0;
	s5 =	sld [smem:$0x3F6D]  }
0x2b: {  	s6 =	sld [smem:$0x3F6E]  }
0x2c: {  	s7 =	sld [smem:$0x3F6F]  }
0x2d: {  	s3 =	simm.s32 $0x108;
	s8 =	sld [smem:$0x3F70]  }
0x2e: {  	s3 =	simm.s32 @!p0 $0x1082;
	s9 =	sld [smem:$0x3F71]  }
0x2f: {  	lr =	sadd.s32 s0, s3;
	s0 =	sld [smem:$0x3F68]  }
0x30: {  	s3 =	sld [smem:$0x3F6B]  }
0x31: {  	[smem:$0x3F74] =	sst s10  }
0x32: {  	s10 =	sld [smem:$0x3F72];
	_ =	sdelay $0x3  }
0x33: {  	p0 =	seq.s32 s10, $0x1;
	s10 =	sld [smem:$0x3F74];
	_ =	sdelay $0x3  }
0x34: {  	[smem:$0x3F74] =	sst s10  }
0x35: {  	s10 =	sld [smem:$0x3F73];
	_ =	sdelay $0x3  }
0x36: {  	p1 =	seq.s32 s10, $0x1;
	s10 =	sld [smem:$0x3F74];
	_ =	sdelay $0x3  }
0x37: {  	[smem:$0x3F74] =	sst s10  }
0x38: {  	s10 =	sld [smem:$0x3F75]  }
0x39: {  	_ = 	snop;
	(pc) =	sbr.ind lr, $3  }
0x3a: {  	_ = 	snop  }
0x3b: {  	_ = 	snop  }
0x3c: {  	p2 =	seq.s32 s10, $0x1;
	s10 =	sld [smem:$0x3F74]  }
0x3d: {  	_ =	shalt  }
0x3e: {  	_ =	shalt  }
0x3f: {  	_ =	shalt  }
0x40: {  	_ =	shalt  }
0x41: {  	_ =	shalt  }
0x42: {  	_ =	shalt  }
0x43: {  	_ =	shalt  }
0x44: {  	_ =	shalt  }
0x45: {  	_ =	shalt  }
0x46: {  	_ =	shalt  }
0x47: {  	_ =	shalt  }
0x48: {  	_ =	shalt  }
0x49: {  	_ =	shalt  }
0x4a: {  	_ =	shalt  }
0x4b: {  	_ =	shalt  }
0x4c: {  	_ =	shalt  }
0x4d: {  	_ =	shalt  }
0x4e: {  	_ =	shalt  }
0x4f: {  	_ =	shalt  }
0x50: {  	_ =	shalt  }
0x51: {  	_ =	shalt  }
0x52: {  	_ =	shalt  }
0x53: {  	_ =	shalt  }
0x54: {  	_ =	shalt  }
0x55: {  	_ =	shalt  }
0x56: {  	_ =	shalt  }
0x57: {  	_ =	shalt  }
0x58: {  	_ =	shalt  }
0x59: {  	_ =	shalt  }
0x5a: {  	_ =	shalt  }
0x5b: {  	_ =	shalt  }
0x5c: {  	_ =	shalt  }
0x5d: {  	_ =	shalt  }
0x5e: {  	_ =	shalt  }
0x5f: {  	_ =	shalt  }
0x60: {  	_ =	shalt  }
0x61: {  	_ =	shalt  }
0x62: {  	_ =	shalt  }
0x63: {  	_ =	shalt  }
0x64: {  	_ =	shalt  }
0x65: {  	_ =	shalt  }
0x66: {  	_ =	shalt  }
0x67: {  	_ =	shalt  }
0x68: {  	_ =	shalt  }
0x69: {  	_ =	shalt  }
0x6a: {  	_ =	shalt  }
0x6b: {  	_ =	shalt  }
0x6c: {  	_ =	shalt  }
0x6d: {  	_ =	shalt  }
0x6e: {  	_ =	shalt  }
0x6f: {  	_ =	shalt  }
0x70: {  	_ =	shalt  }
0x71: {  	_ =	shalt  }
0x72: {  	_ =	shalt  }
0x73: {  	_ =	shalt  }
0x74: {  	_ =	shalt  }
0x75: {  	_ =	shalt  }
0x76: {  	_ =	shalt  }
0x77: {  	_ =	shalt  }
0x78: {  	_ =	shalt  }
0x79: {  	_ =	shalt  }
0x7a: {  	_ =	shalt  }
0x7b: {  	_ =	shalt  }
0x7c: {  	_ =	shalt  }
0x7d: {  	_ =	shalt  }
0x7e: {  	_ =	shalt  }
0x7f: {  	_ =	shalt  }
0x80: {  	_ =	shalt  }
0x81: {  	_ =	shalt  }
0x82: {  	_ =	shalt  }
0x83: {  	_ =	shalt  }
0x84: {  	_ =	shalt  }
0x85: {  	_ =	shalt  }
0x86: {  	_ =	shalt  }
0x87: {  	_ =	shalt  }
.Lfunc_end0:
.L_simem_size_0:
called_computation.5_lowered:
.L_overlay_start_0:
0x88: {  	s2 =	sld [smem:$0x3FD9]  }
0x89: {  	s3 =	sld [smem:$0x3FFE];
	_ =	sdelay $0x1  }
0x8a: {  	s1 =	srdreg.scid  }
0x8b: {  	s0 =	sand.u32 $0x1, s1  }
0x8c: {  	s17 =	sshll.u32 s0, $0xA;
	s2 =	sadd.s32 s3, s2  }
0x8d: {  	s2 =	sadd.s32 s2, s17  }
0x8e: {  	[smem:$0x3F80] =	sst s2  }
0x8f: {  	_ = 	snop  }
0x90: {  	s2 =	sld [smem:$0x3FD0];
	(tm) =	ssettm $0x1  }
0x91: {  	s18 =	sld [smem:$0x3FFB];
	_ =	sdelay $0x3  }
0x92: {  	_ =	strace s18  }
0x93: {  	s3 =	sld [smem:$0x3FFC];
	_ =	sdelay $0x3  }
0x94: {  	_ =	strace s3  }
0x95: {  	s3 =	sld [smem:$0x3FFD];
	_ =	sdelay $0x3  }
0x96: {  	_ =	strace s3  }
0x97: {  	_ =	strace $0x8FFFFFFF  }
0x98: {  	s19 =	sld [smem:$0x3FDB];
	_ =	sdelay $0x1  }
0x99: {  	s4 =	simm.s32 $_scs_section_size  }
0x9a: {  	s5 =	simm.s32 $_size__tile_overlayer_lowered;
	s6 =	simm.s32 $_tile_overlayer_lowered  }
0x9b: {  	s22 =	simm.s32 $0x1BFF;
	s21 =	sshll.u32 s6, $0x1;
	s3 =	sadd.s32 s4, s19  }
0x9c: {  	s7 =	simm.s32 $0x0;
	s20 =	sshll.u32 s5, $0x1;
	s5 =	sadd.s32 s21, s3  }
0x9d: {  	[timem:s7], [sflag:s22] =	dma.local [hbm:s5], s20  }
0x9e: {  	_ =	swait.ge [sflag:s22], s20  }
0x9f: {  	s4 =	ssub.s32 $0x0, s20;
	[sflag:s22] =	ssyncset.done $0x0  }
0xa0: {  	[sflag:s22] =	ssyncadd.s32 s4;
	_ =	sdelay $0x1  }
0xa1: {  	s23 =	simm.s32 $0x1B8B  }
0xa2: {  	_ =	swait.ge [sflag:s23], $0x1  }
0xa3: {  	[sflag:s23] =	ssyncset.done $0x0  }
0xa4: {  	s25 =	simm.s32 $0x1B8E;
	s24 =	sld [smem:$0x3FFE];
	[sflag:s23] =	ssyncadd.s32 $0xFFFFFFFF  }
0xa5: {  	s26 =	simm.s32 $execute0_lowered;
	[smem:$0x3FD2] =	sst s25  }
0xa6: {  	s5 =	sshll.u32 s26, $0x1;
	_ =	strace $0x80000055;
	[dreg:$0x1] =	wrdreg $0xFFFFFFFF  }
0xa7: {  	s28 =	simm.s32 $_size_execute0_lowered;
	s3 =	sadd.s32 s3, s5;
	[dreg:$0x0] =	wrdreg $0x0  }
0xa8: {  	s5 =	sshll.u32 s28, $0x1;
	[dreg:$0x2] =	wrdreg s3  }
0xa9: {  	[dreg:$0x3] =	wrdreg s5  }
0xaa: {  	[dreg:$0x4] =	wrdreg $0xC0  }
0xab: {  	_ =	task [dreg:s7], $0x5FFFF  }
0xac: {  	[dreg:$0x1] =	wrdreg $0xFFFFFFFF  }
0xad: {  	[dreg:$0x0] =	wrdreg $0x60  }
0xae: {  	[dreg:$0x2] =	wrdreg s2  }
0xaf: {  	[dreg:$0x3] =	wrdreg s24  }
0xb0: {  	[dreg:$0x4] =	wrdreg $0x9  }
0xb1: {  	_ =	task.clear_ibuf [dreg:s7], $0x5FFFF;
	_ =	strace $0x90000055  }
0xb2: {  	s29 =	simm.s32 $0x9;
	_ =	strace $0x80000057  }
0xb3: {  	_ =	swait.ge [sflag:s29], $0x1  }
0xb4: {  	[sflag:s29] =	ssyncadd.s32 $0xFFFFFFFF  }
0xb5: {  	_ =	strace $0x90000057  }
0xb6: {  	_ =	sfence  }
0xb7: {  	s30 =	sld [smem:$0x0];
	_ =	sdelay $0x2  }
0xb8: {  	s31 =	sshll.u32 s1, $0xD;
	s1 =	sshrl.u32 s1, $0x2  }
0xb9: {  	s3 =	sand.u32 $0x4000, s31;
	s1 =	sadd.s32 s1, s30  }
0xba: {  	s0 =	sor.u32 s3, s0;
	s1 =	sshll.u32 s1, $0x11  }
0xbb: {  	s0 =	sor.u32 s1, s0  }
0xbc: {  	s0 =	sadd.s32 $0x8F2B, s0  }
0xbd: {  	[sflag:s0] =	ssyncadd.remote.s32 $0x1  }
0xbe: {  	_ =	sfence.sel $0xFFFF  }
0xbf: {  	[dreg:$0x0] =	wrdreg $0xFFFFFFFF;
	(pc) =	sbr.abs _section_cstart, $3  }
0xc0: {  	[dreg:$0x1] =	wrdreg $0xFFFFFFFF  }
0xc1: {  	_ =	task.clear_ibuf [dreg:s7], $0x2FFFF;
	_ =	strace $0x9FFFFFFF  }
0xc2: {  	(tm) =	ssettm $0x7FFFFFFF  }
0xc3: {  	_ =	shalt  }
tec
execute0_lowered:
.L_overlay_start_1:
0x0: {  	(tag) =	ssettag $0x1  }
0x1: {  	s2 =	rddreg [dreg:$0x0];
	s1 =	srdreg.scid  }
0x2: {  	s0 =	stileid.u32;
	s6 =	rddreg [dreg:$0x1];
	s3 =	simm.s32 $0x0  }
0x3: {  	s10 =	simm.s32 $0x50;
	s11 =	simm.s32 $0x80;
	s12 =	simm.s32 $0x200  }
0x4: {  	s13 =	simm.s32 $0x100;
	s14 =	simm.s32 $0x2A00;
	s15 =	simm.s32 $0x1  }
0x5: {  	s16 =	simm.s32 $0x2;
	s17 =	simm.s32 $0x180;
	s18 =	simm.s32 $0x5200  }
0x6: {  	s5 =	sand.u32 $0x1, s1;
	s4 =	sshll.u32 s0, $0x1;
	s1 =	rddreg [dreg:$0x2]  }
0x7: {  	s19 =	simm.s32 $0x0;
	[smem:$0x7FF] =	sst s3;
	s7 =	sor.u32 s5, s4  }
0x8: {  	v0 =	vlaneseq.u32;
	_ =	strace $0x80000056;
	s9 =	ssub.s32 $0x2, s5;
	s8 =	smul.u32 $0x1400, s7  }
0x9: {  	v1 =	vimm.f32 $0.0e+00;
	v2 =	vor.u32 $0x10, v0;
	s4 =	sadd.s32 $0x19E00, s6;
	s5 =	sadd.s32 $0x6600, s6;
	s31 =	sshrl.u32 s9, $0x1  }
0xa: {  	v3 =	vor.u32 $0x20, v0;
	v4 =	vor.u32 $0x30, v0;
	v5 =	vor.u32 $0x40, v0;
	s9 =	ssub.s32 s9, s31;
	s8 =	sadd.s32 s8, s6;
	s6 =	smul.u32 $0x2A40, s7  }
0xb: {  	v6 =	vor.u32 $0x50, v0;
	v7 =	vor.u32 $0x60, v0;
	v8 =	vor.u32 $0x70, v0;
	s7 =	sadd.s32 $0x24800, s8;
	s8 =	smax.u32 s9, $0x1;
	s9 =	simm.s32 $0x3  }
.LBB2_1:
0xc: {  	s20 =	simm.s32 $0x40;
	s21 =	simm.s32 $0x0  }
.LBB2_2:
0xd: {  	p0 =	sne.s32 s20, $0x28FC0;
	[tilespmem:s21+$0x5200] =	vst v1;
	s21 =	smov.u32 s20;
	s20 =	sadd.s32 $0x40, s20  }
.Ltmp0:
0xe: {  	(pc) =	sbr.rel @p0 .LBB2_2-.Ltmp0, $2  }
0xf: {  	_ =	sdelay $0x2  }
0x10: {  	s21 =	sshra.s32 s21, $0x2  }
0x11: {  	[tilespmem:s21+$0x5200] =	vst v1;
	s20 =	simm.s32 $0x0;
	s21 =	simm.s32 $0x0  }
.LBB2_4:
0x12: {  	s22 =	smul.u32 $0x50, s21;
	_ =	sdelay $0x1  }
0x13: {  	s22 =	sadd.s32 s6, s22  }
0x14: {  	s22 =	sshrl.u32 s22, $0x3  }
0x15: {  	s22 =	sadd.s32 s4, s22  }
0x16: {  	[tilespmem:s20], [sflag:$0x3] =	stream.linear.gather [hbm4b:s22+s20], $0x50, $0x38;
	[tilespmem:$0xF600] =	vst v63  }
0x17: {  	_ =	swait.ge [sflag:s9], $0x50  }
0x18: {  	[sflag:s9] =	ssyncset.done $0x0  }
0x19: {  	[sflag:s9] =	ssyncadd.s32 $0xFFFFFFB0  }
0x1a: {  	v9 =	vld [tilespmem:$0x0];
	_ =	sdelay $0x2  }
0x1b: {  	v10 =	vld [tilespmem:$0x10];
	_ =	sdelay $0x1  }
0x1c: {  	v11 =	vand.u32 $0x3FFF, v9;
	v12 =	vshrl.u32 v9, $0xE  }
0x1d: {  	v55 =	vld [tilespmem:$0x20];
	v9 =	vshrl.u32 v9, $0x14;
	[tilespmem:$0x80] =	vst v11;
	v11 =	vand.u32 $0x3F, v12  }
0x1e: {  	v9 =	vand.u32 $0x3FF, v9;
	[tilespmem:$0x100] =	vst v11  }
0x1f: {  	[tilespmem:$0x180] =	vst v9;
	v9 =	vand.u32 $0x3FFF, v10;
	v11 =	vshrl.u32 v10, $0xE  }
0x20: {  	v10 =	vshrl.u32 v10, $0x14;
	[tilespmem:$0x90] =	vst v9;
	v9 =	vand.u32 $0x3F, v11;
	v11 =	vld [tilespmem:$0x30]  }
0x21: {  	[tilespmem:$0x110] =	vst v9;
	v9 =	vand.u32 $0x3FF, v10  }
0x22: {  	v10 =	vshrl.u32 v55, $0xE;
	[tilespmem:$0x190] =	vst v9;
	v9 =	vand.u32 $0x3FFF, v55  }
0x23: {  	v56 =	vld [tilespmem:$0x40];
	[tilespmem:$0xA0] =	vst v9;
	v9 =	vand.u32 $0x3F, v10;
	v10 =	vshrl.u32 v55, $0x14  }
0x24: {  	[tilespmem:$0x120] =	vst v9;
	v9 =	vand.u32 $0x3FF, v10  }
0x25: {  	[tilespmem:$0x1A0] =	vst v9;
	v9 =	vand.u32 $0x3FFF, v11;
	v10 =	vshrl.u32 v11, $0xE  }
0x26: {  	[tilespmem:$0xB0] =	vst v9;
	v9 =	vand.u32 $0x3F, v10;
	v10 =	vshrl.u32 v11, $0x14  }
0x27: {  	[tilespmem:$0x130] =	vst v9;
	v9 =	vand.u32 $0x3FF, v10  }
0x28: {  	v10 =	vshrl.u32 v56, $0xE;
	[tilespmem:$0x1B0] =	vst v9;
	v9 =	vand.u32 $0x3FFF, v56  }
0x29: {  	[tilespmem:$0xC0] =	vst v9;
	v9 =	vand.u32 $0x3F, v10;
	v10 =	vshrl.u32 v56, $0x14  }
0x2a: {  	[tilespmem:$0x140] =	vst v9;
	v9 =	vand.u32 $0x3FF, v10  }
0x2b: {  	[tilespmem:$0x1C0] =	vst v9  }
0x2c: {  	[tilespmem:s12], [sflag:$0x1] =	stream.indirect.gather [hbm4b:s2+s10], $0x80, s11, s10, $0xb8;
	[tilespmem:$0xF600] =	vst v63  }
0x2d: {  	_ = 	snop  }
0x2e: {  	[tilespmem:s14], [sflag:$0x2] =	stream.indirect.gather [hbm4b:s5+s10], $0x80, s13, s10, $0xb8;
	[tilespmem:$0xF600] =	vst v63  }
0x2f: {  	_ =	swait.ge [sflag:s15], $0x2800  }
0x30: {  	v9 =	vmov s20;
	[sflag:s15] =	ssyncset.done $0x0  }
0x31: {  	[sflag:s15] =	ssyncadd.s32 $0xFFFFD800  }
0x32: {  	_ =	swait.ge [sflag:s16], $0x2800  }
0x33: {  	[sflag:s16] =	ssyncset.done $0x0  }
0x34: {  	[sflag:s16] =	ssyncadd.s32 $0xFFFFD800  }
0x35: {  	v9 =	vld.idx.msk [tilespmem:v9+s17+$0x0], $0xffff  }
0x36: {  	s22 =	simm.s32 $0x2A40  }
0x37: {  	s23 =	simm.s32 $0x240;
	v10 =	vld [tilespmem:s22+$0xFFFFFFC0]  }
0x38: {  	v11 =	vld [tilespmem:s23+$0xFFFFFFC0];
	_ =	sdelay $0x1  }
0x39: {  	v9 =	vshll.u32 v9, $0x7  }
0x3a: {  	v57 =	vor.u32 v0, v9;
	_ =	sdelay $0x1  }
0x3b: {  	v10 =	vadd.f32 v10, v11;
	_ =	sdelay $0x1  }
0x3c: {  	v10 =	vmax.f32 v10, $0.0e+00  }
0x3d: {  	[tilespmem:v57+s18+$0x0] =	vst.idx.add.f32.msk $0xffff, v10  }
0x3e: {  	v10 =	vld [tilespmem:s23+$0xFFFFFFD0]  }
0x3f: {  	v11 =	vld [tilespmem:s22+$0xFFFFFFD0];
	_ =	sdelay $0x2  }
0x40: {  	v58 =	vor.u32 v2, v9;
	_ =	sdelay $0x1  }
0x41: {  	v10 =	vadd.f32 v11, v10;
	_ =	sdelay $0x1  }
0x42: {  	v10 =	vmax.f32 v10, $0.0e+00  }
0x43: {  	[tilespmem:v58+s18+$0x0] =	vst.idx.add.f32.msk $0xffff, v10  }
0x44: {  	v10 =	vld [tilespmem:s23+$0xFFFFFFE0]  }
0x45: {  	v11 =	vld [tilespmem:s22+$0xFFFFFFE0];
	_ =	sdelay $0x2  }
0x46: {  	v59 =	vor.u32 v3, v9;
	_ =	sdelay $0x1  }
0x47: {  	v10 =	vadd.f32 v11, v10;
	_ =	sdelay $0x1  }
0x48: {  	v10 =	vmax.f32 v10, $0.0e+00  }
0x49: {  	[tilespmem:v59+s18+$0x0] =	vst.idx.add.f32.msk $0xffff, v10  }
0x4a: {  	v10 =	vld [tilespmem:s23+$0xFFFFFFF0]  }
0x4b: {  	v11 =	vld [tilespmem:s22+$0xFFFFFFF0];
	_ =	sdelay $0x2  }
0x4c: {  	v60 =	vor.u32 v4, v9;
	_ =	sdelay $0x1  }
0x4d: {  	v10 =	vadd.f32 v11, v10;
	_ =	sdelay $0x1  }
0x4e: {  	v10 =	vmax.f32 v10, $0.0e+00  }
0x4f: {  	[tilespmem:v60+s18+$0x0] =	vst.idx.add.f32.msk $0xffff, v10  }
0x50: {  	v10 =	vld [tilespmem:s23+$0x0]  }
0x51: {  	v11 =	vld [tilespmem:s22+$0x0];
	_ =	sdelay $0x2  }
0x52: {  	v61 =	vor.u32 v5, v9;
	_ =	sdelay $0x1  }
0x53: {  	v10 =	vadd.f32 v11, v10;
	_ =	sdelay $0x1  }
0x54: {  	v10 =	vmax.f32 v10, $0.0e+00  }
0x55: {  	[tilespmem:v61+s18+$0x0] =	vst.idx.add.f32.msk $0xffff, v10  }
0x56: {  	v10 =	vld [tilespmem:s23+$0x10]  }
0x57: {  	v11 =	vld [tilespmem:s22+$0x10];
	_ =	sdelay $0x2  }
0x58: {  	v62 =	vor.u32 v6, v9;
	_ =	sdelay $0x1  }
0x59: {  	v10 =	vadd.f32 v11, v10;
	_ =	sdelay $0x1  }
0x5a: {  	v10 =	vmax.f32 v10, $0.0e+00  }
0x5b: {  	[tilespmem:v62+s18+$0x0] =	vst.idx.add.f32.msk $0xffff, v10  }
0x5c: {  	v10 =	vld [tilespmem:s23+$0x20]  }
0x5d: {  	v11 =	vld [tilespmem:s22+$0x20];
	_ =	sdelay $0x2  }
0x5e: {  	v63 =	vor.u32 v7, v9;
	_ =	sdelay $0x1  }
0x5f: {  	v10 =	vadd.f32 v11, v10;
	_ =	sdelay $0x1  }
0x60: {  	v10 =	vmax.f32 v10, $0.0e+00  }
0x61: {  	[tilespmem:v63+s18+$0x0] =	vst.idx.add.f32.msk $0xffff, v10  }
0x62: {  	v10 =	vld [tilespmem:s23+$0x30]  }
0x63: {  	s24 =	simm.s32 $0x1;
	v9 =	vor.u32 v8, v9;
	v11 =	vld [tilespmem:s22+$0x30]  }
.LBB2_5:
0x64: {  	p0 =	sne.s32 s24, $0x4F;
	s22 =	sadd.s32 $0x80, s22;
	s23 =	sadd.s32 $0x80, s23  }
0x65: {  	s25 =	smov.u32 s24;
	s24 =	sadd.s32 $0x1, s24;
	_ =	sdelay $0x1  }
0x66: {  	v12 =	vmov s25  }
0x67: {  	v10 =	vadd.f32 v11, v10;
	_ =	sdelay $0x1  }
0x68: {  	v10 =	vmax.f32 v10, $0.0e+00  }
0x69: {  	[tilespmem:v9+s18+$0x0] =	vst.idx.add.f32.msk $0xffff, v10  }
0x6a: {  	v9 =	vld.idx.msk [tilespmem:v12+s17+$0x0], $0xffff;
	_ =	sdelay $0x2  }
0x6b: {  	v10 =	vld [tilespmem:s22+$0xFFFFFFC0]  }
0x6c: {  	v11 =	vld [tilespmem:s23+$0xFFFFFFC0];
	_ =	sdelay $0x1  }
0x6d: {  	v9 =	vshll.u32 v9, $0x7  }
0x6e: {  	v12 =	vor.u32 v0, v9;
	_ =	sdelay $0x1  }
0x6f: {  	v10 =	vadd.f32 v10, v11;
	_ =	sdelay $0x1  }
0x70: {  	v10 =	vmax.f32 v10, $0.0e+00  }
0x71: {  	[tilespmem:v12+s18+$0x0] =	vst.idx.add.f32.msk $0xffff, v10  }
0x72: {  	v10 =	vld [tilespmem:s23+$0xFFFFFFD0]  }
0x73: {  	v11 =	vld [tilespmem:s22+$0xFFFFFFD0];
	_ =	sdelay $0x1  }
0x74: {  	v12 =	vor.u32 v2, v9;
	_ =	sdelay $0x2  }
0x75: {  	v10 =	vadd.f32 v11, v10;
	_ =	sdelay $0x1  }
0x76: {  	v10 =	vmax.f32 v10, $0.0e+00  }
0x77: {  	[tilespmem:v12+s18+$0x0] =	vst.idx.add.f32.msk $0xffff, v10  }
0x78: {  	v10 =	vld [tilespmem:s23+$0xFFFFFFE0]  }
0x79: {  	v11 =	vld [tilespmem:s22+$0xFFFFFFE0]  }
0x7a: {  	v12 =	vor.u32 v3, v9;
	_ =	sdelay $0x3  }
0x7b: {  	v10 =	vadd.f32 v11, v10;
	_ =	sdelay $0x1  }
0x7c: {  	v10 =	vmax.f32 v10, $0.0e+00  }
0x7d: {  	[tilespmem:v12+s18+$0x0] =	vst.idx.add.f32.msk $0xffff, v10  }
0x7e: {  	v10 =	vld [tilespmem:s23+$0xFFFFFFF0]  }
0x7f: {  	v12 =	vor.u32 v4, v9;
	v11 =	vld [tilespmem:s22+$0xFFFFFFF0];
	_ =	sdelay $0x4  }
0x80: {  	v10 =	vadd.f32 v11, v10;
	_ =	sdelay $0x1  }
0x81: {  	v10 =	vmax.f32 v10, $0.0e+00  }
0x82: {  	[tilespmem:v12+s18+$0x0] =	vst.idx.add.f32.msk $0xffff, v10  }
0x83: {  	v11 =	vor.u32 v5, v9;
	v10 =	vld [tilespmem:s23+$0x0]  }
0x84: {  	v12 =	vld [tilespmem:s22+$0x0];
	_ =	sdelay $0x4  }
0x85: {  	v10 =	vadd.f32 v12, v10;
	_ =	sdelay $0x1  }
0x86: {  	v10 =	vmax.f32 v10, $0.0e+00  }
0x87: {  	[tilespmem:v11+s18+$0x0] =	vst.idx.add.f32.msk $0xffff, v10;
	v10 =	vor.u32 v6, v9  }
0x88: {  	v11 =	vld [tilespmem:s23+$0x10]  }
0x89: {  	v12 =	vld [tilespmem:s22+$0x10];
	_ =	sdelay $0x4  }
0x8a: {  	v11 =	vadd.f32 v12, v11;
	_ =	sdelay $0x1  }
0x8b: {  	v12 =	vor.u32 v7, v9;
	v11 =	vmax.f32 v11, $0.0e+00  }
0x8c: {  	[tilespmem:v10+s18+$0x0] =	vst.idx.add.f32.msk $0xffff, v11  }
0x8d: {  	v10 =	vld [tilespmem:s23+$0x20]  }
0x8e: {  	v11 =	vld [tilespmem:s22+$0x20];
	_ =	sdelay $0x4  }
0x8f: {  	v10 =	vadd.f32 v11, v10  }
.Ltmp1:
0x90: {  	v9 =	vor.u32 v8, v9;
	(pc) =	sbr.rel @p0 .LBB2_5-.Ltmp1, $4  }
0x91: {  	v10 =	vmax.f32 v10, $0.0e+00  }
0x92: {  	[tilespmem:v12+s18+$0x0] =	vst.idx.add.f32.msk $0xffff, v10  }
0x93: {  	v10 =	vld [tilespmem:s23+$0x30]  }
0x94: {  	v11 =	vld [tilespmem:s22+$0x30]  }
0x95: {  	_ = 	snop  }
0x96: {  	s21 =	sadd.s32 $0x1, s21  }
0x97: {  	p0 =	sne.s32 s21, $0x87  }
.Ltmp2:
0x98: {  	_ = 	snop;
	(pc) =	sbr.rel @p0 .LBB2_4-.Ltmp2, $3  }
0x99: {  	v10 =	vadd.f32 v11, v10;
	_ =	sdelay $0x1  }
0x9a: {  	v10 =	vmax.f32 v10, $0.0e+00  }
0x9b: {  	[tilespmem:v9+s18+$0x0] =	vst.idx.add.f32.msk $0xffff, v10  }
0x9c: {  	s19 =	sadd.s32 $0x1, s19  }
0x9d: {  	p0 =	sne.s32 s19, s8  }
.Ltmp3:
0x9e: {  	_ = 	snop;
	(pc) =	sbr.rel @p0 .LBB2_1-.Ltmp3, $4  }
0x9f: {  	[hbm4b:s7+s3] =	stream.linear.scatter [tilespmem:s18], [sflag:$0x3], $0xA000, $0x38;
	[tilespmem:$0xF600] =	vst v63  }
0xa0: {  	_ =	swait.ge [sflag:s9], $0xA000  }
0xa1: {  	[sflag:s9] =	ssyncset.done $0x0  }
0xa2: {  	[sflag:s9] =	ssyncadd.s32 $0xFFFF6000  }
0xa3: {  	_ =	sfence.sel $0x180000  }
0xa4: {  	[bflag:$0x0] =	sbarrier.arrive $0xFFFF  }
0xa5: {  	p0 =	sne.s32 s0, $0x0;
	_ =	strace $0x90000056  }
0xa6: {  	s0 =	sadd.s32 @!p0 $0x100000, s1;
	[bflag:$0x2] =	sbarrier.arrive $0xFFFF  }
0xa7: {  	[sflag:s0] =	ssyncadd.tile.s32 @!p0 $0x1;
	_ =	shalt  }
.Lfunc_end2:
_tile_overlayer_lowered:
.L_overlay_start_2:
0xa8: {  	(tag) =	ssettag $0x2  }
0xa9: {  	s0 =	rddreg [dreg:$0x0];
	s2 =	stileid.u32  }
0xaa: {  	s1 =	rddreg [dreg:$0x1];
	p0 =	sne.s32 s2, $0x0  }
0xab: {  	s3 =	rddreg [dreg:$0x2];
	[bflag:$0x3] =	sbarrier.arrive $0xFFFF;
	s2 =	simm.s32 @!p0 $0x1C03  }
0xac: {  	[timem:s3], [sflag:s2] =	dma.local @!p0 [hbm:s0], s1  }
0xad: {  	s0 =	simm.s32 @!p0 $0x3  }
0xae: {  	_ =	swait.ge @!p0 [sflag:s0], s1  }
0xaf: {  	s1 =	ssub.s32 @!p0 $0x0, s1;
	[sflag:s0] =	ssyncset.done @!p0 $0x0  }
0xb0: {  	[sflag:s0] =	ssyncadd.s32 @!p0 s1  }
0xb1: {  	[bflag:$0x3] =	sbarrier.arrive $0xFFFF  }
0xb2: {  	_ =	shalt  }

</sc_bundles>
